<compile_context>
chip_gen: v7x
topology: tpu7x:2x2x1
jax: 0.10.2.dev20260603
libtpu: 0.0.44.dev20260713+nightly
codegen_flags: <defaults>
</compile_context>

<pallas_src>
import functools
import math

import jax
import jax.numpy as jnp
from jax import lax
from jax.experimental import pallas as pl
from jax.experimental.pallas import tpu as pltpu
from jax.experimental.pallas import tpu_sc as plsc

B = 2
S = 2048
T = B * S
D = 768
H = 1536
E = 8
TEMP = 5.0
P = 2 * T
BTS = 512
NBLK = P // BTS
NSTEPS = NBLK + E - 1
PPAD = NSTEPS * BTS

NC = 2
NS = 16
NW = NC * NS

CHUNK = 128
NCH = T // CHUNK


def _gelu(x):
    c = math.sqrt(2.0 / math.pi)
    return 0.5 * x * (1.0 + jnp.tanh(c * (x + 0.044715 * x * x * x)))



def _routing_body(x_ref, gw_ref, gb_ref, pair_ref, gpad_ref, meta_ref,
                  oh_ref, rk_ref):
    logits = jnp.dot(x_ref[...], gw_ref[...],
                     preferred_element_type=jnp.float32) + gb_ref[...]
    logits = logits * (1.0 / TEMP)
    m = jnp.max(logits, axis=-1, keepdims=True)
    ex = jnp.exp(logits - m)
    probs = ex / jnp.sum(ex, axis=-1, keepdims=True)

    lane = jax.lax.broadcasted_iota(jnp.int32, probs.shape, 1)
    v0 = jnp.max(probs, axis=-1, keepdims=True)
    i0 = jnp.min(jnp.where(probs == v0, lane, E), axis=-1, keepdims=True)
    masked = jnp.where(lane == i0, -1.0, probs)
    v1 = jnp.max(masked, axis=-1, keepdims=True)
    i1 = jnp.min(jnp.where(masked == v1, lane, E), axis=-1, keepdims=True)

    denom = v0 + v1 + 1e-9
    g0 = v0 / denom
    g1 = v1 / denom

    ohA = (lane == i0).astype(jnp.float32)
    ohB = (lane == i1).astype(jnp.float32)
    oh_ref[:, 0:E] = ohA
    oh_ref[:, E:2 * E] = ohB

    r = jax.lax.broadcasted_iota(jnp.int32, (CHUNK, CHUNK), 0)
    c = jax.lax.broadcasted_iota(jnp.int32, (CHUNK, CHUNK), 1)
    lstrict = (r > c).astype(jnp.float32)

    def chunk_body(i, running):
        ohc = oh_ref[pl.ds(i * CHUNK, CHUNK), :]
        local = jnp.dot(lstrict, ohc, preferred_element_type=jnp.float32)
        rk_ref[pl.ds(i * CHUNK, CHUNK), :] = local + running
        return running + jnp.sum(ohc, axis=0, keepdims=True)

    totals = jax.lax.fori_loop(0, NCH, chunk_body,
                               jnp.zeros((1, 2 * E), jnp.float32))
    cntA = totals[:, 0:E]
    cnt = cntA + totals[:, E:2 * E]

    cnti = cnt.astype(jnp.int32)
    blocks_e = (cnti + (BTS - 1)) >> 9
    sub8 = jax.lax.broadcasted_iota(jnp.int32, (E, E), 0)
    ln8i = jax.lax.broadcasted_iota(jnp.int32, (E, E), 1)
    blocks_col = blocks_e.reshape(E, 1)
    blk_start = jnp.sum(jnp.where(sub8 < ln8i, blocks_col, 0),
                        axis=0, keepdims=True)
    off = (blk_start << 9).astype(jnp.float32)

    ranksA = rk_ref[:, 0:E]
    ranksB = rk_ref[:, E:2 * E]
    dest0 = jnp.sum((off + ranksA) * ohA, axis=-1, keepdims=True)
    dest1 = jnp.sum((off + cntA + ranksB) * ohB, axis=-1, keepdims=True)

    pair_ref[...] = jnp.where(
        lane == 0, dest0.astype(jnp.int32),
        jnp.where(lane == 1, dest1.astype(jnp.int32), 0))
    gpad_ref[0:T, :] = jnp.broadcast_to(g0, (T, 16))
    gpad_ref[T:P, :] = jnp.broadcast_to(g1, (T, 16))

    cumB = jnp.sum(jnp.where(sub8 <= ln8i, blocks_col, 0),
                   axis=0, keepdims=True)
    total = jnp.max(cumB, axis=1, keepdims=True)

    sgrid = jax.lax.broadcasted_iota(jnp.int32, (1, 32), 1)
    e_of = jnp.minimum(
        jnp.sum((sgrid >= cumB.reshape(E, 1)).astype(jnp.int32),
                axis=0, keepdims=True), E - 1)
    valid = (sgrid < total).astype(jnp.int32)
    blk = jnp.where(valid == 1, sgrid, total - 1)
    meta_ref[...] = jnp.concatenate(
        [e_of, blk, valid, jnp.zeros((1, 32), jnp.int32)], axis=0)


def _routing(x2d, gate_w, gate_b):
    return pl.pallas_call(
        _routing_body,
        out_shape=(
            jax.ShapeDtypeStruct((T, E), jnp.int32),
            jax.ShapeDtypeStruct((P, 16), jnp.float32),
            jax.ShapeDtypeStruct((4, 32), jnp.int32),
        ),
        scratch_shapes=[pltpu.VMEM((T, 2 * E), jnp.float32),
                        pltpu.VMEM((T, 2 * E), jnp.float32)],
    )(x2d, gate_w, gate_b.reshape(1, E))



_DCH = 64
_DNC = (P // NW) // _DCH


@functools.cache
def _make_dispatch():
    mesh = plsc.VectorSubcoreMesh(core_axis_name="c", subcore_axis_name="s")

    @functools.partial(
        pl.kernel,
        out_type=jax.ShapeDtypeStruct((PPAD, D), jnp.float32),
        mesh=mesh,
        scratch_types=[pltpu.VMEM((_DCH,), jnp.int32)] * _DNC + [
            pltpu.VMEM((_DCH, D), jnp.float32),
            pltpu.VMEM((_DCH, D), jnp.float32),
            pltpu.SemaphoreType.DMA,
            pltpu.SemaphoreType.DMA,
        ],
    )
    def _dispatch(x_hbm, dest_hbm, xs_hbm, i0, i1, i2, i3, r0, r1,
                  seml, sems):
        wid = lax.axis_index("s") * NC + lax.axis_index("c")
        per_w = P // NW
        idxs = [i0, i1, i2, i3]
        rows = [r0, r1]
        base = [wid * per_w + ci * _DCH for ci in range(_DNC)]
        tok = [lax.rem(b, T) for b in base]
        for ci in range(_DNC):
            pltpu.sync_copy(dest_hbm.at[pl.ds(base[ci], _DCH)], idxs[ci])
        cpl = [None] * _DNC
        cpl[0] = pltpu.async_copy(x_hbm.at[pl.ds(tok[0], _DCH)], r0, seml)
        cpl[1] = pltpu.async_copy(x_hbm.at[pl.ds(tok[1], _DCH)], r1, seml)
        tail = []
        for ci in range(_DNC):
            cpl[ci].wait()
            cps = pltpu.async_copy(rows[ci % 2], xs_hbm.at[idxs[ci]], sems)
            if ci + 2 < _DNC:
                cps.wait()
                cpl[ci + 2] = pltpu.async_copy(
                    x_hbm.at[pl.ds(tok[ci + 2], _DCH)], rows[ci % 2], seml)
            else:
                tail.append(cps)
        for cps in tail:
            cps.wait()

    return _dispatch



def _ffn_body(meta_ref,
              xs_ref, w1_ref, b1_ref, w2_ref, b2_ref, out_ref):
    s = pl.program_id(0)

    @pl.when(meta_ref[2, s] == 1)
    def _compute():
        h = jnp.dot(xs_ref[...].astype(jnp.bfloat16),
                    w1_ref[0].astype(jnp.bfloat16),
                    preferred_element_type=jnp.float32)
        hb = h.astype(jnp.bfloat16) + b1_ref[0, 0, :].astype(jnp.bfloat16)
        y = jnp.dot(_gelu(hb),
                    w2_ref[0].astype(jnp.bfloat16),
                    preferred_element_type=jnp.float32)
        out_ref[...] = y + b2_ref[0, 0, :]


def _ffn(xs, w1, b1, w2, b2, meta):
    grid_spec = pltpu.PrefetchScalarGridSpec(
        num_scalar_prefetch=1,
        grid=(NSTEPS,),
        in_specs=[
            pl.BlockSpec((BTS, D), lambda s, m: (m[1, s], 0)),
            pl.BlockSpec((1, D, H), lambda s, m: (m[0, s], 0, 0)),
            pl.BlockSpec((1, 1, H), lambda s, m: (m[0, s], 0, 0)),
            pl.BlockSpec((1, H, D), lambda s, m: (m[0, s], 0, 0)),
            pl.BlockSpec((1, 1, D), lambda s, m: (m[0, s], 0, 0)),
        ],
        out_specs=pl.BlockSpec((BTS, D), lambda s, m: (m[1, s], 0)),
    )
    return pl.pallas_call(
        _ffn_body,
        grid_spec=grid_spec,
        out_shape=jax.ShapeDtypeStruct((PPAD, D), jnp.float32),
    )(meta,
      xs, w1, b1.reshape(E, 1, H), w2, b2.reshape(E, 1, D))



_CCH = 64


@functools.cache
def _make_combine():
    mesh = plsc.VectorSubcoreMesh(core_axis_name="c", subcore_axis_name="s")

    @functools.partial(
        pl.kernel,
        out_type=jax.ShapeDtypeStruct((T, D), jnp.float32),
        mesh=mesh,
        scratch_types=[pltpu.VMEM((_CCH,), jnp.int32),
                       pltpu.VMEM((_CCH,), jnp.int32),
                       pltpu.VMEM((_CCH, 16), jnp.float32),
                       pltpu.VMEM((_CCH, 16), jnp.float32),
                       pltpu.VMEM((_CCH, D), jnp.float32),
                       pltpu.VMEM((_CCH, D), jnp.float32),
                       pltpu.SemaphoreType.DMA],
    )
    def _combine(ys_hbm, d0_hbm, d1_hbm, gpad_hbm, out_hbm,
                 i0_v, i1_v, g0_v, g1_v, buf0, buf1, sem):
        wid = lax.axis_index("s") * NC + lax.axis_index("c")
        per_w = T // NW
        for ci in range(per_w // _CCH):
            base = wid * per_w + ci * _CCH
            pltpu.sync_copy(d0_hbm.at[pl.ds(base, _CCH)], i0_v)
            pltpu.sync_copy(d1_hbm.at[pl.ds(base, _CCH)], i1_v)
            pltpu.sync_copy(gpad_hbm.at[pl.ds(base, _CCH)], g0_v)
            pltpu.sync_copy(gpad_hbm.at[pl.ds(T + base, _CCH)], g1_v)
            cp0 = pltpu.async_copy(ys_hbm.at[i0_v], buf0, sem)
            cp1 = pltpu.async_copy(ys_hbm.at[i1_v], buf1, sem)
            cp0.wait()
            cp1.wait()

            def row_body(i, _):
                s0 = g0_v[i, :]
                s1 = g1_v[i, :]
                for j in range(D // 16):
                    a = buf0[i, pl.ds(j * 16, 16)]
                    b = buf1[i, pl.ds(j * 16, 16)]
                    buf0[i, pl.ds(j * 16, 16)] = s0 * a + s1 * b
                return 0

            jax.lax.fori_loop(0, _CCH, row_body, 0)
            pltpu.sync_copy(buf0, out_hbm.at[pl.ds(base, _CCH)])

    return _combine



def kernel(x, gate_w, gate_b, w1, b1, w2, b2):
    x2d = x.reshape(T, D)
    pair, gpad, meta = _routing(x2d, gate_w, gate_b)
    dest0 = pair[:, 0]
    dest1 = pair[:, 1]
    dest = jnp.concatenate([dest0, dest1])

    xs = _make_dispatch()(x2d, dest)
    ys = _ffn(xs, w1, b1, w2, b2, meta)
    out2d = _make_combine()(ys, dest0, dest1, gpad)
    return out2d.reshape(B, S, D)

# --- scband reference (transcript-rebuilt; emitter-appended) ---
"""Pipeline reference for scband-mo-elayer-22625887716030 (READ-ONLY COPY).

The authoritative reference and input builder live on the scoring server;
editing this copy changes nothing except your own understanding.
"""

import jax, jax.numpy as jnp
import numpy as np

B = 2
S = 2048
INPUT_DIM = 768
HIDDEN_DIM = 1536
NUM_EXPERTS = 8
TOP_K = 2
TEMPERATURE = 5.0


def setup_inputs(seed: int = 0) -> dict:
    key = jax.random.key(seed)
    ks = jax.random.split(key, 6)
    x = jax.random.normal(ks[0], (B, S, INPUT_DIM), dtype=jnp.float32)
    gate_w = jax.random.normal(ks[1], (INPUT_DIM, NUM_EXPERTS), dtype=jnp.float32) * 0.02
    gate_b = jnp.zeros((NUM_EXPERTS,), dtype=jnp.float32)
    w1 = jax.random.normal(ks[2], (NUM_EXPERTS, INPUT_DIM, HIDDEN_DIM), dtype=jnp.float32) * 0.02
    b1 = jnp.zeros((NUM_EXPERTS, HIDDEN_DIM), dtype=jnp.float32)
    w2 = jax.random.normal(ks[3], (NUM_EXPERTS, HIDDEN_DIM, INPUT_DIM), dtype=jnp.float32) * 0.02
    b2 = jnp.zeros((NUM_EXPERTS, INPUT_DIM), dtype=jnp.float32)
    return {"x": x, "gate_w": gate_w, "gate_b": gate_b, "w1": w1, "b1": b1, "w2": w2, "b2": b2}


def reference(x, gate_w, gate_b, w1, b1, w2, b2):
    # Gating network
    gating_logits = x @ gate_w + gate_b  # [B, S, E]
    gating_probs = jax.nn.softmax(gating_logits / TEMPERATURE, axis=-1)
    # top-k selection and sparse renormalized gating mask (scatter of topk values)
    topk_values, topk_indices = jax.lax.top_k(gating_probs, TOP_K)  # [B, S, K]
    one_hot = jax.nn.one_hot(topk_indices, NUM_EXPERTS, dtype=gating_probs.dtype)  # [B, S, K, E]
    gating_mask = jnp.sum(one_hot * topk_values[..., None], axis=-2)  # [B, S, E]
    gating_mask = gating_mask / (jnp.sum(gating_mask, axis=-1, keepdims=True) + 1e-9)
    # Expert computation: dense per-expert FFN weighted by (zero-for-unselected) gate mask.
    # Mathematically identical to the masked-gather torch loop since unselected gates are 0.
    # Dropout layers are identity in eval mode.
    output = jnp.zeros_like(x)
    for e in range(NUM_EXPERTS):
        h = jax.nn.gelu(x @ w1[e] + b1[e], approximate=False)
        y = h @ w2[e] + b2[e]
        output = output + y * gating_mask[..., e][..., None]
    return output

if __name__ == "__main__":
    import jax
    _d = setup_inputs()
    print(jax.jit(kernel)(*tuple(_d.values())))

</pallas_src>

<mosaic_0001>
#map = affine_map<(d0, d1) -> (0, 0)>
#map1 = affine_map<(d0, d1) -> (0)>
module attributes {stable_mosaic.version = 14 : i64} {
  func.func @_dispatch(%arg0: i32, %arg1: i32, %arg2: memref<4096x768xf32, #tpu.memory_space<hbm>>, %arg3: memref<8192xi32, #tpu.memory_space<hbm>>, %arg4: memref<11776x768xf32, #tpu.memory_space<hbm>>, %arg5: memref<64xi32, #tpu.memory_space<vmem>>, %arg6: memref<64xi32, #tpu.memory_space<vmem>>, %arg7: memref<64xi32, #tpu.memory_space<vmem>>, %arg8: memref<64xi32, #tpu.memory_space<vmem>>, %arg9: memref<64x768xf32, #tpu.memory_space<vmem>>, %arg10: memref<64x768xf32, #tpu.memory_space<vmem>>, %arg11: memref<!tpu.dma_semaphore, #tpu.memory_space<semaphore_mem>>, %arg12: memref<!tpu.dma_semaphore, #tpu.memory_space<semaphore_mem>>) attributes {dimension_semantics = [#tpu.dimension_semantics<core_parallel>, #tpu.dimension_semantics<subcore_parallel>], iteration_bounds = array<i64: 2, 16>, scalar_prefetch = 0 : i64, scratch_operands = 8 : i64, tpu.core_type = #tpu.core_type<sc_vector_subcore>, window_params = [{transform_indices = #map}, {transform_indices = #map1}, {transform_indices = #map}]} {
    %mul3A = arith.constant 2 : i32
    %mul3A_0 = arith.muli %arg1, %mul3A : i32
    %add3A = arith.addi %mul3A_0, %arg0 : i32
    %mul3A_1 = arith.constant 256 : i32
    %mul3A_2 = arith.muli %add3A, %mul3A_1 : i32
    %add3A_3 = arith.constant 0 : i32
    %add3A_4 = arith.addi %mul3A_2, %add3A_3 : i32
    %mul3A_5 = arith.constant 256 : i32
    %mul3A_6 = arith.muli %add3A, %mul3A_5 : i32
    %add3A_7 = arith.constant 64 : i32
    %add3A_8 = arith.addi %mul3A_6, %add3A_7 : i32
    %mul3A_9 = arith.constant 256 : i32
    %mul3A_10 = arith.muli %add3A, %mul3A_9 : i32
    %add3A_11 = arith.constant 128 : i32
    %add3A_12 = arith.addi %mul3A_10, %add3A_11 : i32
    %mul3A_13 = arith.constant 256 : i32
    %mul3A_14 = arith.muli %add3A, %mul3A_13 : i32
    %add3A_15 = arith.constant 192 : i32
    %add3A_16 = arith.addi %mul3A_14, %add3A_15 : i32
    %rem3A = arith.constant 4096 : i32
    %rem3A_17 = arith.remsi %add3A_4, %rem3A : i32
    %rem3A_18 = arith.constant 4096 : i32
    %rem3A_19 = arith.remsi %add3A_8, %rem3A_18 : i32
    %rem3A_20 = arith.constant 4096 : i32
    %rem3A_21 = arith.remsi %add3A_12, %rem3A_20 : i32
    %rem3A_22 = arith.constant 4096 : i32
    %rem3A_23 = arith.remsi %add3A_16, %rem3A_22 : i32
    "tpu.region"() ({
      %run_scoped3A = tpu.sem_alloc : memref<!tpu.dma_semaphore, #tpu.memory_space<semaphore_mem>>
      %dma_start3A_78 = tpu.memref_slice %arg3[%add3A_4] : memref<8192xi32, #tpu.memory_space<hbm>> -> memref<64xi32, #tpu.memory_space<hbm>>
      %dma_start3A_79 = tpu.memref_slice %arg3[%add3A_4] : memref<8192xi32, #tpu.memory_space<hbm>> -> memref<64xi32, #tpu.memory_space<hbm>>
      tpu.enqueue_dma source(%dma_start3A_79 : memref<64xi32, #tpu.memory_space<hbm>>) target(%arg5 : memref<64xi32, #tpu.memory_space<vmem>>) target_semaphore(%run_scoped3A : memref<!tpu.dma_semaphore, #tpu.memory_space<semaphore_mem>>)
      %dma_wait3A_80 = tpu.memref_slice %arg3[%add3A_4] : memref<8192xi32, #tpu.memory_space<hbm>> -> memref<64xi32, #tpu.memory_space<hbm>>
      %dma_wait3A_81 = tpu.memref_slice %arg3[%add3A_4] : memref<8192xi32, #tpu.memory_space<hbm>> -> memref<64xi32, #tpu.memory_space<hbm>>
      tpu.wait_dma2 semaphore(%run_scoped3A : memref<!tpu.dma_semaphore, #tpu.memory_space<semaphore_mem>>) src(%dma_wait3A_81 : memref<64xi32, #tpu.memory_space<hbm>>) dst(%arg5 : memref<64xi32, #tpu.memory_space<vmem>>)
      tpu.yield
    }) : () -> ()
    "tpu.region"() ({
      %run_scoped3A = tpu.sem_alloc : memref<!tpu.dma_semaphore, #tpu.memory_space<semaphore_mem>>
      %dma_start3A_78 = tpu.memref_slice %arg3[%add3A_8] : memref<8192xi32, #tpu.memory_space<hbm>> -> memref<64xi32, #tpu.memory_space<hbm>>
      %dma_start3A_79 = tpu.memref_slice %arg3[%add3A_8] : memref<8192xi32, #tpu.memory_space<hbm>> -> memref<64xi32, #tpu.memory_space<hbm>>
      tpu.enqueue_dma source(%dma_start3A_79 : memref<64xi32, #tpu.memory_space<hbm>>) target(%arg6 : memref<64xi32, #tpu.memory_space<vmem>>) target_semaphore(%run_scoped3A : memref<!tpu.dma_semaphore, #tpu.memory_space<semaphore_mem>>)
      %dma_wait3A_80 = tpu.memref_slice %arg3[%add3A_8] : memref<8192xi32, #tpu.memory_space<hbm>> -> memref<64xi32, #tpu.memory_space<hbm>>
      %dma_wait3A_81 = tpu.memref_slice %arg3[%add3A_8] : memref<8192xi32, #tpu.memory_space<hbm>> -> memref<64xi32, #tpu.memory_space<hbm>>
      tpu.wait_dma2 semaphore(%run_scoped3A : memref<!tpu.dma_semaphore, #tpu.memory_space<semaphore_mem>>) src(%dma_wait3A_81 : memref<64xi32, #tpu.memory_space<hbm>>) dst(%arg6 : memref<64xi32, #tpu.memory_space<vmem>>)
      tpu.yield
    }) : () -> ()
    "tpu.region"() ({
      %run_scoped3A = tpu.sem_alloc : memref<!tpu.dma_semaphore, #tpu.memory_space<semaphore_mem>>
      %dma_start3A_78 = tpu.memref_slice %arg3[%add3A_12] : memref<8192xi32, #tpu.memory_space<hbm>> -> memref<64xi32, #tpu.memory_space<hbm>>
      %dma_start3A_79 = tpu.memref_slice %arg3[%add3A_12] : memref<8192xi32, #tpu.memory_space<hbm>> -> memref<64xi32, #tpu.memory_space<hbm>>
      tpu.enqueue_dma source(%dma_start3A_79 : memref<64xi32, #tpu.memory_space<hbm>>) target(%arg7 : memref<64xi32, #tpu.memory_space<vmem>>) target_semaphore(%run_scoped3A : memref<!tpu.dma_semaphore, #tpu.memory_space<semaphore_mem>>)
      %dma_wait3A_80 = tpu.memref_slice %arg3[%add3A_12] : memref<8192xi32, #tpu.memory_space<hbm>> -> memref<64xi32, #tpu.memory_space<hbm>>
      %dma_wait3A_81 = tpu.memref_slice %arg3[%add3A_12] : memref<8192xi32, #tpu.memory_space<hbm>> -> memref<64xi32, #tpu.memory_space<hbm>>
      tpu.wait_dma2 semaphore(%run_scoped3A : memref<!tpu.dma_semaphore, #tpu.memory_space<semaphore_mem>>) src(%dma_wait3A_81 : memref<64xi32, #tpu.memory_space<hbm>>) dst(%arg7 : memref<64xi32, #tpu.memory_space<vmem>>)
      tpu.yield
    }) : () -> ()
    "tpu.region"() ({
      %run_scoped3A = tpu.sem_alloc : memref<!tpu.dma_semaphore, #tpu.memory_space<semaphore_mem>>
      %dma_start3A_78 = tpu.memref_slice %arg3[%add3A_16] : memref<8192xi32, #tpu.memory_space<hbm>> -> memref<64xi32, #tpu.memory_space<hbm>>
      %dma_start3A_79 = tpu.memref_slice %arg3[%add3A_16] : memref<8192xi32, #tpu.memory_space<hbm>> -> memref<64xi32, #tpu.memory_space<hbm>>
      tpu.enqueue_dma source(%dma_start3A_79 : memref<64xi32, #tpu.memory_space<hbm>>) target(%arg8 : memref<64xi32, #tpu.memory_space<vmem>>) target_semaphore(%run_scoped3A : memref<!tpu.dma_semaphore, #tpu.memory_space<semaphore_mem>>)
      %dma_wait3A_80 = tpu.memref_slice %arg3[%add3A_16] : memref<8192xi32, #tpu.memory_space<hbm>> -> memref<64xi32, #tpu.memory_space<hbm>>
      %dma_wait3A_81 = tpu.memref_slice %arg3[%add3A_16] : memref<8192xi32, #tpu.memory_space<hbm>> -> memref<64xi32, #tpu.memory_space<hbm>>
      tpu.wait_dma2 semaphore(%run_scoped3A : memref<!tpu.dma_semaphore, #tpu.memory_space<semaphore_mem>>) src(%dma_wait3A_81 : memref<64xi32, #tpu.memory_space<hbm>>) dst(%arg8 : memref<64xi32, #tpu.memory_space<vmem>>)
      tpu.yield
    }) : () -> ()
    %dma_start3A = arith.constant 0 : i32
    %dma_start3A_24 = tpu.memref_slice %arg2[%rem3A_17, %dma_start3A] : memref<4096x768xf32, #tpu.memory_space<hbm>> -> memref<64x768xf32, #tpu.memory_space<hbm>>
    %dma_start3A_25 = arith.constant 0 : i32
    %dma_start3A_26 = tpu.memref_slice %arg2[%rem3A_17, %dma_start3A_25] : memref<4096x768xf32, #tpu.memory_space<hbm>> -> memref<64x768xf32, #tpu.memory_space<hbm>>
    tpu.enqueue_dma source(%dma_start3A_26 : memref<64x768xf32, #tpu.memory_space<hbm>>) target(%arg9 : memref<64x768xf32, #tpu.memory_space<vmem>>) target_semaphore(%arg11 : memref<!tpu.dma_semaphore, #tpu.memory_space<semaphore_mem>>)
    %dma_start3A_27 = arith.constant 0 : i32
    %dma_start3A_28 = tpu.memref_slice %arg2[%rem3A_19, %dma_start3A_27] : memref<4096x768xf32, #tpu.memory_space<hbm>> -> memref<64x768xf32, #tpu.memory_space<hbm>>
    %dma_start3A_29 = arith.constant 0 : i32
    %dma_start3A_30 = tpu.memref_slice %arg2[%rem3A_19, %dma_start3A_29] : memref<4096x768xf32, #tpu.memory_space<hbm>> -> memref<64x768xf32, #tpu.memory_space<hbm>>
    tpu.enqueue_dma source(%dma_start3A_30 : memref<64x768xf32, #tpu.memory_space<hbm>>) target(%arg10 : memref<64x768xf32, #tpu.memory_space<vmem>>) target_semaphore(%arg11 : memref<!tpu.dma_semaphore, #tpu.memory_space<semaphore_mem>>)
    %dma_wait3A = arith.constant 0 : i32
    %dma_wait3A_31 = tpu.memref_slice %arg2[%rem3A_17, %dma_wait3A] : memref<4096x768xf32, #tpu.memory_space<hbm>> -> memref<64x768xf32, #tpu.memory_space<hbm>>
    %dma_wait3A_32 = arith.constant 0 : i32
    %dma_wait3A_33 = tpu.memref_slice %arg2[%rem3A_17, %dma_wait3A_32] : memref<4096x768xf32, #tpu.memory_space<hbm>> -> memref<64x768xf32, #tpu.memory_space<hbm>>
    tpu.wait_dma2 semaphore(%arg11 : memref<!tpu.dma_semaphore, #tpu.memory_space<semaphore_mem>>) src(%dma_wait3A_33 : memref<64x768xf32, #tpu.memory_space<hbm>>) dst(%arg9 : memref<64x768xf32, #tpu.memory_space<vmem>>)
    %dma_start3A_34 = arith.constant 0 : i32
    %dma_start3A_35 = arith.constant 0 : i32
    %dma_start3A_36 = tpu.memref_slice %arg4[%dma_start3A_34, %dma_start3A_35] : memref<11776x768xf32, #tpu.memory_space<hbm>> -> memref<11776x768xf32, #tpu.memory_space<hbm>>
    tpu.enqueue_indirect_dma source(%arg9 : memref<64x768xf32, #tpu.memory_space<vmem>>) target(%dma_start3A_36 : memref<11776x768xf32, #tpu.memory_space<hbm>>) offsets(%arg5 : memref<64xi32, #tpu.memory_space<vmem>>) semaphore(%arg12 : memref<!tpu.dma_semaphore, #tpu.memory_space<semaphore_mem>>)
    %dma_wait3A_37 = arith.constant 0 : i32
    %dma_wait3A_38 = arith.constant 0 : i32
    %dma_wait3A_39 = tpu.memref_slice %arg4[%dma_wait3A_37, %dma_wait3A_38] : memref<11776x768xf32, #tpu.memory_space<hbm>> -> memref<11776x768xf32, #tpu.memory_space<hbm>>
    tpu.wait_indirect_dma semaphore(%arg12 : memref<!tpu.dma_semaphore, #tpu.memory_space<semaphore_mem>>) src(%arg9 : memref<64x768xf32, #tpu.memory_space<vmem>>) dst(%dma_wait3A_39 : memref<11776x768xf32, #tpu.memory_space<hbm>>)
    %dma_start3A_40 = arith.constant 0 : i32
    %dma_start3A_41 = tpu.memref_slice %arg2[%rem3A_21, %dma_start3A_40] : memref<4096x768xf32, #tpu.memory_space<hbm>> -> memref<64x768xf32, #tpu.memory_space<hbm>>
    %dma_start3A_42 = arith.constant 0 : i32
    %dma_start3A_43 = tpu.memref_slice %arg2[%rem3A_21, %dma_start3A_42] : memref<4096x768xf32, #tpu.memory_space<hbm>> -> memref<64x768xf32, #tpu.memory_space<hbm>>
    tpu.enqueue_dma source(%dma_start3A_43 : memref<64x768xf32, #tpu.memory_space<hbm>>) target(%arg9 : memref<64x768xf32, #tpu.memory_space<vmem>>) target_semaphore(%arg11 : memref<!tpu.dma_semaphore, #tpu.memory_space<semaphore_mem>>)
    %dma_wait3A_44 = arith.constant 0 : i32
    %dma_wait3A_45 = tpu.memref_slice %arg2[%rem3A_19, %dma_wait3A_44] : memref<4096x768xf32, #tpu.memory_space<hbm>> -> memref<64x768xf32, #tpu.memory_space<hbm>>
    %dma_wait3A_46 = arith.constant 0 : i32
    %dma_wait3A_47 = tpu.memref_slice %arg2[%rem3A_19, %dma_wait3A_46] : memref<4096x768xf32, #tpu.memory_space<hbm>> -> memref<64x768xf32, #tpu.memory_space<hbm>>
    tpu.wait_dma2 semaphore(%arg11 : memref<!tpu.dma_semaphore, #tpu.memory_space<semaphore_mem>>) src(%dma_wait3A_47 : memref<64x768xf32, #tpu.memory_space<hbm>>) dst(%arg10 : memref<64x768xf32, #tpu.memory_space<vmem>>)
    %dma_start3A_48 = arith.constant 0 : i32
    %dma_start3A_49 = arith.constant 0 : i32
    %dma_start3A_50 = tpu.memref_slice %arg4[%dma_start3A_48, %dma_start3A_49] : memref<11776x768xf32, #tpu.memory_space<hbm>> -> memref<11776x768xf32, #tpu.memory_space<hbm>>
    tpu.enqueue_indirect_dma source(%arg10 : memref<64x768xf32, #tpu.memory_space<vmem>>) target(%dma_start3A_50 : memref<11776x768xf32, #tpu.memory_space<hbm>>) offsets(%arg6 : memref<64xi32, #tpu.memory_space<vmem>>) semaphore(%arg12 : memref<!tpu.dma_semaphore, #tpu.memory_space<semaphore_mem>>)
    %dma_wait3A_51 = arith.constant 0 : i32
    %dma_wait3A_52 = arith.constant 0 : i32
    %dma_wait3A_53 = tpu.memref_slice %arg4[%dma_wait3A_51, %dma_wait3A_52] : memref<11776x768xf32, #tpu.memory_space<hbm>> -> memref<11776x768xf32, #tpu.memory_space<hbm>>
    tpu.wait_indirect_dma semaphore(%arg12 : memref<!tpu.dma_semaphore, #tpu.memory_space<semaphore_mem>>) src(%arg10 : memref<64x768xf32, #tpu.memory_space<vmem>>) dst(%dma_wait3A_53 : memref<11776x768xf32, #tpu.memory_space<hbm>>)
    %dma_start3A_54 = arith.constant 0 : i32
    %dma_start3A_55 = tpu.memref_slice %arg2[%rem3A_23, %dma_start3A_54] : memref<4096x768xf32, #tpu.memory_space<hbm>> -> memref<64x768xf32, #tpu.memory_space<hbm>>
    %dma_start3A_56 = arith.constant 0 : i32
    %dma_start3A_57 = tpu.memref_slice %arg2[%rem3A_23, %dma_start3A_56] : memref<4096x768xf32, #tpu.memory_space<hbm>> -> memref<64x768xf32, #tpu.memory_space<hbm>>
    tpu.enqueue_dma source(%dma_start3A_57 : memref<64x768xf32, #tpu.memory_space<hbm>>) target(%arg10 : memref<64x768xf32, #tpu.memory_space<vmem>>) target_semaphore(%arg11 : memref<!tpu.dma_semaphore, #tpu.memory_space<semaphore_mem>>)
    %dma_wait3A_58 = arith.constant 0 : i32
    %dma_wait3A_59 = tpu.memref_slice %arg2[%rem3A_21, %dma_wait3A_58] : memref<4096x768xf32, #tpu.memory_space<hbm>> -> memref<64x768xf32, #tpu.memory_space<hbm>>
    %dma_wait3A_60 = arith.constant 0 : i32
    %dma_wait3A_61 = tpu.memref_slice %arg2[%rem3A_21, %dma_wait3A_60] : memref<4096x768xf32, #tpu.memory_space<hbm>> -> memref<64x768xf32, #tpu.memory_space<hbm>>
    tpu.wait_dma2 semaphore(%arg11 : memref<!tpu.dma_semaphore, #tpu.memory_space<semaphore_mem>>) src(%dma_wait3A_61 : memref<64x768xf32, #tpu.memory_space<hbm>>) dst(%arg9 : memref<64x768xf32, #tpu.memory_space<vmem>>)
    %dma_start3A_62 = arith.constant 0 : i32
    %dma_start3A_63 = arith.constant 0 : i32
    %dma_start3A_64 = tpu.memref_slice %arg4[%dma_start3A_62, %dma_start3A_63] : memref<11776x768xf32, #tpu.memory_space<hbm>> -> memref<11776x768xf32, #tpu.memory_space<hbm>>
    tpu.enqueue_indirect_dma source(%arg9 : memref<64x768xf32, #tpu.memory_space<vmem>>) target(%dma_start3A_64 : memref<11776x768xf32, #tpu.memory_space<hbm>>) offsets(%arg7 : memref<64xi32, #tpu.memory_space<vmem>>) semaphore(%arg12 : memref<!tpu.dma_semaphore, #tpu.memory_space<semaphore_mem>>)
    %dma_wait3A_65 = arith.constant 0 : i32
    %dma_wait3A_66 = tpu.memref_slice %arg2[%rem3A_23, %dma_wait3A_65] : memref<4096x768xf32, #tpu.memory_space<hbm>> -> memref<64x768xf32, #tpu.memory_space<hbm>>
    %dma_wait3A_67 = arith.constant 0 : i32
    %dma_wait3A_68 = tpu.memref_slice %arg2[%rem3A_23, %dma_wait3A_67] : memref<4096x768xf32, #tpu.memory_space<hbm>> -> memref<64x768xf32, #tpu.memory_space<hbm>>
    tpu.wait_dma2 semaphore(%arg11 : memref<!tpu.dma_semaphore, #tpu.memory_space<semaphore_mem>>) src(%dma_wait3A_68 : memref<64x768xf32, #tpu.memory_space<hbm>>) dst(%arg10 : memref<64x768xf32, #tpu.memory_space<vmem>>)
    %dma_start3A_69 = arith.constant 0 : i32
    %dma_start3A_70 = arith.constant 0 : i32
    %dma_start3A_71 = tpu.memref_slice %arg4[%dma_start3A_69, %dma_start3A_70] : memref<11776x768xf32, #tpu.memory_space<hbm>> -> memref<11776x768xf32, #tpu.memory_space<hbm>>
    tpu.enqueue_indirect_dma source(%arg10 : memref<64x768xf32, #tpu.memory_space<vmem>>) target(%dma_start3A_71 : memref<11776x768xf32, #tpu.memory_space<hbm>>) offsets(%arg8 : memref<64xi32, #tpu.memory_space<vmem>>) semaphore(%arg12 : memref<!tpu.dma_semaphore, #tpu.memory_space<semaphore_mem>>)
    %dma_wait3A_72 = arith.constant 0 : i32
    %dma_wait3A_73 = arith.constant 0 : i32
    %dma_wait3A_74 = tpu.memref_slice %arg4[%dma_wait3A_72, %dma_wait3A_73] : memref<11776x768xf32, #tpu.memory_space<hbm>> -> memref<11776x768xf32, #tpu.memory_space<hbm>>
    tpu.wait_indirect_dma semaphore(%arg12 : memref<!tpu.dma_semaphore, #tpu.memory_space<semaphore_mem>>) src(%arg9 : memref<64x768xf32, #tpu.memory_space<vmem>>) dst(%dma_wait3A_74 : memref<11776x768xf32, #tpu.memory_space<hbm>>)
    %dma_wait3A_75 = arith.constant 0 : i32
    %dma_wait3A_76 = arith.constant 0 : i32
    %dma_wait3A_77 = tpu.memref_slice %arg4[%dma_wait3A_75, %dma_wait3A_76] : memref<11776x768xf32, #tpu.memory_space<hbm>> -> memref<11776x768xf32, #tpu.memory_space<hbm>>
    tpu.wait_indirect_dma semaphore(%arg12 : memref<!tpu.dma_semaphore, #tpu.memory_space<semaphore_mem>>) src(%arg10 : memref<64x768xf32, #tpu.memory_space<vmem>>) dst(%dma_wait3A_77 : memref<11776x768xf32, #tpu.memory_space<hbm>>)
    return
  }
}

#map = affine_map<(d0, d1) -> (0, 0)>
#map1 = affine_map<(d0, d1) -> (0)>
module attributes {stable_mosaic.version = 14 : i64} {
  func.func @_combine(%arg0: i32, %arg1: i32, %arg2: memref<11776x768xf32, #tpu.memory_space<hbm>>, %arg3: memref<4096xi32, #tpu.memory_space<hbm>>, %arg4: memref<4096xi32, #tpu.memory_space<hbm>>, %arg5: memref<8192x16xf32, #tpu.memory_space<hbm>>, %arg6: memref<4096x768xf32, #tpu.memory_space<hbm>>, %arg7: memref<64xi32, #tpu.memory_space<vmem>>, %arg8: memref<64xi32, #tpu.memory_space<vmem>>, %arg9: memref<64x16xf32, #tpu.memory_space<vmem>>, %arg10: memref<64x16xf32, #tpu.memory_space<vmem>>, %arg11: memref<64x768xf32, #tpu.memory_space<vmem>>, %arg12: memref<64x768xf32, #tpu.memory_space<vmem>>, %arg13: memref<!tpu.dma_semaphore, #tpu.memory_space<semaphore_mem>>) attributes {dimension_semantics = [#tpu.dimension_semantics<core_parallel>, #tpu.dimension_semantics<subcore_parallel>], iteration_bounds = array<i64: 2, 16>, scalar_prefetch = 0 : i64, scratch_operands = 7 : i64, tpu.core_type = #tpu.core_type<sc_vector_subcore>, window_params = [{transform_indices = #map}, {transform_indices = #map1}, {transform_indices = #map1}, {transform_indices = #map}, {transform_indices = #map}]} {
    %mul3A = arith.constant 2 : i32
    %mul3A_0 = arith.muli %arg1, %mul3A : i32
    %add3A = arith.addi %mul3A_0, %arg0 : i32
    %mul3A_1 = arith.constant 128 : i32
    %mul3A_2 = arith.muli %add3A, %mul3A_1 : i32
    %add3A_3 = arith.constant 0 : i32
    %add3A_4 = arith.addi %mul3A_2, %add3A_3 : i32
    "tpu.region"() ({
      %run_scoped3A = tpu.sem_alloc : memref<!tpu.dma_semaphore, #tpu.memory_space<semaphore_mem>>
      %dma_start3A_48 = tpu.memref_slice %arg3[%add3A_4] : memref<4096xi32, #tpu.memory_space<hbm>> -> memref<64xi32, #tpu.memory_space<hbm>>
      %dma_start3A_49 = tpu.memref_slice %arg3[%add3A_4] : memref<4096xi32, #tpu.memory_space<hbm>> -> memref<64xi32, #tpu.memory_space<hbm>>
      tpu.enqueue_dma source(%dma_start3A_49 : memref<64xi32, #tpu.memory_space<hbm>>) target(%arg7 : memref<64xi32, #tpu.memory_space<vmem>>) target_semaphore(%run_scoped3A : memref<!tpu.dma_semaphore, #tpu.memory_space<semaphore_mem>>)
      %dma_wait3A_50 = tpu.memref_slice %arg3[%add3A_4] : memref<4096xi32, #tpu.memory_space<hbm>> -> memref<64xi32, #tpu.memory_space<hbm>>
      %dma_wait3A_51 = tpu.memref_slice %arg3[%add3A_4] : memref<4096xi32, #tpu.memory_space<hbm>> -> memref<64xi32, #tpu.memory_space<hbm>>
      tpu.wait_dma2 semaphore(%run_scoped3A : memref<!tpu.dma_semaphore, #tpu.memory_space<semaphore_mem>>) src(%dma_wait3A_51 : memref<64xi32, #tpu.memory_space<hbm>>) dst(%arg7 : memref<64xi32, #tpu.memory_space<vmem>>)
      tpu.yield
    }) : () -> ()
    "tpu.region"() ({
      %run_scoped3A = tpu.sem_alloc : memref<!tpu.dma_semaphore, #tpu.memory_space<semaphore_mem>>
      %dma_start3A_48 = tpu.memref_slice %arg4[%add3A_4] : memref<4096xi32, #tpu.memory_space<hbm>> -> memref<64xi32, #tpu.memory_space<hbm>>
      %dma_start3A_49 = tpu.memref_slice %arg4[%add3A_4] : memref<4096xi32, #tpu.memory_space<hbm>> -> memref<64xi32, #tpu.memory_space<hbm>>
      tpu.enqueue_dma source(%dma_start3A_49 : memref<64xi32, #tpu.memory_space<hbm>>) target(%arg8 : memref<64xi32, #tpu.memory_space<vmem>>) target_semaphore(%run_scoped3A : memref<!tpu.dma_semaphore, #tpu.memory_space<semaphore_mem>>)
      %dma_wait3A_50 = tpu.memref_slice %arg4[%add3A_4] : memref<4096xi32, #tpu.memory_space<hbm>> -> memref<64xi32, #tpu.memory_space<hbm>>
      %dma_wait3A_51 = tpu.memref_slice %arg4[%add3A_4] : memref<4096xi32, #tpu.memory_space<hbm>> -> memref<64xi32, #tpu.memory_space<hbm>>
      tpu.wait_dma2 semaphore(%run_scoped3A : memref<!tpu.dma_semaphore, #tpu.memory_space<semaphore_mem>>) src(%dma_wait3A_51 : memref<64xi32, #tpu.memory_space<hbm>>) dst(%arg8 : memref<64xi32, #tpu.memory_space<vmem>>)
      tpu.yield
    }) : () -> ()
    "tpu.region"() ({
      %run_scoped3A = tpu.sem_alloc : memref<!tpu.dma_semaphore, #tpu.memory_space<semaphore_mem>>
      %dma_start3A_48 = arith.constant 0 : i32
      %dma_start3A_49 = tpu.memref_slice %arg5[%add3A_4, %dma_start3A_48] : memref<8192x16xf32, #tpu.memory_space<hbm>> -> memref<64x16xf32, #tpu.memory_space<hbm>>
      %dma_start3A_50 = arith.constant 0 : i32
      %dma_start3A_51 = tpu.memref_slice %arg5[%add3A_4, %dma_start3A_50] : memref<8192x16xf32, #tpu.memory_space<hbm>> -> memref<64x16xf32, #tpu.memory_space<hbm>>
      tpu.enqueue_dma source(%dma_start3A_51 : memref<64x16xf32, #tpu.memory_space<hbm>>) target(%arg9 : memref<64x16xf32, #tpu.memory_space<vmem>>) target_semaphore(%run_scoped3A : memref<!tpu.dma_semaphore, #tpu.memory_space<semaphore_mem>>)
      %dma_wait3A_52 = arith.constant 0 : i32
      %dma_wait3A_53 = tpu.memref_slice %arg5[%add3A_4, %dma_wait3A_52] : memref<8192x16xf32, #tpu.memory_space<hbm>> -> memref<64x16xf32, #tpu.memory_space<hbm>>
      %dma_wait3A_54 = arith.constant 0 : i32
      %dma_wait3A_55 = tpu.memref_slice %arg5[%add3A_4, %dma_wait3A_54] : memref<8192x16xf32, #tpu.memory_space<hbm>> -> memref<64x16xf32, #tpu.memory_space<hbm>>
      tpu.wait_dma2 semaphore(%run_scoped3A : memref<!tpu.dma_semaphore, #tpu.memory_space<semaphore_mem>>) src(%dma_wait3A_55 : memref<64x16xf32, #tpu.memory_space<hbm>>) dst(%arg9 : memref<64x16xf32, #tpu.memory_space<vmem>>)
      tpu.yield
    }) : () -> ()
    %add3A_5 = arith.constant 4096 : i32
    %add3A_6 = arith.addi %add3A_5, %add3A_4 : i32
    "tpu.region"() ({
      %run_scoped3A = tpu.sem_alloc : memref<!tpu.dma_semaphore, #tpu.memory_space<semaphore_mem>>
      %dma_start3A_48 = arith.constant 0 : i32
      %dma_start3A_49 = tpu.memref_slice %arg5[%add3A_6, %dma_start3A_48] : memref<8192x16xf32, #tpu.memory_space<hbm>> -> memref<64x16xf32, #tpu.memory_space<hbm>>
      %dma_start3A_50 = arith.constant 0 : i32
      %dma_start3A_51 = tpu.memref_slice %arg5[%add3A_6, %dma_start3A_50] : memref<8192x16xf32, #tpu.memory_space<hbm>> -> memref<64x16xf32, #tpu.memory_space<hbm>>
      tpu.enqueue_dma source(%dma_start3A_51 : memref<64x16xf32, #tpu.memory_space<hbm>>) target(%arg10 : memref<64x16xf32, #tpu.memory_space<vmem>>) target_semaphore(%run_scoped3A : memref<!tpu.dma_semaphore, #tpu.memory_space<semaphore_mem>>)
      %dma_wait3A_52 = arith.constant 0 : i32
      %dma_wait3A_53 = tpu.memref_slice %arg5[%add3A_6, %dma_wait3A_52] : memref<8192x16xf32, #tpu.memory_space<hbm>> -> memref<64x16xf32, #tpu.memory_space<hbm>>
      %dma_wait3A_54 = arith.constant 0 : i32
      %dma_wait3A_55 = tpu.memref_slice %arg5[%add3A_6, %dma_wait3A_54] : memref<8192x16xf32, #tpu.memory_space<hbm>> -> memref<64x16xf32, #tpu.memory_space<hbm>>
      tpu.wait_dma2 semaphore(%run_scoped3A : memref<!tpu.dma_semaphore, #tpu.memory_space<semaphore_mem>>) src(%dma_wait3A_55 : memref<64x16xf32, #tpu.memory_space<hbm>>) dst(%arg10 : memref<64x16xf32, #tpu.memory_space<vmem>>)
      tpu.yield
    }) : () -> ()
    %dma_start3A = arith.constant 0 : i32
    %dma_start3A_7 = arith.constant 0 : i32
    %dma_start3A_8 = tpu.memref_slice %arg2[%dma_start3A, %dma_start3A_7] : memref<11776x768xf32, #tpu.memory_space<hbm>> -> memref<11776x768xf32, #tpu.memory_space<hbm>>
    tpu.enqueue_indirect_dma source(%dma_start3A_8 : memref<11776x768xf32, #tpu.memory_space<hbm>>) target(%arg11 : memref<64x768xf32, #tpu.memory_space<vmem>>) offsets(%arg7 : memref<64xi32, #tpu.memory_space<vmem>>) semaphore(%arg13 : memref<!tpu.dma_semaphore, #tpu.memory_space<semaphore_mem>>)
    %dma_start3A_9 = arith.constant 0 : i32
    %dma_start3A_10 = arith.constant 0 : i32
    %dma_start3A_11 = tpu.memref_slice %arg2[%dma_start3A_9, %dma_start3A_10] : memref<11776x768xf32, #tpu.memory_space<hbm>> -> memref<11776x768xf32, #tpu.memory_space<hbm>>
    tpu.enqueue_indirect_dma source(%dma_start3A_11 : memref<11776x768xf32, #tpu.memory_space<hbm>>) target(%arg12 : memref<64x768xf32, #tpu.memory_space<vmem>>) offsets(%arg8 : memref<64xi32, #tpu.memory_space<vmem>>) semaphore(%arg13 : memref<!tpu.dma_semaphore, #tpu.memory_space<semaphore_mem>>)
    %dma_wait3A = arith.constant 0 : i32
    %dma_wait3A_12 = arith.constant 0 : i32
    %dma_wait3A_13 = tpu.memref_slice %arg2[%dma_wait3A, %dma_wait3A_12] : memref<11776x768xf32, #tpu.memory_space<hbm>> -> memref<11776x768xf32, #tpu.memory_space<hbm>>
    tpu.wait_indirect_dma semaphore(%arg13 : memref<!tpu.dma_semaphore, #tpu.memory_space<semaphore_mem>>) src(%dma_wait3A_13 : memref<11776x768xf32, #tpu.memory_space<hbm>>) dst(%arg11 : memref<64x768xf32, #tpu.memory_space<vmem>>)
    %dma_wait3A_14 = arith.constant 0 : i32
    %dma_wait3A_15 = arith.constant 0 : i32
    %dma_wait3A_16 = tpu.memref_slice %arg2[%dma_wait3A_14, %dma_wait3A_15] : memref<11776x768xf32, #tpu.memory_space<hbm>> -> memref<11776x768xf32, #tpu.memory_space<hbm>>
    tpu.wait_indirect_dma semaphore(%arg13 : memref<!tpu.dma_semaphore, #tpu.memory_space<semaphore_mem>>) src(%dma_wait3A_16 : memref<11776x768xf32, #tpu.memory_space<hbm>>) dst(%arg12 : memref<64x768xf32, #tpu.memory_space<vmem>>)
    %scan3A = arith.constant 0 : i32
    %scan3A_17 = arith.constant 0 : i32
    %scan3A_18 = arith.constant 64 : i32
    %scan3A_19 = arith.addi %scan3A_17, %scan3A_18 : i32
    %scan3A_20 = arith.constant 1 : i32
    %scan3A_21 = scf.for %scan3A_48 = %scan3A_17 to %scan3A_19 step %scan3A_20 iter_args(%scan3A_49 = %scan3A) -> (i32)  : i32 {
      %get3A = arith.index_cast %scan3A_48 : i32 to index
      %get3A_50 = arith.constant 0 : index
      %get3A_51 = tpu.vector_load %arg9[%get3A, %get3A_50] {strides = array<i32>} : memref<64x16xf32, #tpu.memory_space<vmem>>, vector<1x16xf32>,
      %get3A_52 = vector.shape_cast %get3A_51 : vector<1x16xf32> to vector<16xf32>
      %get3A_53 = arith.index_cast %scan3A_48 : i32 to index
      %get3A_54 = arith.constant 0 : index
      %get3A_55 = tpu.vector_load %arg10[%get3A_53, %get3A_54] {strides = array<i32>} : memref<64x16xf32, #tpu.memory_space<vmem>>, vector<1x16xf32>,
      %get3A_56 = vector.shape_cast %get3A_55 : vector<1x16xf32> to vector<16xf32>
      %get3A_57 = arith.index_cast %scan3A_48 : i32 to index
      %get3A_58 = arith.constant 0 : index
      %get3A_59 = tpu.vector_load %arg11[%get3A_57, %get3A_58] {strides = array<i32>} : memref<64x768xf32, #tpu.memory_space<vmem>>, vector<1x16xf32>,
      %get3A_60 = vector.shape_cast %get3A_59 : vector<1x16xf32> to vector<16xf32>
      %get3A_61 = arith.index_cast %scan3A_48 : i32 to index
      %get3A_62 = arith.constant 0 : index
      %get3A_63 = tpu.vector_load %arg12[%get3A_61, %get3A_62] {strides = array<i32>} : memref<64x768xf32, #tpu.memory_space<vmem>>, vector<1x16xf32>,
      %get3A_64 = vector.shape_cast %get3A_63 : vector<1x16xf32> to vector<16xf32>
      %mul3A_65 = arith.mulf %get3A_52, %get3A_60 : vector<16xf32>
      %mul3A_66 = arith.mulf %get3A_56, %get3A_64 : vector<16xf32>
      %add3A_67 = arith.addf %mul3A_65, %mul3A_66 : vector<16xf32>
      %swap3A = arith.index_cast %scan3A_48 : i32 to index
      %swap3A_68 = arith.constant 0 : index
      %swap3A_69 = tpu.vector_load %arg11[%swap3A, %swap3A_68] {strides = array<i32>} : memref<64x768xf32, #tpu.memory_space<vmem>>, vector<1x16xf32>,
      %swap3A_70 = vector.shape_cast %swap3A_69 : vector<1x16xf32> to vector<16xf32>
      %swap3A_71 = vector.shape_cast %add3A_67 : vector<16xf32> to vector<1x16xf32>
      tpu.vector_store %arg11[%swap3A, %swap3A_68], %swap3A_71 {strides = array<i32>} : memref<64x768xf32, #tpu.memory_space<vmem>>, vector<1x16xf32>,
      %get3A_72 = arith.index_cast %scan3A_48 : i32 to index
      %get3A_73 = arith.constant 16 : index
      %get3A_74 = tpu.vector_load %arg11[%get3A_72, %get3A_73] {strides = array<i32>} : memref<64x768xf32, #tpu.memory_space<vmem>>, vector<1x16xf32>,
      %get3A_75 = vector.shape_cast %get3A_74 : vector<1x16xf32> to vector<16xf32>
      %get3A_76 = arith.index_cast %scan3A_48 : i32 to index
      %get3A_77 = arith.constant 16 : index
      %get3A_78 = tpu.vector_load %arg12[%get3A_76, %get3A_77] {strides = array<i32>} : memref<64x768xf32, #tpu.memory_space<vmem>>, vector<1x16xf32>,
      %get3A_79 = vector.shape_cast %get3A_78 : vector<1x16xf32> to vector<16xf32>
      %mul3A_80 = arith.mulf %get3A_52, %get3A_75 : vector<16xf32>
      %mul3A_81 = arith.mulf %get3A_56, %get3A_79 : vector<16xf32>
      %add3A_82 = arith.addf %mul3A_80, %mul3A_81 : vector<16xf32>
      %swap3A_83 = arith.index_cast %scan3A_48 : i32 to index
      %swap3A_84 = arith.constant 16 : index
      %swap3A_85 = tpu.vector_load %arg11[%swap3A_83, %swap3A_84] {strides = array<i32>} : memref<64x768xf32, #tpu.memory_space<vmem>>, vector<1x16xf32>,
      %swap3A_86 = vector.shape_cast %swap3A_85 : vector<1x16xf32> to vector<16xf32>
      %swap3A_87 = vector.shape_cast %add3A_82 : vector<16xf32> to vector<1x16xf32>
      tpu.vector_store %arg11[%swap3A_83, %swap3A_84], %swap3A_87 {strides = array<i32>} : memref<64x768xf32, #tpu.memory_space<vmem>>, vector<1x16xf32>,
      %get3A_88 = arith.index_cast %scan3A_48 : i32 to index
      %get3A_89 = arith.constant 32 : index
      %get3A_90 = tpu.vector_load %arg11[%get3A_88, %get3A_89] {strides = array<i32>} : memref<64x768xf32, #tpu.memory_space<vmem>>, vector<1x16xf32>,
      %get3A_91 = vector.shape_cast %get3A_90 : vector<1x16xf32> to vector<16xf32>
      %get3A_92 = arith.index_cast %scan3A_48 : i32 to index
      %get3A_93 = arith.constant 32 : index
      %get3A_94 = tpu.vector_load %arg12[%get3A_92, %get3A_93] {strides = array<i32>} : memref<64x768xf32, #tpu.memory_space<vmem>>, vector<1x16xf32>,
      %get3A_95 = vector.shape_cast %get3A_94 : vector<1x16xf32> to vector<16xf32>
      %mul3A_96 = arith.mulf %get3A_52, %get3A_91 : vector<16xf32>
      %mul3A_97 = arith.mulf %get3A_56, %get3A_95 : vector<16xf32>
      %add3A_98 = arith.addf %mul3A_96, %mul3A_97 : vector<16xf32>
      %swap3A_99 = arith.index_cast %scan3A_48 : i32 to index
      %swap3A_100 = arith.constant 32 : index
      %swap3A_101 = tpu.vector_load %arg11[%swap3A_99, %swap3A_100] {strides = array<i32>} : memref<64x768xf32, #tpu.memory_space<vmem>>, vector<1x16xf32>,
      %swap3A_102 = vector.shape_cast %swap3A_101 : vector<1x16xf32> to vector<16xf32>
      %swap3A_103 = vector.shape_cast %add3A_98 : vector<16xf32> to vector<1x16xf32>
      tpu.vector_store %arg11[%swap3A_99, %swap3A_100], %swap3A_103 {strides = array<i32>} : memref<64x768xf32, #tpu.memory_space<vmem>>, vector<1x16xf32>,
      %get3A_104 = arith.index_cast %scan3A_48 : i32 to index
      %get3A_105 = arith.constant 48 : index
      %get3A_106 = tpu.vector_load %arg11[%get3A_104, %get3A_105] {strides = array<i32>} : memref<64x768xf32, #tpu.memory_space<vmem>>, vector<1x16xf32>,
      %get3A_107 = vector.shape_cast %get3A_106 : vector<1x16xf32> to vector<16xf32>
      %get3A_108 = arith.index_cast %scan3A_48 : i32 to index
      %get3A_109 = arith.constant 48 : index
      %get3A_110 = tpu.vector_load %arg12[%get3A_108, %get3A_109] {strides = array<i32>} : memref<64x768xf32, #tpu.memory_space<vmem>>, vector<1x16xf32>,
      %get3A_111 = vector.shape_cast %get3A_110 : vector<1x16xf32> to vector<16xf32>
      %mul3A_112 = arith.mulf %get3A_52, %get3A_107 : vector<16xf32>
      %mul3A_113 = arith.mulf %get3A_56, %get3A_111 : vector<16xf32>
      %add3A_114 = arith.addf %mul3A_112, %mul3A_113 : vector<16xf32>
      %swap3A_115 = arith.index_cast %scan3A_48 : i32 to index
      %swap3A_116 = arith.constant 48 : index
      %swap3A_117 = tpu.vector_load %arg11[%swap3A_115, %swap3A_116] {strides = array<i32>} : memref<64x768xf32, #tpu.memory_space<vmem>>, vector<1x16xf32>,
      %swap3A_118 = vector.shape_cast %swap3A_117 : vector<1x16xf32> to vector<16xf32>
      %swap3A_119 = vector.shape_cast %add3A_114 : vector<16xf32> to vector<1x16xf32>
      tpu.vector_store %arg11[%swap3A_115, %swap3A_116], %swap3A_119 {strides = array<i32>} : memref<64x768xf32, #tpu.memory_space<vmem>>, vector<1x16xf32>,
      %get3A_120 = arith.index_cast %scan3A_48 : i32 to index
      %get3A_121 = arith.constant 64 : index
      %get3A_122 = tpu.vector_load %arg11[%get3A_120, %get3A_121] {strides = array<i32>} : memref<64x768xf32, #tpu.memory_space<vmem>>, vector<1x16xf32>,
      %get3A_123 = vector.shape_cast %get3A_122 : vector<1x16xf32> to vector<16xf32>
      %get3A_124 = arith.index_cast %scan3A_48 : i32 to index
      %get3A_125 = arith.constant 64 : index
      %get3A_126 = tpu.vector_load %arg12[%get3A_124, %get3A_125] {strides = array<i32>} : memref<64x768xf32, #tpu.memory_space<vmem>>, vector<1x16xf32>,
      %get3A_127 = vector.shape_cast %get3A_126 : vector<1x16xf32> to vector<16xf32>
      %mul3A_128 = arith.mulf %get3A_52, %get3A_123 : vector<16xf32>
      %mul3A_129 = arith.mulf %get3A_56, %get3A_127 : vector<16xf32>
      %add3A_130 = arith.addf %mul3A_128, %mul3A_129 : vector<16xf32>
      %swap3A_131 = arith.index_cast %scan3A_48 : i32 to index
      %swap3A_132 = arith.constant 64 : index
      %swap3A_133 = tpu.vector_load %arg11[%swap3A_131, %swap3A_132] {strides = array<i32>} : memref<64x768xf32, #tpu.memory_space<vmem>>, vector<1x16xf32>,
      %swap3A_134 = vector.shape_cast %swap3A_133 : vector<1x16xf32> to vector<16xf32>
      %swap3A_135 = vector.shape_cast %add3A_130 : vector<16xf32> to vector<1x16xf32>
      tpu.vector_store %arg11[%swap3A_131, %swap3A_132], %swap3A_135 {strides = array<i32>} : memref<64x768xf32, #tpu.memory_space<vmem>>, vector<1x16xf32>,
      %get3A_136 = arith.index_cast %scan3A_48 : i32 to index
      %get3A_137 = arith.constant 80 : index
      %get3A_138 = tpu.vector_load %arg11[%get3A_136, %get3A_137] {strides = array<i32>} : memref<64x768xf32, #tpu.memory_space<vmem>>, vector<1x16xf32>,
      %get3A_139 = vector.shape_cast %get3A_138 : vector<1x16xf32> to vector<16xf32>
      %get3A_140 = arith.index_cast %scan3A_48 : i32 to index
      %get3A_141 = arith.constant 80 : index
      %get3A_142 = tpu.vector_load %arg12[%get3A_140, %get3A_141] {strides = array<i32>} : memref<64x768xf32, #tpu.memory_space<vmem>>, vector<1x16xf32>,
      %get3A_143 = vector.shape_cast %get3A_142 : vector<1x16xf32> to vector<16xf32>
      %mul3A_144 = arith.mulf %get3A_52, %get3A_139 : vector<16xf32>
      %mul3A_145 = arith.mulf %get3A_56, %get3A_143 : vector<16xf32>
      %add3A_146 = arith.addf %mul3A_144, %mul3A_145 : vector<16xf32>
      %swap3A_147 = arith.index_cast %scan3A_48 : i32 to index
      %swap3A_148 = arith.constant 80 : index
      %swap3A_149 = tpu.vector_load %arg11[%swap3A_147, %swap3A_148] {strides = array<i32>} : memref<64x768xf32, #tpu.memory_space<vmem>>, vector<1x16xf32>,
      %swap3A_150 = vector.shape_cast %swap3A_149 : vector<1x16xf32> to vector<16xf32>
      %swap3A_151 = vector.shape_cast %add3A_146 : vector<16xf32> to vector<1x16xf32>
      tpu.vector_store %arg11[%swap3A_147, %swap3A_148], %swap3A_151 {strides = array<i32>} : memref<64x768xf32, #tpu.memory_space<vmem>>, vector<1x16xf32>,
      %get3A_152 = arith.index_cast %scan3A_48 : i32 to index
      %get3A_153 = arith.constant 96 : index
      %get3A_154 = tpu.vector_load %arg11[%get3A_152, %get3A_153] {strides = array<i32>} : memref<64x768xf32, #tpu.memory_space<vmem>>, vector<1x16xf32>,
      %get3A_155 = vector.shape_cast %get3A_154 : vector<1x16xf32> to vector<16xf32>
      %get3A_156 = arith.index_cast %scan3A_48 : i32 to index
      %get3A_157 = arith.constant 96 : index
      %get3A_158 = tpu.vector_load %arg12[%get3A_156, %get3A_157] {strides = array<i32>} : memref<64x768xf32, #tpu.memory_space<vmem>>, vector<1x16xf32>,
      %get3A_159 = vector.shape_cast %get3A_158 : vector<1x16xf32> to vector<16xf32>
      %mul3A_160 = arith.mulf %get3A_52, %get3A_155 : vector<16xf32>
      %mul3A_161 = arith.mulf %get3A_56, %get3A_159 : vector<16xf32>
      %add3A_162 = arith.addf %mul3A_160, %mul3A_161 : vector<16xf32>
      %swap3A_163 = arith.index_cast %scan3A_48 : i32 to index
      %swap3A_164 = arith.constant 96 : index
      %swap3A_165 = tpu.vector_load %arg11[%swap3A_163, %swap3A_164] {strides = array<i32>} : memref<64x768xf32, #tpu.memory_space<vmem>>, vector<1x16xf32>,
      %swap3A_166 = vector.shape_cast %swap3A_165 : vector<1x16xf32> to vector<16xf32>
      %swap3A_167 = vector.shape_cast %add3A_162 : vector<16xf32> to vector<1x16xf32>
      tpu.vector_store %arg11[%swap3A_163, %swap3A_164], %swap3A_167 {strides = array<i32>} : memref<64x768xf32, #tpu.memory_space<vmem>>, vector<1x16xf32>,
      %get3A_168 = arith.index_cast %scan3A_48 : i32 to index
      %get3A_169 = arith.constant 112 : index
      %get3A_170 = tpu.vector_load %arg11[%get3A_168, %get3A_169] {strides = array<i32>} : memref<64x768xf32, #tpu.memory_space<vmem>>, vector<1x16xf32>,
      %get3A_171 = vector.shape_cast %get3A_170 : vector<1x16xf32> to vector<16xf32>
      %get3A_172 = arith.index_cast %scan3A_48 : i32 to index
      %get3A_173 = arith.constant 112 : index
      %get3A_174 = tpu.vector_load %arg12[%get3A_172, %get3A_173] {strides = array<i32>} : memref<64x768xf32, #tpu.memory_space<vmem>>, vector<1x16xf32>,
      %get3A_175 = vector.shape_cast %get3A_174 : vector<1x16xf32> to vector<16xf32>
      %mul3A_176 = arith.mulf %get3A_52, %get3A_171 : vector<16xf32>
      %mul3A_177 = arith.mulf %get3A_56, %get3A_175 : vector<16xf32>
      %add3A_178 = arith.addf %mul3A_176, %mul3A_177 : vector<16xf32>
      %swap3A_179 = arith.index_cast %scan3A_48 : i32 to index
      %swap3A_180 = arith.constant 112 : index
      %swap3A_181 = tpu.vector_load %arg11[%swap3A_179, %swap3A_180] {strides = array<i32>} : memref<64x768xf32, #tpu.memory_space<vmem>>, vector<1x16xf32>,
      %swap3A_182 = vector.shape_cast %swap3A_181 : vector<1x16xf32> to vector<16xf32>
      %swap3A_183 = vector.shape_cast %add3A_178 : vector<16xf32> to vector<1x16xf32>
      tpu.vector_store %arg11[%swap3A_179, %swap3A_180], %swap3A_183 {strides = array<i32>} : memref<64x768xf32, #tpu.memory_space<vmem>>, vector<1x16xf32>,
      %get3A_184 = arith.index_cast %scan3A_48 : i32 to index
      %get3A_185 = arith.constant 128 : index
      %get3A_186 = tpu.vector_load %arg11[%get3A_184, %get3A_185] {strides = array<i32>} : memref<64x768xf32, #tpu.memory_space<vmem>>, vector<1x16xf32>,
      %get3A_187 = vector.shape_cast %get3A_186 : vector<1x16xf32> to vector<16xf32>
      %get3A_188 = arith.index_cast %scan3A_48 : i32 to index
      %get3A_189 = arith.constant 128 : index
      %get3A_190 = tpu.vector_load %arg12[%get3A_188, %get3A_189] {strides = array<i32>} : memref<64x768xf32, #tpu.memory_space<vmem>>, vector<1x16xf32>,
      %get3A_191 = vector.shape_cast %get3A_190 : vector<1x16xf32> to vector<16xf32>
      %mul3A_192 = arith.mulf %get3A_52, %get3A_187 : vector<16xf32>
      %mul3A_193 = arith.mulf %get3A_56, %get3A_191 : vector<16xf32>
      %add3A_194 = arith.addf %mul3A_192, %mul3A_193 : vector<16xf32>
      %swap3A_195 = arith.index_cast %scan3A_48 : i32 to index
      %swap3A_196 = arith.constant 128 : index
      %swap3A_197 = tpu.vector_load %arg11[%swap3A_195, %swap3A_196] {strides = array<i32>} : memref<64x768xf32, #tpu.memory_space<vmem>>, vector<1x16xf32>,
      %swap3A_198 = vector.shape_cast %swap3A_197 : vector<1x16xf32> to vector<16xf32>
      %swap3A_199 = vector.shape_cast %add3A_194 : vector<16xf32> to vector<1x16xf32>
      tpu.vector_store %arg11[%swap3A_195, %swap3A_196], %swap3A_199 {strides = array<i32>} : memref<64x768xf32, #tpu.memory_space<vmem>>, vector<1x16xf32>,
      %get3A_200 = arith.index_cast %scan3A_48 : i32 to index
      %get3A_201 = arith.constant 144 : index
      %get3A_202 = tpu.vector_load %arg11[%get3A_200, %get3A_201] {strides = array<i32>} : memref<64x768xf32, #tpu.memory_space<vmem>>, vector<1x16xf32>,
      %get3A_203 = vector.shape_cast %get3A_202 : vector<1x16xf32> to vector<16xf32>
      %get3A_204 = arith.index_cast %scan3A_48 : i32 to index
      %get3A_205 = arith.constant 144 : index
      %get3A_206 = tpu.vector_load %arg12[%get3A_204, %get3A_205] {strides = array<i32>} : memref<64x768xf32, #tpu.memory_space<vmem>>, vector<1x16xf32>,
      %get3A_207 = vector.shape_cast %get3A_206 : vector<1x16xf32> to vector<16xf32>
      %mul3A_208 = arith.mulf %get3A_52, %get3A_203 : vector<16xf32>
      %mul3A_209 = arith.mulf %get3A_56, %get3A_207 : vector<16xf32>
      %add3A_210 = arith.addf %mul3A_208, %mul3A_209 : vector<16xf32>
      %swap3A_211 = arith.index_cast %scan3A_48 : i32 to index
      %swap3A_212 = arith.constant 144 : index
      %swap3A_213 = tpu.vector_load %arg11[%swap3A_211, %swap3A_212] {strides = array<i32>} : memref<64x768xf32, #tpu.memory_space<vmem>>, vector<1x16xf32>,
      %swap3A_214 = vector.shape_cast %swap3A_213 : vector<1x16xf32> to vector<16xf32>
      %swap3A_215 = vector.shape_cast %add3A_210 : vector<16xf32> to vector<1x16xf32>
      tpu.vector_store %arg11[%swap3A_211, %swap3A_212], %swap3A_215 {strides = array<i32>} : memref<64x768xf32, #tpu.memory_space<vmem>>, vector<1x16xf32>,
      %get3A_216 = arith.index_cast %scan3A_48 : i32 to index
      %get3A_217 = arith.constant 160 : index
      %get3A_218 = tpu.vector_load %arg11[%get3A_216, %get3A_217] {strides = array<i32>} : memref<64x768xf32, #tpu.memory_space<vmem>>, vector<1x16xf32>,
      %get3A_219 = vector.shape_cast %get3A_218 : vector<1x16xf32> to vector<16xf32>
      %get3A_220 = arith.index_cast %scan3A_48 : i32 to index
      %get3A_221 = arith.constant 160 : index
      %get3A_222 = tpu.vector_load %arg12[%get3A_220, %get3A_221] {strides = array<i32>} : memref<64x768xf32, #tpu.memory_space<vmem>>, vector<1x16xf32>,
      %get3A_223 = vector.shape_cast %get3A_222 : vector<1x16xf32> to vector<16xf32>
      %mul3A_224 = arith.mulf %get3A_52, %get3A_219 : vector<16xf32>
      %mul3A_225 = arith.mulf %get3A_56, %get3A_223 : vector<16xf32>
      %add3A_226 = arith.addf %mul3A_224, %mul3A_225 : vector<16xf32>
      %swap3A_227 = arith.index_cast %scan3A_48 : i32 to index
      %swap3A_228 = arith.constant 160 : index
      %swap3A_229 = tpu.vector_load %arg11[%swap3A_227, %swap3A_228] {strides = array<i32>} : memref<64x768xf32, #tpu.memory_space<vmem>>, vector<1x16xf32>,
      %swap3A_230 = vector.shape_cast %swap3A_229 : vector<1x16xf32> to vector<16xf32>
      %swap3A_231 = vector.shape_cast %add3A_226 : vector<16xf32> to vector<1x16xf32>
      tpu.vector_store %arg11[%swap3A_227, %swap3A_228], %swap3A_231 {strides = array<i32>} : memref<64x768xf32, #tpu.memory_space<vmem>>, vector<1x16xf32>,
      %get3A_232 = arith.index_cast %scan3A_48 : i32 to index
      %get3A_233 = arith.constant 176 : index
      %get3A_234 = tpu.vector_load %arg11[%get3A_232, %get3A_233] {strides = array<i32>} : memref<64x768xf32, #tpu.memory_space<vmem>>, vector<1x16xf32>,
      %get3A_235 = vector.shape_cast %get3A_234 : vector<1x16xf32> to vector<16xf32>
      %get3A_236 = arith.index_cast %scan3A_48 : i32 to index
      %get3A_237 = arith.constant 176 : index
      %get3A_238 = tpu.vector_load %arg12[%get3A_236, %get3A_237] {strides = array<i32>} : memref<64x768xf32, #tpu.memory_space<vmem>>, vector<1x16xf32>,
      %get3A_239 = vector.shape_cast %get3A_238 : vector<1x16xf32> to vector<16xf32>
      %mul3A_240 = arith.mulf %get3A_52, %get3A_235 : vector<16xf32>
      %mul3A_241 = arith.mulf %get3A_56, %get3A_239 : vector<16xf32>
      %add3A_242 = arith.addf %mul3A_240, %mul3A_241 : vector<16xf32>
      %swap3A_243 = arith.index_cast %scan3A_48 : i32 to index
      %swap3A_244 = arith.constant 176 : index
      %swap3A_245 = tpu.vector_load %arg11[%swap3A_243, %swap3A_244] {strides = array<i32>} : memref<64x768xf32, #tpu.memory_space<vmem>>, vector<1x16xf32>,
      %swap3A_246 = vector.shape_cast %swap3A_245 : vector<1x16xf32> to vector<16xf32>
      %swap3A_247 = vector.shape_cast %add3A_242 : vector<16xf32> to vector<1x16xf32>
      tpu.vector_store %arg11[%swap3A_243, %swap3A_244], %swap3A_247 {strides = array<i32>} : memref<64x768xf32, #tpu.memory_space<vmem>>, vector<1x16xf32>,
      %get3A_248 = arith.index_cast %scan3A_48 : i32 to index
      %get3A_249 = arith.constant 192 : index
      %get3A_250 = tpu.vector_load %arg11[%get3A_248, %get3A_249] {strides = array<i32>} : memref<64x768xf32, #tpu.memory_space<vmem>>, vector<1x16xf32>,
      %get3A_251 = vector.shape_cast %get3A_250 : vector<1x16xf32> to vector<16xf32>
      %get3A_252 = arith.index_cast %scan3A_48 : i32 to index
      %get3A_253 = arith.constant 192 : index
      %get3A_254 = tpu.vector_load %arg12[%get3A_252, %get3A_253] {strides = array<i32>} : memref<64x768xf32, #tpu.memory_space<vmem>>, vector<1x16xf32>,
      %get3A_255 = vector.shape_cast %get3A_254 : vector<1x16xf32> to vector<16xf32>
      %mul3A_256 = arith.mulf %get3A_52, %get3A_251 : vector<16xf32>
      %mul3A_257 = arith.mulf %get3A_56, %get3A_255 : vector<16xf32>
      %add3A_258 = arith.addf %mul3A_256, %mul3A_257 : vector<16xf32>
      %swap3A_259 = arith.index_cast %scan3A_48 : i32 to index
      %swap3A_260 = arith.constant 192 : index
      %swap3A_261 = tpu.vector_load %arg11[%swap3A_259, %swap3A_260] {strides = array<i32>} : memref<64x768xf32, #tpu.memory_space<vmem>>, vector<1x16xf32>,
      %swap3A_262 = vector.shape_cast %swap3A_261 : vector<1x16xf32> to vector<16xf32>
      %swap3A_263 = vector.shape_cast %add3A_258 : vector<16xf32> to vector<1x16xf32>
      tpu.vector_store %arg11[%swap3A_259, %swap3A_260], %swap3A_263 {strides = array<i32>} : memref<64x768xf32, #tpu.memory_space<vmem>>, vector<1x16xf32>,
      %get3A_264 = arith.index_cast %scan3A_48 : i32 to index
      %get3A_265 = arith.constant 208 : index
      %get3A_266 = tpu.vector_load %arg11[%get3A_264, %get3A_265] {strides = array<i32>} : memref<64x768xf32, #tpu.memory_space<vmem>>, vector<1x16xf32>,
      %get3A_267 = vector.shape_cast %get3A_266 : vector<1x16xf32> to vector<16xf32>
      %get3A_268 = arith.index_cast %scan3A_48 : i32 to index
      %get3A_269 = arith.constant 208 : index
      %get3A_270 = tpu.vector_load %arg12[%get3A_268, %get3A_269] {strides = array<i32>} : memref<64x768xf32, #tpu.memory_space<vmem>>, vector<1x16xf32>,
      %get3A_271 = vector.shape_cast %get3A_270 : vector<1x16xf32> to vector<16xf32>
      %mul3A_272 = arith.mulf %get3A_52, %get3A_267 : vector<16xf32>
      %mul3A_273 = arith.mulf %get3A_56, %get3A_271 : vector<16xf32>
      %add3A_274 = arith.addf %mul3A_272, %mul3A_273 : vector<16xf32>
      %swap3A_275 = arith.index_cast %scan3A_48 : i32 to index
      %swap3A_276 = arith.constant 208 : index
      %swap3A_277 = tpu.vector_load %arg11[%swap3A_275, %swap3A_276] {strides = array<i32>} : memref<64x768xf32, #tpu.memory_space<vmem>>, vector<1x16xf32>,
      %swap3A_278 = vector.shape_cast %swap3A_277 : vector<1x16xf32> to vector<16xf32>
      %swap3A_279 = vector.shape_cast %add3A_274 : vector<16xf32> to vector<1x16xf32>
      tpu.vector_store %arg11[%swap3A_275, %swap3A_276], %swap3A_279 {strides = array<i32>} : memref<64x768xf32, #tpu.memory_space<vmem>>, vector<1x16xf32>,
      %get3A_280 = arith.index_cast %scan3A_48 : i32 to index
      %get3A_281 = arith.constant 224 : index
      %get3A_282 = tpu.vector_load %arg11[%get3A_280, %get3A_281] {strides = array<i32>} : memref<64x768xf32, #tpu.memory_space<vmem>>, vector<1x16xf32>,
      %get3A_283 = vector.shape_cast %get3A_282 : vector<1x16xf32> to vector<16xf32>
      %get3A_284 = arith.index_cast %scan3A_48 : i32 to index
      %get3A_285 = arith.constant 224 : index
      %get3A_286 = tpu.vector_load %arg12[%get3A_284, %get3A_285] {strides = array<i32>} : memref<64x768xf32, #tpu.memory_space<vmem>>, vector<1x16xf32>,
      %get3A_287 = vector.shape_cast %get3A_286 : vector<1x16xf32> to vector<16xf32>
      %mul3A_288 = arith.mulf %get3A_52, %get3A_283 : vector<16xf32>
      %mul3A_289 = arith.mulf %get3A_56, %get3A_287 : vector<16xf32>
      %add3A_290 = arith.addf %mul3A_288, %mul3A_289 : vector<16xf32>
      %swap3A_291 = arith.index_cast %scan3A_48 : i32 to index
      %swap3A_292 = arith.constant 224 : index
      %swap3A_293 = tpu.vector_load %arg11[%swap3A_291, %swap3A_292] {strides = array<i32>} : memref<64x768xf32, #tpu.memory_space<vmem>>, vector<1x16xf32>,
      %swap3A_294 = vector.shape_cast %swap3A_293 : vector<1x16xf32> to vector<16xf32>
      %swap3A_295 = vector.shape_cast %add3A_290 : vector<16xf32> to vector<1x16xf32>
      tpu.vector_store %arg11[%swap3A_291, %swap3A_292], %swap3A_295 {strides = array<i32>} : memref<64x768xf32, #tpu.memory_space<vmem>>, vector<1x16xf32>,
      %get3A_296 = arith.index_cast %scan3A_48 : i32 to index
      %get3A_297 = arith.constant 240 : index
      %get3A_298 = tpu.vector_load %arg11[%get3A_296, %get3A_297] {strides = array<i32>} : memref<64x768xf32, #tpu.memory_space<vmem>>, vector<1x16xf32>,
      %get3A_299 = vector.shape_cast %get3A_298 : vector<1x16xf32> to vector<16xf32>
      %get3A_300 = arith.index_cast %scan3A_48 : i32 to index
      %get3A_301 = arith.constant 240 : index
      %get3A_302 = tpu.vector_load %arg12[%get3A_300, %get3A_301] {strides = array<i32>} : memref<64x768xf32, #tpu.memory_space<vmem>>, vector<1x16xf32>,
      %get3A_303 = vector.shape_cast %get3A_302 : vector<1x16xf32> to vector<16xf32>
      %mul3A_304 = arith.mulf %get3A_52, %get3A_299 : vector<16xf32>
      %mul3A_305 = arith.mulf %get3A_56, %get3A_303 : vector<16xf32>
      %add3A_306 = arith.addf %mul3A_304, %mul3A_305 : vector<16xf32>
      %swap3A_307 = arith.index_cast %scan3A_48 : i32 to index
      %swap3A_308 = arith.constant 240 : index
      %swap3A_309 = tpu.vector_load %arg11[%swap3A_307, %swap3A_308] {strides = array<i32>} : memref<64x768xf32, #tpu.memory_space<vmem>>, vector<1x16xf32>,
      %swap3A_310 = vector.shape_cast %swap3A_309 : vector<1x16xf32> to vector<16xf32>
      %swap3A_311 = vector.shape_cast %add3A_306 : vector<16xf32> to vector<1x16xf32>
      tpu.vector_store %arg11[%swap3A_307, %swap3A_308], %swap3A_311 {strides = array<i32>} : memref<64x768xf32, #tpu.memory_space<vmem>>, vector<1x16xf32>,
      %get3A_312 = arith.index_cast %scan3A_48 : i32 to index
      %get3A_313 = arith.constant 256 : index
      %get3A_314 = tpu.vector_load %arg11[%get3A_312, %get3A_313] {strides = array<i32>} : memref<64x768xf32, #tpu.memory_space<vmem>>, vector<1x16xf32>,
      %get3A_315 = vector.shape_cast %get3A_314 : vector<1x16xf32> to vector<16xf32>
      %get3A_316 = arith.index_cast %scan3A_48 : i32 to index
      %get3A_317 = arith.constant 256 : index
      %get3A_318 = tpu.vector_load %arg12[%get3A_316, %get3A_317] {strides = array<i32>} : memref<64x768xf32, #tpu.memory_space<vmem>>, vector<1x16xf32>,
      %get3A_319 = vector.shape_cast %get3A_318 : vector<1x16xf32> to vector<16xf32>
      %mul3A_320 = arith.mulf %get3A_52, %get3A_315 : vector<16xf32>
      %mul3A_321 = arith.mulf %get3A_56, %get3A_319 : vector<16xf32>
      %add3A_322 = arith.addf %mul3A_320, %mul3A_321 : vector<16xf32>
      %swap3A_323 = arith.index_cast %scan3A_48 : i32 to index
      %swap3A_324 = arith.constant 256 : index
      %swap3A_325 = tpu.vector_load %arg11[%swap3A_323, %swap3A_324] {strides = array<i32>} : memref<64x768xf32, #tpu.memory_space<vmem>>, vector<1x16xf32>,
      %swap3A_326 = vector.shape_cast %swap3A_325 : vector<1x16xf32> to vector<16xf32>
      %swap3A_327 = vector.shape_cast %add3A_322 : vector<16xf32> to vector<1x16xf32>
      tpu.vector_store %arg11[%swap3A_323, %swap3A_324], %swap3A_327 {strides = array<i32>} : memref<64x768xf32, #tpu.memory_space<vmem>>, vector<1x16xf32>,
      %get3A_328 = arith.index_cast %scan3A_48 : i32 to index
      %get3A_329 = arith.constant 272 : index
      %get3A_330 = tpu.vector_load %arg11[%get3A_328, %get3A_329] {strides = array<i32>} : memref<64x768xf32, #tpu.memory_space<vmem>>, vector<1x16xf32>,
      %get3A_331 = vector.shape_cast %get3A_330 : vector<1x16xf32> to vector<16xf32>
      %get3A_332 = arith.index_cast %scan3A_48 : i32 to index
      %get3A_333 = arith.constant 272 : index
      %get3A_334 = tpu.vector_load %arg12[%get3A_332, %get3A_333] {strides = array<i32>} : memref<64x768xf32, #tpu.memory_space<vmem>>, vector<1x16xf32>,
      %get3A_335 = vector.shape_cast %get3A_334 : vector<1x16xf32> to vector<16xf32>
      %mul3A_336 = arith.mulf %get3A_52, %get3A_331 : vector<16xf32>
      %mul3A_337 = arith.mulf %get3A_56, %get3A_335 : vector<16xf32>
      %add3A_338 = arith.addf %mul3A_336, %mul3A_337 : vector<16xf32>
      %swap3A_339 = arith.index_cast %scan3A_48 : i32 to index
      %swap3A_340 = arith.constant 272 : index
      %swap3A_341 = tpu.vector_load %arg11[%swap3A_339, %swap3A_340] {strides = array<i32>} : memref<64x768xf32, #tpu.memory_space<vmem>>, vector<1x16xf32>,
      %swap3A_342 = vector.shape_cast %swap3A_341 : vector<1x16xf32> to vector<16xf32>
      %swap3A_343 = vector.shape_cast %add3A_338 : vector<16xf32> to vector<1x16xf32>
      tpu.vector_store %arg11[%swap3A_339, %swap3A_340], %swap3A_343 {strides = array<i32>} : memref<64x768xf32, #tpu.memory_space<vmem>>, vector<1x16xf32>,
      %get3A_344 = arith.index_cast %scan3A_48 : i32 to index
      %get3A_345 = arith.constant 288 : index
      %get3A_346 = tpu.vector_load %arg11[%get3A_344, %get3A_345] {strides = array<i32>} : memref<64x768xf32, #tpu.memory_space<vmem>>, vector<1x16xf32>,
      %get3A_347 = vector.shape_cast %get3A_346 : vector<1x16xf32> to vector<16xf32>
      %get3A_348 = arith.index_cast %scan3A_48 : i32 to index
      %get3A_349 = arith.constant 288 : index
      %get3A_350 = tpu.vector_load %arg12[%get3A_348, %get3A_349] {strides = array<i32>} : memref<64x768xf32, #tpu.memory_space<vmem>>, vector<1x16xf32>,
      %get3A_351 = vector.shape_cast %get3A_350 : vector<1x16xf32> to vector<16xf32>
      %mul3A_352 = arith.mulf %get3A_52, %get3A_347 : vector<16xf32>
      %mul3A_353 = arith.mulf %get3A_56, %get3A_351 : vector<16xf32>
      %add3A_354 = arith.addf %mul3A_352, %mul3A_353 : vector<16xf32>
      %swap3A_355 = arith.index_cast %scan3A_48 : i32 to index
      %swap3A_356 = arith.constant 288 : index
      %swap3A_357 = tpu.vector_load %arg11[%swap3A_355, %swap3A_356] {strides = array<i32>} : memref<64x768xf32, #tpu.memory_space<vmem>>, vector<1x16xf32>,
      %swap3A_358 = vector.shape_cast %swap3A_357 : vector<1x16xf32> to vector<16xf32>
      %swap3A_359 = vector.shape_cast %add3A_354 : vector<16xf32> to vector<1x16xf32>
      tpu.vector_store %arg11[%swap3A_355, %swap3A_356], %swap3A_359 {strides = array<i32>} : memref<64x768xf32, #tpu.memory_space<vmem>>, vector<1x16xf32>,
      %get3A_360 = arith.index_cast %scan3A_48 : i32 to index
      %get3A_361 = arith.constant 304 : index
      %get3A_362 = tpu.vector_load %arg11[%get3A_360, %get3A_361] {strides = array<i32>} : memref<64x768xf32, #tpu.memory_space<vmem>>, vector<1x16xf32>,
      %get3A_363 = vector.shape_cast %get3A_362 : vector<1x16xf32> to vector<16xf32>
      %get3A_364 = arith.index_cast %scan3A_48 : i32 to index
      %get3A_365 = arith.constant 304 : index
      %get3A_366 = tpu.vector_load %arg12[%get3A_364, %get3A_365] {strides = array<i32>} : memref<64x768xf32, #tpu.memory_space<vmem>>, vector<1x16xf32>,
      %get3A_367 = vector.shape_cast %get3A_366 : vector<1x16xf32> to vector<16xf32>
      %mul3A_368 = arith.mulf %get3A_52, %get3A_363 : vector<16xf32>
      %mul3A_369 = arith.mulf %get3A_56, %get3A_367 : vector<16xf32>
      %add3A_370 = arith.addf %mul3A_368, %mul3A_369 : vector<16xf32>
      %swap3A_371 = arith.index_cast %scan3A_48 : i32 to index
      %swap3A_372 = arith.constant 304 : index
      %swap3A_373 = tpu.vector_load %arg11[%swap3A_371, %swap3A_372] {strides = array<i32>} : memref<64x768xf32, #tpu.memory_space<vmem>>, vector<1x16xf32>,
      %swap3A_374 = vector.shape_cast %swap3A_373 : vector<1x16xf32> to vector<16xf32>
      %swap3A_375 = vector.shape_cast %add3A_370 : vector<16xf32> to vector<1x16xf32>
      tpu.vector_store %arg11[%swap3A_371, %swap3A_372], %swap3A_375 {strides = array<i32>} : memref<64x768xf32, #tpu.memory_space<vmem>>, vector<1x16xf32>,
      %get3A_376 = arith.index_cast %scan3A_48 : i32 to index
      %get3A_377 = arith.constant 320 : index
      %get3A_378 = tpu.vector_load %arg11[%get3A_376, %get3A_377] {strides = array<i32>} : memref<64x768xf32, #tpu.memory_space<vmem>>, vector<1x16xf32>,
      %get3A_379 = vector.shape_cast %get3A_378 : vector<1x16xf32> to vector<16xf32>
      %get3A_380 = arith.index_cast %scan3A_48 : i32 to index
      %get3A_381 = arith.constant 320 : index
      %get3A_382 = tpu.vector_load %arg12[%get3A_380, %get3A_381] {strides = array<i32>} : memref<64x768xf32, #tpu.memory_space<vmem>>, vector<1x16xf32>,
      %get3A_383 = vector.shape_cast %get3A_382 : vector<1x16xf32> to vector<16xf32>
      %mul3A_384 = arith.mulf %get3A_52, %get3A_379 : vector<16xf32>
      %mul3A_385 = arith.mulf %get3A_56, %get3A_383 : vector<16xf32>
      %add3A_386 = arith.addf %mul3A_384, %mul3A_385 : vector<16xf32>
      %swap3A_387 = arith.index_cast %scan3A_48 : i32 to index
      %swap3A_388 = arith.constant 320 : index
      %swap3A_389 = tpu.vector_load %arg11[%swap3A_387, %swap3A_388] {strides = array<i32>} : memref<64x768xf32, #tpu.memory_space<vmem>>, vector<1x16xf32>,
      %swap3A_390 = vector.shape_cast %swap3A_389 : vector<1x16xf32> to vector<16xf32>
      %swap3A_391 = vector.shape_cast %add3A_386 : vector<16xf32> to vector<1x16xf32>
      tpu.vector_store %arg11[%swap3A_387, %swap3A_388], %swap3A_391 {strides = array<i32>} : memref<64x768xf32, #tpu.memory_space<vmem>>, vector<1x16xf32>,
      %get3A_392 = arith.index_cast %scan3A_48 : i32 to index
      %get3A_393 = arith.constant 336 : index
      %get3A_394 = tpu.vector_load %arg11[%get3A_392, %get3A_393] {strides = array<i32>} : memref<64x768xf32, #tpu.memory_space<vmem>>, vector<1x16xf32>,
      %get3A_395 = vector.shape_cast %get3A_394 : vector<1x16xf32> to vector<16xf32>
      %get3A_396 = arith.index_cast %scan3A_48 : i32 to index
      %get3A_397 = arith.constant 336 : index
      %get3A_398 = tpu.vector_load %arg12[%get3A_396, %get3A_397] {strides = array<i32>} : memref<64x768xf32, #tpu.memory_space<vmem>>, vector<1x16xf32>,
      %get3A_399 = vector.shape_cast %get3A_398 : vector<1x16xf32> to vector<16xf32>
      %mul3A_400 = arith.mulf %get3A_52, %get3A_395 : vector<16xf32>
      %mul3A_401 = arith.mulf %get3A_56, %get3A_399 : vector<16xf32>
      %add3A_402 = arith.addf %mul3A_400, %mul3A_401 : vector<16xf32>
      %swap3A_403 = arith.index_cast %scan3A_48 : i32 to index
      %swap3A_404 = arith.constant 336 : index
      %swap3A_405 = tpu.vector_load %arg11[%swap3A_403, %swap3A_404] {strides = array<i32>} : memref<64x768xf32, #tpu.memory_space<vmem>>, vector<1x16xf32>,
      %swap3A_406 = vector.shape_cast %swap3A_405 : vector<1x16xf32> to vector<16xf32>
      %swap3A_407 = vector.shape_cast %add3A_402 : vector<16xf32> to vector<1x16xf32>
      tpu.vector_store %arg11[%swap3A_403, %swap3A_404], %swap3A_407 {strides = array<i32>} : memref<64x768xf32, #tpu.memory_space<vmem>>, vector<1x16xf32>,
      %get3A_408 = arith.index_cast %scan3A_48 : i32 to index
      %get3A_409 = arith.constant 352 : index
      %get3A_410 = tpu.vector_load %arg11[%get3A_408, %get3A_409] {strides = array<i32>} : memref<64x768xf32, #tpu.memory_space<vmem>>, vector<1x16xf32>,
      %get3A_411 = vector.shape_cast %get3A_410 : vector<1x16xf32> to vector<16xf32>
      %get3A_412 = arith.index_cast %scan3A_48 : i32 to index
      %get3A_413 = arith.constant 352 : index
      %get3A_414 = tpu.vector_load %arg12[%get3A_412, %get3A_413] {strides = array<i32>} : memref<64x768xf32, #tpu.memory_space<vmem>>, vector<1x16xf32>,
      %get3A_415 = vector.shape_cast %get3A_414 : vector<1x16xf32> to vector<16xf32>
      %mul3A_416 = arith.mulf %get3A_52, %get3A_411 : vector<16xf32>
      %mul3A_417 = arith.mulf %get3A_56, %get3A_415 : vector<16xf32>
      %add3A_418 = arith.addf %mul3A_416, %mul3A_417 : vector<16xf32>
      %swap3A_419 = arith.index_cast %scan3A_48 : i32 to index
      %swap3A_420 = arith.constant 352 : index
      %swap3A_421 = tpu.vector_load %arg11[%swap3A_419, %swap3A_420] {strides = array<i32>} : memref<64x768xf32, #tpu.memory_space<vmem>>, vector<1x16xf32>,
      %swap3A_422 = vector.shape_cast %swap3A_421 : vector<1x16xf32> to vector<16xf32>
      %swap3A_423 = vector.shape_cast %add3A_418 : vector<16xf32> to vector<1x16xf32>
      tpu.vector_store %arg11[%swap3A_419, %swap3A_420], %swap3A_423 {strides = array<i32>} : memref<64x768xf32, #tpu.memory_space<vmem>>, vector<1x16xf32>,
      %get3A_424 = arith.index_cast %scan3A_48 : i32 to index
      %get3A_425 = arith.constant 368 : index
      %get3A_426 = tpu.vector_load %arg11[%get3A_424, %get3A_425] {strides = array<i32>} : memref<64x768xf32, #tpu.memory_space<vmem>>, vector<1x16xf32>,
      %get3A_427 = vector.shape_cast %get3A_426 : vector<1x16xf32> to vector<16xf32>
      %get3A_428 = arith.index_cast %scan3A_48 : i32 to index
      %get3A_429 = arith.constant 368 : index
      %get3A_430 = tpu.vector_load %arg12[%get3A_428, %get3A_429] {strides = array<i32>} : memref<64x768xf32, #tpu.memory_space<vmem>>, vector<1x16xf32>,
      %get3A_431 = vector.shape_cast %get3A_430 : vector<1x16xf32> to vector<16xf32>
      %mul3A_432 = arith.mulf %get3A_52, %get3A_427 : vector<16xf32>
      %mul3A_433 = arith.mulf %get3A_56, %get3A_431 : vector<16xf32>
      %add3A_434 = arith.addf %mul3A_432, %mul3A_433 : vector<16xf32>
      %swap3A_435 = arith.index_cast %scan3A_48 : i32 to index
      %swap3A_436 = arith.constant 368 : index
      %swap3A_437 = tpu.vector_load %arg11[%swap3A_435, %swap3A_436] {strides = array<i32>} : memref<64x768xf32, #tpu.memory_space<vmem>>, vector<1x16xf32>,
      %swap3A_438 = vector.shape_cast %swap3A_437 : vector<1x16xf32> to vector<16xf32>
      %swap3A_439 = vector.shape_cast %add3A_434 : vector<16xf32> to vector<1x16xf32>
      tpu.vector_store %arg11[%swap3A_435, %swap3A_436], %swap3A_439 {strides = array<i32>} : memref<64x768xf32, #tpu.memory_space<vmem>>, vector<1x16xf32>,
      %get3A_440 = arith.index_cast %scan3A_48 : i32 to index
      %get3A_441 = arith.constant 384 : index
      %get3A_442 = tpu.vector_load %arg11[%get3A_440, %get3A_441] {strides = array<i32>} : memref<64x768xf32, #tpu.memory_space<vmem>>, vector<1x16xf32>,
      %get3A_443 = vector.shape_cast %get3A_442 : vector<1x16xf32> to vector<16xf32>
      %get3A_444 = arith.index_cast %scan3A_48 : i32 to index
      %get3A_445 = arith.constant 384 : index
      %get3A_446 = tpu.vector_load %arg12[%get3A_444, %get3A_445] {strides = array<i32>} : memref<64x768xf32, #tpu.memory_space<vmem>>, vector<1x16xf32>,
      %get3A_447 = vector.shape_cast %get3A_446 : vector<1x16xf32> to vector<16xf32>
      %mul3A_448 = arith.mulf %get3A_52, %get3A_443 : vector<16xf32>
      %mul3A_449 = arith.mulf %get3A_56, %get3A_447 : vector<16xf32>
      %add3A_450 = arith.addf %mul3A_448, %mul3A_449 : vector<16xf32>
      %swap3A_451 = arith.index_cast %scan3A_48 : i32 to index
      %swap3A_452 = arith.constant 384 : index
      %swap3A_453 = tpu.vector_load %arg11[%swap3A_451, %swap3A_452] {strides = array<i32>} : memref<64x768xf32, #tpu.memory_space<vmem>>, vector<1x16xf32>,
      %swap3A_454 = vector.shape_cast %swap3A_453 : vector<1x16xf32> to vector<16xf32>
      %swap3A_455 = vector.shape_cast %add3A_450 : vector<16xf32> to vector<1x16xf32>
      tpu.vector_store %arg11[%swap3A_451, %swap3A_452], %swap3A_455 {strides = array<i32>} : memref<64x768xf32, #tpu.memory_space<vmem>>, vector<1x16xf32>,
      %get3A_456 = arith.index_cast %scan3A_48 : i32 to index
      %get3A_457 = arith.constant 400 : index
      %get3A_458 = tpu.vector_load %arg11[%get3A_456, %get3A_457] {strides = array<i32>} : memref<64x768xf32, #tpu.memory_space<vmem>>, vector<1x16xf32>,
      %get3A_459 = vector.shape_cast %get3A_458 : vector<1x16xf32> to vector<16xf32>
      %get3A_460 = arith.index_cast %scan3A_48 : i32 to index
      %get3A_461 = arith.constant 400 : index
      %get3A_462 = tpu.vector_load %arg12[%get3A_460, %get3A_461] {strides = array<i32>} : memref<64x768xf32, #tpu.memory_space<vmem>>, vector<1x16xf32>,
      %get3A_463 = vector.shape_cast %get3A_462 : vector<1x16xf32> to vector<16xf32>
      %mul3A_464 = arith.mulf %get3A_52, %get3A_459 : vector<16xf32>
      %mul3A_465 = arith.mulf %get3A_56, %get3A_463 : vector<16xf32>
      %add3A_466 = arith.addf %mul3A_464, %mul3A_465 : vector<16xf32>
      %swap3A_467 = arith.index_cast %scan3A_48 : i32 to index
      %swap3A_468 = arith.constant 400 : index
      %swap3A_469 = tpu.vector_load %arg11[%swap3A_467, %swap3A_468] {strides = array<i32>} : memref<64x768xf32, #tpu.memory_space<vmem>>, vector<1x16xf32>,
      %swap3A_470 = vector.shape_cast %swap3A_469 : vector<1x16xf32> to vector<16xf32>
      %swap3A_471 = vector.shape_cast %add3A_466 : vector<16xf32> to vector<1x16xf32>
      tpu.vector_store %arg11[%swap3A_467, %swap3A_468], %swap3A_471 {strides = array<i32>} : memref<64x768xf32, #tpu.memory_space<vmem>>, vector<1x16xf32>,
      %get3A_472 = arith.index_cast %scan3A_48 : i32 to index
      %get3A_473 = arith.constant 416 : index
      %get3A_474 = tpu.vector_load %arg11[%get3A_472, %get3A_473] {strides = array<i32>} : memref<64x768xf32, #tpu.memory_space<vmem>>, vector<1x16xf32>,
      %get3A_475 = vector.shape_cast %get3A_474 : vector<1x16xf32> to vector<16xf32>
      %get3A_476 = arith.index_cast %scan3A_48 : i32 to index
      %get3A_477 = arith.constant 416 : index
      %get3A_478 = tpu.vector_load %arg12[%get3A_476, %get3A_477] {strides = array<i32>} : memref<64x768xf32, #tpu.memory_space<vmem>>, vector<1x16xf32>,
      %get3A_479 = vector.shape_cast %get3A_478 : vector<1x16xf32> to vector<16xf32>
      %mul3A_480 = arith.mulf %get3A_52, %get3A_475 : vector<16xf32>
      %mul3A_481 = arith.mulf %get3A_56, %get3A_479 : vector<16xf32>
      %add3A_482 = arith.addf %mul3A_480, %mul3A_481 : vector<16xf32>
      %swap3A_483 = arith.index_cast %scan3A_48 : i32 to index
      %swap3A_484 = arith.constant 416 : index
      %swap3A_485 = tpu.vector_load %arg11[%swap3A_483, %swap3A_484] {strides = array<i32>} : memref<64x768xf32, #tpu.memory_space<vmem>>, vector<1x16xf32>,
      %swap3A_486 = vector.shape_cast %swap3A_485 : vector<1x16xf32> to vector<16xf32>
      %swap3A_487 = vector.shape_cast %add3A_482 : vector<16xf32> to vector<1x16xf32>
      tpu.vector_store %arg11[%swap3A_483, %swap3A_484], %swap3A_487 {strides = array<i32>} : memref<64x768xf32, #tpu.memory_space<vmem>>, vector<1x16xf32>,
      %get3A_488 = arith.index_cast %scan3A_48 : i32 to index
      %get3A_489 = arith.constant 432 : index
      %get3A_490 = tpu.vector_load %arg11[%get3A_488, %get3A_489] {strides = array<i32>} : memref<64x768xf32, #tpu.memory_space<vmem>>, vector<1x16xf32>,
      %get3A_491 = vector.shape_cast %get3A_490 : vector<1x16xf32> to vector<16xf32>
      %get3A_492 = arith.index_cast %scan3A_48 : i32 to index
      %get3A_493 = arith.constant 432 : index
      %get3A_494 = tpu.vector_load %arg12[%get3A_492, %get3A_493] {strides = array<i32>} : memref<64x768xf32, #tpu.memory_space<vmem>>, vector<1x16xf32>,
      %get3A_495 = vector.shape_cast %get3A_494 : vector<1x16xf32> to vector<16xf32>
      %mul3A_496 = arith.mulf %get3A_52, %get3A_491 : vector<16xf32>
      %mul3A_497 = arith.mulf %get3A_56, %get3A_495 : vector<16xf32>
      %add3A_498 = arith.addf %mul3A_496, %mul3A_497 : vector<16xf32>
      %swap3A_499 = arith.index_cast %scan3A_48 : i32 to index
      %swap3A_500 = arith.constant 432 : index
      %swap3A_501 = tpu.vector_load %arg11[%swap3A_499, %swap3A_500] {strides = array<i32>} : memref<64x768xf32, #tpu.memory_space<vmem>>, vector<1x16xf32>,
      %swap3A_502 = vector.shape_cast %swap3A_501 : vector<1x16xf32> to vector<16xf32>
      %swap3A_503 = vector.shape_cast %add3A_498 : vector<16xf32> to vector<1x16xf32>
      tpu.vector_store %arg11[%swap3A_499, %swap3A_500], %swap3A_503 {strides = array<i32>} : memref<64x768xf32, #tpu.memory_space<vmem>>, vector<1x16xf32>,
      %get3A_504 = arith.index_cast %scan3A_48 : i32 to index
      %get3A_505 = arith.constant 448 : index
      %get3A_506 = tpu.vector_load %arg11[%get3A_504, %get3A_505] {strides = array<i32>} : memref<64x768xf32, #tpu.memory_space<vmem>>, vector<1x16xf32>,
      %get3A_507 = vector.shape_cast %get3A_506 : vector<1x16xf32> to vector<16xf32>
      %get3A_508 = arith.index_cast %scan3A_48 : i32 to index
      %get3A_509 = arith.constant 448 : index
      %get3A_510 = tpu.vector_load %arg12[%get3A_508, %get3A_509] {strides = array<i32>} : memref<64x768xf32, #tpu.memory_space<vmem>>, vector<1x16xf32>,
      %get3A_511 = vector.shape_cast %get3A_510 : vector<1x16xf32> to vector<16xf32>
      %mul3A_512 = arith.mulf %get3A_52, %get3A_507 : vector<16xf32>
      %mul3A_513 = arith.mulf %get3A_56, %get3A_511 : vector<16xf32>
      %add3A_514 = arith.addf %mul3A_512, %mul3A_513 : vector<16xf32>
      %swap3A_515 = arith.index_cast %scan3A_48 : i32 to index
      %swap3A_516 = arith.constant 448 : index
      %swap3A_517 = tpu.vector_load %arg11[%swap3A_515, %swap3A_516] {strides = array<i32>} : memref<64x768xf32, #tpu.memory_space<vmem>>, vector<1x16xf32>,
      %swap3A_518 = vector.shape_cast %swap3A_517 : vector<1x16xf32> to vector<16xf32>
      %swap3A_519 = vector.shape_cast %add3A_514 : vector<16xf32> to vector<1x16xf32>
      tpu.vector_store %arg11[%swap3A_515, %swap3A_516], %swap3A_519 {strides = array<i32>} : memref<64x768xf32, #tpu.memory_space<vmem>>, vector<1x16xf32>,
      %get3A_520 = arith.index_cast %scan3A_48 : i32 to index
      %get3A_521 = arith.constant 464 : index
      %get3A_522 = tpu.vector_load %arg11[%get3A_520, %get3A_521] {strides = array<i32>} : memref<64x768xf32, #tpu.memory_space<vmem>>, vector<1x16xf32>,
      %get3A_523 = vector.shape_cast %get3A_522 : vector<1x16xf32> to vector<16xf32>
      %get3A_524 = arith.index_cast %scan3A_48 : i32 to index
      %get3A_525 = arith.constant 464 : index
      %get3A_526 = tpu.vector_load %arg12[%get3A_524, %get3A_525] {strides = array<i32>} : memref<64x768xf32, #tpu.memory_space<vmem>>, vector<1x16xf32>,
      %get3A_527 = vector.shape_cast %get3A_526 : vector<1x16xf32> to vector<16xf32>
      %mul3A_528 = arith.mulf %get3A_52, %get3A_523 : vector<16xf32>
      %mul3A_529 = arith.mulf %get3A_56, %get3A_527 : vector<16xf32>
      %add3A_530 = arith.addf %mul3A_528, %mul3A_529 : vector<16xf32>
      %swap3A_531 = arith.index_cast %scan3A_48 : i32 to index
      %swap3A_532 = arith.constant 464 : index
      %swap3A_533 = tpu.vector_load %arg11[%swap3A_531, %swap3A_532] {strides = array<i32>} : memref<64x768xf32, #tpu.memory_space<vmem>>, vector<1x16xf32>,
      %swap3A_534 = vector.shape_cast %swap3A_533 : vector<1x16xf32> to vector<16xf32>
      %swap3A_535 = vector.shape_cast %add3A_530 : vector<16xf32> to vector<1x16xf32>
      tpu.vector_store %arg11[%swap3A_531, %swap3A_532], %swap3A_535 {strides = array<i32>} : memref<64x768xf32, #tpu.memory_space<vmem>>, vector<1x16xf32>,
      %get3A_536 = arith.index_cast %scan3A_48 : i32 to index
      %get3A_537 = arith.constant 480 : index
      %get3A_538 = tpu.vector_load %arg11[%get3A_536, %get3A_537] {strides = array<i32>} : memref<64x768xf32, #tpu.memory_space<vmem>>, vector<1x16xf32>,
      %get3A_539 = vector.shape_cast %get3A_538 : vector<1x16xf32> to vector<16xf32>
      %get3A_540 = arith.index_cast %scan3A_48 : i32 to index
      %get3A_541 = arith.constant 480 : index
      %get3A_542 = tpu.vector_load %arg12[%get3A_540, %get3A_541] {strides = array<i32>} : memref<64x768xf32, #tpu.memory_space<vmem>>, vector<1x16xf32>,
      %get3A_543 = vector.shape_cast %get3A_542 : vector<1x16xf32> to vector<16xf32>
      %mul3A_544 = arith.mulf %get3A_52, %get3A_539 : vector<16xf32>
      %mul3A_545 = arith.mulf %get3A_56, %get3A_543 : vector<16xf32>
      %add3A_546 = arith.addf %mul3A_544, %mul3A_545 : vector<16xf32>
      %swap3A_547 = arith.index_cast %scan3A_48 : i32 to index
      %swap3A_548 = arith.constant 480 : index
      %swap3A_549 = tpu.vector_load %arg11[%swap3A_547, %swap3A_548] {strides = array<i32>} : memref<64x768xf32, #tpu.memory_space<vmem>>, vector<1x16xf32>,
      %swap3A_550 = vector.shape_cast %swap3A_549 : vector<1x16xf32> to vector<16xf32>
      %swap3A_551 = vector.shape_cast %add3A_546 : vector<16xf32> to vector<1x16xf32>
      tpu.vector_store %arg11[%swap3A_547, %swap3A_548], %swap3A_551 {strides = array<i32>} : memref<64x768xf32, #tpu.memory_space<vmem>>, vector<1x16xf32>,
      %get3A_552 = arith.index_cast %scan3A_48 : i32 to index
      %get3A_553 = arith.constant 496 : index
      %get3A_554 = tpu.vector_load %arg11[%get3A_552, %get3A_553] {strides = array<i32>} : memref<64x768xf32, #tpu.memory_space<vmem>>, vector<1x16xf32>,
      %get3A_555 = vector.shape_cast %get3A_554 : vector<1x16xf32> to vector<16xf32>
      %get3A_556 = arith.index_cast %scan3A_48 : i32 to index
      %get3A_557 = arith.constant 496 : index
      %get3A_558 = tpu.vector_load %arg12[%get3A_556, %get3A_557] {strides = array<i32>} : memref<64x768xf32, #tpu.memory_space<vmem>>, vector<1x16xf32>,
      %get3A_559 = vector.shape_cast %get3A_558 : vector<1x16xf32> to vector<16xf32>
      %mul3A_560 = arith.mulf %get3A_52, %get3A_555 : vector<16xf32>
      %mul3A_561 = arith.mulf %get3A_56, %get3A_559 : vector<16xf32>
      %add3A_562 = arith.addf %mul3A_560, %mul3A_561 : vector<16xf32>
      %swap3A_563 = arith.index_cast %scan3A_48 : i32 to index
      %swap3A_564 = arith.constant 496 : index
      %swap3A_565 = tpu.vector_load %arg11[%swap3A_563, %swap3A_564] {strides = array<i32>} : memref<64x768xf32, #tpu.memory_space<vmem>>, vector<1x16xf32>,
      %swap3A_566 = vector.shape_cast %swap3A_565 : vector<1x16xf32> to vector<16xf32>
      %swap3A_567 = vector.shape_cast %add3A_562 : vector<16xf32> to vector<1x16xf32>
      tpu.vector_store %arg11[%swap3A_563, %swap3A_564], %swap3A_567 {strides = array<i32>} : memref<64x768xf32, #tpu.memory_space<vmem>>, vector<1x16xf32>,
      %get3A_568 = arith.index_cast %scan3A_48 : i32 to index
      %get3A_569 = arith.constant 512 : index
      %get3A_570 = tpu.vector_load %arg11[%get3A_568, %get3A_569] {strides = array<i32>} : memref<64x768xf32, #tpu.memory_space<vmem>>, vector<1x16xf32>,
      %get3A_571 = vector.shape_cast %get3A_570 : vector<1x16xf32> to vector<16xf32>
      %get3A_572 = arith.index_cast %scan3A_48 : i32 to index
      %get3A_573 = arith.constant 512 : index
      %get3A_574 = tpu.vector_load %arg12[%get3A_572, %get3A_573] {strides = array<i32>} : memref<64x768xf32, #tpu.memory_space<vmem>>, vector<1x16xf32>,
      %get3A_575 = vector.shape_cast %get3A_574 : vector<1x16xf32> to vector<16xf32>
      %mul3A_576 = arith.mulf %get3A_52, %get3A_571 : vector<16xf32>
      %mul3A_577 = arith.mulf %get3A_56, %get3A_575 : vector<16xf32>
      %add3A_578 = arith.addf %mul3A_576, %mul3A_577 : vector<16xf32>
      %swap3A_579 = arith.index_cast %scan3A_48 : i32 to index
      %swap3A_580 = arith.constant 512 : index
      %swap3A_581 = tpu.vector_load %arg11[%swap3A_579, %swap3A_580] {strides = array<i32>} : memref<64x768xf32, #tpu.memory_space<vmem>>, vector<1x16xf32>,
      %swap3A_582 = vector.shape_cast %swap3A_581 : vector<1x16xf32> to vector<16xf32>
      %swap3A_583 = vector.shape_cast %add3A_578 : vector<16xf32> to vector<1x16xf32>
      tpu.vector_store %arg11[%swap3A_579, %swap3A_580], %swap3A_583 {strides = array<i32>} : memref<64x768xf32, #tpu.memory_space<vmem>>, vector<1x16xf32>,
      %get3A_584 = arith.index_cast %scan3A_48 : i32 to index
      %get3A_585 = arith.constant 528 : index
      %get3A_586 = tpu.vector_load %arg11[%get3A_584, %get3A_585] {strides = array<i32>} : memref<64x768xf32, #tpu.memory_space<vmem>>, vector<1x16xf32>,
      %get3A_587 = vector.shape_cast %get3A_586 : vector<1x16xf32> to vector<16xf32>
      %get3A_588 = arith.index_cast %scan3A_48 : i32 to index
      %get3A_589 = arith.constant 528 : index
      %get3A_590 = tpu.vector_load %arg12[%get3A_588, %get3A_589] {strides = array<i32>} : memref<64x768xf32, #tpu.memory_space<vmem>>, vector<1x16xf32>,
      %get3A_591 = vector.shape_cast %get3A_590 : vector<1x16xf32> to vector<16xf32>
      %mul3A_592 = arith.mulf %get3A_52, %get3A_587 : vector<16xf32>
      %mul3A_593 = arith.mulf %get3A_56, %get3A_591 : vector<16xf32>
      %add3A_594 = arith.addf %mul3A_592, %mul3A_593 : vector<16xf32>
      %swap3A_595 = arith.index_cast %scan3A_48 : i32 to index
      %swap3A_596 = arith.constant 528 : index
      %swap3A_597 = tpu.vector_load %arg11[%swap3A_595, %swap3A_596] {strides = array<i32>} : memref<64x768xf32, #tpu.memory_space<vmem>>, vector<1x16xf32>,
      %swap3A_598 = vector.shape_cast %swap3A_597 : vector<1x16xf32> to vector<16xf32>
      %swap3A_599 = vector.shape_cast %add3A_594 : vector<16xf32> to vector<1x16xf32>
      tpu.vector_store %arg11[%swap3A_595, %swap3A_596], %swap3A_599 {strides = array<i32>} : memref<64x768xf32, #tpu.memory_space<vmem>>, vector<1x16xf32>,
      %get3A_600 = arith.index_cast %scan3A_48 : i32 to index
      %get3A_601 = arith.constant 544 : index
      %get3A_602 = tpu.vector_load %arg11[%get3A_600, %get3A_601] {strides = array<i32>} : memref<64x768xf32, #tpu.memory_space<vmem>>, vector<1x16xf32>,
      %get3A_603 = vector.shape_cast %get3A_602 : vector<1x16xf32> to vector<16xf32>
      %get3A_604 = arith.index_cast %scan3A_48 : i32 to index
      %get3A_605 = arith.constant 544 : index
      %get3A_606 = tpu.vector_load %arg12[%get3A_604, %get3A_605] {strides = array<i32>} : memref<64x768xf32, #tpu.memory_space<vmem>>, vector<1x16xf32>,
      %get3A_607 = vector.shape_cast %get3A_606 : vector<1x16xf32> to vector<16xf32>
      %mul3A_608 = arith.mulf %get3A_52, %get3A_603 : vector<16xf32>
      %mul3A_609 = arith.mulf %get3A_56, %get3A_607 : vector<16xf32>
      %add3A_610 = arith.addf %mul3A_608, %mul3A_609 : vector<16xf32>
      %swap3A_611 = arith.index_cast %scan3A_48 : i32 to index
      %swap3A_612 = arith.constant 544 : index
      %swap3A_613 = tpu.vector_load %arg11[%swap3A_611, %swap3A_612] {strides = array<i32>} : memref<64x768xf32, #tpu.memory_space<vmem>>, vector<1x16xf32>,
      %swap3A_614 = vector.shape_cast %swap3A_613 : vector<1x16xf32> to vector<16xf32>
      %swap3A_615 = vector.shape_cast %add3A_610 : vector<16xf32> to vector<1x16xf32>
      tpu.vector_store %arg11[%swap3A_611, %swap3A_612], %swap3A_615 {strides = array<i32>} : memref<64x768xf32, #tpu.memory_space<vmem>>, vector<1x16xf32>,
      %get3A_616 = arith.index_cast %scan3A_48 : i32 to index
      %get3A_617 = arith.constant 560 : index
      %get3A_618 = tpu.vector_load %arg11[%get3A_616, %get3A_617] {strides = array<i32>} : memref<64x768xf32, #tpu.memory_space<vmem>>, vector<1x16xf32>,
      %get3A_619 = vector.shape_cast %get3A_618 : vector<1x16xf32> to vector<16xf32>
      %get3A_620 = arith.index_cast %scan3A_48 : i32 to index
      %get3A_621 = arith.constant 560 : index
      %get3A_622 = tpu.vector_load %arg12[%get3A_620, %get3A_621] {strides = array<i32>} : memref<64x768xf32, #tpu.memory_space<vmem>>, vector<1x16xf32>,
      %get3A_623 = vector.shape_cast %get3A_622 : vector<1x16xf32> to vector<16xf32>
      %mul3A_624 = arith.mulf %get3A_52, %get3A_619 : vector<16xf32>
      %mul3A_625 = arith.mulf %get3A_56, %get3A_623 : vector<16xf32>
      %add3A_626 = arith.addf %mul3A_624, %mul3A_625 : vector<16xf32>
      %swap3A_627 = arith.index_cast %scan3A_48 : i32 to index
      %swap3A_628 = arith.constant 560 : index
      %swap3A_629 = tpu.vector_load %arg11[%swap3A_627, %swap3A_628] {strides = array<i32>} : memref<64x768xf32, #tpu.memory_space<vmem>>, vector<1x16xf32>,
      %swap3A_630 = vector.shape_cast %swap3A_629 : vector<1x16xf32> to vector<16xf32>
      %swap3A_631 = vector.shape_cast %add3A_626 : vector<16xf32> to vector<1x16xf32>
      tpu.vector_store %arg11[%swap3A_627, %swap3A_628], %swap3A_631 {strides = array<i32>} : memref<64x768xf32, #tpu.memory_space<vmem>>, vector<1x16xf32>,
      %get3A_632 = arith.index_cast %scan3A_48 : i32 to index
      %get3A_633 = arith.constant 576 : index
      %get3A_634 = tpu.vector_load %arg11[%get3A_632, %get3A_633] {strides = array<i32>} : memref<64x768xf32, #tpu.memory_space<vmem>>, vector<1x16xf32>,
      %get3A_635 = vector.shape_cast %get3A_634 : vector<1x16xf32> to vector<16xf32>
      %get3A_636 = arith.index_cast %scan3A_48 : i32 to index
      %get3A_637 = arith.constant 576 : index
      %get3A_638 = tpu.vector_load %arg12[%get3A_636, %get3A_637] {strides = array<i32>} : memref<64x768xf32, #tpu.memory_space<vmem>>, vector<1x16xf32>,
      %get3A_639 = vector.shape_cast %get3A_638 : vector<1x16xf32> to vector<16xf32>
      %mul3A_640 = arith.mulf %get3A_52, %get3A_635 : vector<16xf32>
      %mul3A_641 = arith.mulf %get3A_56, %get3A_639 : vector<16xf32>
      %add3A_642 = arith.addf %mul3A_640, %mul3A_641 : vector<16xf32>
      %swap3A_643 = arith.index_cast %scan3A_48 : i32 to index
      %swap3A_644 = arith.constant 576 : index
      %swap3A_645 = tpu.vector_load %arg11[%swap3A_643, %swap3A_644] {strides = array<i32>} : memref<64x768xf32, #tpu.memory_space<vmem>>, vector<1x16xf32>,
      %swap3A_646 = vector.shape_cast %swap3A_645 : vector<1x16xf32> to vector<16xf32>
      %swap3A_647 = vector.shape_cast %add3A_642 : vector<16xf32> to vector<1x16xf32>
      tpu.vector_store %arg11[%swap3A_643, %swap3A_644], %swap3A_647 {strides = array<i32>} : memref<64x768xf32, #tpu.memory_space<vmem>>, vector<1x16xf32>,
      %get3A_648 = arith.index_cast %scan3A_48 : i32 to index
      %get3A_649 = arith.constant 592 : index
      %get3A_650 = tpu.vector_load %arg11[%get3A_648, %get3A_649] {strides = array<i32>} : memref<64x768xf32, #tpu.memory_space<vmem>>, vector<1x16xf32>,
      %get3A_651 = vector.shape_cast %get3A_650 : vector<1x16xf32> to vector<16xf32>
      %get3A_652 = arith.index_cast %scan3A_48 : i32 to index
      %get3A_653 = arith.constant 592 : index
      %get3A_654 = tpu.vector_load %arg12[%get3A_652, %get3A_653] {strides = array<i32>} : memref<64x768xf32, #tpu.memory_space<vmem>>, vector<1x16xf32>,
      %get3A_655 = vector.shape_cast %get3A_654 : vector<1x16xf32> to vector<16xf32>
      %mul3A_656 = arith.mulf %get3A_52, %get3A_651 : vector<16xf32>
      %mul3A_657 = arith.mulf %get3A_56, %get3A_655 : vector<16xf32>
      %add3A_658 = arith.addf %mul3A_656, %mul3A_657 : vector<16xf32>
      %swap3A_659 = arith.index_cast %scan3A_48 : i32 to index
      %swap3A_660 = arith.constant 592 : index
      %swap3A_661 = tpu.vector_load %arg11[%swap3A_659, %swap3A_660] {strides = array<i32>} : memref<64x768xf32, #tpu.memory_space<vmem>>, vector<1x16xf32>,
      %swap3A_662 = vector.shape_cast %swap3A_661 : vector<1x16xf32> to vector<16xf32>
      %swap3A_663 = vector.shape_cast %add3A_658 : vector<16xf32> to vector<1x16xf32>
      tpu.vector_store %arg11[%swap3A_659, %swap3A_660], %swap3A_663 {strides = array<i32>} : memref<64x768xf32, #tpu.memory_space<vmem>>, vector<1x16xf32>,
      %get3A_664 = arith.index_cast %scan3A_48 : i32 to index
      %get3A_665 = arith.constant 608 : index
      %get3A_666 = tpu.vector_load %arg11[%get3A_664, %get3A_665] {strides = array<i32>} : memref<64x768xf32, #tpu.memory_space<vmem>>, vector<1x16xf32>,
      %get3A_667 = vector.shape_cast %get3A_666 : vector<1x16xf32> to vector<16xf32>
      %get3A_668 = arith.index_cast %scan3A_48 : i32 to index
      %get3A_669 = arith.constant 608 : index
      %get3A_670 = tpu.vector_load %arg12[%get3A_668, %get3A_669] {strides = array<i32>} : memref<64x768xf32, #tpu.memory_space<vmem>>, vector<1x16xf32>,
      %get3A_671 = vector.shape_cast %get3A_670 : vector<1x16xf32> to vector<16xf32>
      %mul3A_672 = arith.mulf %get3A_52, %get3A_667 : vector<16xf32>
      %mul3A_673 = arith.mulf %get3A_56, %get3A_671 : vector<16xf32>
      %add3A_674 = arith.addf %mul3A_672, %mul3A_673 : vector<16xf32>
      %swap3A_675 = arith.index_cast %scan3A_48 : i32 to index
      %swap3A_676 = arith.constant 608 : index
      %swap3A_677 = tpu.vector_load %arg11[%swap3A_675, %swap3A_676] {strides = array<i32>} : memref<64x768xf32, #tpu.memory_space<vmem>>, vector<1x16xf32>,
      %swap3A_678 = vector.shape_cast %swap3A_677 : vector<1x16xf32> to vector<16xf32>
      %swap3A_679 = vector.shape_cast %add3A_674 : vector<16xf32> to vector<1x16xf32>
      tpu.vector_store %arg11[%swap3A_675, %swap3A_676], %swap3A_679 {strides = array<i32>} : memref<64x768xf32, #tpu.memory_space<vmem>>, vector<1x16xf32>,
      %get3A_680 = arith.index_cast %scan3A_48 : i32 to index
      %get3A_681 = arith.constant 624 : index
      %get3A_682 = tpu.vector_load %arg11[%get3A_680, %get3A_681] {strides = array<i32>} : memref<64x768xf32, #tpu.memory_space<vmem>>, vector<1x16xf32>,
      %get3A_683 = vector.shape_cast %get3A_682 : vector<1x16xf32> to vector<16xf32>
      %get3A_684 = arith.index_cast %scan3A_48 : i32 to index
      %get3A_685 = arith.constant 624 : index
      %get3A_686 = tpu.vector_load %arg12[%get3A_684, %get3A_685] {strides = array<i32>} : memref<64x768xf32, #tpu.memory_space<vmem>>, vector<1x16xf32>,
      %get3A_687 = vector.shape_cast %get3A_686 : vector<1x16xf32> to vector<16xf32>
      %mul3A_688 = arith.mulf %get3A_52, %get3A_683 : vector<16xf32>
      %mul3A_689 = arith.mulf %get3A_56, %get3A_687 : vector<16xf32>
      %add3A_690 = arith.addf %mul3A_688, %mul3A_689 : vector<16xf32>
      %swap3A_691 = arith.index_cast %scan3A_48 : i32 to index
      %swap3A_692 = arith.constant 624 : index
      %swap3A_693 = tpu.vector_load %arg11[%swap3A_691, %swap3A_692] {strides = array<i32>} : memref<64x768xf32, #tpu.memory_space<vmem>>, vector<1x16xf32>,
      %swap3A_694 = vector.shape_cast %swap3A_693 : vector<1x16xf32> to vector<16xf32>
      %swap3A_695 = vector.shape_cast %add3A_690 : vector<16xf32> to vector<1x16xf32>
      tpu.vector_store %arg11[%swap3A_691, %swap3A_692], %swap3A_695 {strides = array<i32>} : memref<64x768xf32, #tpu.memory_space<vmem>>, vector<1x16xf32>,
      %get3A_696 = arith.index_cast %scan3A_48 : i32 to index
      %get3A_697 = arith.constant 640 : index
      %get3A_698 = tpu.vector_load %arg11[%get3A_696, %get3A_697] {strides = array<i32>} : memref<64x768xf32, #tpu.memory_space<vmem>>, vector<1x16xf32>,
      %get3A_699 = vector.shape_cast %get3A_698 : vector<1x16xf32> to vector<16xf32>
      %get3A_700 = arith.index_cast %scan3A_48 : i32 to index
      %get3A_701 = arith.constant 640 : index
      %get3A_702 = tpu.vector_load %arg12[%get3A_700, %get3A_701] {strides = array<i32>} : memref<64x768xf32, #tpu.memory_space<vmem>>, vector<1x16xf32>,
      %get3A_703 = vector.shape_cast %get3A_702 : vector<1x16xf32> to vector<16xf32>
      %mul3A_704 = arith.mulf %get3A_52, %get3A_699 : vector<16xf32>
      %mul3A_705 = arith.mulf %get3A_56, %get3A_703 : vector<16xf32>
      %add3A_706 = arith.addf %mul3A_704, %mul3A_705 : vector<16xf32>
      %swap3A_707 = arith.index_cast %scan3A_48 : i32 to index
      %swap3A_708 = arith.constant 640 : index
      %swap3A_709 = tpu.vector_load %arg11[%swap3A_707, %swap3A_708] {strides = array<i32>} : memref<64x768xf32, #tpu.memory_space<vmem>>, vector<1x16xf32>,
      %swap3A_710 = vector.shape_cast %swap3A_709 : vector<1x16xf32> to vector<16xf32>
      %swap3A_711 = vector.shape_cast %add3A_706 : vector<16xf32> to vector<1x16xf32>
      tpu.vector_store %arg11[%swap3A_707, %swap3A_708], %swap3A_711 {strides = array<i32>} : memref<64x768xf32, #tpu.memory_space<vmem>>, vector<1x16xf32>,
      %get3A_712 = arith.index_cast %scan3A_48 : i32 to index
      %get3A_713 = arith.constant 656 : index
      %get3A_714 = tpu.vector_load %arg11[%get3A_712, %get3A_713] {strides = array<i32>} : memref<64x768xf32, #tpu.memory_space<vmem>>, vector<1x16xf32>,
      %get3A_715 = vector.shape_cast %get3A_714 : vector<1x16xf32> to vector<16xf32>
      %get3A_716 = arith.index_cast %scan3A_48 : i32 to index
      %get3A_717 = arith.constant 656 : index
      %get3A_718 = tpu.vector_load %arg12[%get3A_716, %get3A_717] {strides = array<i32>} : memref<64x768xf32, #tpu.memory_space<vmem>>, vector<1x16xf32>,
      %get3A_719 = vector.shape_cast %get3A_718 : vector<1x16xf32> to vector<16xf32>
      %mul3A_720 = arith.mulf %get3A_52, %get3A_715 : vector<16xf32>
      %mul3A_721 = arith.mulf %get3A_56, %get3A_719 : vector<16xf32>
      %add3A_722 = arith.addf %mul3A_720, %mul3A_721 : vector<16xf32>
      %swap3A_723 = arith.index_cast %scan3A_48 : i32 to index
      %swap3A_724 = arith.constant 656 : index
      %swap3A_725 = tpu.vector_load %arg11[%swap3A_723, %swap3A_724] {strides = array<i32>} : memref<64x768xf32, #tpu.memory_space<vmem>>, vector<1x16xf32>,
      %swap3A_726 = vector.shape_cast %swap3A_725 : vector<1x16xf32> to vector<16xf32>
      %swap3A_727 = vector.shape_cast %add3A_722 : vector<16xf32> to vector<1x16xf32>
      tpu.vector_store %arg11[%swap3A_723, %swap3A_724], %swap3A_727 {strides = array<i32>} : memref<64x768xf32, #tpu.memory_space<vmem>>, vector<1x16xf32>,
      %get3A_728 = arith.index_cast %scan3A_48 : i32 to index
      %get3A_729 = arith.constant 672 : index
      %get3A_730 = tpu.vector_load %arg11[%get3A_728, %get3A_729] {strides = array<i32>} : memref<64x768xf32, #tpu.memory_space<vmem>>, vector<1x16xf32>,
      %get3A_731 = vector.shape_cast %get3A_730 : vector<1x16xf32> to vector<16xf32>
      %get3A_732 = arith.index_cast %scan3A_48 : i32 to index
      %get3A_733 = arith.constant 672 : index
      %get3A_734 = tpu.vector_load %arg12[%get3A_732, %get3A_733] {strides = array<i32>} : memref<64x768xf32, #tpu.memory_space<vmem>>, vector<1x16xf32>,
      %get3A_735 = vector.shape_cast %get3A_734 : vector<1x16xf32> to vector<16xf32>
      %mul3A_736 = arith.mulf %get3A_52, %get3A_731 : vector<16xf32>
      %mul3A_737 = arith.mulf %get3A_56, %get3A_735 : vector<16xf32>
      %add3A_738 = arith.addf %mul3A_736, %mul3A_737 : vector<16xf32>
      %swap3A_739 = arith.index_cast %scan3A_48 : i32 to index
      %swap3A_740 = arith.constant 672 : index
      %swap3A_741 = tpu.vector_load %arg11[%swap3A_739, %swap3A_740] {strides = array<i32>} : memref<64x768xf32, #tpu.memory_space<vmem>>, vector<1x16xf32>,
      %swap3A_742 = vector.shape_cast %swap3A_741 : vector<1x16xf32> to vector<16xf32>
      %swap3A_743 = vector.shape_cast %add3A_738 : vector<16xf32> to vector<1x16xf32>
      tpu.vector_store %arg11[%swap3A_739, %swap3A_740], %swap3A_743 {strides = array<i32>} : memref<64x768xf32, #tpu.memory_space<vmem>>, vector<1x16xf32>,
      %get3A_744 = arith.index_cast %scan3A_48 : i32 to index
      %get3A_745 = arith.constant 688 : index
      %get3A_746 = tpu.vector_load %arg11[%get3A_744, %get3A_745] {strides = array<i32>} : memref<64x768xf32, #tpu.memory_space<vmem>>, vector<1x16xf32>,
      %get3A_747 = vector.shape_cast %get3A_746 : vector<1x16xf32> to vector<16xf32>
      %get3A_748 = arith.index_cast %scan3A_48 : i32 to index
      %get3A_749 = arith.constant 688 : index
      %get3A_750 = tpu.vector_load %arg12[%get3A_748, %get3A_749] {strides = array<i32>} : memref<64x768xf32, #tpu.memory_space<vmem>>, vector<1x16xf32>,
      %get3A_751 = vector.shape_cast %get3A_750 : vector<1x16xf32> to vector<16xf32>
      %mul3A_752 = arith.mulf %get3A_52, %get3A_747 : vector<16xf32>
      %mul3A_753 = arith.mulf %get3A_56, %get3A_751 : vector<16xf32>
      %add3A_754 = arith.addf %mul3A_752, %mul3A_753 : vector<16xf32>
      %swap3A_755 = arith.index_cast %scan3A_48 : i32 to index
      %swap3A_756 = arith.constant 688 : index
      %swap3A_757 = tpu.vector_load %arg11[%swap3A_755, %swap3A_756] {strides = array<i32>} : memref<64x768xf32, #tpu.memory_space<vmem>>, vector<1x16xf32>,
      %swap3A_758 = vector.shape_cast %swap3A_757 : vector<1x16xf32> to vector<16xf32>
      %swap3A_759 = vector.shape_cast %add3A_754 : vector<16xf32> to vector<1x16xf32>
      tpu.vector_store %arg11[%swap3A_755, %swap3A_756], %swap3A_759 {strides = array<i32>} : memref<64x768xf32, #tpu.memory_space<vmem>>, vector<1x16xf32>,
      %get3A_760 = arith.index_cast %scan3A_48 : i32 to index
      %get3A_761 = arith.constant 704 : index
      %get3A_762 = tpu.vector_load %arg11[%get3A_760, %get3A_761] {strides = array<i32>} : memref<64x768xf32, #tpu.memory_space<vmem>>, vector<1x16xf32>,
      %get3A_763 = vector.shape_cast %get3A_762 : vector<1x16xf32> to vector<16xf32>
      %get3A_764 = arith.index_cast %scan3A_48 : i32 to index
      %get3A_765 = arith.constant 704 : index
      %get3A_766 = tpu.vector_load %arg12[%get3A_764, %get3A_765] {strides = array<i32>} : memref<64x768xf32, #tpu.memory_space<vmem>>, vector<1x16xf32>,
      %get3A_767 = vector.shape_cast %get3A_766 : vector<1x16xf32> to vector<16xf32>
      %mul3A_768 = arith.mulf %get3A_52, %get3A_763 : vector<16xf32>
      %mul3A_769 = arith.mulf %get3A_56, %get3A_767 : vector<16xf32>
      %add3A_770 = arith.addf %mul3A_768, %mul3A_769 : vector<16xf32>
      %swap3A_771 = arith.index_cast %scan3A_48 : i32 to index
      %swap3A_772 = arith.constant 704 : index
      %swap3A_773 = tpu.vector_load %arg11[%swap3A_771, %swap3A_772] {strides = array<i32>} : memref<64x768xf32, #tpu.memory_space<vmem>>, vector<1x16xf32>,
      %swap3A_774 = vector.shape_cast %swap3A_773 : vector<1x16xf32> to vector<16xf32>
      %swap3A_775 = vector.shape_cast %add3A_770 : vector<16xf32> to vector<1x16xf32>
      tpu.vector_store %arg11[%swap3A_771, %swap3A_772], %swap3A_775 {strides = array<i32>} : memref<64x768xf32, #tpu.memory_space<vmem>>, vector<1x16xf32>,
      %get3A_776 = arith.index_cast %scan3A_48 : i32 to index
      %get3A_777 = arith.constant 720 : index
      %get3A_778 = tpu.vector_load %arg11[%get3A_776, %get3A_777] {strides = array<i32>} : memref<64x768xf32, #tpu.memory_space<vmem>>, vector<1x16xf32>,
      %get3A_779 = vector.shape_cast %get3A_778 : vector<1x16xf32> to vector<16xf32>
      %get3A_780 = arith.index_cast %scan3A_48 : i32 to index
      %get3A_781 = arith.constant 720 : index
      %get3A_782 = tpu.vector_load %arg12[%get3A_780, %get3A_781] {strides = array<i32>} : memref<64x768xf32, #tpu.memory_space<vmem>>, vector<1x16xf32>,
      %get3A_783 = vector.shape_cast %get3A_782 : vector<1x16xf32> to vector<16xf32>
      %mul3A_784 = arith.mulf %get3A_52, %get3A_779 : vector<16xf32>
      %mul3A_785 = arith.mulf %get3A_56, %get3A_783 : vector<16xf32>
      %add3A_786 = arith.addf %mul3A_784, %mul3A_785 : vector<16xf32>
      %swap3A_787 = arith.index_cast %scan3A_48 : i32 to index
      %swap3A_788 = arith.constant 720 : index
      %swap3A_789 = tpu.vector_load %arg11[%swap3A_787, %swap3A_788] {strides = array<i32>} : memref<64x768xf32, #tpu.memory_space<vmem>>, vector<1x16xf32>,
      %swap3A_790 = vector.shape_cast %swap3A_789 : vector<1x16xf32> to vector<16xf32>
      %swap3A_791 = vector.shape_cast %add3A_786 : vector<16xf32> to vector<1x16xf32>
      tpu.vector_store %arg11[%swap3A_787, %swap3A_788], %swap3A_791 {strides = array<i32>} : memref<64x768xf32, #tpu.memory_space<vmem>>, vector<1x16xf32>,
      %get3A_792 = arith.index_cast %scan3A_48 : i32 to index
      %get3A_793 = arith.constant 736 : index
      %get3A_794 = tpu.vector_load %arg11[%get3A_792, %get3A_793] {strides = array<i32>} : memref<64x768xf32, #tpu.memory_space<vmem>>, vector<1x16xf32>,
      %get3A_795 = vector.shape_cast %get3A_794 : vector<1x16xf32> to vector<16xf32>
      %get3A_796 = arith.index_cast %scan3A_48 : i32 to index
      %get3A_797 = arith.constant 736 : index
      %get3A_798 = tpu.vector_load %arg12[%get3A_796, %get3A_797] {strides = array<i32>} : memref<64x768xf32, #tpu.memory_space<vmem>>, vector<1x16xf32>,
      %get3A_799 = vector.shape_cast %get3A_798 : vector<1x16xf32> to vector<16xf32>
      %mul3A_800 = arith.mulf %get3A_52, %get3A_795 : vector<16xf32>
      %mul3A_801 = arith.mulf %get3A_56, %get3A_799 : vector<16xf32>
      %add3A_802 = arith.addf %mul3A_800, %mul3A_801 : vector<16xf32>
      %swap3A_803 = arith.index_cast %scan3A_48 : i32 to index
      %swap3A_804 = arith.constant 736 : index
      %swap3A_805 = tpu.vector_load %arg11[%swap3A_803, %swap3A_804] {strides = array<i32>} : memref<64x768xf32, #tpu.memory_space<vmem>>, vector<1x16xf32>,
      %swap3A_806 = vector.shape_cast %swap3A_805 : vector<1x16xf32> to vector<16xf32>
      %swap3A_807 = vector.shape_cast %add3A_802 : vector<16xf32> to vector<1x16xf32>
      tpu.vector_store %arg11[%swap3A_803, %swap3A_804], %swap3A_807 {strides = array<i32>} : memref<64x768xf32, #tpu.memory_space<vmem>>, vector<1x16xf32>,
      %get3A_808 = arith.index_cast %scan3A_48 : i32 to index
      %get3A_809 = arith.constant 752 : index
      %get3A_810 = tpu.vector_load %arg11[%get3A_808, %get3A_809] {strides = array<i32>} : memref<64x768xf32, #tpu.memory_space<vmem>>, vector<1x16xf32>,
      %get3A_811 = vector.shape_cast %get3A_810 : vector<1x16xf32> to vector<16xf32>
      %get3A_812 = arith.index_cast %scan3A_48 : i32 to index
      %get3A_813 = arith.constant 752 : index
      %get3A_814 = tpu.vector_load %arg12[%get3A_812, %get3A_813] {strides = array<i32>} : memref<64x768xf32, #tpu.memory_space<vmem>>, vector<1x16xf32>,
      %get3A_815 = vector.shape_cast %get3A_814 : vector<1x16xf32> to vector<16xf32>
      %mul3A_816 = arith.mulf %get3A_52, %get3A_811 : vector<16xf32>
      %mul3A_817 = arith.mulf %get3A_56, %get3A_815 : vector<16xf32>
      %add3A_818 = arith.addf %mul3A_816, %mul3A_817 : vector<16xf32>
      %swap3A_819 = arith.index_cast %scan3A_48 : i32 to index
      %swap3A_820 = arith.constant 752 : index
      %swap3A_821 = tpu.vector_load %arg11[%swap3A_819, %swap3A_820] {strides = array<i32>} : memref<64x768xf32, #tpu.memory_space<vmem>>, vector<1x16xf32>,
      %swap3A_822 = vector.shape_cast %swap3A_821 : vector<1x16xf32> to vector<16xf32>
      %swap3A_823 = vector.shape_cast %add3A_818 : vector<16xf32> to vector<1x16xf32>
      tpu.vector_store %arg11[%swap3A_819, %swap3A_820], %swap3A_823 {strides = array<i32>} : memref<64x768xf32, #tpu.memory_space<vmem>>, vector<1x16xf32>,
      %scan3A_824 = arith.constant 0 : i32
      scf.yield %scan3A_824 : i32
    }
    %scan3A_22 = arith.constant 64 : i32
    "tpu.region"() ({
      %run_scoped3A = tpu.sem_alloc : memref<!tpu.dma_semaphore, #tpu.memory_space<semaphore_mem>>
      %dma_start3A_48 = arith.constant 0 : i32
      %dma_start3A_49 = tpu.memref_slice %arg6[%add3A_4, %dma_start3A_48] : memref<4096x768xf32, #tpu.memory_space<hbm>> -> memref<64x768xf32, #tpu.memory_space<hbm>>
      %dma_start3A_50 = arith.constant 0 : i32
      %dma_start3A_51 = tpu.memref_slice %arg6[%add3A_4, %dma_start3A_50] : memref<4096x768xf32, #tpu.memory_space<hbm>> -> memref<64x768xf32, #tpu.memory_space<hbm>>
      tpu.enqueue_dma source(%arg11 : memref<64x768xf32, #tpu.memory_space<vmem>>) target(%dma_start3A_51 : memref<64x768xf32, #tpu.memory_space<hbm>>) target_semaphore(%run_scoped3A : memref<!tpu.dma_semaphore, #tpu.memory_space<semaphore_mem>>)
      %dma_wait3A_52 = arith.constant 0 : i32
      %dma_wait3A_53 = tpu.memref_slice %arg6[%add3A_4, %dma_wait3A_52] : memref<4096x768xf32, #tpu.memory_space<hbm>> -> memref<64x768xf32, #tpu.memory_space<hbm>>
      %dma_wait3A_54 = arith.constant 0 : i32
      %dma_wait3A_55 = tpu.memref_slice %arg6[%add3A_4, %dma_wait3A_54] : memref<4096x768xf32, #tpu.memory_space<hbm>> -> memref<64x768xf32, #tpu.memory_space<hbm>>
      tpu.wait_dma2 semaphore(%run_scoped3A : memref<!tpu.dma_semaphore, #tpu.memory_space<semaphore_mem>>) src(%arg11 : memref<64x768xf32, #tpu.memory_space<vmem>>) dst(%dma_wait3A_55 : memref<64x768xf32, #tpu.memory_space<hbm>>)
      tpu.yield
    }) : () -> ()
    %mul3A_23 = arith.constant 128 : i32
    %mul3A_24 = arith.muli %add3A, %mul3A_23 : i32
    %add3A_25 = arith.constant 64 : i32
    %add3A_26 = arith.addi %mul3A_24, %add3A_25 : i32
    "tpu.region"() ({
      %run_scoped3A = tpu.sem_alloc : memref<!tpu.dma_semaphore, #tpu.memory_space<semaphore_mem>>
      %dma_start3A_48 = tpu.memref_slice %arg3[%add3A_26] : memref<4096xi32, #tpu.memory_space<hbm>> -> memref<64xi32, #tpu.memory_space<hbm>>
      %dma_start3A_49 = tpu.memref_slice %arg3[%add3A_26] : memref<4096xi32, #tpu.memory_space<hbm>> -> memref<64xi32, #tpu.memory_space<hbm>>
      tpu.enqueue_dma source(%dma_start3A_49 : memref<64xi32, #tpu.memory_space<hbm>>) target(%arg7 : memref<64xi32, #tpu.memory_space<vmem>>) target_semaphore(%run_scoped3A : memref<!tpu.dma_semaphore, #tpu.memory_space<semaphore_mem>>)
      %dma_wait3A_50 = tpu.memref_slice %arg3[%add3A_26] : memref<4096xi32, #tpu.memory_space<hbm>> -> memref<64xi32, #tpu.memory_space<hbm>>
      %dma_wait3A_51 = tpu.memref_slice %arg3[%add3A_26] : memref<4096xi32, #tpu.memory_space<hbm>> -> memref<64xi32, #tpu.memory_space<hbm>>
      tpu.wait_dma2 semaphore(%run_scoped3A : memref<!tpu.dma_semaphore, #tpu.memory_space<semaphore_mem>>) src(%dma_wait3A_51 : memref<64xi32, #tpu.memory_space<hbm>>) dst(%arg7 : memref<64xi32, #tpu.memory_space<vmem>>)
      tpu.yield
    }) : () -> ()
    "tpu.region"() ({
      %run_scoped3A = tpu.sem_alloc : memref<!tpu.dma_semaphore, #tpu.memory_space<semaphore_mem>>
      %dma_start3A_48 = tpu.memref_slice %arg4[%add3A_26] : memref<4096xi32, #tpu.memory_space<hbm>> -> memref<64xi32, #tpu.memory_space<hbm>>
      %dma_start3A_49 = tpu.memref_slice %arg4[%add3A_26] : memref<4096xi32, #tpu.memory_space<hbm>> -> memref<64xi32, #tpu.memory_space<hbm>>
      tpu.enqueue_dma source(%dma_start3A_49 : memref<64xi32, #tpu.memory_space<hbm>>) target(%arg8 : memref<64xi32, #tpu.memory_space<vmem>>) target_semaphore(%run_scoped3A : memref<!tpu.dma_semaphore, #tpu.memory_space<semaphore_mem>>)
      %dma_wait3A_50 = tpu.memref_slice %arg4[%add3A_26] : memref<4096xi32, #tpu.memory_space<hbm>> -> memref<64xi32, #tpu.memory_space<hbm>>
      %dma_wait3A_51 = tpu.memref_slice %arg4[%add3A_26] : memref<4096xi32, #tpu.memory_space<hbm>> -> memref<64xi32, #tpu.memory_space<hbm>>
      tpu.wait_dma2 semaphore(%run_scoped3A : memref<!tpu.dma_semaphore, #tpu.memory_space<semaphore_mem>>) src(%dma_wait3A_51 : memref<64xi32, #tpu.memory_space<hbm>>) dst(%arg8 : memref<64xi32, #tpu.memory_space<vmem>>)
      tpu.yield
    }) : () -> ()
    "tpu.region"() ({
      %run_scoped3A = tpu.sem_alloc : memref<!tpu.dma_semaphore, #tpu.memory_space<semaphore_mem>>
      %dma_start3A_48 = arith.constant 0 : i32
      %dma_start3A_49 = tpu.memref_slice %arg5[%add3A_26, %dma_start3A_48] : memref<8192x16xf32, #tpu.memory_space<hbm>> -> memref<64x16xf32, #tpu.memory_space<hbm>>
      %dma_start3A_50 = arith.constant 0 : i32
      %dma_start3A_51 = tpu.memref_slice %arg5[%add3A_26, %dma_start3A_50] : memref<8192x16xf32, #tpu.memory_space<hbm>> -> memref<64x16xf32, #tpu.memory_space<hbm>>
      tpu.enqueue_dma source(%dma_start3A_51 : memref<64x16xf32, #tpu.memory_space<hbm>>) target(%arg9 : memref<64x16xf32, #tpu.memory_space<vmem>>) target_semaphore(%run_scoped3A : memref<!tpu.dma_semaphore, #tpu.memory_space<semaphore_mem>>)
      %dma_wait3A_52 = arith.constant 0 : i32
      %dma_wait3A_53 = tpu.memref_slice %arg5[%add3A_26, %dma_wait3A_52] : memref<8192x16xf32, #tpu.memory_space<hbm>> -> memref<64x16xf32, #tpu.memory_space<hbm>>
      %dma_wait3A_54 = arith.constant 0 : i32
      %dma_wait3A_55 = tpu.memref_slice %arg5[%add3A_26, %dma_wait3A_54] : memref<8192x16xf32, #tpu.memory_space<hbm>> -> memref<64x16xf32, #tpu.memory_space<hbm>>
      tpu.wait_dma2 semaphore(%run_scoped3A : memref<!tpu.dma_semaphore, #tpu.memory_space<semaphore_mem>>) src(%dma_wait3A_55 : memref<64x16xf32, #tpu.memory_space<hbm>>) dst(%arg9 : memref<64x16xf32, #tpu.memory_space<vmem>>)
      tpu.yield
    }) : () -> ()
    %add3A_27 = arith.constant 4096 : i32
    %add3A_28 = arith.addi %add3A_27, %add3A_26 : i32
    "tpu.region"() ({
      %run_scoped3A = tpu.sem_alloc : memref<!tpu.dma_semaphore, #tpu.memory_space<semaphore_mem>>
      %dma_start3A_48 = arith.constant 0 : i32
      %dma_start3A_49 = tpu.memref_slice %arg5[%add3A_28, %dma_start3A_48] : memref<8192x16xf32, #tpu.memory_space<hbm>> -> memref<64x16xf32, #tpu.memory_space<hbm>>
      %dma_start3A_50 = arith.constant 0 : i32
      %dma_start3A_51 = tpu.memref_slice %arg5[%add3A_28, %dma_start3A_50] : memref<8192x16xf32, #tpu.memory_space<hbm>> -> memref<64x16xf32, #tpu.memory_space<hbm>>
      tpu.enqueue_dma source(%dma_start3A_51 : memref<64x16xf32, #tpu.memory_space<hbm>>) target(%arg10 : memref<64x16xf32, #tpu.memory_space<vmem>>) target_semaphore(%run_scoped3A : memref<!tpu.dma_semaphore, #tpu.memory_space<semaphore_mem>>)
      %dma_wait3A_52 = arith.constant 0 : i32
      %dma_wait3A_53 = tpu.memref_slice %arg5[%add3A_28, %dma_wait3A_52] : memref<8192x16xf32, #tpu.memory_space<hbm>> -> memref<64x16xf32, #tpu.memory_space<hbm>>
      %dma_wait3A_54 = arith.constant 0 : i32
      %dma_wait3A_55 = tpu.memref_slice %arg5[%add3A_28, %dma_wait3A_54] : memref<8192x16xf32, #tpu.memory_space<hbm>> -> memref<64x16xf32, #tpu.memory_space<hbm>>
      tpu.wait_dma2 semaphore(%run_scoped3A : memref<!tpu.dma_semaphore, #tpu.memory_space<semaphore_mem>>) src(%dma_wait3A_55 : memref<64x16xf32, #tpu.memory_space<hbm>>) dst(%arg10 : memref<64x16xf32, #tpu.memory_space<vmem>>)
      tpu.yield
    }) : () -> ()
    %dma_start3A_29 = arith.constant 0 : i32
    %dma_start3A_30 = arith.constant 0 : i32
    %dma_start3A_31 = tpu.memref_slice %arg2[%dma_start3A_29, %dma_start3A_30] : memref<11776x768xf32, #tpu.memory_space<hbm>> -> memref<11776x768xf32, #tpu.memory_space<hbm>>
    tpu.enqueue_indirect_dma source(%dma_start3A_31 : memref<11776x768xf32, #tpu.memory_space<hbm>>) target(%arg11 : memref<64x768xf32, #tpu.memory_space<vmem>>) offsets(%arg7 : memref<64xi32, #tpu.memory_space<vmem>>) semaphore(%arg13 : memref<!tpu.dma_semaphore, #tpu.memory_space<semaphore_mem>>)
    %dma_start3A_32 = arith.constant 0 : i32
    %dma_start3A_33 = arith.constant 0 : i32
    %dma_start3A_34 = tpu.memref_slice %arg2[%dma_start3A_32, %dma_start3A_33] : memref<11776x768xf32, #tpu.memory_space<hbm>> -> memref<11776x768xf32, #tpu.memory_space<hbm>>
    tpu.enqueue_indirect_dma source(%dma_start3A_34 : memref<11776x768xf32, #tpu.memory_space<hbm>>) target(%arg12 : memref<64x768xf32, #tpu.memory_space<vmem>>) offsets(%arg8 : memref<64xi32, #tpu.memory_space<vmem>>) semaphore(%arg13 : memref<!tpu.dma_semaphore, #tpu.memory_space<semaphore_mem>>)
    %dma_wait3A_35 = arith.constant 0 : i32
    %dma_wait3A_36 = arith.constant 0 : i32
    %dma_wait3A_37 = tpu.memref_slice %arg2[%dma_wait3A_35, %dma_wait3A_36] : memref<11776x768xf32, #tpu.memory_space<hbm>> -> memref<11776x768xf32, #tpu.memory_space<hbm>>
    tpu.wait_indirect_dma semaphore(%arg13 : memref<!tpu.dma_semaphore, #tpu.memory_space<semaphore_mem>>) src(%dma_wait3A_37 : memref<11776x768xf32, #tpu.memory_space<hbm>>) dst(%arg11 : memref<64x768xf32, #tpu.memory_space<vmem>>)
    %dma_wait3A_38 = arith.constant 0 : i32
    %dma_wait3A_39 = arith.constant 0 : i32
    %dma_wait3A_40 = tpu.memref_slice %arg2[%dma_wait3A_38, %dma_wait3A_39] : memref<11776x768xf32, #tpu.memory_space<hbm>> -> memref<11776x768xf32, #tpu.memory_space<hbm>>
    tpu.wait_indirect_dma semaphore(%arg13 : memref<!tpu.dma_semaphore, #tpu.memory_space<semaphore_mem>>) src(%dma_wait3A_40 : memref<11776x768xf32, #tpu.memory_space<hbm>>) dst(%arg12 : memref<64x768xf32, #tpu.memory_space<vmem>>)
    %scan3A_41 = arith.constant 0 : i32
    %scan3A_42 = arith.constant 0 : i32
    %scan3A_43 = arith.constant 64 : i32
    %scan3A_44 = arith.addi %scan3A_42, %scan3A_43 : i32
    %scan3A_45 = arith.constant 1 : i32
    %scan3A_46 = scf.for %scan3A_48 = %scan3A_42 to %scan3A_44 step %scan3A_45 iter_args(%scan3A_49 = %scan3A_41) -> (i32)  : i32 {
      %get3A = arith.index_cast %scan3A_48 : i32 to index
      %get3A_50 = arith.constant 0 : index
      %get3A_51 = tpu.vector_load %arg9[%get3A, %get3A_50] {strides = array<i32>} : memref<64x16xf32, #tpu.memory_space<vmem>>, vector<1x16xf32>,
      %get3A_52 = vector.shape_cast %get3A_51 : vector<1x16xf32> to vector<16xf32>
      %get3A_53 = arith.index_cast %scan3A_48 : i32 to index
      %get3A_54 = arith.constant 0 : index
      %get3A_55 = tpu.vector_load %arg10[%get3A_53, %get3A_54] {strides = array<i32>} : memref<64x16xf32, #tpu.memory_space<vmem>>, vector<1x16xf32>,
      %get3A_56 = vector.shape_cast %get3A_55 : vector<1x16xf32> to vector<16xf32>
      %get3A_57 = arith.index_cast %scan3A_48 : i32 to index
      %get3A_58 = arith.constant 0 : index
      %get3A_59 = tpu.vector_load %arg11[%get3A_57, %get3A_58] {strides = array<i32>} : memref<64x768xf32, #tpu.memory_space<vmem>>, vector<1x16xf32>,
      %get3A_60 = vector.shape_cast %get3A_59 : vector<1x16xf32> to vector<16xf32>
      %get3A_61 = arith.index_cast %scan3A_48 : i32 to index
      %get3A_62 = arith.constant 0 : index
      %get3A_63 = tpu.vector_load %arg12[%get3A_61, %get3A_62] {strides = array<i32>} : memref<64x768xf32, #tpu.memory_space<vmem>>, vector<1x16xf32>,
      %get3A_64 = vector.shape_cast %get3A_63 : vector<1x16xf32> to vector<16xf32>
      %mul3A_65 = arith.mulf %get3A_52, %get3A_60 : vector<16xf32>
      %mul3A_66 = arith.mulf %get3A_56, %get3A_64 : vector<16xf32>
      %add3A_67 = arith.addf %mul3A_65, %mul3A_66 : vector<16xf32>
      %swap3A = arith.index_cast %scan3A_48 : i32 to index
      %swap3A_68 = arith.constant 0 : index
      %swap3A_69 = tpu.vector_load %arg11[%swap3A, %swap3A_68] {strides = array<i32>} : memref<64x768xf32, #tpu.memory_space<vmem>>, vector<1x16xf32>,
      %swap3A_70 = vector.shape_cast %swap3A_69 : vector<1x16xf32> to vector<16xf32>
      %swap3A_71 = vector.shape_cast %add3A_67 : vector<16xf32> to vector<1x16xf32>
      tpu.vector_store %arg11[%swap3A, %swap3A_68], %swap3A_71 {strides = array<i32>} : memref<64x768xf32, #tpu.memory_space<vmem>>, vector<1x16xf32>,
      %get3A_72 = arith.index_cast %scan3A_48 : i32 to index
      %get3A_73 = arith.constant 16 : index
      %get3A_74 = tpu.vector_load %arg11[%get3A_72, %get3A_73] {strides = array<i32>} : memref<64x768xf32, #tpu.memory_space<vmem>>, vector<1x16xf32>,
      %get3A_75 = vector.shape_cast %get3A_74 : vector<1x16xf32> to vector<16xf32>
      %get3A_76 = arith.index_cast %scan3A_48 : i32 to index
      %get3A_77 = arith.constant 16 : index
      %get3A_78 = tpu.vector_load %arg12[%get3A_76, %get3A_77] {strides = array<i32>} : memref<64x768xf32, #tpu.memory_space<vmem>>, vector<1x16xf32>,
      %get3A_79 = vector.shape_cast %get3A_78 : vector<1x16xf32> to vector<16xf32>
      %mul3A_80 = arith.mulf %get3A_52, %get3A_75 : vector<16xf32>
      %mul3A_81 = arith.mulf %get3A_56, %get3A_79 : vector<16xf32>
      %add3A_82 = arith.addf %mul3A_80, %mul3A_81 : vector<16xf32>
      %swap3A_83 = arith.index_cast %scan3A_48 : i32 to index
      %swap3A_84 = arith.constant 16 : index
      %swap3A_85 = tpu.vector_load %arg11[%swap3A_83, %swap3A_84] {strides = array<i32>} : memref<64x768xf32, #tpu.memory_space<vmem>>, vector<1x16xf32>,
      %swap3A_86 = vector.shape_cast %swap3A_85 : vector<1x16xf32> to vector<16xf32>
      %swap3A_87 = vector.shape_cast %add3A_82 : vector<16xf32> to vector<1x16xf32>
      tpu.vector_store %arg11[%swap3A_83, %swap3A_84], %swap3A_87 {strides = array<i32>} : memref<64x768xf32, #tpu.memory_space<vmem>>, vector<1x16xf32>,
      %get3A_88 = arith.index_cast %scan3A_48 : i32 to index
      %get3A_89 = arith.constant 32 : index
      %get3A_90 = tpu.vector_load %arg11[%get3A_88, %get3A_89] {strides = array<i32>} : memref<64x768xf32, #tpu.memory_space<vmem>>, vector<1x16xf32>,
      %get3A_91 = vector.shape_cast %get3A_90 : vector<1x16xf32> to vector<16xf32>
      %get3A_92 = arith.index_cast %scan3A_48 : i32 to index
      %get3A_93 = arith.constant 32 : index
      %get3A_94 = tpu.vector_load %arg12[%get3A_92, %get3A_93] {strides = array<i32>} : memref<64x768xf32, #tpu.memory_space<vmem>>, vector<1x16xf32>,
      %get3A_95 = vector.shape_cast %get3A_94 : vector<1x16xf32> to vector<16xf32>
      %mul3A_96 = arith.mulf %get3A_52, %get3A_91 : vector<16xf32>
      %mul3A_97 = arith.mulf %get3A_56, %get3A_95 : vector<16xf32>
      %add3A_98 = arith.addf %mul3A_96, %mul3A_97 : vector<16xf32>
      %swap3A_99 = arith.index_cast %scan3A_48 : i32 to index
      %swap3A_100 = arith.constant 32 : index
      %swap3A_101 = tpu.vector_load %arg11[%swap3A_99, %swap3A_100] {strides = array<i32>} : memref<64x768xf32, #tpu.memory_space<vmem>>, vector<1x16xf32>,
      %swap3A_102 = vector.shape_cast %swap3A_101 : vector<1x16xf32> to vector<16xf32>
      %swap3A_103 = vector.shape_cast %add3A_98 : vector<16xf32> to vector<1x16xf32>
      tpu.vector_store %arg11[%swap3A_99, %swap3A_100], %swap3A_103 {strides = array<i32>} : memref<64x768xf32, #tpu.memory_space<vmem>>, vector<1x16xf32>,
      %get3A_104 = arith.index_cast %scan3A_48 : i32 to index
      %get3A_105 = arith.constant 48 : index
      %get3A_106 = tpu.vector_load %arg11[%get3A_104, %get3A_105] {strides = array<i32>} : memref<64x768xf32, #tpu.memory_space<vmem>>, vector<1x16xf32>,
      %get3A_107 = vector.shape_cast %get3A_106 : vector<1x16xf32> to vector<16xf32>
      %get3A_108 = arith.index_cast %scan3A_48 : i32 to index
      %get3A_109 = arith.constant 48 : index
      %get3A_110 = tpu.vector_load %arg12[%get3A_108, %get3A_109] {strides = array<i32>} : memref<64x768xf32, #tpu.memory_space<vmem>>, vector<1x16xf32>,
      %get3A_111 = vector.shape_cast %get3A_110 : vector<1x16xf32> to vector<16xf32>
      %mul3A_112 = arith.mulf %get3A_52, %get3A_107 : vector<16xf32>
      %mul3A_113 = arith.mulf %get3A_56, %get3A_111 : vector<16xf32>
      %add3A_114 = arith.addf %mul3A_112, %mul3A_113 : vector<16xf32>
      %swap3A_115 = arith.index_cast %scan3A_48 : i32 to index
      %swap3A_116 = arith.constant 48 : index
      %swap3A_117 = tpu.vector_load %arg11[%swap3A_115, %swap3A_116] {strides = array<i32>} : memref<64x768xf32, #tpu.memory_space<vmem>>, vector<1x16xf32>,
      %swap3A_118 = vector.shape_cast %swap3A_117 : vector<1x16xf32> to vector<16xf32>
      %swap3A_119 = vector.shape_cast %add3A_114 : vector<16xf32> to vector<1x16xf32>
      tpu.vector_store %arg11[%swap3A_115, %swap3A_116], %swap3A_119 {strides = array<i32>} : memref<64x768xf32, #tpu.memory_space<vmem>>, vector<1x16xf32>,
      %get3A_120 = arith.index_cast %scan3A_48 : i32 to index
      %get3A_121 = arith.constant 64 : index
      %get3A_122 = tpu.vector_load %arg11[%get3A_120, %get3A_121] {strides = array<i32>} : memref<64x768xf32, #tpu.memory_space<vmem>>, vector<1x16xf32>,
      %get3A_123 = vector.shape_cast %get3A_122 : vector<1x16xf32> to vector<16xf32>
      %get3A_124 = arith.index_cast %scan3A_48 : i32 to index
      %get3A_125 = arith.constant 64 : index
      %get3A_126 = tpu.vector_load %arg12[%get3A_124, %get3A_125] {strides = array<i32>} : memref<64x768xf32, #tpu.memory_space<vmem>>, vector<1x16xf32>,
      %get3A_127 = vector.shape_cast %get3A_126 : vector<1x16xf32> to vector<16xf32>
      %mul3A_128 = arith.mulf %get3A_52, %get3A_123 : vector<16xf32>
      %mul3A_129 = arith.mulf %get3A_56, %get3A_127 : vector<16xf32>
      %add3A_130 = arith.addf %mul3A_128, %mul3A_129 : vector<16xf32>
      %swap3A_131 = arith.index_cast %scan3A_48 : i32 to index
      %swap3A_132 = arith.constant 64 : index
      %swap3A_133 = tpu.vector_load %arg11[%swap3A_131, %swap3A_132] {strides = array<i32>} : memref<64x768xf32, #tpu.memory_space<vmem>>, vector<1x16xf32>,
      %swap3A_134 = vector.shape_cast %swap3A_133 : vector<1x16xf32> to vector<16xf32>
      %swap3A_135 = vector.shape_cast %add3A_130 : vector<16xf32> to vector<1x16xf32>
      tpu.vector_store %arg11[%swap3A_131, %swap3A_132], %swap3A_135 {strides = array<i32>} : memref<64x768xf32, #tpu.memory_space<vmem>>, vector<1x16xf32>,
      %get3A_136 = arith.index_cast %scan3A_48 : i32 to index
      %get3A_137 = arith.constant 80 : index
      %get3A_138 = tpu.vector_load %arg11[%get3A_136, %get3A_137] {strides = array<i32>} : memref<64x768xf32, #tpu.memory_space<vmem>>, vector<1x16xf32>,
      %get3A_139 = vector.shape_cast %get3A_138 : vector<1x16xf32> to vector<16xf32>
      %get3A_140 = arith.index_cast %scan3A_48 : i32 to index
      %get3A_141 = arith.constant 80 : index
      %get3A_142 = tpu.vector_load %arg12[%get3A_140, %get3A_141] {strides = array<i32>} : memref<64x768xf32, #tpu.memory_space<vmem>>, vector<1x16xf32>,
      %get3A_143 = vector.shape_cast %get3A_142 : vector<1x16xf32> to vector<16xf32>
      %mul3A_144 = arith.mulf %get3A_52, %get3A_139 : vector<16xf32>
      %mul3A_145 = arith.mulf %get3A_56, %get3A_143 : vector<16xf32>
      %add3A_146 = arith.addf %mul3A_144, %mul3A_145 : vector<16xf32>
      %swap3A_147 = arith.index_cast %scan3A_48 : i32 to index
      %swap3A_148 = arith.constant 80 : index
      %swap3A_149 = tpu.vector_load %arg11[%swap3A_147, %swap3A_148] {strides = array<i32>} : memref<64x768xf32, #tpu.memory_space<vmem>>, vector<1x16xf32>,
      %swap3A_150 = vector.shape_cast %swap3A_149 : vector<1x16xf32> to vector<16xf32>
      %swap3A_151 = vector.shape_cast %add3A_146 : vector<16xf32> to vector<1x16xf32>
      tpu.vector_store %arg11[%swap3A_147, %swap3A_148], %swap3A_151 {strides = array<i32>} : memref<64x768xf32, #tpu.memory_space<vmem>>, vector<1x16xf32>,
      %get3A_152 = arith.index_cast %scan3A_48 : i32 to index
      %get3A_153 = arith.constant 96 : index
      %get3A_154 = tpu.vector_load %arg11[%get3A_152, %get3A_153] {strides = array<i32>} : memref<64x768xf32, #tpu.memory_space<vmem>>, vector<1x16xf32>,
      %get3A_155 = vector.shape_cast %get3A_154 : vector<1x16xf32> to vector<16xf32>
      %get3A_156 = arith.index_cast %scan3A_48 : i32 to index
      %get3A_157 = arith.constant 96 : index
      %get3A_158 = tpu.vector_load %arg12[%get3A_156, %get3A_157] {strides = array<i32>} : memref<64x768xf32, #tpu.memory_space<vmem>>, vector<1x16xf32>,
      %get3A_159 = vector.shape_cast %get3A_158 : vector<1x16xf32> to vector<16xf32>
      %mul3A_160 = arith.mulf %get3A_52, %get3A_155 : vector<16xf32>
      %mul3A_161 = arith.mulf %get3A_56, %get3A_159 : vector<16xf32>
      %add3A_162 = arith.addf %mul3A_160, %mul3A_161 : vector<16xf32>
      %swap3A_163 = arith.index_cast %scan3A_48 : i32 to index
      %swap3A_164 = arith.constant 96 : index
      %swap3A_165 = tpu.vector_load %arg11[%swap3A_163, %swap3A_164] {strides = array<i32>} : memref<64x768xf32, #tpu.memory_space<vmem>>, vector<1x16xf32>,
      %swap3A_166 = vector.shape_cast %swap3A_165 : vector<1x16xf32> to vector<16xf32>
      %swap3A_167 = vector.shape_cast %add3A_162 : vector<16xf32> to vector<1x16xf32>
      tpu.vector_store %arg11[%swap3A_163, %swap3A_164], %swap3A_167 {strides = array<i32>} : memref<64x768xf32, #tpu.memory_space<vmem>>, vector<1x16xf32>,
      %get3A_168 = arith.index_cast %scan3A_48 : i32 to index
      %get3A_169 = arith.constant 112 : index
      %get3A_170 = tpu.vector_load %arg11[%get3A_168, %get3A_169] {strides = array<i32>} : memref<64x768xf32, #tpu.memory_space<vmem>>, vector<1x16xf32>,
      %get3A_171 = vector.shape_cast %get3A_170 : vector<1x16xf32> to vector<16xf32>
      %get3A_172 = arith.index_cast %scan3A_48 : i32 to index
      %get3A_173 = arith.constant 112 : index
      %get3A_174 = tpu.vector_load %arg12[%get3A_172, %get3A_173] {strides = array<i32>} : memref<64x768xf32, #tpu.memory_space<vmem>>, vector<1x16xf32>,
      %get3A_175 = vector.shape_cast %get3A_174 : vector<1x16xf32> to vector<16xf32>
      %mul3A_176 = arith.mulf %get3A_52, %get3A_171 : vector<16xf32>
      %mul3A_177 = arith.mulf %get3A_56, %get3A_175 : vector<16xf32>
      %add3A_178 = arith.addf %mul3A_176, %mul3A_177 : vector<16xf32>
      %swap3A_179 = arith.index_cast %scan3A_48 : i32 to index
      %swap3A_180 = arith.constant 112 : index
      %swap3A_181 = tpu.vector_load %arg11[%swap3A_179, %swap3A_180] {strides = array<i32>} : memref<64x768xf32, #tpu.memory_space<vmem>>, vector<1x16xf32>,
      %swap3A_182 = vector.shape_cast %swap3A_181 : vector<1x16xf32> to vector<16xf32>
      %swap3A_183 = vector.shape_cast %add3A_178 : vector<16xf32> to vector<1x16xf32>
      tpu.vector_store %arg11[%swap3A_179, %swap3A_180], %swap3A_183 {strides = array<i32>} : memref<64x768xf32, #tpu.memory_space<vmem>>, vector<1x16xf32>,
      %get3A_184 = arith.index_cast %scan3A_48 : i32 to index
      %get3A_185 = arith.constant 128 : index
      %get3A_186 = tpu.vector_load %arg11[%get3A_184, %get3A_185] {strides = array<i32>} : memref<64x768xf32, #tpu.memory_space<vmem>>, vector<1x16xf32>,
      %get3A_187 = vector.shape_cast %get3A_186 : vector<1x16xf32> to vector<16xf32>
      %get3A_188 = arith.index_cast %scan3A_48 : i32 to index
      %get3A_189 = arith.constant 128 : index
      %get3A_190 = tpu.vector_load %arg12[%get3A_188, %get3A_189] {strides = array<i32>} : memref<64x768xf32, #tpu.memory_space<vmem>>, vector<1x16xf32>,
      %get3A_191 = vector.shape_cast %get3A_190 : vector<1x16xf32> to vector<16xf32>
      %mul3A_192 = arith.mulf %get3A_52, %get3A_187 : vector<16xf32>
      %mul3A_193 = arith.mulf %get3A_56, %get3A_191 : vector<16xf32>
      %add3A_194 = arith.addf %mul3A_192, %mul3A_193 : vector<16xf32>
      %swap3A_195 = arith.index_cast %scan3A_48 : i32 to index
      %swap3A_196 = arith.constant 128 : index
      %swap3A_197 = tpu.vector_load %arg11[%swap3A_195, %swap3A_196] {strides = array<i32>} : memref<64x768xf32, #tpu.memory_space<vmem>>, vector<1x16xf32>,
      %swap3A_198 = vector.shape_cast %swap3A_197 : vector<1x16xf32> to vector<16xf32>
      %swap3A_199 = vector.shape_cast %add3A_194 : vector<16xf32> to vector<1x16xf32>
      tpu.vector_store %arg11[%swap3A_195, %swap3A_196], %swap3A_199 {strides = array<i32>} : memref<64x768xf32, #tpu.memory_space<vmem>>, vector<1x16xf32>,
      %get3A_200 = arith.index_cast %scan3A_48 : i32 to index
      %get3A_201 = arith.constant 144 : index
      %get3A_202 = tpu.vector_load %arg11[%get3A_200, %get3A_201] {strides = array<i32>} : memref<64x768xf32, #tpu.memory_space<vmem>>, vector<1x16xf32>,
      %get3A_203 = vector.shape_cast %get3A_202 : vector<1x16xf32> to vector<16xf32>
      %get3A_204 = arith.index_cast %scan3A_48 : i32 to index
      %get3A_205 = arith.constant 144 : index
      %get3A_206 = tpu.vector_load %arg12[%get3A_204, %get3A_205] {strides = array<i32>} : memref<64x768xf32, #tpu.memory_space<vmem>>, vector<1x16xf32>,
      %get3A_207 = vector.shape_cast %get3A_206 : vector<1x16xf32> to vector<16xf32>
      %mul3A_208 = arith.mulf %get3A_52, %get3A_203 : vector<16xf32>
      %mul3A_209 = arith.mulf %get3A_56, %get3A_207 : vector<16xf32>
      %add3A_210 = arith.addf %mul3A_208, %mul3A_209 : vector<16xf32>
      %swap3A_211 = arith.index_cast %scan3A_48 : i32 to index
      %swap3A_212 = arith.constant 144 : index
      %swap3A_213 = tpu.vector_load %arg11[%swap3A_211, %swap3A_212] {strides = array<i32>} : memref<64x768xf32, #tpu.memory_space<vmem>>, vector<1x16xf32>,
      %swap3A_214 = vector.shape_cast %swap3A_213 : vector<1x16xf32> to vector<16xf32>
      %swap3A_215 = vector.shape_cast %add3A_210 : vector<16xf32> to vector<1x16xf32>
      tpu.vector_store %arg11[%swap3A_211, %swap3A_212], %swap3A_215 {strides = array<i32>} : memref<64x768xf32, #tpu.memory_space<vmem>>, vector<1x16xf32>,
      %get3A_216 = arith.index_cast %scan3A_48 : i32 to index
      %get3A_217 = arith.constant 160 : index
      %get3A_218 = tpu.vector_load %arg11[%get3A_216, %get3A_217] {strides = array<i32>} : memref<64x768xf32, #tpu.memory_space<vmem>>, vector<1x16xf32>,
      %get3A_219 = vector.shape_cast %get3A_218 : vector<1x16xf32> to vector<16xf32>
      %get3A_220 = arith.index_cast %scan3A_48 : i32 to index
      %get3A_221 = arith.constant 160 : index
      %get3A_222 = tpu.vector_load %arg12[%get3A_220, %get3A_221] {strides = array<i32>} : memref<64x768xf32, #tpu.memory_space<vmem>>, vector<1x16xf32>,
      %get3A_223 = vector.shape_cast %get3A_222 : vector<1x16xf32> to vector<16xf32>
      %mul3A_224 = arith.mulf %get3A_52, %get3A_219 : vector<16xf32>
      %mul3A_225 = arith.mulf %get3A_56, %get3A_223 : vector<16xf32>
      %add3A_226 = arith.addf %mul3A_224, %mul3A_225 : vector<16xf32>
      %swap3A_227 = arith.index_cast %scan3A_48 : i32 to index
      %swap3A_228 = arith.constant 160 : index
      %swap3A_229 = tpu.vector_load %arg11[%swap3A_227, %swap3A_228] {strides = array<i32>} : memref<64x768xf32, #tpu.memory_space<vmem>>, vector<1x16xf32>,
      %swap3A_230 = vector.shape_cast %swap3A_229 : vector<1x16xf32> to vector<16xf32>
      %swap3A_231 = vector.shape_cast %add3A_226 : vector<16xf32> to vector<1x16xf32>
      tpu.vector_store %arg11[%swap3A_227, %swap3A_228], %swap3A_231 {strides = array<i32>} : memref<64x768xf32, #tpu.memory_space<vmem>>, vector<1x16xf32>,
      %get3A_232 = arith.index_cast %scan3A_48 : i32 to index
      %get3A_233 = arith.constant 176 : index
      %get3A_234 = tpu.vector_load %arg11[%get3A_232, %get3A_233] {strides = array<i32>} : memref<64x768xf32, #tpu.memory_space<vmem>>, vector<1x16xf32>,
      %get3A_235 = vector.shape_cast %get3A_234 : vector<1x16xf32> to vector<16xf32>
      %get3A_236 = arith.index_cast %scan3A_48 : i32 to index
      %get3A_237 = arith.constant 176 : index
      %get3A_238 = tpu.vector_load %arg12[%get3A_236, %get3A_237] {strides = array<i32>} : memref<64x768xf32, #tpu.memory_space<vmem>>, vector<1x16xf32>,
      %get3A_239 = vector.shape_cast %get3A_238 : vector<1x16xf32> to vector<16xf32>
      %mul3A_240 = arith.mulf %get3A_52, %get3A_235 : vector<16xf32>
      %mul3A_241 = arith.mulf %get3A_56, %get3A_239 : vector<16xf32>
      %add3A_242 = arith.addf %mul3A_240, %mul3A_241 : vector<16xf32>
      %swap3A_243 = arith.index_cast %scan3A_48 : i32 to index
      %swap3A_244 = arith.constant 176 : index
      %swap3A_245 = tpu.vector_load %arg11[%swap3A_243, %swap3A_244] {strides = array<i32>} : memref<64x768xf32, #tpu.memory_space<vmem>>, vector<1x16xf32>,
      %swap3A_246 = vector.shape_cast %swap3A_245 : vector<1x16xf32> to vector<16xf32>
      %swap3A_247 = vector.shape_cast %add3A_242 : vector<16xf32> to vector<1x16xf32>
      tpu.vector_store %arg11[%swap3A_243, %swap3A_244], %swap3A_247 {strides = array<i32>} : memref<64x768xf32, #tpu.memory_space<vmem>>, vector<1x16xf32>,
      %get3A_248 = arith.index_cast %scan3A_48 : i32 to index
      %get3A_249 = arith.constant 192 : index
      %get3A_250 = tpu.vector_load %arg11[%get3A_248, %get3A_249] {strides = array<i32>} : memref<64x768xf32, #tpu.memory_space<vmem>>, vector<1x16xf32>,
      %get3A_251 = vector.shape_cast %get3A_250 : vector<1x16xf32> to vector<16xf32>
      %get3A_252 = arith.index_cast %scan3A_48 : i32 to index
      %get3A_253 = arith.constant 192 : index
      %get3A_254 = tpu.vector_load %arg12[%get3A_252, %get3A_253] {strides = array<i32>} : memref<64x768xf32, #tpu.memory_space<vmem>>, vector<1x16xf32>,
      %get3A_255 = vector.shape_cast %get3A_254 : vector<1x16xf32> to vector<16xf32>
      %mul3A_256 = arith.mulf %get3A_52, %get3A_251 : vector<16xf32>
      %mul3A_257 = arith.mulf %get3A_56, %get3A_255 : vector<16xf32>
      %add3A_258 = arith.addf %mul3A_256, %mul3A_257 : vector<16xf32>
      %swap3A_259 = arith.index_cast %scan3A_48 : i32 to index
      %swap3A_260 = arith.constant 192 : index
      %swap3A_261 = tpu.vector_load %arg11[%swap3A_259, %swap3A_260] {strides = array<i32>} : memref<64x768xf32, #tpu.memory_space<vmem>>, vector<1x16xf32>,
      %swap3A_262 = vector.shape_cast %swap3A_261 : vector<1x16xf32> to vector<16xf32>
      %swap3A_263 = vector.shape_cast %add3A_258 : vector<16xf32> to vector<1x16xf32>
      tpu.vector_store %arg11[%swap3A_259, %swap3A_260], %swap3A_263 {strides = array<i32>} : memref<64x768xf32, #tpu.memory_space<vmem>>, vector<1x16xf32>,
      %get3A_264 = arith.index_cast %scan3A_48 : i32 to index
      %get3A_265 = arith.constant 208 : index
      %get3A_266 = tpu.vector_load %arg11[%get3A_264, %get3A_265] {strides = array<i32>} : memref<64x768xf32, #tpu.memory_space<vmem>>, vector<1x16xf32>,
      %get3A_267 = vector.shape_cast %get3A_266 : vector<1x16xf32> to vector<16xf32>
      %get3A_268 = arith.index_cast %scan3A_48 : i32 to index
      %get3A_269 = arith.constant 208 : index
      %get3A_270 = tpu.vector_load %arg12[%get3A_268, %get3A_269] {strides = array<i32>} : memref<64x768xf32, #tpu.memory_space<vmem>>, vector<1x16xf32>,
      %get3A_271 = vector.shape_cast %get3A_270 : vector<1x16xf32> to vector<16xf32>
      %mul3A_272 = arith.mulf %get3A_52, %get3A_267 : vector<16xf32>
      %mul3A_273 = arith.mulf %get3A_56, %get3A_271 : vector<16xf32>
      %add3A_274 = arith.addf %mul3A_272, %mul3A_273 : vector<16xf32>
      %swap3A_275 = arith.index_cast %scan3A_48 : i32 to index
      %swap3A_276 = arith.constant 208 : index
      %swap3A_277 = tpu.vector_load %arg11[%swap3A_275, %swap3A_276] {strides = array<i32>} : memref<64x768xf32, #tpu.memory_space<vmem>>, vector<1x16xf32>,
      %swap3A_278 = vector.shape_cast %swap3A_277 : vector<1x16xf32> to vector<16xf32>
      %swap3A_279 = vector.shape_cast %add3A_274 : vector<16xf32> to vector<1x16xf32>
      tpu.vector_store %arg11[%swap3A_275, %swap3A_276], %swap3A_279 {strides = array<i32>} : memref<64x768xf32, #tpu.memory_space<vmem>>, vector<1x16xf32>,
      %get3A_280 = arith.index_cast %scan3A_48 : i32 to index
      %get3A_281 = arith.constant 224 : index
      %get3A_282 = tpu.vector_load %arg11[%get3A_280, %get3A_281] {strides = array<i32>} : memref<64x768xf32, #tpu.memory_space<vmem>>, vector<1x16xf32>,
      %get3A_283 = vector.shape_cast %get3A_282 : vector<1x16xf32> to vector<16xf32>
      %get3A_284 = arith.index_cast %scan3A_48 : i32 to index
      %get3A_285 = arith.constant 224 : index
      %get3A_286 = tpu.vector_load %arg12[%get3A_284, %get3A_285] {strides = array<i32>} : memref<64x768xf32, #tpu.memory_space<vmem>>, vector<1x16xf32>,
      %get3A_287 = vector.shape_cast %get3A_286 : vector<1x16xf32> to vector<16xf32>
      %mul3A_288 = arith.mulf %get3A_52, %get3A_283 : vector<16xf32>
      %mul3A_289 = arith.mulf %get3A_56, %get3A_287 : vector<16xf32>
      %add3A_290 = arith.addf %mul3A_288, %mul3A_289 : vector<16xf32>
      %swap3A_291 = arith.index_cast %scan3A_48 : i32 to index
      %swap3A_292 = arith.constant 224 : index
      %swap3A_293 = tpu.vector_load %arg11[%swap3A_291, %swap3A_292] {strides = array<i32>} : memref<64x768xf32, #tpu.memory_space<vmem>>, vector<1x16xf32>,
      %swap3A_294 = vector.shape_cast %swap3A_293 : vector<1x16xf32> to vector<16xf32>
      %swap3A_295 = vector.shape_cast %add3A_290 : vector<16xf32> to vector<1x16xf32>
      tpu.vector_store %arg11[%swap3A_291, %swap3A_292], %swap3A_295 {strides = array<i32>} : memref<64x768xf32, #tpu.memory_space<vmem>>, vector<1x16xf32>,
      %get3A_296 = arith.index_cast %scan3A_48 : i32 to index
      %get3A_297 = arith.constant 240 : index
      %get3A_298 = tpu.vector_load %arg11[%get3A_296, %get3A_297] {strides = array<i32>} : memref<64x768xf32, #tpu.memory_space<vmem>>, vector<1x16xf32>,
      %get3A_299 = vector.shape_cast %get3A_298 : vector<1x16xf32> to vector<16xf32>
      %get3A_300 = arith.index_cast %scan3A_48 : i32 to index
      %get3A_301 = arith.constant 240 : index
      %get3A_302 = tpu.vector_load %arg12[%get3A_300, %get3A_301] {strides = array<i32>} : memref<64x768xf32, #tpu.memory_space<vmem>>, vector<1x16xf32>,
      %get3A_303 = vector.shape_cast %get3A_302 : vector<1x16xf32> to vector<16xf32>
      %mul3A_304 = arith.mulf %get3A_52, %get3A_299 : vector<16xf32>
      %mul3A_305 = arith.mulf %get3A_56, %get3A_303 : vector<16xf32>
      %add3A_306 = arith.addf %mul3A_304, %mul3A_305 : vector<16xf32>
      %swap3A_307 = arith.index_cast %scan3A_48 : i32 to index
      %swap3A_308 = arith.constant 240 : index
      %swap3A_309 = tpu.vector_load %arg11[%swap3A_307, %swap3A_308] {strides = array<i32>} : memref<64x768xf32, #tpu.memory_space<vmem>>, vector<1x16xf32>,
      %swap3A_310 = vector.shape_cast %swap3A_309 : vector<1x16xf32> to vector<16xf32>
      %swap3A_311 = vector.shape_cast %add3A_306 : vector<16xf32> to vector<1x16xf32>
      tpu.vector_store %arg11[%swap3A_307, %swap3A_308], %swap3A_311 {strides = array<i32>} : memref<64x768xf32, #tpu.memory_space<vmem>>, vector<1x16xf32>,
      %get3A_312 = arith.index_cast %scan3A_48 : i32 to index
      %get3A_313 = arith.constant 256 : index
      %get3A_314 = tpu.vector_load %arg11[%get3A_312, %get3A_313] {strides = array<i32>} : memref<64x768xf32, #tpu.memory_space<vmem>>, vector<1x16xf32>,
      %get3A_315 = vector.shape_cast %get3A_314 : vector<1x16xf32> to vector<16xf32>
      %get3A_316 = arith.index_cast %scan3A_48 : i32 to index
      %get3A_317 = arith.constant 256 : index
      %get3A_318 = tpu.vector_load %arg12[%get3A_316, %get3A_317] {strides = array<i32>} : memref<64x768xf32, #tpu.memory_space<vmem>>, vector<1x16xf32>,
      %get3A_319 = vector.shape_cast %get3A_318 : vector<1x16xf32> to vector<16xf32>
      %mul3A_320 = arith.mulf %get3A_52, %get3A_315 : vector<16xf32>
      %mul3A_321 = arith.mulf %get3A_56, %get3A_319 : vector<16xf32>
      %add3A_322 = arith.addf %mul3A_320, %mul3A_321 : vector<16xf32>
      %swap3A_323 = arith.index_cast %scan3A_48 : i32 to index
      %swap3A_324 = arith.constant 256 : index
      %swap3A_325 = tpu.vector_load %arg11[%swap3A_323, %swap3A_324] {strides = array<i32>} : memref<64x768xf32, #tpu.memory_space<vmem>>, vector<1x16xf32>,
      %swap3A_326 = vector.shape_cast %swap3A_325 : vector<1x16xf32> to vector<16xf32>
      %swap3A_327 = vector.shape_cast %add3A_322 : vector<16xf32> to vector<1x16xf32>
      tpu.vector_store %arg11[%swap3A_323, %swap3A_324], %swap3A_327 {strides = array<i32>} : memref<64x768xf32, #tpu.memory_space<vmem>>, vector<1x16xf32>,
      %get3A_328 = arith.index_cast %scan3A_48 : i32 to index
      %get3A_329 = arith.constant 272 : index
      %get3A_330 = tpu.vector_load %arg11[%get3A_328, %get3A_329] {strides = array<i32>} : memref<64x768xf32, #tpu.memory_space<vmem>>, vector<1x16xf32>,
      %get3A_331 = vector.shape_cast %get3A_330 : vector<1x16xf32> to vector<16xf32>
      %get3A_332 = arith.index_cast %scan3A_48 : i32 to index
      %get3A_333 = arith.constant 272 : index
      %get3A_334 = tpu.vector_load %arg12[%get3A_332, %get3A_333] {strides = array<i32>} : memref<64x768xf32, #tpu.memory_space<vmem>>, vector<1x16xf32>,
      %get3A_335 = vector.shape_cast %get3A_334 : vector<1x16xf32> to vector<16xf32>
      %mul3A_336 = arith.mulf %get3A_52, %get3A_331 : vector<16xf32>
      %mul3A_337 = arith.mulf %get3A_56, %get3A_335 : vector<16xf32>
      %add3A_338 = arith.addf %mul3A_336, %mul3A_337 : vector<16xf32>
      %swap3A_339 = arith.index_cast %scan3A_48 : i32 to index
      %swap3A_340 = arith.constant 272 : index
      %swap3A_341 = tpu.vector_load %arg11[%swap3A_339, %swap3A_340] {strides = array<i32>} : memref<64x768xf32, #tpu.memory_space<vmem>>, vector<1x16xf32>,
      %swap3A_342 = vector.shape_cast %swap3A_341 : vector<1x16xf32> to vector<16xf32>
      %swap3A_343 = vector.shape_cast %add3A_338 : vector<16xf32> to vector<1x16xf32>
      tpu.vector_store %arg11[%swap3A_339, %swap3A_340], %swap3A_343 {strides = array<i32>} : memref<64x768xf32, #tpu.memory_space<vmem>>, vector<1x16xf32>,
      %get3A_344 = arith.index_cast %scan3A_48 : i32 to index
      %get3A_345 = arith.constant 288 : index
      %get3A_346 = tpu.vector_load %arg11[%get3A_344, %get3A_345] {strides = array<i32>} : memref<64x768xf32, #tpu.memory_space<vmem>>, vector<1x16xf32>,
      %get3A_347 = vector.shape_cast %get3A_346 : vector<1x16xf32> to vector<16xf32>
      %get3A_348 = arith.index_cast %scan3A_48 : i32 to index
      %get3A_349 = arith.constant 288 : index
      %get3A_350 = tpu.vector_load %arg12[%get3A_348, %get3A_349] {strides = array<i32>} : memref<64x768xf32, #tpu.memory_space<vmem>>, vector<1x16xf32>,
      %get3A_351 = vector.shape_cast %get3A_350 : vector<1x16xf32> to vector<16xf32>
      %mul3A_352 = arith.mulf %get3A_52, %get3A_347 : vector<16xf32>
      %mul3A_353 = arith.mulf %get3A_56, %get3A_351 : vector<16xf32>
      %add3A_354 = arith.addf %mul3A_352, %mul3A_353 : vector<16xf32>
      %swap3A_355 = arith.index_cast %scan3A_48 : i32 to index
      %swap3A_356 = arith.constant 288 : index
      %swap3A_357 = tpu.vector_load %arg11[%swap3A_355, %swap3A_356] {strides = array<i32>} : memref<64x768xf32, #tpu.memory_space<vmem>>, vector<1x16xf32>,
      %swap3A_358 = vector.shape_cast %swap3A_357 : vector<1x16xf32> to vector<16xf32>
      %swap3A_359 = vector.shape_cast %add3A_354 : vector<16xf32> to vector<1x16xf32>
      tpu.vector_store %arg11[%swap3A_355, %swap3A_356], %swap3A_359 {strides = array<i32>} : memref<64x768xf32, #tpu.memory_space<vmem>>, vector<1x16xf32>,
      %get3A_360 = arith.index_cast %scan3A_48 : i32 to index
      %get3A_361 = arith.constant 304 : index
      %get3A_362 = tpu.vector_load %arg11[%get3A_360, %get3A_361] {strides = array<i32>} : memref<64x768xf32, #tpu.memory_space<vmem>>, vector<1x16xf32>,
      %get3A_363 = vector.shape_cast %get3A_362 : vector<1x16xf32> to vector<16xf32>
      %get3A_364 = arith.index_cast %scan3A_48 : i32 to index
      %get3A_365 = arith.constant 304 : index
      %get3A_366 = tpu.vector_load %arg12[%get3A_364, %get3A_365] {strides = array<i32>} : memref<64x768xf32, #tpu.memory_space<vmem>>, vector<1x16xf32>,
      %get3A_367 = vector.shape_cast %get3A_366 : vector<1x16xf32> to vector<16xf32>
      %mul3A_368 = arith.mulf %get3A_52, %get3A_363 : vector<16xf32>
      %mul3A_369 = arith.mulf %get3A_56, %get3A_367 : vector<16xf32>
      %add3A_370 = arith.addf %mul3A_368, %mul3A_369 : vector<16xf32>
      %swap3A_371 = arith.index_cast %scan3A_48 : i32 to index
      %swap3A_372 = arith.constant 304 : index
      %swap3A_373 = tpu.vector_load %arg11[%swap3A_371, %swap3A_372] {strides = array<i32>} : memref<64x768xf32, #tpu.memory_space<vmem>>, vector<1x16xf32>,
      %swap3A_374 = vector.shape_cast %swap3A_373 : vector<1x16xf32> to vector<16xf32>
      %swap3A_375 = vector.shape_cast %add3A_370 : vector<16xf32> to vector<1x16xf32>
      tpu.vector_store %arg11[%swap3A_371, %swap3A_372], %swap3A_375 {strides = array<i32>} : memref<64x768xf32, #tpu.memory_space<vmem>>, vector<1x16xf32>,
      %get3A_376 = arith.index_cast %scan3A_48 : i32 to index
      %get3A_377 = arith.constant 320 : index
      %get3A_378 = tpu.vector_load %arg11[%get3A_376, %get3A_377] {strides = array<i32>} : memref<64x768xf32, #tpu.memory_space<vmem>>, vector<1x16xf32>,
      %get3A_379 = vector.shape_cast %get3A_378 : vector<1x16xf32> to vector<16xf32>
      %get3A_380 = arith.index_cast %scan3A_48 : i32 to index
      %get3A_381 = arith.constant 320 : index
      %get3A_382 = tpu.vector_load %arg12[%get3A_380, %get3A_381] {strides = array<i32>} : memref<64x768xf32, #tpu.memory_space<vmem>>, vector<1x16xf32>,
      %get3A_383 = vector.shape_cast %get3A_382 : vector<1x16xf32> to vector<16xf32>
      %mul3A_384 = arith.mulf %get3A_52, %get3A_379 : vector<16xf32>
      %mul3A_385 = arith.mulf %get3A_56, %get3A_383 : vector<16xf32>
      %add3A_386 = arith.addf %mul3A_384, %mul3A_385 : vector<16xf32>
      %swap3A_387 = arith.index_cast %scan3A_48 : i32 to index
      %swap3A_388 = arith.constant 320 : index
      %swap3A_389 = tpu.vector_load %arg11[%swap3A_387, %swap3A_388] {strides = array<i32>} : memref<64x768xf32, #tpu.memory_space<vmem>>, vector<1x16xf32>,
      %swap3A_390 = vector.shape_cast %swap3A_389 : vector<1x16xf32> to vector<16xf32>
      %swap3A_391 = vector.shape_cast %add3A_386 : vector<16xf32> to vector<1x16xf32>
      tpu.vector_store %arg11[%swap3A_387, %swap3A_388], %swap3A_391 {strides = array<i32>} : memref<64x768xf32, #tpu.memory_space<vmem>>, vector<1x16xf32>,
      %get3A_392 = arith.index_cast %scan3A_48 : i32 to index
      %get3A_393 = arith.constant 336 : index
      %get3A_394 = tpu.vector_load %arg11[%get3A_392, %get3A_393] {strides = array<i32>} : memref<64x768xf32, #tpu.memory_space<vmem>>, vector<1x16xf32>,
      %get3A_395 = vector.shape_cast %get3A_394 : vector<1x16xf32> to vector<16xf32>
      %get3A_396 = arith.index_cast %scan3A_48 : i32 to index
      %get3A_397 = arith.constant 336 : index
      %get3A_398 = tpu.vector_load %arg12[%get3A_396, %get3A_397] {strides = array<i32>} : memref<64x768xf32, #tpu.memory_space<vmem>>, vector<1x16xf32>,
      %get3A_399 = vector.shape_cast %get3A_398 : vector<1x16xf32> to vector<16xf32>
      %mul3A_400 = arith.mulf %get3A_52, %get3A_395 : vector<16xf32>
      %mul3A_401 = arith.mulf %get3A_56, %get3A_399 : vector<16xf32>
      %add3A_402 = arith.addf %mul3A_400, %mul3A_401 : vector<16xf32>
      %swap3A_403 = arith.index_cast %scan3A_48 : i32 to index
      %swap3A_404 = arith.constant 336 : index
      %swap3A_405 = tpu.vector_load %arg11[%swap3A_403, %swap3A_404] {strides = array<i32>} : memref<64x768xf32, #tpu.memory_space<vmem>>, vector<1x16xf32>,
      %swap3A_406 = vector.shape_cast %swap3A_405 : vector<1x16xf32> to vector<16xf32>
      %swap3A_407 = vector.shape_cast %add3A_402 : vector<16xf32> to vector<1x16xf32>
      tpu.vector_store %arg11[%swap3A_403, %swap3A_404], %swap3A_407 {strides = array<i32>} : memref<64x768xf32, #tpu.memory_space<vmem>>, vector<1x16xf32>,
      %get3A_408 = arith.index_cast %scan3A_48 : i32 to index
      %get3A_409 = arith.constant 352 : index
      %get3A_410 = tpu.vector_load %arg11[%get3A_408, %get3A_409] {strides = array<i32>} : memref<64x768xf32, #tpu.memory_space<vmem>>, vector<1x16xf32>,
      %get3A_411 = vector.shape_cast %get3A_410 : vector<1x16xf32> to vector<16xf32>
      %get3A_412 = arith.index_cast %scan3A_48 : i32 to index
      %get3A_413 = arith.constant 352 : index
      %get3A_414 = tpu.vector_load %arg12[%get3A_412, %get3A_413] {strides = array<i32>} : memref<64x768xf32, #tpu.memory_space<vmem>>, vector<1x16xf32>,
      %get3A_415 = vector.shape_cast %get3A_414 : vector<1x16xf32> to vector<16xf32>
      %mul3A_416 = arith.mulf %get3A_52, %get3A_411 : vector<16xf32>
      %mul3A_417 = arith.mulf %get3A_56, %get3A_415 : vector<16xf32>
      %add3A_418 = arith.addf %mul3A_416, %mul3A_417 : vector<16xf32>
      %swap3A_419 = arith.index_cast %scan3A_48 : i32 to index
      %swap3A_420 = arith.constant 352 : index
      %swap3A_421 = tpu.vector_load %arg11[%swap3A_419, %swap3A_420] {strides = array<i32>} : memref<64x768xf32, #tpu.memory_space<vmem>>, vector<1x16xf32>,
      %swap3A_422 = vector.shape_cast %swap3A_421 : vector<1x16xf32> to vector<16xf32>
      %swap3A_423 = vector.shape_cast %add3A_418 : vector<16xf32> to vector<1x16xf32>
      tpu.vector_store %arg11[%swap3A_419, %swap3A_420], %swap3A_423 {strides = array<i32>} : memref<64x768xf32, #tpu.memory_space<vmem>>, vector<1x16xf32>,
      %get3A_424 = arith.index_cast %scan3A_48 : i32 to index
      %get3A_425 = arith.constant 368 : index
      %get3A_426 = tpu.vector_load %arg11[%get3A_424, %get3A_425] {strides = array<i32>} : memref<64x768xf32, #tpu.memory_space<vmem>>, vector<1x16xf32>,
      %get3A_427 = vector.shape_cast %get3A_426 : vector<1x16xf32> to vector<16xf32>
      %get3A_428 = arith.index_cast %scan3A_48 : i32 to index
      %get3A_429 = arith.constant 368 : index
      %get3A_430 = tpu.vector_load %arg12[%get3A_428, %get3A_429] {strides = array<i32>} : memref<64x768xf32, #tpu.memory_space<vmem>>, vector<1x16xf32>,
      %get3A_431 = vector.shape_cast %get3A_430 : vector<1x16xf32> to vector<16xf32>
      %mul3A_432 = arith.mulf %get3A_52, %get3A_427 : vector<16xf32>
      %mul3A_433 = arith.mulf %get3A_56, %get3A_431 : vector<16xf32>
      %add3A_434 = arith.addf %mul3A_432, %mul3A_433 : vector<16xf32>
      %swap3A_435 = arith.index_cast %scan3A_48 : i32 to index
      %swap3A_436 = arith.constant 368 : index
      %swap3A_437 = tpu.vector_load %arg11[%swap3A_435, %swap3A_436] {strides = array<i32>} : memref<64x768xf32, #tpu.memory_space<vmem>>, vector<1x16xf32>,
      %swap3A_438 = vector.shape_cast %swap3A_437 : vector<1x16xf32> to vector<16xf32>
      %swap3A_439 = vector.shape_cast %add3A_434 : vector<16xf32> to vector<1x16xf32>
      tpu.vector_store %arg11[%swap3A_435, %swap3A_436], %swap3A_439 {strides = array<i32>} : memref<64x768xf32, #tpu.memory_space<vmem>>, vector<1x16xf32>,
      %get3A_440 = arith.index_cast %scan3A_48 : i32 to index
      %get3A_441 = arith.constant 384 : index
      %get3A_442 = tpu.vector_load %arg11[%get3A_440, %get3A_441] {strides = array<i32>} : memref<64x768xf32, #tpu.memory_space<vmem>>, vector<1x16xf32>,
      %get3A_443 = vector.shape_cast %get3A_442 : vector<1x16xf32> to vector<16xf32>
      %get3A_444 = arith.index_cast %scan3A_48 : i32 to index
      %get3A_445 = arith.constant 384 : index
      %get3A_446 = tpu.vector_load %arg12[%get3A_444, %get3A_445] {strides = array<i32>} : memref<64x768xf32, #tpu.memory_space<vmem>>, vector<1x16xf32>,
      %get3A_447 = vector.shape_cast %get3A_446 : vector<1x16xf32> to vector<16xf32>
      %mul3A_448 = arith.mulf %get3A_52, %get3A_443 : vector<16xf32>
      %mul3A_449 = arith.mulf %get3A_56, %get3A_447 : vector<16xf32>
      %add3A_450 = arith.addf %mul3A_448, %mul3A_449 : vector<16xf32>
      %swap3A_451 = arith.index_cast %scan3A_48 : i32 to index
      %swap3A_452 = arith.constant 384 : index
      %swap3A_453 = tpu.vector_load %arg11[%swap3A_451, %swap3A_452] {strides = array<i32>} : memref<64x768xf32, #tpu.memory_space<vmem>>, vector<1x16xf32>,
      %swap3A_454 = vector.shape_cast %swap3A_453 : vector<1x16xf32> to vector<16xf32>
      %swap3A_455 = vector.shape_cast %add3A_450 : vector<16xf32> to vector<1x16xf32>
      tpu.vector_store %arg11[%swap3A_451, %swap3A_452], %swap3A_455 {strides = array<i32>} : memref<64x768xf32, #tpu.memory_space<vmem>>, vector<1x16xf32>,
      %get3A_456 = arith.index_cast %scan3A_48 : i32 to index
      %get3A_457 = arith.constant 400 : index
      %get3A_458 = tpu.vector_load %arg11[%get3A_456, %get3A_457] {strides = array<i32>} : memref<64x768xf32, #tpu.memory_space<vmem>>, vector<1x16xf32>,
      %get3A_459 = vector.shape_cast %get3A_458 : vector<1x16xf32> to vector<16xf32>
      %get3A_460 = arith.index_cast %scan3A_48 : i32 to index
      %get3A_461 = arith.constant 400 : index
      %get3A_462 = tpu.vector_load %arg12[%get3A_460, %get3A_461] {strides = array<i32>} : memref<64x768xf32, #tpu.memory_space<vmem>>, vector<1x16xf32>,
      %get3A_463 = vector.shape_cast %get3A_462 : vector<1x16xf32> to vector<16xf32>
      %mul3A_464 = arith.mulf %get3A_52, %get3A_459 : vector<16xf32>
      %mul3A_465 = arith.mulf %get3A_56, %get3A_463 : vector<16xf32>
      %add3A_466 = arith.addf %mul3A_464, %mul3A_465 : vector<16xf32>
      %swap3A_467 = arith.index_cast %scan3A_48 : i32 to index
      %swap3A_468 = arith.constant 400 : index
      %swap3A_469 = tpu.vector_load %arg11[%swap3A_467, %swap3A_468] {strides = array<i32>} : memref<64x768xf32, #tpu.memory_space<vmem>>, vector<1x16xf32>,
      %swap3A_470 = vector.shape_cast %swap3A_469 : vector<1x16xf32> to vector<16xf32>
      %swap3A_471 = vector.shape_cast %add3A_466 : vector<16xf32> to vector<1x16xf32>
      tpu.vector_store %arg11[%swap3A_467, %swap3A_468], %swap3A_471 {strides = array<i32>} : memref<64x768xf32, #tpu.memory_space<vmem>>, vector<1x16xf32>,
      %get3A_472 = arith.index_cast %scan3A_48 : i32 to index
      %get3A_473 = arith.constant 416 : index
      %get3A_474 = tpu.vector_load %arg11[%get3A_472, %get3A_473] {strides = array<i32>} : memref<64x768xf32, #tpu.memory_space<vmem>>, vector<1x16xf32>,
      %get3A_475 = vector.shape_cast %get3A_474 : vector<1x16xf32> to vector<16xf32>
      %get3A_476 = arith.index_cast %scan3A_48 : i32 to index
      %get3A_477 = arith.constant 416 : index
      %get3A_478 = tpu.vector_load %arg12[%get3A_476, %get3A_477] {strides = array<i32>} : memref<64x768xf32, #tpu.memory_space<vmem>>, vector<1x16xf32>,
      %get3A_479 = vector.shape_cast %get3A_478 : vector<1x16xf32> to vector<16xf32>
      %mul3A_480 = arith.mulf %get3A_52, %get3A_475 : vector<16xf32>
      %mul3A_481 = arith.mulf %get3A_56, %get3A_479 : vector<16xf32>
      %add3A_482 = arith.addf %mul3A_480, %mul3A_481 : vector<16xf32>
      %swap3A_483 = arith.index_cast %scan3A_48 : i32 to index
      %swap3A_484 = arith.constant 416 : index
      %swap3A_485 = tpu.vector_load %arg11[%swap3A_483, %swap3A_484] {strides = array<i32>} : memref<64x768xf32, #tpu.memory_space<vmem>>, vector<1x16xf32>,
      %swap3A_486 = vector.shape_cast %swap3A_485 : vector<1x16xf32> to vector<16xf32>
      %swap3A_487 = vector.shape_cast %add3A_482 : vector<16xf32> to vector<1x16xf32>
      tpu.vector_store %arg11[%swap3A_483, %swap3A_484], %swap3A_487 {strides = array<i32>} : memref<64x768xf32, #tpu.memory_space<vmem>>, vector<1x16xf32>,
      %get3A_488 = arith.index_cast %scan3A_48 : i32 to index
      %get3A_489 = arith.constant 432 : index
      %get3A_490 = tpu.vector_load %arg11[%get3A_488, %get3A_489] {strides = array<i32>} : memref<64x768xf32, #tpu.memory_space<vmem>>, vector<1x16xf32>,
      %get3A_491 = vector.shape_cast %get3A_490 : vector<1x16xf32> to vector<16xf32>
      %get3A_492 = arith.index_cast %scan3A_48 : i32 to index
      %get3A_493 = arith.constant 432 : index
      %get3A_494 = tpu.vector_load %arg12[%get3A_492, %get3A_493] {strides = array<i32>} : memref<64x768xf32, #tpu.memory_space<vmem>>, vector<1x16xf32>,
      %get3A_495 = vector.shape_cast %get3A_494 : vector<1x16xf32> to vector<16xf32>
      %mul3A_496 = arith.mulf %get3A_52, %get3A_491 : vector<16xf32>
      %mul3A_497 = arith.mulf %get3A_56, %get3A_495 : vector<16xf32>
      %add3A_498 = arith.addf %mul3A_496, %mul3A_497 : vector<16xf32>
      %swap3A_499 = arith.index_cast %scan3A_48 : i32 to index
      %swap3A_500 = arith.constant 432 : index
      %swap3A_501 = tpu.vector_load %arg11[%swap3A_499, %swap3A_500] {strides = array<i32>} : memref<64x768xf32, #tpu.memory_space<vmem>>, vector<1x16xf32>,
      %swap3A_502 = vector.shape_cast %swap3A_501 : vector<1x16xf32> to vector<16xf32>
      %swap3A_503 = vector.shape_cast %add3A_498 : vector<16xf32> to vector<1x16xf32>
      tpu.vector_store %arg11[%swap3A_499, %swap3A_500], %swap3A_503 {strides = array<i32>} : memref<64x768xf32, #tpu.memory_space<vmem>>, vector<1x16xf32>,
      %get3A_504 = arith.index_cast %scan3A_48 : i32 to index
      %get3A_505 = arith.constant 448 : index
      %get3A_506 = tpu.vector_load %arg11[%get3A_504, %get3A_505] {strides = array<i32>} : memref<64x768xf32, #tpu.memory_space<vmem>>, vector<1x16xf32>,
      %get3A_507 = vector.shape_cast %get3A_506 : vector<1x16xf32> to vector<16xf32>
      %get3A_508 = arith.index_cast %scan3A_48 : i32 to index
      %get3A_509 = arith.constant 448 : index
      %get3A_510 = tpu.vector_load %arg12[%get3A_508, %get3A_509] {strides = array<i32>} : memref<64x768xf32, #tpu.memory_space<vmem>>, vector<1x16xf32>,
      %get3A_511 = vector.shape_cast %get3A_510 : vector<1x16xf32> to vector<16xf32>
      %mul3A_512 = arith.mulf %get3A_52, %get3A_507 : vector<16xf32>
      %mul3A_513 = arith.mulf %get3A_56, %get3A_511 : vector<16xf32>
      %add3A_514 = arith.addf %mul3A_512, %mul3A_513 : vector<16xf32>
      %swap3A_515 = arith.index_cast %scan3A_48 : i32 to index
      %swap3A_516 = arith.constant 448 : index
      %swap3A_517 = tpu.vector_load %arg11[%swap3A_515, %swap3A_516] {strides = array<i32>} : memref<64x768xf32, #tpu.memory_space<vmem>>, vector<1x16xf32>,
      %swap3A_518 = vector.shape_cast %swap3A_517 : vector<1x16xf32> to vector<16xf32>
      %swap3A_519 = vector.shape_cast %add3A_514 : vector<16xf32> to vector<1x16xf32>
      tpu.vector_store %arg11[%swap3A_515, %swap3A_516], %swap3A_519 {strides = array<i32>} : memref<64x768xf32, #tpu.memory_space<vmem>>, vector<1x16xf32>,
      %get3A_520 = arith.index_cast %scan3A_48 : i32 to index
      %get3A_521 = arith.constant 464 : index
      %get3A_522 = tpu.vector_load %arg11[%get3A_520, %get3A_521] {strides = array<i32>} : memref<64x768xf32, #tpu.memory_space<vmem>>, vector<1x16xf32>,
      %get3A_523 = vector.shape_cast %get3A_522 : vector<1x16xf32> to vector<16xf32>
      %get3A_524 = arith.index_cast %scan3A_48 : i32 to index
      %get3A_525 = arith.constant 464 : index
      %get3A_526 = tpu.vector_load %arg12[%get3A_524, %get3A_525] {strides = array<i32>} : memref<64x768xf32, #tpu.memory_space<vmem>>, vector<1x16xf32>,
      %get3A_527 = vector.shape_cast %get3A_526 : vector<1x16xf32> to vector<16xf32>
      %mul3A_528 = arith.mulf %get3A_52, %get3A_523 : vector<16xf32>
      %mul3A_529 = arith.mulf %get3A_56, %get3A_527 : vector<16xf32>
      %add3A_530 = arith.addf %mul3A_528, %mul3A_529 : vector<16xf32>
      %swap3A_531 = arith.index_cast %scan3A_48 : i32 to index
      %swap3A_532 = arith.constant 464 : index
      %swap3A_533 = tpu.vector_load %arg11[%swap3A_531, %swap3A_532] {strides = array<i32>} : memref<64x768xf32, #tpu.memory_space<vmem>>, vector<1x16xf32>,
      %swap3A_534 = vector.shape_cast %swap3A_533 : vector<1x16xf32> to vector<16xf32>
      %swap3A_535 = vector.shape_cast %add3A_530 : vector<16xf32> to vector<1x16xf32>
      tpu.vector_store %arg11[%swap3A_531, %swap3A_532], %swap3A_535 {strides = array<i32>} : memref<64x768xf32, #tpu.memory_space<vmem>>, vector<1x16xf32>,
      %get3A_536 = arith.index_cast %scan3A_48 : i32 to index
      %get3A_537 = arith.constant 480 : index
      %get3A_538 = tpu.vector_load %arg11[%get3A_536, %get3A_537] {strides = array<i32>} : memref<64x768xf32, #tpu.memory_space<vmem>>, vector<1x16xf32>,
      %get3A_539 = vector.shape_cast %get3A_538 : vector<1x16xf32> to vector<16xf32>
      %get3A_540 = arith.index_cast %scan3A_48 : i32 to index
      %get3A_541 = arith.constant 480 : index
      %get3A_542 = tpu.vector_load %arg12[%get3A_540, %get3A_541] {strides = array<i32>} : memref<64x768xf32, #tpu.memory_space<vmem>>, vector<1x16xf32>,
      %get3A_543 = vector.shape_cast %get3A_542 : vector<1x16xf32> to vector<16xf32>
      %mul3A_544 = arith.mulf %get3A_52, %get3A_539 : vector<16xf32>
      %mul3A_545 = arith.mulf %get3A_56, %get3A_543 : vector<16xf32>
      %add3A_546 = arith.addf %mul3A_544, %mul3A_545 : vector<16xf32>
      %swap3A_547 = arith.index_cast %scan3A_48 : i32 to index
      %swap3A_548 = arith.constant 480 : index
      %swap3A_549 = tpu.vector_load %arg11[%swap3A_547, %swap3A_548] {strides = array<i32>} : memref<64x768xf32, #tpu.memory_space<vmem>>, vector<1x16xf32>,
      %swap3A_550 = vector.shape_cast %swap3A_549 : vector<1x16xf32> to vector<16xf32>
      %swap3A_551 = vector.shape_cast %add3A_546 : vector<16xf32> to vector<1x16xf32>
      tpu.vector_store %arg11[%swap3A_547, %swap3A_548], %swap3A_551 {strides = array<i32>} : memref<64x768xf32, #tpu.memory_space<vmem>>, vector<1x16xf32>,
      %get3A_552 = arith.index_cast %scan3A_48 : i32 to index
      %get3A_553 = arith.constant 496 : index
      %get3A_554 = tpu.vector_load %arg11[%get3A_552, %get3A_553] {strides = array<i32>} : memref<64x768xf32, #tpu.memory_space<vmem>>, vector<1x16xf32>,
      %get3A_555 = vector.shape_cast %get3A_554 : vector<1x16xf32> to vector<16xf32>
      %get3A_556 = arith.index_cast %scan3A_48 : i32 to index
      %get3A_557 = arith.constant 496 : index
      %get3A_558 = tpu.vector_load %arg12[%get3A_556, %get3A_557] {strides = array<i32>} : memref<64x768xf32, #tpu.memory_space<vmem>>, vector<1x16xf32>,
      %get3A_559 = vector.shape_cast %get3A_558 : vector<1x16xf32> to vector<16xf32>
      %mul3A_560 = arith.mulf %get3A_52, %get3A_555 : vector<16xf32>
      %mul3A_561 = arith.mulf %get3A_56, %get3A_559 : vector<16xf32>
      %add3A_562 = arith.addf %mul3A_560, %mul3A_561 : vector<16xf32>
      %swap3A_563 = arith.index_cast %scan3A_48 : i32 to index
      %swap3A_564 = arith.constant 496 : index
      %swap3A_565 = tpu.vector_load %arg11[%swap3A_563, %swap3A_564] {strides = array<i32>} : memref<64x768xf32, #tpu.memory_space<vmem>>, vector<1x16xf32>,
      %swap3A_566 = vector.shape_cast %swap3A_565 : vector<1x16xf32> to vector<16xf32>
      %swap3A_567 = vector.shape_cast %add3A_562 : vector<16xf32> to vector<1x16xf32>
      tpu.vector_store %arg11[%swap3A_563, %swap3A_564], %swap3A_567 {strides = array<i32>} : memref<64x768xf32, #tpu.memory_space<vmem>>, vector<1x16xf32>,
      %get3A_568 = arith.index_cast %scan3A_48 : i32 to index
      %get3A_569 = arith.constant 512 : index
      %get3A_570 = tpu.vector_load %arg11[%get3A_568, %get3A_569] {strides = array<i32>} : memref<64x768xf32, #tpu.memory_space<vmem>>, vector<1x16xf32>,
      %get3A_571 = vector.shape_cast %get3A_570 : vector<1x16xf32> to vector<16xf32>
      %get3A_572 = arith.index_cast %scan3A_48 : i32 to index
      %get3A_573 = arith.constant 512 : index
      %get3A_574 = tpu.vector_load %arg12[%get3A_572, %get3A_573] {strides = array<i32>} : memref<64x768xf32, #tpu.memory_space<vmem>>, vector<1x16xf32>,
      %get3A_575 = vector.shape_cast %get3A_574 : vector<1x16xf32> to vector<16xf32>
      %mul3A_576 = arith.mulf %get3A_52, %get3A_571 : vector<16xf32>
      %mul3A_577 = arith.mulf %get3A_56, %get3A_575 : vector<16xf32>
      %add3A_578 = arith.addf %mul3A_576, %mul3A_577 : vector<16xf32>
      %swap3A_579 = arith.index_cast %scan3A_48 : i32 to index
      %swap3A_580 = arith.constant 512 : index
      %swap3A_581 = tpu.vector_load %arg11[%swap3A_579, %swap3A_580] {strides = array<i32>} : memref<64x768xf32, #tpu.memory_space<vmem>>, vector<1x16xf32>,
      %swap3A_582 = vector.shape_cast %swap3A_581 : vector<1x16xf32> to vector<16xf32>
      %swap3A_583 = vector.shape_cast %add3A_578 : vector<16xf32> to vector<1x16xf32>
      tpu.vector_store %arg11[%swap3A_579, %swap3A_580], %swap3A_583 {strides = array<i32>} : memref<64x768xf32, #tpu.memory_space<vmem>>, vector<1x16xf32>,
      %get3A_584 = arith.index_cast %scan3A_48 : i32 to index
      %get3A_585 = arith.constant 528 : index
      %get3A_586 = tpu.vector_load %arg11[%get3A_584, %get3A_585] {strides = array<i32>} : memref<64x768xf32, #tpu.memory_space<vmem>>, vector<1x16xf32>,
      %get3A_587 = vector.shape_cast %get3A_586 : vector<1x16xf32> to vector<16xf32>
      %get3A_588 = arith.index_cast %scan3A_48 : i32 to index
      %get3A_589 = arith.constant 528 : index
      %get3A_590 = tpu.vector_load %arg12[%get3A_588, %get3A_589] {strides = array<i32>} : memref<64x768xf32, #tpu.memory_space<vmem>>, vector<1x16xf32>,
      %get3A_591 = vector.shape_cast %get3A_590 : vector<1x16xf32> to vector<16xf32>
      %mul3A_592 = arith.mulf %get3A_52, %get3A_587 : vector<16xf32>
      %mul3A_593 = arith.mulf %get3A_56, %get3A_591 : vector<16xf32>
      %add3A_594 = arith.addf %mul3A_592, %mul3A_593 : vector<16xf32>
      %swap3A_595 = arith.index_cast %scan3A_48 : i32 to index
      %swap3A_596 = arith.constant 528 : index
      %swap3A_597 = tpu.vector_load %arg11[%swap3A_595, %swap3A_596] {strides = array<i32>} : memref<64x768xf32, #tpu.memory_space<vmem>>, vector<1x16xf32>,
      %swap3A_598 = vector.shape_cast %swap3A_597 : vector<1x16xf32> to vector<16xf32>
      %swap3A_599 = vector.shape_cast %add3A_594 : vector<16xf32> to vector<1x16xf32>
      tpu.vector_store %arg11[%swap3A_595, %swap3A_596], %swap3A_599 {strides = array<i32>} : memref<64x768xf32, #tpu.memory_space<vmem>>, vector<1x16xf32>,
      %get3A_600 = arith.index_cast %scan3A_48 : i32 to index
      %get3A_601 = arith.constant 544 : index
      %get3A_602 = tpu.vector_load %arg11[%get3A_600, %get3A_601] {strides = array<i32>} : memref<64x768xf32, #tpu.memory_space<vmem>>, vector<1x16xf32>,
      %get3A_603 = vector.shape_cast %get3A_602 : vector<1x16xf32> to vector<16xf32>
      %get3A_604 = arith.index_cast %scan3A_48 : i32 to index
      %get3A_605 = arith.constant 544 : index
      %get3A_606 = tpu.vector_load %arg12[%get3A_604, %get3A_605] {strides = array<i32>} : memref<64x768xf32, #tpu.memory_space<vmem>>, vector<1x16xf32>,
      %get3A_607 = vector.shape_cast %get3A_606 : vector<1x16xf32> to vector<16xf32>
      %mul3A_608 = arith.mulf %get3A_52, %get3A_603 : vector<16xf32>
      %mul3A_609 = arith.mulf %get3A_56, %get3A_607 : vector<16xf32>
      %add3A_610 = arith.addf %mul3A_608, %mul3A_609 : vector<16xf32>
      %swap3A_611 = arith.index_cast %scan3A_48 : i32 to index
      %swap3A_612 = arith.constant 544 : index
      %swap3A_613 = tpu.vector_load %arg11[%swap3A_611, %swap3A_612] {strides = array<i32>} : memref<64x768xf32, #tpu.memory_space<vmem>>, vector<1x16xf32>,
      %swap3A_614 = vector.shape_cast %swap3A_613 : vector<1x16xf32> to vector<16xf32>
      %swap3A_615 = vector.shape_cast %add3A_610 : vector<16xf32> to vector<1x16xf32>
      tpu.vector_store %arg11[%swap3A_611, %swap3A_612], %swap3A_615 {strides = array<i32>} : memref<64x768xf32, #tpu.memory_space<vmem>>, vector<1x16xf32>,
      %get3A_616 = arith.index_cast %scan3A_48 : i32 to index
      %get3A_617 = arith.constant 560 : index
      %get3A_618 = tpu.vector_load %arg11[%get3A_616, %get3A_617] {strides = array<i32>} : memref<64x768xf32, #tpu.memory_space<vmem>>, vector<1x16xf32>,
      %get3A_619 = vector.shape_cast %get3A_618 : vector<1x16xf32> to vector<16xf32>
      %get3A_620 = arith.index_cast %scan3A_48 : i32 to index
      %get3A_621 = arith.constant 560 : index
      %get3A_622 = tpu.vector_load %arg12[%get3A_620, %get3A_621] {strides = array<i32>} : memref<64x768xf32, #tpu.memory_space<vmem>>, vector<1x16xf32>,
      %get3A_623 = vector.shape_cast %get3A_622 : vector<1x16xf32> to vector<16xf32>
      %mul3A_624 = arith.mulf %get3A_52, %get3A_619 : vector<16xf32>
      %mul3A_625 = arith.mulf %get3A_56, %get3A_623 : vector<16xf32>
      %add3A_626 = arith.addf %mul3A_624, %mul3A_625 : vector<16xf32>
      %swap3A_627 = arith.index_cast %scan3A_48 : i32 to index
      %swap3A_628 = arith.constant 560 : index
      %swap3A_629 = tpu.vector_load %arg11[%swap3A_627, %swap3A_628] {strides = array<i32>} : memref<64x768xf32, #tpu.memory_space<vmem>>, vector<1x16xf32>,
      %swap3A_630 = vector.shape_cast %swap3A_629 : vector<1x16xf32> to vector<16xf32>
      %swap3A_631 = vector.shape_cast %add3A_626 : vector<16xf32> to vector<1x16xf32>
      tpu.vector_store %arg11[%swap3A_627, %swap3A_628], %swap3A_631 {strides = array<i32>} : memref<64x768xf32, #tpu.memory_space<vmem>>, vector<1x16xf32>,
      %get3A_632 = arith.index_cast %scan3A_48 : i32 to index
      %get3A_633 = arith.constant 576 : index
      %get3A_634 = tpu.vector_load %arg11[%get3A_632, %get3A_633] {strides = array<i32>} : memref<64x768xf32, #tpu.memory_space<vmem>>, vector<1x16xf32>,
      %get3A_635 = vector.shape_cast %get3A_634 : vector<1x16xf32> to vector<16xf32>
      %get3A_636 = arith.index_cast %scan3A_48 : i32 to index
      %get3A_637 = arith.constant 576 : index
      %get3A_638 = tpu.vector_load %arg12[%get3A_636, %get3A_637] {strides = array<i32>} : memref<64x768xf32, #tpu.memory_space<vmem>>, vector<1x16xf32>,
      %get3A_639 = vector.shape_cast %get3A_638 : vector<1x16xf32> to vector<16xf32>
      %mul3A_640 = arith.mulf %get3A_52, %get3A_635 : vector<16xf32>
      %mul3A_641 = arith.mulf %get3A_56, %get3A_639 : vector<16xf32>
      %add3A_642 = arith.addf %mul3A_640, %mul3A_641 : vector<16xf32>
      %swap3A_643 = arith.index_cast %scan3A_48 : i32 to index
      %swap3A_644 = arith.constant 576 : index
      %swap3A_645 = tpu.vector_load %arg11[%swap3A_643, %swap3A_644] {strides = array<i32>} : memref<64x768xf32, #tpu.memory_space<vmem>>, vector<1x16xf32>,
      %swap3A_646 = vector.shape_cast %swap3A_645 : vector<1x16xf32> to vector<16xf32>
      %swap3A_647 = vector.shape_cast %add3A_642 : vector<16xf32> to vector<1x16xf32>
      tpu.vector_store %arg11[%swap3A_643, %swap3A_644], %swap3A_647 {strides = array<i32>} : memref<64x768xf32, #tpu.memory_space<vmem>>, vector<1x16xf32>,
      %get3A_648 = arith.index_cast %scan3A_48 : i32 to index
      %get3A_649 = arith.constant 592 : index
      %get3A_650 = tpu.vector_load %arg11[%get3A_648, %get3A_649] {strides = array<i32>} : memref<64x768xf32, #tpu.memory_space<vmem>>, vector<1x16xf32>,
      %get3A_651 = vector.shape_cast %get3A_650 : vector<1x16xf32> to vector<16xf32>
      %get3A_652 = arith.index_cast %scan3A_48 : i32 to index
      %get3A_653 = arith.constant 592 : index
      %get3A_654 = tpu.vector_load %arg12[%get3A_652, %get3A_653] {strides = array<i32>} : memref<64x768xf32, #tpu.memory_space<vmem>>, vector<1x16xf32>,
      %get3A_655 = vector.shape_cast %get3A_654 : vector<1x16xf32> to vector<16xf32>
      %mul3A_656 = arith.mulf %get3A_52, %get3A_651 : vector<16xf32>
      %mul3A_657 = arith.mulf %get3A_56, %get3A_655 : vector<16xf32>
      %add3A_658 = arith.addf %mul3A_656, %mul3A_657 : vector<16xf32>
      %swap3A_659 = arith.index_cast %scan3A_48 : i32 to index
      %swap3A_660 = arith.constant 592 : index
      %swap3A_661 = tpu.vector_load %arg11[%swap3A_659, %swap3A_660] {strides = array<i32>} : memref<64x768xf32, #tpu.memory_space<vmem>>, vector<1x16xf32>,
      %swap3A_662 = vector.shape_cast %swap3A_661 : vector<1x16xf32> to vector<16xf32>
      %swap3A_663 = vector.shape_cast %add3A_658 : vector<16xf32> to vector<1x16xf32>
      tpu.vector_store %arg11[%swap3A_659, %swap3A_660], %swap3A_663 {strides = array<i32>} : memref<64x768xf32, #tpu.memory_space<vmem>>, vector<1x16xf32>,
      %get3A_664 = arith.index_cast %scan3A_48 : i32 to index
      %get3A_665 = arith.constant 608 : index
      %get3A_666 = tpu.vector_load %arg11[%get3A_664, %get3A_665] {strides = array<i32>} : memref<64x768xf32, #tpu.memory_space<vmem>>, vector<1x16xf32>,
      %get3A_667 = vector.shape_cast %get3A_666 : vector<1x16xf32> to vector<16xf32>
      %get3A_668 = arith.index_cast %scan3A_48 : i32 to index
      %get3A_669 = arith.constant 608 : index
      %get3A_670 = tpu.vector_load %arg12[%get3A_668, %get3A_669] {strides = array<i32>} : memref<64x768xf32, #tpu.memory_space<vmem>>, vector<1x16xf32>,
      %get3A_671 = vector.shape_cast %get3A_670 : vector<1x16xf32> to vector<16xf32>
      %mul3A_672 = arith.mulf %get3A_52, %get3A_667 : vector<16xf32>
      %mul3A_673 = arith.mulf %get3A_56, %get3A_671 : vector<16xf32>
      %add3A_674 = arith.addf %mul3A_672, %mul3A_673 : vector<16xf32>
      %swap3A_675 = arith.index_cast %scan3A_48 : i32 to index
      %swap3A_676 = arith.constant 608 : index
      %swap3A_677 = tpu.vector_load %arg11[%swap3A_675, %swap3A_676] {strides = array<i32>} : memref<64x768xf32, #tpu.memory_space<vmem>>, vector<1x16xf32>,
      %swap3A_678 = vector.shape_cast %swap3A_677 : vector<1x16xf32> to vector<16xf32>
      %swap3A_679 = vector.shape_cast %add3A_674 : vector<16xf32> to vector<1x16xf32>
      tpu.vector_store %arg11[%swap3A_675, %swap3A_676], %swap3A_679 {strides = array<i32>} : memref<64x768xf32, #tpu.memory_space<vmem>>, vector<1x16xf32>,
      %get3A_680 = arith.index_cast %scan3A_48 : i32 to index
      %get3A_681 = arith.constant 624 : index
      %get3A_682 = tpu.vector_load %arg11[%get3A_680, %get3A_681] {strides = array<i32>} : memref<64x768xf32, #tpu.memory_space<vmem>>, vector<1x16xf32>,
      %get3A_683 = vector.shape_cast %get3A_682 : vector<1x16xf32> to vector<16xf32>
      %get3A_684 = arith.index_cast %scan3A_48 : i32 to index
      %get3A_685 = arith.constant 624 : index
      %get3A_686 = tpu.vector_load %arg12[%get3A_684, %get3A_685] {strides = array<i32>} : memref<64x768xf32, #tpu.memory_space<vmem>>, vector<1x16xf32>,
      %get3A_687 = vector.shape_cast %get3A_686 : vector<1x16xf32> to vector<16xf32>
      %mul3A_688 = arith.mulf %get3A_52, %get3A_683 : vector<16xf32>
      %mul3A_689 = arith.mulf %get3A_56, %get3A_687 : vector<16xf32>
      %add3A_690 = arith.addf %mul3A_688, %mul3A_689 : vector<16xf32>
      %swap3A_691 = arith.index_cast %scan3A_48 : i32 to index
      %swap3A_692 = arith.constant 624 : index
      %swap3A_693 = tpu.vector_load %arg11[%swap3A_691, %swap3A_692] {strides = array<i32>} : memref<64x768xf32, #tpu.memory_space<vmem>>, vector<1x16xf32>,
      %swap3A_694 = vector.shape_cast %swap3A_693 : vector<1x16xf32> to vector<16xf32>
      %swap3A_695 = vector.shape_cast %add3A_690 : vector<16xf32> to vector<1x16xf32>
      tpu.vector_store %arg11[%swap3A_691, %swap3A_692], %swap3A_695 {strides = array<i32>} : memref<64x768xf32, #tpu.memory_space<vmem>>, vector<1x16xf32>,
      %get3A_696 = arith.index_cast %scan3A_48 : i32 to index
      %get3A_697 = arith.constant 640 : index
      %get3A_698 = tpu.vector_load %arg11[%get3A_696, %get3A_697] {strides = array<i32>} : memref<64x768xf32, #tpu.memory_space<vmem>>, vector<1x16xf32>,
      %get3A_699 = vector.shape_cast %get3A_698 : vector<1x16xf32> to vector<16xf32>
      %get3A_700 = arith.index_cast %scan3A_48 : i32 to index
      %get3A_701 = arith.constant 640 : index
      %get3A_702 = tpu.vector_load %arg12[%get3A_700, %get3A_701] {strides = array<i32>} : memref<64x768xf32, #tpu.memory_space<vmem>>, vector<1x16xf32>,
      %get3A_703 = vector.shape_cast %get3A_702 : vector<1x16xf32> to vector<16xf32>
      %mul3A_704 = arith.mulf %get3A_52, %get3A_699 : vector<16xf32>
      %mul3A_705 = arith.mulf %get3A_56, %get3A_703 : vector<16xf32>
      %add3A_706 = arith.addf %mul3A_704, %mul3A_705 : vector<16xf32>
      %swap3A_707 = arith.index_cast %scan3A_48 : i32 to index
      %swap3A_708 = arith.constant 640 : index
      %swap3A_709 = tpu.vector_load %arg11[%swap3A_707, %swap3A_708] {strides = array<i32>} : memref<64x768xf32, #tpu.memory_space<vmem>>, vector<1x16xf32>,
      %swap3A_710 = vector.shape_cast %swap3A_709 : vector<1x16xf32> to vector<16xf32>
      %swap3A_711 = vector.shape_cast %add3A_706 : vector<16xf32> to vector<1x16xf32>
      tpu.vector_store %arg11[%swap3A_707, %swap3A_708], %swap3A_711 {strides = array<i32>} : memref<64x768xf32, #tpu.memory_space<vmem>>, vector<1x16xf32>,
      %get3A_712 = arith.index_cast %scan3A_48 : i32 to index
      %get3A_713 = arith.constant 656 : index
      %get3A_714 = tpu.vector_load %arg11[%get3A_712, %get3A_713] {strides = array<i32>} : memref<64x768xf32, #tpu.memory_space<vmem>>, vector<1x16xf32>,
      %get3A_715 = vector.shape_cast %get3A_714 : vector<1x16xf32> to vector<16xf32>
      %get3A_716 = arith.index_cast %scan3A_48 : i32 to index
      %get3A_717 = arith.constant 656 : index
      %get3A_718 = tpu.vector_load %arg12[%get3A_716, %get3A_717] {strides = array<i32>} : memref<64x768xf32, #tpu.memory_space<vmem>>, vector<1x16xf32>,
      %get3A_719 = vector.shape_cast %get3A_718 : vector<1x16xf32> to vector<16xf32>
      %mul3A_720 = arith.mulf %get3A_52, %get3A_715 : vector<16xf32>
      %mul3A_721 = arith.mulf %get3A_56, %get3A_719 : vector<16xf32>
      %add3A_722 = arith.addf %mul3A_720, %mul3A_721 : vector<16xf32>
      %swap3A_723 = arith.index_cast %scan3A_48 : i32 to index
      %swap3A_724 = arith.constant 656 : index
      %swap3A_725 = tpu.vector_load %arg11[%swap3A_723, %swap3A_724] {strides = array<i32>} : memref<64x768xf32, #tpu.memory_space<vmem>>, vector<1x16xf32>,
      %swap3A_726 = vector.shape_cast %swap3A_725 : vector<1x16xf32> to vector<16xf32>
      %swap3A_727 = vector.shape_cast %add3A_722 : vector<16xf32> to vector<1x16xf32>
      tpu.vector_store %arg11[%swap3A_723, %swap3A_724], %swap3A_727 {strides = array<i32>} : memref<64x768xf32, #tpu.memory_space<vmem>>, vector<1x16xf32>,
      %get3A_728 = arith.index_cast %scan3A_48 : i32 to index
      %get3A_729 = arith.constant 672 : index
      %get3A_730 = tpu.vector_load %arg11[%get3A_728, %get3A_729] {strides = array<i32>} : memref<64x768xf32, #tpu.memory_space<vmem>>, vector<1x16xf32>,
      %get3A_731 = vector.shape_cast %get3A_730 : vector<1x16xf32> to vector<16xf32>
      %get3A_732 = arith.index_cast %scan3A_48 : i32 to index
      %get3A_733 = arith.constant 672 : index
      %get3A_734 = tpu.vector_load %arg12[%get3A_732, %get3A_733] {strides = array<i32>} : memref<64x768xf32, #tpu.memory_space<vmem>>, vector<1x16xf32>,
      %get3A_735 = vector.shape_cast %get3A_734 : vector<1x16xf32> to vector<16xf32>
      %mul3A_736 = arith.mulf %get3A_52, %get3A_731 : vector<16xf32>
      %mul3A_737 = arith.mulf %get3A_56, %get3A_735 : vector<16xf32>
      %add3A_738 = arith.addf %mul3A_736, %mul3A_737 : vector<16xf32>
      %swap3A_739 = arith.index_cast %scan3A_48 : i32 to index
      %swap3A_740 = arith.constant 672 : index
      %swap3A_741 = tpu.vector_load %arg11[%swap3A_739, %swap3A_740] {strides = array<i32>} : memref<64x768xf32, #tpu.memory_space<vmem>>, vector<1x16xf32>,
      %swap3A_742 = vector.shape_cast %swap3A_741 : vector<1x16xf32> to vector<16xf32>
      %swap3A_743 = vector.shape_cast %add3A_738 : vector<16xf32> to vector<1x16xf32>
      tpu.vector_store %arg11[%swap3A_739, %swap3A_740], %swap3A_743 {strides = array<i32>} : memref<64x768xf32, #tpu.memory_space<vmem>>, vector<1x16xf32>,
      %get3A_744 = arith.index_cast %scan3A_48 : i32 to index
      %get3A_745 = arith.constant 688 : index
      %get3A_746 = tpu.vector_load %arg11[%get3A_744, %get3A_745] {strides = array<i32>} : memref<64x768xf32, #tpu.memory_space<vmem>>, vector<1x16xf32>,
      %get3A_747 = vector.shape_cast %get3A_746 : vector<1x16xf32> to vector<16xf32>
      %get3A_748 = arith.index_cast %scan3A_48 : i32 to index
      %get3A_749 = arith.constant 688 : index
      %get3A_750 = tpu.vector_load %arg12[%get3A_748, %get3A_749] {strides = array<i32>} : memref<64x768xf32, #tpu.memory_space<vmem>>, vector<1x16xf32>,
      %get3A_751 = vector.shape_cast %get3A_750 : vector<1x16xf32> to vector<16xf32>
      %mul3A_752 = arith.mulf %get3A_52, %get3A_747 : vector<16xf32>
      %mul3A_753 = arith.mulf %get3A_56, %get3A_751 : vector<16xf32>
      %add3A_754 = arith.addf %mul3A_752, %mul3A_753 : vector<16xf32>
      %swap3A_755 = arith.index_cast %scan3A_48 : i32 to index
      %swap3A_756 = arith.constant 688 : index
      %swap3A_757 = tpu.vector_load %arg11[%swap3A_755, %swap3A_756] {strides = array<i32>} : memref<64x768xf32, #tpu.memory_space<vmem>>, vector<1x16xf32>,
      %swap3A_758 = vector.shape_cast %swap3A_757 : vector<1x16xf32> to vector<16xf32>
      %swap3A_759 = vector.shape_cast %add3A_754 : vector<16xf32> to vector<1x16xf32>
      tpu.vector_store %arg11[%swap3A_755, %swap3A_756], %swap3A_759 {strides = array<i32>} : memref<64x768xf32, #tpu.memory_space<vmem>>, vector<1x16xf32>,
      %get3A_760 = arith.index_cast %scan3A_48 : i32 to index
      %get3A_761 = arith.constant 704 : index
      %get3A_762 = tpu.vector_load %arg11[%get3A_760, %get3A_761] {strides = array<i32>} : memref<64x768xf32, #tpu.memory_space<vmem>>, vector<1x16xf32>,
      %get3A_763 = vector.shape_cast %get3A_762 : vector<1x16xf32> to vector<16xf32>
      %get3A_764 = arith.index_cast %scan3A_48 : i32 to index
      %get3A_765 = arith.constant 704 : index
      %get3A_766 = tpu.vector_load %arg12[%get3A_764, %get3A_765] {strides = array<i32>} : memref<64x768xf32, #tpu.memory_space<vmem>>, vector<1x16xf32>,
      %get3A_767 = vector.shape_cast %get3A_766 : vector<1x16xf32> to vector<16xf32>
      %mul3A_768 = arith.mulf %get3A_52, %get3A_763 : vector<16xf32>
      %mul3A_769 = arith.mulf %get3A_56, %get3A_767 : vector<16xf32>
      %add3A_770 = arith.addf %mul3A_768, %mul3A_769 : vector<16xf32>
      %swap3A_771 = arith.index_cast %scan3A_48 : i32 to index
      %swap3A_772 = arith.constant 704 : index
      %swap3A_773 = tpu.vector_load %arg11[%swap3A_771, %swap3A_772] {strides = array<i32>} : memref<64x768xf32, #tpu.memory_space<vmem>>, vector<1x16xf32>,
      %swap3A_774 = vector.shape_cast %swap3A_773 : vector<1x16xf32> to vector<16xf32>
      %swap3A_775 = vector.shape_cast %add3A_770 : vector<16xf32> to vector<1x16xf32>
      tpu.vector_store %arg11[%swap3A_771, %swap3A_772], %swap3A_775 {strides = array<i32>} : memref<64x768xf32, #tpu.memory_space<vmem>>, vector<1x16xf32>,
      %get3A_776 = arith.index_cast %scan3A_48 : i32 to index
      %get3A_777 = arith.constant 720 : index
      %get3A_778 = tpu.vector_load %arg11[%get3A_776, %get3A_777] {strides = array<i32>} : memref<64x768xf32, #tpu.memory_space<vmem>>, vector<1x16xf32>,
      %get3A_779 = vector.shape_cast %get3A_778 : vector<1x16xf32> to vector<16xf32>
      %get3A_780 = arith.index_cast %scan3A_48 : i32 to index
      %get3A_781 = arith.constant 720 : index
      %get3A_782 = tpu.vector_load %arg12[%get3A_780, %get3A_781] {strides = array<i32>} : memref<64x768xf32, #tpu.memory_space<vmem>>, vector<1x16xf32>,
      %get3A_783 = vector.shape_cast %get3A_782 : vector<1x16xf32> to vector<16xf32>
      %mul3A_784 = arith.mulf %get3A_52, %get3A_779 : vector<16xf32>
      %mul3A_785 = arith.mulf %get3A_56, %get3A_783 : vector<16xf32>
      %add3A_786 = arith.addf %mul3A_784, %mul3A_785 : vector<16xf32>
      %swap3A_787 = arith.index_cast %scan3A_48 : i32 to index
      %swap3A_788 = arith.constant 720 : index
      %swap3A_789 = tpu.vector_load %arg11[%swap3A_787, %swap3A_788] {strides = array<i32>} : memref<64x768xf32, #tpu.memory_space<vmem>>, vector<1x16xf32>,
      %swap3A_790 = vector.shape_cast %swap3A_789 : vector<1x16xf32> to vector<16xf32>
      %swap3A_791 = vector.shape_cast %add3A_786 : vector<16xf32> to vector<1x16xf32>
      tpu.vector_store %arg11[%swap3A_787, %swap3A_788], %swap3A_791 {strides = array<i32>} : memref<64x768xf32, #tpu.memory_space<vmem>>, vector<1x16xf32>,
      %get3A_792 = arith.index_cast %scan3A_48 : i32 to index
      %get3A_793 = arith.constant 736 : index
      %get3A_794 = tpu.vector_load %arg11[%get3A_792, %get3A_793] {strides = array<i32>} : memref<64x768xf32, #tpu.memory_space<vmem>>, vector<1x16xf32>,
      %get3A_795 = vector.shape_cast %get3A_794 : vector<1x16xf32> to vector<16xf32>
      %get3A_796 = arith.index_cast %scan3A_48 : i32 to index
      %get3A_797 = arith.constant 736 : index
      %get3A_798 = tpu.vector_load %arg12[%get3A_796, %get3A_797] {strides = array<i32>} : memref<64x768xf32, #tpu.memory_space<vmem>>, vector<1x16xf32>,
      %get3A_799 = vector.shape_cast %get3A_798 : vector<1x16xf32> to vector<16xf32>
      %mul3A_800 = arith.mulf %get3A_52, %get3A_795 : vector<16xf32>
      %mul3A_801 = arith.mulf %get3A_56, %get3A_799 : vector<16xf32>
      %add3A_802 = arith.addf %mul3A_800, %mul3A_801 : vector<16xf32>
      %swap3A_803 = arith.index_cast %scan3A_48 : i32 to index
      %swap3A_804 = arith.constant 736 : index
      %swap3A_805 = tpu.vector_load %arg11[%swap3A_803, %swap3A_804] {strides = array<i32>} : memref<64x768xf32, #tpu.memory_space<vmem>>, vector<1x16xf32>,
      %swap3A_806 = vector.shape_cast %swap3A_805 : vector<1x16xf32> to vector<16xf32>
      %swap3A_807 = vector.shape_cast %add3A_802 : vector<16xf32> to vector<1x16xf32>
      tpu.vector_store %arg11[%swap3A_803, %swap3A_804], %swap3A_807 {strides = array<i32>} : memref<64x768xf32, #tpu.memory_space<vmem>>, vector<1x16xf32>,
      %get3A_808 = arith.index_cast %scan3A_48 : i32 to index
      %get3A_809 = arith.constant 752 : index
      %get3A_810 = tpu.vector_load %arg11[%get3A_808, %get3A_809] {strides = array<i32>} : memref<64x768xf32, #tpu.memory_space<vmem>>, vector<1x16xf32>,
      %get3A_811 = vector.shape_cast %get3A_810 : vector<1x16xf32> to vector<16xf32>
      %get3A_812 = arith.index_cast %scan3A_48 : i32 to index
      %get3A_813 = arith.constant 752 : index
      %get3A_814 = tpu.vector_load %arg12[%get3A_812, %get3A_813] {strides = array<i32>} : memref<64x768xf32, #tpu.memory_space<vmem>>, vector<1x16xf32>,
      %get3A_815 = vector.shape_cast %get3A_814 : vector<1x16xf32> to vector<16xf32>
      %mul3A_816 = arith.mulf %get3A_52, %get3A_811 : vector<16xf32>
      %mul3A_817 = arith.mulf %get3A_56, %get3A_815 : vector<16xf32>
      %add3A_818 = arith.addf %mul3A_816, %mul3A_817 : vector<16xf32>
      %swap3A_819 = arith.index_cast %scan3A_48 : i32 to index
      %swap3A_820 = arith.constant 752 : index
      %swap3A_821 = tpu.vector_load %arg11[%swap3A_819, %swap3A_820] {strides = array<i32>} : memref<64x768xf32, #tpu.memory_space<vmem>>, vector<1x16xf32>,
      %swap3A_822 = vector.shape_cast %swap3A_821 : vector<1x16xf32> to vector<16xf32>
      %swap3A_823 = vector.shape_cast %add3A_818 : vector<16xf32> to vector<1x16xf32>
      tpu.vector_store %arg11[%swap3A_819, %swap3A_820], %swap3A_823 {strides = array<i32>} : memref<64x768xf32, #tpu.memory_space<vmem>>, vector<1x16xf32>,
      %scan3A_824 = arith.constant 0 : i32
      scf.yield %scan3A_824 : i32
    }
    %scan3A_47 = arith.constant 64 : i32
    "tpu.region"() ({
      %run_scoped3A = tpu.sem_alloc : memref<!tpu.dma_semaphore, #tpu.memory_space<semaphore_mem>>
      %dma_start3A_48 = arith.constant 0 : i32
      %dma_start3A_49 = tpu.memref_slice %arg6[%add3A_26, %dma_start3A_48] : memref<4096x768xf32, #tpu.memory_space<hbm>> -> memref<64x768xf32, #tpu.memory_space<hbm>>
      %dma_start3A_50 = arith.constant 0 : i32
      %dma_start3A_51 = tpu.memref_slice %arg6[%add3A_26, %dma_start3A_50] : memref<4096x768xf32, #tpu.memory_space<hbm>> -> memref<64x768xf32, #tpu.memory_space<hbm>>
      tpu.enqueue_dma source(%arg11 : memref<64x768xf32, #tpu.memory_space<vmem>>) target(%dma_start3A_51 : memref<64x768xf32, #tpu.memory_space<hbm>>) target_semaphore(%run_scoped3A : memref<!tpu.dma_semaphore, #tpu.memory_space<semaphore_mem>>)
      %dma_wait3A_52 = arith.constant 0 : i32
      %dma_wait3A_53 = tpu.memref_slice %arg6[%add3A_26, %dma_wait3A_52] : memref<4096x768xf32, #tpu.memory_space<hbm>> -> memref<64x768xf32, #tpu.memory_space<hbm>>
      %dma_wait3A_54 = arith.constant 0 : i32
      %dma_wait3A_55 = tpu.memref_slice %arg6[%add3A_26, %dma_wait3A_54] : memref<4096x768xf32, #tpu.memory_space<hbm>> -> memref<64x768xf32, #tpu.memory_space<hbm>>
      tpu.wait_dma2 semaphore(%run_scoped3A : memref<!tpu.dma_semaphore, #tpu.memory_space<semaphore_mem>>) src(%arg11 : memref<64x768xf32, #tpu.memory_space<vmem>>) dst(%dma_wait3A_55 : memref<64x768xf32, #tpu.memory_space<hbm>>)
      tpu.yield
    }) : () -> ()
    return
  }
}

module attributes {stable_mosaic.version = 14 : i64} {
  func.func @_ffn_body(%arg0: i32, %arg1: memref<4x32xi32, #tpu.memory_space<smem>>, %arg2: memref<512x768xf32, #tpu.memory_space<vmem>>, %arg3: memref<1x768x1536xf32, #tpu.memory_space<vmem>>, %arg4: memref<1x1x1536xf32, #tpu.memory_space<vmem>>, %arg5: memref<1x1536x768xf32, #tpu.memory_space<vmem>>, %arg6: memref<1x1x768xf32, #tpu.memory_space<vmem>>, %arg7: memref<512x768xf32, #tpu.memory_space<vmem>>) attributes {dimension_semantics = [#tpu.dimension_semantics<arbitrary>], iteration_bounds = array<i64: 23>, scalar_prefetch = 1 : i64, scratch_operands = 0 : i64, tpu.core_type = #tpu.core_type<tc>, window_params = [{transform_indices = @transform_0, window_bounds = array<i64: 512, 768>}, {transform_indices = @transform_1, window_bounds = array<i64: 1, 768, 1536>}, {transform_indices = @transform_2, window_bounds = array<i64: 1, 1, 1536>}, {transform_indices = @transform_3, window_bounds = array<i64: 1, 1536, 768>}, {transform_indices = @transform_4, window_bounds = array<i64: 1, 1, 768>}, {transform_indices = @transform_5, window_bounds = array<i64: 512, 768>}]} {
    %get3A = arith.constant 2 : index
    %get3A_0 = arith.index_cast %arg0 : i32 to index
    %get3A_1 = memref.load %arg1[%get3A, %get3A_0] : memref<4x32xi32, #tpu.memory_space<smem>>
    %eq3A = arith.constant 1 : i32
    %eq3A_2 = arith.cmpi eq, %get3A_1, %eq3A : i32
    %convert_element_type3A = arith.extui %eq3A_2 : i1 to i32
    %cond3A = arith.constant 0 : i32
    %cond3A_3 = arith.cmpi ne, %convert_element_type3A, %cond3A : i32
    scf.if %cond3A_3 {
      %get3A_4 = arith.constant 0 : index
      %get3A_5 = arith.constant 0 : index
      %get3A_6 = vector.load %arg2[%get3A_4, %get3A_5] : memref<512x768xf32, #tpu.memory_space<vmem>>, vector<512x768xf32>
      %convert_element_type3A_7 = arith.truncf %get3A_6 : vector<512x768xf32> to vector<512x768xbf16>
      %get3A_8 = arith.constant 0 : index
      %get3A_9 = arith.constant 0 : index
      %get3A_10 = arith.constant 0 : index
      %get3A_11 = vector.load %arg3[%get3A_8, %get3A_9, %get3A_10] : memref<1x768x1536xf32, #tpu.memory_space<vmem>>, vector<1x768x1536xf32>
      %get3A_12 = vector.shape_cast %get3A_11 : vector<1x768x1536xf32> to vector<768x1536xf32>
      %convert_element_type3A_13 = arith.truncf %get3A_12 : vector<768x1536xf32> to vector<768x1536xbf16>
      %dot_general3A = arith.constant dense<0.000000e+00> : vector<512x1536xf32>
      %dot_general3A_14 = tpu.matmul %convert_element_type3A_7, %convert_element_type3A_13, %dot_general3A {dimension_numbers = #tpu.dot_dimension_numbers<[1], [0], [0], [1], [0, 0, 1, 1], [], []>, transpose_lhs_hint = false} : vector<512x768xbf16>, vector<768x1536xbf16>, vector<512x1536xf32> -> vector<512x1536xf32>
      %convert_element_type3A_15 = arith.truncf %dot_general3A_14 : vector<512x1536xf32> to vector<512x1536xbf16>
      %get3A_16 = arith.constant 0 : index
      %get3A_17 = arith.constant 0 : index
      %get3A_18 = arith.constant 0 : index
      %get3A_19 = vector.load %arg4[%get3A_16, %get3A_17, %get3A_18] : memref<1x1x1536xf32, #tpu.memory_space<vmem>>, vector<1x1x1536xf32>
      %get3A_20 = vector.shape_cast %get3A_19 : vector<1x1x1536xf32> to vector<1536xf32>
      %convert_element_type3A_21 = arith.truncf %get3A_20 : vector<1536xf32> to vector<1536xbf16>
      %broadcast_in_dim3A = vector.shape_cast %convert_element_type3A_21 : vector<1536xbf16> to vector<1x1536xbf16>
      %add3A = vector.broadcast %broadcast_in_dim3A : vector<1x1536xbf16> to vector<512x1536xbf16>
      %add3A_22 = arith.addf %convert_element_type3A_15, %add3A : vector<512x1536xbf16>
      %mul3A = arith.constant 5.000000e-01 : bf16
      %mul3A_23 = vector.broadcast %mul3A : bf16 to vector<512x1536xbf16>
      %mul3A_24 = arith.mulf %mul3A_23, %add3A_22 : vector<512x1536xbf16>
      %mul3A_25 = arith.constant 4.467770e-02 : bf16
      %mul3A_26 = vector.broadcast %mul3A_25 : bf16 to vector<512x1536xbf16>
      %mul3A_27 = arith.mulf %mul3A_26, %add3A_22 : vector<512x1536xbf16>
      %mul3A_28 = arith.mulf %mul3A_27, %add3A_22 : vector<512x1536xbf16>
      %mul3A_29 = arith.mulf %mul3A_28, %add3A_22 : vector<512x1536xbf16>
      %add3A_30 = arith.addf %add3A_22, %mul3A_29 : vector<512x1536xbf16>
      %mul3A_31 = arith.constant 7.968750e-01 : bf16
      %mul3A_32 = vector.broadcast %mul3A_31 : bf16 to vector<512x1536xbf16>
      %mul3A_33 = arith.mulf %mul3A_32, %add3A_30 : vector<512x1536xbf16>
      %tanh3A = math.tanh %mul3A_33 : vector<512x1536xbf16>
      %add3A_34 = arith.constant 1.000000e+00 : bf16
      %add3A_35 = vector.broadcast %add3A_34 : bf16 to vector<512x1536xbf16>
      %add3A_36 = arith.addf %add3A_35, %tanh3A : vector<512x1536xbf16>
      %mul3A_37 = arith.mulf %mul3A_24, %add3A_36 : vector<512x1536xbf16>
      %get3A_38 = arith.constant 0 : index
      %get3A_39 = arith.constant 0 : index
      %get3A_40 = arith.constant 0 : index
      %get3A_41 = vector.load %arg5[%get3A_38, %get3A_39, %get3A_40] : memref<1x1536x768xf32, #tpu.memory_space<vmem>>, vector<1x1536x768xf32>
      %get3A_42 = vector.shape_cast %get3A_41 : vector<1x1536x768xf32> to vector<1536x768xf32>
      %convert_element_type3A_43 = arith.truncf %get3A_42 : vector<1536x768xf32> to vector<1536x768xbf16>
      %dot_general3A_44 = arith.constant dense<0.000000e+00> : vector<512x768xf32>
      %dot_general3A_45 = tpu.matmul %mul3A_37, %convert_element_type3A_43, %dot_general3A_44 {dimension_numbers = #tpu.dot_dimension_numbers<[1], [0], [0], [1], [0, 0, 1, 1], [], []>, transpose_lhs_hint = false} : vector<512x1536xbf16>, vector<1536x768xbf16>, vector<512x768xf32> -> vector<512x768xf32>
      %get3A_46 = arith.constant 0 : index
      %get3A_47 = arith.constant 0 : index
      %get3A_48 = arith.constant 0 : index
      %get3A_49 = vector.load %arg6[%get3A_46, %get3A_47, %get3A_48] : memref<1x1x768xf32, #tpu.memory_space<vmem>>, vector<1x1x768xf32>
      %get3A_50 = vector.shape_cast %get3A_49 : vector<1x1x768xf32> to vector<768xf32>
      %broadcast_in_dim3A_51 = vector.shape_cast %get3A_50 : vector<768xf32> to vector<1x768xf32>
      %add3A_52 = vector.broadcast %broadcast_in_dim3A_51 : vector<1x768xf32> to vector<512x768xf32>
      %add3A_53 = arith.addf %dot_general3A_45, %add3A_52 : vector<512x768xf32>
      %swap3A = arith.constant 0 : index
      %swap3A_54 = arith.constant 0 : index
      %swap3A_55 = vector.load %arg7[%swap3A, %swap3A_54] : memref<512x768xf32, #tpu.memory_space<vmem>>, vector<512x768xf32>
      tpu.vector_store %arg7[%swap3A, %swap3A_54], %add3A_53 {strides = array<i32>} : memref<512x768xf32, #tpu.memory_space<vmem>>, vector<512x768xf32>,
    } else {
    }
    return
  }
  func.func @transform_0(%arg0: i32, %arg1: memref<4x32xi32, #tpu.memory_space<smem>>) -> (i32, i32) {
    %get3A = arith.constant 1 : index
    %get3A_0 = arith.index_cast %arg0 : i32 to index
    %get3A_1 = memref.load %arg1[%get3A, %get3A_0] : memref<4x32xi32, #tpu.memory_space<smem>>
    %c0_i32 = arith.constant 0 : i32
    %c0_i32_2 = arith.constant 0 : i32
    return %get3A_1, %c0_i32 : i32, i32
  }
  func.func @transform_1(%arg0: i32, %arg1: memref<4x32xi32, #tpu.memory_space<smem>>) -> (i32, i32, i32) {
    %get3A = arith.constant 0 : index
    %get3A_0 = arith.index_cast %arg0 : i32 to index
    %get3A_1 = memref.load %arg1[%get3A, %get3A_0] : memref<4x32xi32, #tpu.memory_space<smem>>
    %c0_i32 = arith.constant 0 : i32
    %c0_i32_2 = arith.constant 0 : i32
    %c0_i32_3 = arith.constant 0 : i32
    return %get3A_1, %c0_i32, %c0_i32_2 : i32, i32, i32
  }
  func.func @transform_2(%arg0: i32, %arg1: memref<4x32xi32, #tpu.memory_space<smem>>) -> (i32, i32, i32) {
    %get3A = arith.constant 0 : index
    %get3A_0 = arith.index_cast %arg0 : i32 to index
    %get3A_1 = memref.load %arg1[%get3A, %get3A_0] : memref<4x32xi32, #tpu.memory_space<smem>>
    %c0_i32 = arith.constant 0 : i32
    %c0_i32_2 = arith.constant 0 : i32
    %c0_i32_3 = arith.constant 0 : i32
    return %get3A_1, %c0_i32, %c0_i32_2 : i32, i32, i32
  }
  func.func @transform_3(%arg0: i32, %arg1: memref<4x32xi32, #tpu.memory_space<smem>>) -> (i32, i32, i32) {
    %get3A = arith.constant 0 : index
    %get3A_0 = arith.index_cast %arg0 : i32 to index
    %get3A_1 = memref.load %arg1[%get3A, %get3A_0] : memref<4x32xi32, #tpu.memory_space<smem>>
    %c0_i32 = arith.constant 0 : i32
    %c0_i32_2 = arith.constant 0 : i32
    %c0_i32_3 = arith.constant 0 : i32
    return %get3A_1, %c0_i32, %c0_i32_2 : i32, i32, i32
  }
  func.func @transform_4(%arg0: i32, %arg1: memref<4x32xi32, #tpu.memory_space<smem>>) -> (i32, i32, i32) {
    %get3A = arith.constant 0 : index
    %get3A_0 = arith.index_cast %arg0 : i32 to index
    %get3A_1 = memref.load %arg1[%get3A, %get3A_0] : memref<4x32xi32, #tpu.memory_space<smem>>
    %c0_i32 = arith.constant 0 : i32
    %c0_i32_2 = arith.constant 0 : i32
    %c0_i32_3 = arith.constant 0 : i32
    return %get3A_1, %c0_i32, %c0_i32_2 : i32, i32, i32
  }
  func.func @transform_5(%arg0: i32, %arg1: memref<4x32xi32, #tpu.memory_space<smem>>) -> (i32, i32) {
    %get3A = arith.constant 1 : index
    %get3A_0 = arith.index_cast %arg0 : i32 to index
    %get3A_1 = memref.load %arg1[%get3A, %get3A_0] : memref<4x32xi32, #tpu.memory_space<smem>>
    %c0_i32 = arith.constant 0 : i32
    %c0_i32_2 = arith.constant 0 : i32
    return %get3A_1, %c0_i32 : i32, i32
  }
}

module attributes {stable_mosaic.version = 14 : i64} {
  func.func @_routing_body(%arg0: memref<4096x768xf32, #tpu.memory_space<vmem>>, %arg1: memref<768x8xf32, #tpu.memory_space<vmem>>, %arg2: memref<1x8xf32, #tpu.memory_space<vmem>>, %arg3: memref<4096x8xi32, #tpu.memory_space<vmem>>, %arg4: memref<8192x16xf32, #tpu.memory_space<vmem>>, %arg5: memref<4x32xi32, #tpu.memory_space<vmem>>, %arg6: memref<4096x16xf32, #tpu.memory_space<vmem>>, %arg7: memref<4096x16xf32, #tpu.memory_space<vmem>>) attributes {dimension_semantics = [], scalar_prefetch = 0 : i64, scratch_operands = 2 : i64, tpu.core_type = #tpu.core_type<tc>} {
    %get3A = arith.constant 0 : index
    %get3A_0 = arith.constant 0 : index
    %get3A_1 = vector.load %arg0[%get3A, %get3A_0] : memref<4096x768xf32, #tpu.memory_space<vmem>>, vector<4096x768xf32>
    %get3A_2 = arith.constant 0 : index
    %get3A_3 = arith.constant 0 : index
    %get3A_4 = vector.load %arg1[%get3A_2, %get3A_3] : memref<768x8xf32, #tpu.memory_space<vmem>>, vector<768x8xf32>
    %dot_general3A = arith.constant dense<0.000000e+00> : vector<4096x8xf32>
    %dot_general3A_5 = tpu.matmul %get3A_1, %get3A_4, %dot_general3A {dimension_numbers = #tpu.dot_dimension_numbers<[1], [0], [0], [1], [0, 0, 1, 1], [], []>, transpose_lhs_hint = false} : vector<4096x768xf32>, vector<768x8xf32>, vector<4096x8xf32> -> vector<4096x8xf32>
    %get3A_6 = arith.constant 0 : index
    %get3A_7 = arith.constant 0 : index
    %get3A_8 = vector.load %arg2[%get3A_6, %get3A_7] : memref<1x8xf32, #tpu.memory_space<vmem>>, vector<1x8xf32>
    %add3A = vector.broadcast %get3A_8 : vector<1x8xf32> to vector<4096x8xf32>
    %add3A_9 = arith.addf %dot_general3A_5, %add3A : vector<4096x8xf32>
    %mul3A = arith.constant 2.000000e-01 : f32
    %mul3A_10 = vector.broadcast %mul3A : f32 to vector<4096x8xf32>
    %mul3A_11 = arith.mulf %add3A_9, %mul3A_10 : vector<4096x8xf32>
    %reduce_max3A = arith.constant dense<0xFF800000> : vector<4096xf32>
    %reduce_max3A_12 = vector.multi_reduction <maximumf>, %mul3A_11, %reduce_max3A [1] : vector<4096x8xf32> to vector<4096xf32>
    %broadcast_in_dim3A = vector.shape_cast %reduce_max3A_12 : vector<4096xf32> to vector<4096x1xf32>
    %sub3A = vector.broadcast %broadcast_in_dim3A : vector<4096x1xf32> to vector<4096x8xf32>
    %sub3A_13 = arith.subf %mul3A_11, %sub3A : vector<4096x8xf32>
    %exp3A = math.exp %sub3A_13 : vector<4096x8xf32>
    %reduce_sum3A = arith.constant dense<0.000000e+00> : vector<4096xf32>
    %reduce_sum3A_14 = vector.multi_reduction <add>, %exp3A, %reduce_sum3A [1] : vector<4096x8xf32> to vector<4096xf32>
    %broadcast_in_dim3A_15 = vector.shape_cast %reduce_sum3A_14 : vector<4096xf32> to vector<4096x1xf32>
    %div3A = vector.broadcast %broadcast_in_dim3A_15 : vector<4096x1xf32> to vector<4096x8xf32>
    %div3A_16 = arith.divf %exp3A, %div3A : vector<4096x8xf32>
    %iota3A = tpu.iota {dimensions = array<i32: 1>} : vector<4096x8xi32>
    %reduce_max3A_17 = arith.constant dense<0xFF800000> : vector<4096xf32>
    %reduce_max3A_18 = vector.multi_reduction <maximumf>, %div3A_16, %reduce_max3A_17 [1] : vector<4096x8xf32> to vector<4096xf32>
    %broadcast_in_dim3A_19 = vector.shape_cast %reduce_max3A_18 : vector<4096xf32> to vector<4096x1xf32>
    %eq3A = vector.broadcast %broadcast_in_dim3A_19 : vector<4096x1xf32> to vector<4096x8xf32>
    %eq3A_20 = arith.cmpf oeq, %div3A_16, %eq3A : vector<4096x8xf32>
    %jit3A = arith.constant 8 : i32
    %broadcast_in_dim3A_21 = vector.broadcast %jit3A : i32 to vector<4096x8xi32>
    %select_n3A = arith.select %eq3A_20, %iota3A, %broadcast_in_dim3A_21 : vector<4096x8xi1>, vector<4096x8xi32>
    %reduce_min3A = arith.constant dense<2147483647> : vector<4096xi32>
    %reduce_min3A_22 = vector.multi_reduction <minsi>, %select_n3A, %reduce_min3A [1] : vector<4096x8xi32> to vector<4096xi32>
    %broadcast_in_dim3A_23 = vector.shape_cast %reduce_min3A_22 : vector<4096xi32> to vector<4096x1xi32>
    %eq3A_24 = vector.broadcast %broadcast_in_dim3A_23 : vector<4096x1xi32> to vector<4096x8xi32>
    %eq3A_25 = arith.cmpi eq, %iota3A, %eq3A_24 : vector<4096x8xi32>
    %jit3A_26 = arith.constant -1.000000e+00 : f32
    %broadcast_in_dim3A_27 = vector.broadcast %jit3A_26 : f32 to vector<4096x8xf32>
    %select_n3A_28 = arith.select %eq3A_25, %broadcast_in_dim3A_27, %div3A_16 : vector<4096x8xi1>, vector<4096x8xf32>
    %reduce_max3A_29 = arith.constant dense<0xFF800000> : vector<4096xf32>
    %reduce_max3A_30 = vector.multi_reduction <maximumf>, %select_n3A_28, %reduce_max3A_29 [1] : vector<4096x8xf32> to vector<4096xf32>
    %broadcast_in_dim3A_31 = vector.shape_cast %reduce_max3A_30 : vector<4096xf32> to vector<4096x1xf32>
    %eq3A_32 = vector.broadcast %broadcast_in_dim3A_31 : vector<4096x1xf32> to vector<4096x8xf32>
    %eq3A_33 = arith.cmpf oeq, %select_n3A_28, %eq3A_32 : vector<4096x8xf32>
    %jit3A_34 = arith.constant 8 : i32
    %broadcast_in_dim3A_35 = vector.broadcast %jit3A_34 : i32 to vector<4096x8xi32>
    %select_n3A_36 = arith.select %eq3A_33, %iota3A, %broadcast_in_dim3A_35 : vector<4096x8xi1>, vector<4096x8xi32>
    %reduce_min3A_37 = arith.constant dense<2147483647> : vector<4096xi32>
    %reduce_min3A_38 = vector.multi_reduction <minsi>, %select_n3A_36, %reduce_min3A_37 [1] : vector<4096x8xi32> to vector<4096xi32>
    %broadcast_in_dim3A_39 = vector.shape_cast %reduce_min3A_38 : vector<4096xi32> to vector<4096x1xi32>
    %add3A_40 = arith.addf %broadcast_in_dim3A_19, %broadcast_in_dim3A_31 : vector<4096x1xf32>
    %add3A_41 = arith.constant 9.99999971E-10 : f32
    %add3A_42 = vector.broadcast %add3A_41 : f32 to vector<4096x1xf32>
    %add3A_43 = arith.addf %add3A_40, %add3A_42 : vector<4096x1xf32>
    %div3A_44 = arith.divf %broadcast_in_dim3A_19, %add3A_43 : vector<4096x1xf32>
    %div3A_45 = arith.divf %broadcast_in_dim3A_31, %add3A_43 : vector<4096x1xf32>
    %eq3A_46 = vector.broadcast %broadcast_in_dim3A_23 : vector<4096x1xi32> to vector<4096x8xi32>
    %eq3A_47 = arith.cmpi eq, %iota3A, %eq3A_46 : vector<4096x8xi32>
    %convert_element_type3A = arith.extui %eq3A_47 : vector<4096x8xi1> to vector<4096x8xi32>
    %convert_element_type3A_48 = arith.sitofp %convert_element_type3A : vector<4096x8xi32> to vector<4096x8xf32>
    %eq3A_49 = vector.broadcast %broadcast_in_dim3A_39 : vector<4096x1xi32> to vector<4096x8xi32>
    %eq3A_50 = arith.cmpi eq, %iota3A, %eq3A_49 : vector<4096x8xi32>
    %convert_element_type3A_51 = arith.extui %eq3A_50 : vector<4096x8xi1> to vector<4096x8xi32>
    %convert_element_type3A_52 = arith.sitofp %convert_element_type3A_51 : vector<4096x8xi32> to vector<4096x8xf32>
    %swap3A = arith.constant 0 : index
    %swap3A_53 = arith.constant 0 : index
    %swap3A_54 = vector.load %arg6[%swap3A, %swap3A_53] : memref<4096x16xf32, #tpu.memory_space<vmem>>, vector<4096x8xf32>
    tpu.vector_store %arg6[%swap3A, %swap3A_53], %convert_element_type3A_48 {strides = array<i32>} : memref<4096x16xf32, #tpu.memory_space<vmem>>, vector<4096x8xf32>,
    %swap3A_55 = arith.constant 0 : index
    %swap3A_56 = arith.constant 8 : index
    %swap3A_57 = vector.load %arg6[%swap3A_55, %swap3A_56] : memref<4096x16xf32, #tpu.memory_space<vmem>>, vector<4096x8xf32>
    tpu.vector_store %arg6[%swap3A_55, %swap3A_56], %convert_element_type3A_52 {strides = array<i32>} : memref<4096x16xf32, #tpu.memory_space<vmem>>, vector<4096x8xf32>,
    %iota3A_58 = tpu.iota {dimensions = array<i32: 0>} : vector<128x128xi32>
    %iota3A_59 = tpu.iota {dimensions = array<i32: 1>} : vector<128x128xi32>
    %gt3A = arith.cmpi sgt, %iota3A_58, %iota3A_59 : vector<128x128xi32>
    %convert_element_type3A_60 = arith.extui %gt3A : vector<128x128xi1> to vector<128x128xi32>
    %convert_element_type3A_61 = arith.sitofp %convert_element_type3A_60 : vector<128x128xi32> to vector<128x128xf32>
    %broadcast_in_dim3A_62 = arith.constant 0.000000e+00 : f32
    %broadcast_in_dim3A_63 = vector.broadcast %broadcast_in_dim3A_62 : f32 to vector<1x16xf32>
    %scan3A = arith.constant 0 : i32
    %scan3A_64 = arith.constant 32 : i32
    %scan3A_65 = arith.addi %scan3A, %scan3A_64 : i32
    %scan3A_66 = arith.constant 1 : i32
    %scan3A_67 = scf.for %scan3A_176 = %scan3A to %scan3A_65 step %scan3A_66 iter_args(%scan3A_177 = %broadcast_in_dim3A_63) -> (vector<1x16xf32>)  : i32 {
      %mul3A_178 = arith.constant 128 : i32
      %mul3A_179 = arith.muli %scan3A_176, %mul3A_178 : i32
      %get3A_180 = arith.index_cast %mul3A_179 : i32 to index
      %get3A_181 = arith.constant 0 : index
      %get3A_182 = vector.load %arg6[%get3A_180, %get3A_181] : memref<4096x16xf32, #tpu.memory_space<vmem>>, vector<128x16xf32>
      %dot_general3A_183 = arith.constant dense<0.000000e+00> : vector<128x16xf32>
      %dot_general3A_184 = tpu.matmul %convert_element_type3A_61, %get3A_182, %dot_general3A_183 {dimension_numbers = #tpu.dot_dimension_numbers<[1], [0], [0], [1], [0, 0, 1, 1], [], []>, transpose_lhs_hint = false} : vector<128x128xf32>, vector<128x16xf32>, vector<128x16xf32> -> vector<128x16xf32>
      %add3A_185 = vector.broadcast %scan3A_177 : vector<1x16xf32> to vector<128x16xf32>
      %add3A_186 = arith.addf %dot_general3A_184, %add3A_185 : vector<128x16xf32>
      %mul3A_187 = arith.constant 128 : i32
      %mul3A_188 = arith.muli %scan3A_176, %mul3A_187 : i32
      %swap3A_189 = arith.index_cast %mul3A_188 : i32 to index
      %swap3A_190 = arith.constant 0 : index
      %swap3A_191 = vector.load %arg7[%swap3A_189, %swap3A_190] : memref<4096x16xf32, #tpu.memory_space<vmem>>, vector<128x16xf32>
      tpu.vector_store %arg7[%swap3A_189, %swap3A_190], %add3A_186 {strides = array<i32>} : memref<4096x16xf32, #tpu.memory_space<vmem>>, vector<128x16xf32>,
      %reduce_sum3A_192 = arith.constant dense<0.000000e+00> : vector<16xf32>
      %reduce_sum3A_193 = vector.multi_reduction <add>, %get3A_182, %reduce_sum3A_192 [0] : vector<128x16xf32> to vector<16xf32>
      %broadcast_in_dim3A_194 = vector.shape_cast %reduce_sum3A_193 : vector<16xf32> to vector<1x16xf32>
      %add3A_195 = arith.addf %scan3A_177, %broadcast_in_dim3A_194 : vector<1x16xf32>
      scf.yield %add3A_195 : vector<1x16xf32>
    }
    %scan3A_68 = arith.constant 32 : i32
    %slice3A = vector.extract_strided_slice %scan3A_67 {offsets = [0, 0], sizes = [1, 8], strides = [1, 1]} : vector<1x16xf32> to vector<1x8xf32>
    %slice3A_69 = vector.extract_strided_slice %scan3A_67 {offsets = [0, 8], sizes = [1, 8], strides = [1, 1]} : vector<1x16xf32> to vector<1x8xf32>
    %add3A_70 = arith.addf %slice3A, %slice3A_69 : vector<1x8xf32>
    %convert_element_type3A_71 = arith.fptosi %add3A_70 : vector<1x8xf32> to vector<1x8xi32>
    %add3A_72 = arith.constant 511 : i32
    %add3A_73 = vector.broadcast %add3A_72 : i32 to vector<1x8xi32>
    %add3A_74 = arith.addi %convert_element_type3A_71, %add3A_73 : vector<1x8xi32>
    %shift_right_arithmetic3A = arith.constant 9 : i32
    %shift_right_arithmetic3A_75 = vector.broadcast %shift_right_arithmetic3A : i32 to vector<1x8xi32>
    %shift_right_arithmetic3A_76 = arith.shrsi %add3A_74, %shift_right_arithmetic3A_75 : vector<1x8xi32>
    %iota3A_77 = tpu.iota {dimensions = array<i32: 0>} : vector<8x8xi32>
    %iota3A_78 = tpu.iota {dimensions = array<i32: 1>} : vector<8x8xi32>
    %reshape3A = vector.shape_cast %shift_right_arithmetic3A_76 : vector<1x8xi32> to vector<8x1xi32>
    %lt3A = arith.cmpi slt, %iota3A_77, %iota3A_78 : vector<8x8xi32>
    %jit3A_79 = arith.constant 0 : i32
    %broadcast_in_dim3A_80 = vector.shape_cast %reshape3A : vector<8x1xi32> to vector<8x1xi32>
    %broadcast_in_dim3A_81 = vector.broadcast %broadcast_in_dim3A_80 : vector<8x1xi32> to vector<8x8xi32>
    %broadcast_in_dim3A_82 = vector.broadcast %jit3A_79 : i32 to vector<8x8xi32>
    %select_n3A_83 = arith.select %lt3A, %broadcast_in_dim3A_81, %broadcast_in_dim3A_82 : vector<8x8xi1>, vector<8x8xi32>
    %reduce_sum3A_84 = arith.constant dense<0> : vector<8xi32>
    %reduce_sum3A_85 = vector.multi_reduction <add>, %select_n3A_83, %reduce_sum3A_84 [0] : vector<8x8xi32> to vector<8xi32>
    %broadcast_in_dim3A_86 = vector.shape_cast %reduce_sum3A_85 : vector<8xi32> to vector<1x8xi32>
    %shift_left3A = arith.constant 9 : i32
    %shift_left3A_87 = vector.broadcast %shift_left3A : i32 to vector<1x8xi32>
    %shift_left3A_88 = arith.shli %broadcast_in_dim3A_86, %shift_left3A_87 : vector<1x8xi32>
    %convert_element_type3A_89 = arith.sitofp %shift_left3A_88 : vector<1x8xi32> to vector<1x8xf32>
    %get3A_90 = arith.constant 0 : index
    %get3A_91 = arith.constant 0 : index
    %get3A_92 = vector.load %arg7[%get3A_90, %get3A_91] : memref<4096x16xf32, #tpu.memory_space<vmem>>, vector<4096x8xf32>
    %get3A_93 = arith.constant 0 : index
    %get3A_94 = arith.constant 8 : index
    %get3A_95 = vector.load %arg7[%get3A_93, %get3A_94] : memref<4096x16xf32, #tpu.memory_space<vmem>>, vector<4096x8xf32>
    %add3A_96 = vector.broadcast %convert_element_type3A_89 : vector<1x8xf32> to vector<4096x8xf32>
    %add3A_97 = arith.addf %add3A_96, %get3A_92 : vector<4096x8xf32>
    %mul3A_98 = arith.mulf %add3A_97, %convert_element_type3A_48 : vector<4096x8xf32>
    %reduce_sum3A_99 = arith.constant dense<0.000000e+00> : vector<4096xf32>
    %reduce_sum3A_100 = vector.multi_reduction <add>, %mul3A_98, %reduce_sum3A_99 [1] : vector<4096x8xf32> to vector<4096xf32>
    %broadcast_in_dim3A_101 = vector.shape_cast %reduce_sum3A_100 : vector<4096xf32> to vector<4096x1xf32>
    %add3A_102 = arith.addf %convert_element_type3A_89, %slice3A : vector<1x8xf32>
    %add3A_103 = vector.broadcast %add3A_102 : vector<1x8xf32> to vector<4096x8xf32>
    %add3A_104 = arith.addf %add3A_103, %get3A_95 : vector<4096x8xf32>
    %mul3A_105 = arith.mulf %add3A_104, %convert_element_type3A_52 : vector<4096x8xf32>
    %reduce_sum3A_106 = arith.constant dense<0.000000e+00> : vector<4096xf32>
    %reduce_sum3A_107 = vector.multi_reduction <add>, %mul3A_105, %reduce_sum3A_106 [1] : vector<4096x8xf32> to vector<4096xf32>
    %broadcast_in_dim3A_108 = vector.shape_cast %reduce_sum3A_107 : vector<4096xf32> to vector<4096x1xf32>
    %eq3A_109 = arith.constant 0 : i32
    %eq3A_110 = vector.broadcast %eq3A_109 : i32 to vector<4096x8xi32>
    %eq3A_111 = arith.cmpi eq, %iota3A, %eq3A_110 : vector<4096x8xi32>
    %convert_element_type3A_112 = arith.fptosi %broadcast_in_dim3A_101 : vector<4096x1xf32> to vector<4096x1xi32>
    %eq3A_113 = arith.constant 1 : i32
    %eq3A_114 = vector.broadcast %eq3A_113 : i32 to vector<4096x8xi32>
    %eq3A_115 = arith.cmpi eq, %iota3A, %eq3A_114 : vector<4096x8xi32>
    %convert_element_type3A_116 = arith.fptosi %broadcast_in_dim3A_108 : vector<4096x1xf32> to vector<4096x1xi32>
    %jit3A_117 = arith.constant 0 : i32
    %broadcast_in_dim3A_118 = vector.shape_cast %convert_element_type3A_116 : vector<4096x1xi32> to vector<4096x1xi32>
    %broadcast_in_dim3A_119 = vector.broadcast %broadcast_in_dim3A_118 : vector<4096x1xi32> to vector<4096x8xi32>
    %broadcast_in_dim3A_120 = vector.broadcast %jit3A_117 : i32 to vector<4096x8xi32>
    %select_n3A_121 = arith.select %eq3A_115, %broadcast_in_dim3A_119, %broadcast_in_dim3A_120 : vector<4096x8xi1>, vector<4096x8xi32>
    %broadcast_in_dim3A_122 = vector.shape_cast %convert_element_type3A_112 : vector<4096x1xi32> to vector<4096x1xi32>
    %broadcast_in_dim3A_123 = vector.broadcast %broadcast_in_dim3A_122 : vector<4096x1xi32> to vector<4096x8xi32>
    %select_n3A_124 = arith.select %eq3A_111, %broadcast_in_dim3A_123, %select_n3A_121 : vector<4096x8xi1>, vector<4096x8xi32>
    %swap3A_125 = arith.constant 0 : index
    %swap3A_126 = arith.constant 0 : index
    %swap3A_127 = vector.load %arg3[%swap3A_125, %swap3A_126] : memref<4096x8xi32, #tpu.memory_space<vmem>>, vector<4096x8xi32>
    tpu.vector_store %arg3[%swap3A_125, %swap3A_126], %select_n3A_124 {strides = array<i32>} : memref<4096x8xi32, #tpu.memory_space<vmem>>, vector<4096x8xi32>,
    %broadcast_in_dim3A_128 = vector.shape_cast %div3A_44 : vector<4096x1xf32> to vector<4096x1xf32>
    %broadcast_in_dim3A_129 = vector.broadcast %broadcast_in_dim3A_128 : vector<4096x1xf32> to vector<4096x16xf32>
    %swap3A_130 = arith.constant 0 : index
    %swap3A_131 = arith.constant 0 : index
    %swap3A_132 = vector.load %arg4[%swap3A_130, %swap3A_131] : memref<8192x16xf32, #tpu.memory_space<vmem>>, vector<4096x16xf32>
    tpu.vector_store %arg4[%swap3A_130, %swap3A_131], %broadcast_in_dim3A_129 {strides = array<i32>} : memref<8192x16xf32, #tpu.memory_space<vmem>>, vector<4096x16xf32>,
    %broadcast_in_dim3A_133 = vector.shape_cast %div3A_45 : vector<4096x1xf32> to vector<4096x1xf32>
    %broadcast_in_dim3A_134 = vector.broadcast %broadcast_in_dim3A_133 : vector<4096x1xf32> to vector<4096x16xf32>
    %swap3A_135 = arith.constant 4096 : index
    %swap3A_136 = arith.constant 0 : index
    %swap3A_137 = vector.load %arg4[%swap3A_135, %swap3A_136] : memref<8192x16xf32, #tpu.memory_space<vmem>>, vector<4096x16xf32>
    tpu.vector_store %arg4[%swap3A_135, %swap3A_136], %broadcast_in_dim3A_134 {strides = array<i32>} : memref<8192x16xf32, #tpu.memory_space<vmem>>, vector<4096x16xf32>,
    %le3A = arith.cmpi sle, %iota3A_77, %iota3A_78 : vector<8x8xi32>
    %jit3A_138 = arith.constant 0 : i32
    %broadcast_in_dim3A_139 = vector.shape_cast %reshape3A : vector<8x1xi32> to vector<8x1xi32>
    %broadcast_in_dim3A_140 = vector.broadcast %broadcast_in_dim3A_139 : vector<8x1xi32> to vector<8x8xi32>
    %broadcast_in_dim3A_141 = vector.broadcast %jit3A_138 : i32 to vector<8x8xi32>
    %select_n3A_142 = arith.select %le3A, %broadcast_in_dim3A_140, %broadcast_in_dim3A_141 : vector<8x8xi1>, vector<8x8xi32>
    %reduce_sum3A_143 = arith.constant dense<0> : vector<8xi32>
    %reduce_sum3A_144 = vector.multi_reduction <add>, %select_n3A_142, %reduce_sum3A_143 [0] : vector<8x8xi32> to vector<8xi32>
    %broadcast_in_dim3A_145 = vector.shape_cast %reduce_sum3A_144 : vector<8xi32> to vector<1x8xi32>
    %reduce_max3A_146 = arith.constant dense<-2147483648> : vector<1xi32>
    %reduce_max3A_147 = vector.multi_reduction <maxsi>, %broadcast_in_dim3A_145, %reduce_max3A_146 [1] : vector<1x8xi32> to vector<1xi32>
    %broadcast_in_dim3A_148 = vector.shape_cast %reduce_max3A_147 : vector<1xi32> to vector<1x1xi32>
    %iota3A_149 = tpu.iota {dimensions = array<i32: 1>} : vector<1x32xi32>
    %reshape3A_150 = vector.shape_cast %broadcast_in_dim3A_145 : vector<1x8xi32> to vector<8x1xi32>
    %ge3A = vector.broadcast %iota3A_149 : vector<1x32xi32> to vector<8x32xi32>
    %ge3A_151 = vector.broadcast %reshape3A_150 : vector<8x1xi32> to vector<8x32xi32>
    %ge3A_152 = arith.cmpi sge, %ge3A, %ge3A_151 : vector<8x32xi32>
    %convert_element_type3A_153 = arith.extui %ge3A_152 : vector<8x32xi1> to vector<8x32xi32>
    %reduce_sum3A_154 = arith.constant dense<0> : vector<32xi32>
    %reduce_sum3A_155 = vector.multi_reduction <add>, %convert_element_type3A_153, %reduce_sum3A_154 [0] : vector<8x32xi32> to vector<32xi32>
    %broadcast_in_dim3A_156 = vector.shape_cast %reduce_sum3A_155 : vector<32xi32> to vector<1x32xi32>
    %min3A = arith.constant 7 : i32
    %min3A_157 = vector.broadcast %min3A : i32 to vector<1x32xi32>
    %min3A_158 = arith.minsi %broadcast_in_dim3A_156, %min3A_157 : vector<1x32xi32>
    %lt3A_159 = vector.broadcast %broadcast_in_dim3A_148 : vector<1x1xi32> to vector<1x32xi32>
    %lt3A_160 = arith.cmpi slt, %iota3A_149, %lt3A_159 : vector<1x32xi32>
    %convert_element_type3A_161 = arith.extui %lt3A_160 : vector<1x32xi1> to vector<1x32xi32>
    %eq3A_162 = arith.constant 1 : i32
    %eq3A_163 = vector.broadcast %eq3A_162 : i32 to vector<1x32xi32>
    %eq3A_164 = arith.cmpi eq, %convert_element_type3A_161, %eq3A_163 : vector<1x32xi32>
    %sub3A_165 = arith.constant 1 : i32
    %sub3A_166 = vector.broadcast %sub3A_165 : i32 to vector<1x1xi32>
    %sub3A_167 = arith.subi %broadcast_in_dim3A_148, %sub3A_166 : vector<1x1xi32>
    %broadcast_in_dim3A_168 = vector.shape_cast %sub3A_167 : vector<1x1xi32> to vector<1x1xi32>
    %broadcast_in_dim3A_169 = vector.broadcast %broadcast_in_dim3A_168 : vector<1x1xi32> to vector<1x32xi32>
    %select_n3A_170 = arith.select %eq3A_164, %iota3A_149, %broadcast_in_dim3A_169 : vector<1x32xi1>, vector<1x32xi32>
    %broadcast_in_dim3A_171 = arith.constant 0 : i32
    %broadcast_in_dim3A_172 = vector.broadcast %broadcast_in_dim3A_171 : i32 to vector<1x32xi32>
    %concatenate3A = tpu.concatenate %min3A_158, %select_n3A_170, %convert_element_type3A_161, %broadcast_in_dim3A_172 in 0 : vector<1x32xi32>, vector<1x32xi32>, vector<1x32xi32>, vector<1x32xi32> -> vector<4x32xi32>
    %swap3A_173 = arith.constant 0 : index
    %swap3A_174 = arith.constant 0 : index
    %swap3A_175 = vector.load %arg5[%swap3A_173, %swap3A_174] : memref<4x32xi32, #tpu.memory_space<vmem>>, vector<4x32xi32>
    tpu.vector_store %arg5[%swap3A_173, %swap3A_174], %concatenate3A {strides = array<i32>} : memref<4x32xi32, #tpu.memory_space<vmem>>, vector<4x32xi32>,
    return
  }
}

</mosaic_0001>

<sc_bundles>
// kernel: kernel.6.cloned.1.call-start
scs
__scs_entry_jumppad:
0x0: {  	(pc) =	sbr.rel $0x88, $3  }
0x1: {  	(tag) =	ssettag $0x0;
	lr =	simm.s32 $0x1  }
0x2: {  	[smem:$0x3F9A] =	sst lr;
	_ =	strace $0xD0000000  }
0x3: {  	_ = 	snop  }
0x4: {  	_ = 	snop  }
0x5: {  	_ = 	snop  }
0x6: {  	_ = 	snop  }
0x7: {  	_ = 	snop  }
__scs_overlays_trampoline_lowered:
0x8: {  	[smem:$0x3FA9] =	sst s0  }
0x9: {  	[smem:$0x3FAA] =	sst s1  }
0xa: {  	[smem:$0x3FAB] =	sst s2  }
0xb: {  	[smem:$0x3FAC] =	sst s3  }
0xc: {  	[smem:$0x3FAD] =	sst s4  }
0xd: {  	[smem:$0x3FAE] =	sst s5  }
0xe: {  	[smem:$0x3FAF] =	sst s6  }
0xf: {  	[smem:$0x3FB0] =	sst s7  }
0x10: {  	[smem:$0x3FB1] =	sst s8  }
0x11: {  	[smem:$0x3FB2] =	sst s9;
	s0 =	simm.s32 @!p0 $0x0  }
0x12: {  	s1 =	sld [smem:$0x3F98];
	s0 =	simm.s32 @p0 $0x1  }
0x13: {  	[smem:$0x3FB3] =	sst s0;
	s0 =	simm.s32 @!p1 $0x0  }
0x14: {  	s2 =	sld [smem:$0x3F97];
	s0 =	simm.s32 @p1 $0x1  }
0x15: {  	[smem:$0x3FB4] =	sst s0;
	s0 =	simm.s32 @!p2 $0x0  }
0x16: {  	s3 =	sld [smem:$0x3FDB];
	s0 =	simm.s32 @p2 $0x1  }
0x17: {  	s4 =	simm.s32 $0x1BF5;
	[smem:$0x3FB6] =	sst s0  }
0x18: {  	s0 =	sld [smem:$0x3F99];
	_ =	swait.ge [sflag:s4], $0x0  }
0x19: {  	s7 =	sld [smem:$0x3F9A]  }
0x1a: {  	s8 =	sadd.s32 $0xFFFFE003, lr  }
0x1b: {  	s9 =	sadd.s32 $0xFFFFFEF7, lr;
	s5 =	simm.s32 $0xFFFFFFFF;
	p2 =	slt.u32 s8, $0xFFFFF086  }
0x1c: {  	p1 =	slt.u32 s9, $0xF7A;
	s5 =	simm.s32 @!p2 $0x0  }
0x1d: {  	s5 =	simm.s32 @p1 $0x1;
	p0 =	seq.s32 s7, s2  }
0x1e: {  	s7 =	smul.u32 @!p0 $0xF7A, s2;
	p2 =	seq.s32 @!p0 s5, $0x0  }
0x1f: {  	s9 =	smul.u32 $0xF7A, s1;
	s8 =	simm.s32 @!p0 $0x1BF5;
	p2 =	por !p2, p0  }
0x20: {  	[sflag:s8] =	ssyncset.s32 @!p0 $0xFFFFF086;
	s6 =	sadd.s32 @!p0 s3, s7;
	s7 =	simm.s32 @!p0 $0x108  }
0x21: {  	s3 =	sadd.s32 s3, s9;
	s6 =	sadd.s32 @!p0 $0x88, s6;
	s7 =	simm.s32 @p2 $0x1082  }
0x22: {  	[simem:s7], [sflag:s8] =	dma.local @!p0 [hbm:s6], $0xF7A  }
0x23: {  	s9 =	sor.u32 $0xD0000000, s2;
	s6 =	simm.s32 $0x108;
	_ =	swait.ge @!p0 [sflag:s8], $0x0  }
0x24: {  	s3 =	sadd.s32 $0x88, s3;
	s6 =	simm.s32 @!p1 $0x1082;
	[sflag:s4] =	ssyncset.s32 $0xFFFFF086  }
0x25: {  	[simem:s6], [sflag:s4] =	dma.local [hbm:s3], $0xF7A  }
0x26: {  	[smem:$0x3F9A] =	sst s1;
	(tag) =	ssettag s2;
	_ =	strace s9  }
0x27: {  	s1 =	sld [smem:$0x3FAA]  }
0x28: {  	s2 =	sld [smem:$0x3FAB]  }
0x29: {  	s4 =	sld [smem:$0x3FAD]  }
0x2a: {  	p0 =	seq.s32 s5, $0x0;
	s5 =	sld [smem:$0x3FAE]  }
0x2b: {  	s6 =	sld [smem:$0x3FAF]  }
0x2c: {  	s7 =	sld [smem:$0x3FB0]  }
0x2d: {  	s3 =	simm.s32 $0x108;
	s8 =	sld [smem:$0x3FB1]  }
0x2e: {  	s3 =	simm.s32 @!p0 $0x1082;
	s9 =	sld [smem:$0x3FB2]  }
0x2f: {  	lr =	sadd.s32 s0, s3;
	s0 =	sld [smem:$0x3FA9]  }
0x30: {  	s3 =	sld [smem:$0x3FAC]  }
0x31: {  	[smem:$0x3FB5] =	sst s10  }
0x32: {  	s10 =	sld [smem:$0x3FB3];
	_ =	sdelay $0x3  }
0x33: {  	p0 =	seq.s32 s10, $0x1;
	s10 =	sld [smem:$0x3FB5];
	_ =	sdelay $0x3  }
0x34: {  	[smem:$0x3FB5] =	sst s10  }
0x35: {  	s10 =	sld [smem:$0x3FB4];
	_ =	sdelay $0x3  }
0x36: {  	p1 =	seq.s32 s10, $0x1;
	s10 =	sld [smem:$0x3FB5];
	_ =	sdelay $0x3  }
0x37: {  	[smem:$0x3FB5] =	sst s10  }
0x38: {  	s10 =	sld [smem:$0x3FB6]  }
0x39: {  	_ = 	snop;
	(pc) =	sbr.ind lr, $3  }
0x3a: {  	_ = 	snop  }
0x3b: {  	_ = 	snop  }
0x3c: {  	p2 =	seq.s32 s10, $0x1;
	s10 =	sld [smem:$0x3FB5]  }
0x3d: {  	_ =	shalt  }
0x3e: {  	_ =	shalt  }
0x3f: {  	_ =	shalt  }
0x40: {  	_ =	shalt  }
0x41: {  	_ =	shalt  }
0x42: {  	_ =	shalt  }
0x43: {  	_ =	shalt  }
0x44: {  	_ =	shalt  }
0x45: {  	_ =	shalt  }
0x46: {  	_ =	shalt  }
0x47: {  	_ =	shalt  }
0x48: {  	_ =	shalt  }
0x49: {  	_ =	shalt  }
0x4a: {  	_ =	shalt  }
0x4b: {  	_ =	shalt  }
0x4c: {  	_ =	shalt  }
0x4d: {  	_ =	shalt  }
0x4e: {  	_ =	shalt  }
0x4f: {  	_ =	shalt  }
0x50: {  	_ =	shalt  }
0x51: {  	_ =	shalt  }
0x52: {  	_ =	shalt  }
0x53: {  	_ =	shalt  }
0x54: {  	_ =	shalt  }
0x55: {  	_ =	shalt  }
0x56: {  	_ =	shalt  }
0x57: {  	_ =	shalt  }
0x58: {  	_ =	shalt  }
0x59: {  	_ =	shalt  }
0x5a: {  	_ =	shalt  }
0x5b: {  	_ =	shalt  }
0x5c: {  	_ =	shalt  }
0x5d: {  	_ =	shalt  }
0x5e: {  	_ =	shalt  }
0x5f: {  	_ =	shalt  }
0x60: {  	_ =	shalt  }
0x61: {  	_ =	shalt  }
0x62: {  	_ =	shalt  }
0x63: {  	_ =	shalt  }
0x64: {  	_ =	shalt  }
0x65: {  	_ =	shalt  }
0x66: {  	_ =	shalt  }
0x67: {  	_ =	shalt  }
0x68: {  	_ =	shalt  }
0x69: {  	_ =	shalt  }
0x6a: {  	_ =	shalt  }
0x6b: {  	_ =	shalt  }
0x6c: {  	_ =	shalt  }
0x6d: {  	_ =	shalt  }
0x6e: {  	_ =	shalt  }
0x6f: {  	_ =	shalt  }
0x70: {  	_ =	shalt  }
0x71: {  	_ =	shalt  }
0x72: {  	_ =	shalt  }
0x73: {  	_ =	shalt  }
0x74: {  	_ =	shalt  }
0x75: {  	_ =	shalt  }
0x76: {  	_ =	shalt  }
0x77: {  	_ =	shalt  }
0x78: {  	_ =	shalt  }
0x79: {  	_ =	shalt  }
0x7a: {  	_ =	shalt  }
0x7b: {  	_ =	shalt  }
0x7c: {  	_ =	shalt  }
0x7d: {  	_ =	shalt  }
0x7e: {  	_ =	shalt  }
0x7f: {  	_ =	shalt  }
0x80: {  	_ =	shalt  }
0x81: {  	_ =	shalt  }
0x82: {  	_ =	shalt  }
0x83: {  	_ =	shalt  }
0x84: {  	_ =	shalt  }
0x85: {  	_ =	shalt  }
0x86: {  	_ =	shalt  }
0x87: {  	_ =	shalt  }
.Lfunc_end0:
.L_simem_size_0:
called_computation_lowered:
.L_overlay_start_0:
0x88: {  	s2 =	sld [smem:$0x3FD9]  }
0x89: {  	s3 =	sld [smem:$0x3FFE];
	_ =	sdelay $0x1  }
0x8a: {  	s1 =	srdreg.scid  }
0x8b: {  	s0 =	sand.u32 $0x1, s1  }
0x8c: {  	s17 =	sshll.u32 s0, $0xA;
	s2 =	sadd.s32 s3, s2  }
0x8d: {  	s2 =	sadd.s32 s2, s17  }
0x8e: {  	[smem:$0x3FC1] =	sst s2  }
0x8f: {  	_ = 	snop  }
0x90: {  	s2 =	sld [smem:$0x3FC9]  }
0x91: {  	s18 =	sld [smem:$0x3FD0];
	(tm) =	ssettm $0x1  }
0x92: {  	s4 =	sld [smem:$0x3FFB];
	_ =	sdelay $0x3  }
0x93: {  	_ =	strace s4  }
0x94: {  	s4 =	sld [smem:$0x3FFC];
	_ =	sdelay $0x3  }
0x95: {  	_ =	strace s4  }
0x96: {  	s4 =	sld [smem:$0x3FFD];
	_ =	sdelay $0x3  }
0x97: {  	_ =	strace s4  }
0x98: {  	_ =	strace $0x8FFFFFFF  }
0x99: {  	s19 =	sld [smem:$0x3FDB];
	_ =	sdelay $0x1  }
0x9a: {  	s5 =	simm.s32 $_scs_section_size  }
0x9b: {  	s6 =	simm.s32 $_size__tile_overlayer_lowered;
	s7 =	simm.s32 $_tile_overlayer_lowered  }
0x9c: {  	s22 =	simm.s32 $0x1BFF;
	s21 =	sshll.u32 s7, $0x1;
	s4 =	sadd.s32 s5, s19  }
0x9d: {  	s8 =	simm.s32 $0x0;
	s20 =	sshll.u32 s6, $0x1;
	s6 =	sadd.s32 s21, s4  }
0x9e: {  	[timem:s8], [sflag:s22] =	dma.local [hbm:s6], s20  }
0x9f: {  	_ =	swait.ge [sflag:s22], s20  }
0xa0: {  	s5 =	ssub.s32 $0x0, s20;
	[sflag:s22] =	ssyncset.done $0x0  }
0xa1: {  	[sflag:s22] =	ssyncadd.s32 s5;
	_ =	sdelay $0x1  }
0xa2: {  	s23 =	simm.s32 $0x1B8B  }
0xa3: {  	_ =	swait.ge [sflag:s23], $0x1  }
0xa4: {  	[sflag:s23] =	ssyncset.done $0x0  }
0xa5: {  	s25 =	simm.s32 $0x1B8E;
	s24 =	sld [smem:$0x3FFE];
	[sflag:s23] =	ssyncadd.s32 $0xFFFFFFFF  }
0xa6: {  	s26 =	simm.s32 $execute0_lowered;
	[smem:$0x3FD2] =	sst s25  }
0xa7: {  	s6 =	sshll.u32 s26, $0x1;
	_ =	strace $0x80000046;
	[dreg:$0x1] =	wrdreg $0xFFFFFFFF  }
0xa8: {  	s28 =	simm.s32 $_size_execute0_lowered;
	s4 =	sadd.s32 s4, s6;
	[dreg:$0x0] =	wrdreg $0x0  }
0xa9: {  	s6 =	sshll.u32 s28, $0x1;
	[dreg:$0x2] =	wrdreg s4  }
0xaa: {  	[dreg:$0x3] =	wrdreg s6  }
0xab: {  	[dreg:$0x4] =	wrdreg $0xC0  }
0xac: {  	_ =	task [dreg:s8], $0x5FFFF  }
0xad: {  	[dreg:$0x1] =	wrdreg $0xFFFFFFFF  }
0xae: {  	[dreg:$0x0] =	wrdreg $0x60  }
0xaf: {  	[dreg:$0x2] =	wrdreg s2  }
0xb0: {  	[dreg:$0x3] =	wrdreg s18  }
0xb1: {  	[dreg:$0x4] =	wrdreg s24  }
0xb2: {  	[dreg:$0x5] =	wrdreg $0x9  }
0xb3: {  	_ =	task.clear_ibuf [dreg:s8], $0x6FFFF;
	_ =	strace $0x90000046  }
0xb4: {  	s29 =	simm.s32 $0x9;
	_ =	strace $0x80000048  }
0xb5: {  	_ =	swait.ge [sflag:s29], $0x1  }
0xb6: {  	[sflag:s29] =	ssyncadd.s32 $0xFFFFFFFF  }
0xb7: {  	_ =	strace $0x90000048  }
0xb8: {  	_ =	sfence  }
0xb9: {  	s30 =	sld [smem:$0x0];
	_ =	sdelay $0x2  }
0xba: {  	s31 =	sshll.u32 s1, $0xD;
	s1 =	sshrl.u32 s1, $0x2  }
0xbb: {  	s3 =	sand.u32 $0x4000, s31;
	s1 =	sadd.s32 s1, s30  }
0xbc: {  	s0 =	sor.u32 s3, s0;
	s1 =	sshll.u32 s1, $0x11  }
0xbd: {  	s0 =	sor.u32 s1, s0  }
0xbe: {  	s0 =	sadd.s32 $0x8F2B, s0  }
0xbf: {  	[sflag:s0] =	ssyncadd.remote.s32 $0x1  }
0xc0: {  	_ =	sfence.sel $0xFFFF  }
0xc1: {  	[dreg:$0x0] =	wrdreg $0xFFFFFFFF;
	(pc) =	sbr.abs _section_cstart, $3  }
0xc2: {  	[dreg:$0x1] =	wrdreg $0xFFFFFFFF  }
0xc3: {  	_ =	task.clear_ibuf [dreg:s8], $0x2FFFF;
	_ =	strace $0x9FFFFFFF  }
0xc4: {  	(tm) =	ssettm $0x7FFFFFFF  }
0xc5: {  	_ =	shalt  }
tec
execute0_lowered:
.L_overlay_start_1:
0x0: {  	(tag) =	ssettag $0x1  }
0x1: {  	s0 =	rddreg [dreg:$0x0]  }
0x2: {  	s1 =	rddreg [dreg:$0x1]  }
0x3: {  	s5 =	rddreg [dreg:$0x2];
	s3 =	srdreg.scid  }
0x4: {  	s2 =	simm.s32 $0x0;
	s6 =	stileid.u32;
	s24 =	simm.s32 $0x80  }
0x5: {  	s25 =	simm.s32 $0x100;
	s26 =	simm.s32 $0x180;
	s12 =	simm.s32 $0x2  }
0x6: {  	s11 =	simm.s32 $0xDA00;
	s13 =	simm.s32 $0xE200;
	s14 =	simm.s32 $0xEA00  }
0x7: {  	s28 =	simm.s32 $0x14A00;
	s29 =	simm.s32 $0x15200;
	s30 =	simm.s32 $0x15A00  }
0x8: {  	s31 =	simm.s32 $0x16200;
	s4 =	sand.u32 $0x1, s3;
	[smem:$0x7FF] =	sst s2  }
0x9: {  	s6 =	sshll.u32 s6, $0x6;
	_ =	strace $0x80000047;
	[dreg:$0xc] =	wrdreg s24  }
0xa: {  	s3 =	sadd.s32 $0x21400, s5;
	s7 =	sshll.u32 s4, $0x5;
	[dreg:$0xd] =	wrdreg s25  }
0xb: {  	s4 =	ssub.s32 $0x2, s4;
	[dreg:$0xe] =	wrdreg s26;
	s24 =	simm.s32 $0x13200  }
0xc: {  	s25 =	simm.s32 $0x13A00;
	s26 =	simm.s32 $0x14200;
	s6 =	sor.u32 s7, s6  }
0xd: {  	s10 =	sshrl.u32 s4, $0x1;
	s7 =	sadd.s32 s1, s6;
	s8 =	sor.u32 $0x8, s6  }
0xe: {  	s9 =	sor.u32 $0x10, s6;
	s18 =	sor.u32 $0x18, s6;
	s6 =	sand.u32 $0x1E0, s6  }
0xf: {  	s22 =	ssub.s32 s4, s10;
	s4 =	sadd.s32 $0x21500, s5;
	s5 =	sadd.s32 $0x21600, s5  }
0x10: {  	s10 =	simm.s32 $0x1;
	[dreg:$0x4] =	wrdreg s7;
	s16 =	sadd.s32 s1, s8  }
0x11: {  	s17 =	sadd.s32 s1, s9;
	s1 =	sadd.s32 s1, s18;
	s6 =	smul.u32 $0x300, s6  }
0x12: {  	s8 =	sand.u32 $0x1E8, s8;
	s20 =	sand.u32 $0x1F0, s9;
	[dreg:$0x5] =	wrdreg s16  }
0x13: {  	s7 =	sand.u32 $0x1F8, s18;
	[dreg:$0x6] =	wrdreg s17;
	s19 =	smul.u32 $0x300, s8  }
0x14: {  	s18 =	simm.s32 $0x10200;
	[dreg:$0x7] =	wrdreg s1;
	s8 =	smul.u32 $0x300, s20  }
0x15: {  	s21 =	smul.u32 $0x300, s7;
	s7 =	simm.s32 $0x3;
	s6 =	sadd.s32 s0, s6  }
0x16: {  	s17 =	simm.s32 $0xFA00;
	s20 =	simm.s32 $0x11200;
	[dreg:$0x8] =	wrdreg s6  }
0x17: {  	s1 =	sadd.s32 s0, s19;
	s23 =	sadd.s32 s0, s8;
	s0 =	sadd.s32 s0, s21  }
0x18: {  	v2 =	vlaneseq.u32;
	s6 =	smax.u32 s22, $0x1;
	s8 =	simm.s32 $0xD200;
	[dreg:$0x9] =	wrdreg s1  }
0x19: {  	vm0 =	vmmov $0xffff;
	v1 =	vshrl.u32 v2, $0x3;
	s19 =	simm.s32 $0x10A00;
	s21 =	simm.s32 $0x11A00;
	[dreg:$0xa] =	wrdreg s23  }
0x1a: {  	v0 =	vand.u32 $0x7, v2;
	v2 =	vor.u32 $0x8, v2;
	v1 =	vmul.u32 $0x8, v1;
	s22 =	simm.s32 $0x12200;
	[dreg:$0xb] =	wrdreg s0;
	s23 =	simm.s32 $0x12A00  }
.LBB2_1:
0x1b: {  	s15 =	rddreg [dreg:$0x4]  }
0x1c: {  	[tilespmem:s2], [sflag:$0x3] =	stream.linear.gather [hbm4b:s15+s2], $0x40, $0x38;
	[tilespmem:$0x18200] =	vst v63  }
0x1d: {  	_ =	swait.ge [sflag:s7], $0x40  }
0x1e: {  	s9 =	rddreg [dreg:$0x5];
	[sflag:s7] =	ssyncset.done $0x0  }
0x1f: {  	s16 =	rddreg [dreg:$0xc];
	[sflag:s7] =	ssyncadd.s32 $0xFFFFFFC0  }
0x20: {  	[tilespmem:s16], [sflag:$0x3] =	stream.linear.gather [hbm4b:s9+s2], $0x40, $0x38;
	[tilespmem:$0x18200] =	vst v63  }
0x21: {  	_ =	swait.ge [sflag:s7], $0x40  }
0x22: {  	s16 =	rddreg [dreg:$0x6];
	[sflag:s7] =	ssyncset.done $0x0  }
0x23: {  	s0 =	rddreg [dreg:$0xd];
	[sflag:s7] =	ssyncadd.s32 $0xFFFFFFC0  }
0x24: {  	[tilespmem:s0], [sflag:$0x3] =	stream.linear.gather [hbm4b:s16+s2], $0x40, $0x38;
	[tilespmem:$0x18200] =	vst v63  }
0x25: {  	_ =	swait.ge [sflag:s7], $0x40  }
0x26: {  	s1 =	rddreg [dreg:$0x7];
	[sflag:s7] =	ssyncset.done $0x0  }
0x27: {  	s9 =	rddreg [dreg:$0xe];
	[sflag:s7] =	ssyncadd.s32 $0xFFFFFFC0  }
0x28: {  	[tilespmem:s9], [sflag:$0x3] =	stream.linear.gather [hbm4b:s1+s2], $0x40, $0x38;
	[tilespmem:$0x18200] =	vst v63  }
0x29: {  	_ =	swait.ge [sflag:s7], $0x40  }
0x2a: {  	[sflag:s7] =	ssyncset.done $0x0  }
0x2b: {  	s9 =	simm.s32 $0x200;
	s0 =	rddreg [dreg:$0x8];
	[sflag:s7] =	ssyncadd.s32 $0xFFFFFFC0  }
0x2c: {  	[tilespmem:s9], [sflag:$0x1] =	stream.linear.gather [hbm4b:s0+s2], $0xC000, $0x38;
	[tilespmem:$0x18200] =	vst v63  }
0x2d: {  	s1 =	rddreg [dreg:$0x9];
	s0 =	simm.s32 $0xC200  }
0x2e: {  	[tilespmem:s0], [sflag:$0x1] =	stream.linear.gather [hbm4b:s1+s2], $0xC000, $0x38;
	[tilespmem:$0x18200] =	vst v63  }
0x2f: {  	_ =	swait.ge [sflag:s10], $0xC000  }
0x30: {  	[sflag:s10] =	ssyncset.done $0x0  }
0x31: {  	[sflag:s10] =	ssyncadd.s32 $0xFFFF4000  }
0x32: {  	v3 =	vld [tilespmem:$0x0];
	_ =	sdelay $0x4  }
0x33: {  	v4 =	vshrl.u32 v3, $0x3  }
0x34: {  	v4 =	vmul.u32 $0x30, v4  }
0x35: {  	v3 =	vand.u32 $0x7, v3  }
0x36: {  	v3 =	vor.u32 v3, v4  }
0x37: {  	v4 =	vperm.xlane v3, v0;
	_ =	sdelay $0x1  }
0x38: {  	v4 =	vadd.s32 v1, v4;
	_ =	sdelay $0x3  }
0x39: {  	v3 =	vperm.xlane v3, v2  }
0x3a: {  	[hbm4b:s3+s2] =	stream.indirect_vreg.scatter [tilespmem:s9], [sflag:$0x2], $0x80, v4, vm0, $0xb8;
	[tilespmem:$0x18200] =	vst v63  }
0x3b: {  	s1 =	simm.s32 $0xA00;
	v3 =	vadd.s32 v1, v3  }
0x3c: {  	[hbm4b:s4+s2] =	stream.indirect_vreg.scatter [tilespmem:s1], [sflag:$0x2], $0x80, v4, vm0, $0xb8;
	[tilespmem:$0x18200] =	vst v63  }
0x3d: {  	s15 =	simm.s32 $0x1200  }
0x3e: {  	[hbm4b:s5+s2] =	stream.indirect_vreg.scatter [tilespmem:s15], [sflag:$0x2], $0x80, v4, vm0, $0xb8;
	[tilespmem:$0x18200] =	vst v63  }
0x3f: {  	s16 =	simm.s32 $0x1A00  }
0x40: {  	[hbm4b:s3+s2] =	stream.indirect_vreg.scatter [tilespmem:s16], [sflag:$0x2], $0x80, v3, vm0, $0xb8;
	[tilespmem:$0x18200] =	vst v63  }
0x41: {  	s15 =	simm.s32 $0x2200  }
0x42: {  	[hbm4b:s4+s2] =	stream.indirect_vreg.scatter [tilespmem:s15], [sflag:$0x2], $0x80, v3, vm0, $0xb8;
	[tilespmem:$0x18200] =	vst v63  }
0x43: {  	s16 =	simm.s32 $0x2A00  }
0x44: {  	[hbm4b:s5+s2] =	stream.indirect_vreg.scatter [tilespmem:s16], [sflag:$0x2], $0x80, v3, vm0, $0xb8;
	[tilespmem:$0x18200] =	vst v63  }
0x45: {  	v3 =	vld [tilespmem:$0x10];
	_ =	sdelay $0x4  }
0x46: {  	v49 =	vshrl.u32 v3, $0x3  }
0x47: {  	v4 =	vmul.u32 $0x30, v49  }
0x48: {  	v3 =	vand.u32 $0x7, v3  }
0x49: {  	v3 =	vor.u32 v3, v4  }
0x4a: {  	v4 =	vperm.xlane v3, v0;
	_ =	sdelay $0x1  }
0x4b: {  	v4 =	vadd.s32 v1, v4;
	_ =	sdelay $0x3  }
0x4c: {  	s15 =	simm.s32 $0x3200;
	v3 =	vperm.xlane v3, v2  }
0x4d: {  	[hbm4b:s3+s2] =	stream.indirect_vreg.scatter [tilespmem:s15], [sflag:$0x2], $0x80, v4, vm0, $0xb8;
	[tilespmem:$0x18200] =	vst v63  }
0x4e: {  	s16 =	simm.s32 $0x3A00;
	v3 =	vadd.s32 v1, v3  }
0x4f: {  	[hbm4b:s4+s2] =	stream.indirect_vreg.scatter [tilespmem:s16], [sflag:$0x2], $0x80, v4, vm0, $0xb8;
	[tilespmem:$0x18200] =	vst v63  }
0x50: {  	s15 =	simm.s32 $0x4200  }
0x51: {  	[hbm4b:s5+s2] =	stream.indirect_vreg.scatter [tilespmem:s15], [sflag:$0x2], $0x80, v4, vm0, $0xb8;
	[tilespmem:$0x18200] =	vst v63  }
0x52: {  	s16 =	simm.s32 $0x4A00  }
0x53: {  	[hbm4b:s3+s2] =	stream.indirect_vreg.scatter [tilespmem:s16], [sflag:$0x2], $0x80, v3, vm0, $0xb8;
	[tilespmem:$0x18200] =	vst v63  }
0x54: {  	s15 =	simm.s32 $0x5200  }
0x55: {  	[hbm4b:s4+s2] =	stream.indirect_vreg.scatter [tilespmem:s15], [sflag:$0x2], $0x80, v3, vm0, $0xb8;
	[tilespmem:$0x18200] =	vst v63  }
0x56: {  	s16 =	simm.s32 $0x5A00  }
0x57: {  	[hbm4b:s5+s2] =	stream.indirect_vreg.scatter [tilespmem:s16], [sflag:$0x2], $0x80, v3, vm0, $0xb8;
	[tilespmem:$0x18200] =	vst v63  }
0x58: {  	v3 =	vld [tilespmem:$0x20];
	_ =	sdelay $0x4  }
0x59: {  	v50 =	vshrl.u32 v3, $0x3  }
0x5a: {  	v4 =	vmul.u32 $0x30, v50  }
0x5b: {  	v3 =	vand.u32 $0x7, v3  }
0x5c: {  	v3 =	vor.u32 v3, v4  }
0x5d: {  	v4 =	vperm.xlane v3, v0;
	_ =	sdelay $0x1  }
0x5e: {  	v4 =	vadd.s32 v1, v4;
	_ =	sdelay $0x3  }
0x5f: {  	s15 =	simm.s32 $0x6200;
	v3 =	vperm.xlane v3, v2  }
0x60: {  	[hbm4b:s3+s2] =	stream.indirect_vreg.scatter [tilespmem:s15], [sflag:$0x2], $0x80, v4, vm0, $0xb8;
	[tilespmem:$0x18200] =	vst v63  }
0x61: {  	s16 =	simm.s32 $0x6A00;
	v3 =	vadd.s32 v1, v3  }
0x62: {  	[hbm4b:s4+s2] =	stream.indirect_vreg.scatter [tilespmem:s16], [sflag:$0x2], $0x80, v4, vm0, $0xb8;
	[tilespmem:$0x18200] =	vst v63  }
0x63: {  	s15 =	simm.s32 $0x7200  }
0x64: {  	[hbm4b:s5+s2] =	stream.indirect_vreg.scatter [tilespmem:s15], [sflag:$0x2], $0x80, v4, vm0, $0xb8;
	[tilespmem:$0x18200] =	vst v63  }
0x65: {  	s16 =	simm.s32 $0x7A00  }
0x66: {  	[hbm4b:s3+s2] =	stream.indirect_vreg.scatter [tilespmem:s16], [sflag:$0x2], $0x80, v3, vm0, $0xb8;
	[tilespmem:$0x18200] =	vst v63  }
0x67: {  	s15 =	simm.s32 $0x8200  }
0x68: {  	[hbm4b:s4+s2] =	stream.indirect_vreg.scatter [tilespmem:s15], [sflag:$0x2], $0x80, v3, vm0, $0xb8;
	[tilespmem:$0x18200] =	vst v63  }
0x69: {  	s16 =	simm.s32 $0x8A00  }
0x6a: {  	[hbm4b:s5+s2] =	stream.indirect_vreg.scatter [tilespmem:s16], [sflag:$0x2], $0x80, v3, vm0, $0xb8;
	[tilespmem:$0x18200] =	vst v63  }
0x6b: {  	v3 =	vld [tilespmem:$0x30];
	_ =	sdelay $0x4  }
0x6c: {  	v51 =	vshrl.u32 v3, $0x3  }
0x6d: {  	v4 =	vmul.u32 $0x30, v51  }
0x6e: {  	v3 =	vand.u32 $0x7, v3  }
0x6f: {  	v3 =	vor.u32 v3, v4  }
0x70: {  	v4 =	vperm.xlane v3, v0;
	_ =	sdelay $0x1  }
0x71: {  	v4 =	vadd.s32 v1, v4;
	_ =	sdelay $0x3  }
0x72: {  	s15 =	simm.s32 $0x9200;
	v3 =	vperm.xlane v3, v2  }
0x73: {  	[hbm4b:s3+s2] =	stream.indirect_vreg.scatter [tilespmem:s15], [sflag:$0x2], $0x80, v4, vm0, $0xb8;
	[tilespmem:$0x18200] =	vst v63  }
0x74: {  	s16 =	simm.s32 $0x9A00;
	v3 =	vadd.s32 v1, v3  }
0x75: {  	[hbm4b:s4+s2] =	stream.indirect_vreg.scatter [tilespmem:s16], [sflag:$0x2], $0x80, v4, vm0, $0xb8;
	[tilespmem:$0x18200] =	vst v63  }
0x76: {  	s15 =	simm.s32 $0xA200  }
0x77: {  	[hbm4b:s5+s2] =	stream.indirect_vreg.scatter [tilespmem:s15], [sflag:$0x2], $0x80, v4, vm0, $0xb8;
	[tilespmem:$0x18200] =	vst v63  }
0x78: {  	s16 =	simm.s32 $0xAA00  }
0x79: {  	[hbm4b:s3+s2] =	stream.indirect_vreg.scatter [tilespmem:s16], [sflag:$0x2], $0x80, v3, vm0, $0xb8;
	[tilespmem:$0x18200] =	vst v63  }
0x7a: {  	s15 =	simm.s32 $0xB200  }
0x7b: {  	[hbm4b:s4+s2] =	stream.indirect_vreg.scatter [tilespmem:s15], [sflag:$0x2], $0x80, v3, vm0, $0xb8;
	[tilespmem:$0x18200] =	vst v63  }
0x7c: {  	s16 =	simm.s32 $0xBA00  }
0x7d: {  	[hbm4b:s5+s2] =	stream.indirect_vreg.scatter [tilespmem:s16], [sflag:$0x2], $0x80, v3, vm0, $0xb8;
	[tilespmem:$0x18200] =	vst v63  }
0x7e: {  	_ =	swait.ge [sflag:s12], $0xC000  }
0x7f: {  	[sflag:s12] =	ssyncset.done $0x0  }
0x80: {  	s1 =	rddreg [dreg:$0xa];
	[sflag:s12] =	ssyncadd.s32 $0xFFFF4000  }
0x81: {  	[tilespmem:s9], [sflag:$0x1] =	stream.linear.gather [hbm4b:s1+s2], $0xC000, $0x38;
	[tilespmem:$0x18200] =	vst v63  }
0x82: {  	_ =	swait.ge [sflag:s10], $0xC000  }
0x83: {  	[sflag:s10] =	ssyncset.done $0x0  }
0x84: {  	[sflag:s10] =	ssyncadd.s32 $0xFFFF4000  }
0x85: {  	v3 =	vld [tilespmem:$0x80];
	_ =	sdelay $0x4  }
0x86: {  	v52 =	vshrl.u32 v3, $0x3  }
0x87: {  	v4 =	vmul.u32 $0x30, v52  }
0x88: {  	v3 =	vand.u32 $0x7, v3  }
0x89: {  	v3 =	vor.u32 v3, v4  }
0x8a: {  	v4 =	vperm.xlane v3, v0;
	_ =	sdelay $0x1  }
0x8b: {  	v4 =	vadd.s32 v1, v4;
	_ =	sdelay $0x3  }
0x8c: {  	v3 =	vperm.xlane v3, v2  }
0x8d: {  	[hbm4b:s3+s2] =	stream.indirect_vreg.scatter [tilespmem:s0], [sflag:$0x2], $0x80, v4, vm0, $0xb8;
	[tilespmem:$0x18200] =	vst v63  }
0x8e: {  	s1 =	simm.s32 $0xCA00;
	v3 =	vadd.s32 v1, v3  }
0x8f: {  	[hbm4b:s4+s2] =	stream.indirect_vreg.scatter [tilespmem:s1], [sflag:$0x2], $0x80, v4, vm0, $0xb8;
	[tilespmem:$0x18200] =	vst v63  }
0x90: {  	_ = 	snop  }
0x91: {  	[hbm4b:s5+s2] =	stream.indirect_vreg.scatter [tilespmem:s8], [sflag:$0x2], $0x80, v4, vm0, $0xb8;
	[tilespmem:$0x18200] =	vst v63  }
0x92: {  	_ = 	snop  }
0x93: {  	[hbm4b:s3+s2] =	stream.indirect_vreg.scatter [tilespmem:s11], [sflag:$0x2], $0x80, v3, vm0, $0xb8;
	[tilespmem:$0x18200] =	vst v63  }
0x94: {  	_ = 	snop  }
0x95: {  	[hbm4b:s4+s2] =	stream.indirect_vreg.scatter [tilespmem:s13], [sflag:$0x2], $0x80, v3, vm0, $0xb8;
	[tilespmem:$0x18200] =	vst v63  }
0x96: {  	_ = 	snop  }
0x97: {  	[hbm4b:s5+s2] =	stream.indirect_vreg.scatter [tilespmem:s14], [sflag:$0x2], $0x80, v3, vm0, $0xb8;
	[tilespmem:$0x18200] =	vst v63  }
0x98: {  	v3 =	vld [tilespmem:$0x90];
	_ =	sdelay $0x4  }
0x99: {  	v53 =	vshrl.u32 v3, $0x3  }
0x9a: {  	v4 =	vmul.u32 $0x30, v53  }
0x9b: {  	v3 =	vand.u32 $0x7, v3  }
0x9c: {  	v3 =	vor.u32 v3, v4  }
0x9d: {  	v4 =	vperm.xlane v3, v0;
	_ =	sdelay $0x1  }
0x9e: {  	v4 =	vadd.s32 v1, v4;
	_ =	sdelay $0x3  }
0x9f: {  	s16 =	simm.s32 $0xF200;
	v3 =	vperm.xlane v3, v2  }
0xa0: {  	[hbm4b:s3+s2] =	stream.indirect_vreg.scatter [tilespmem:s16], [sflag:$0x2], $0x80, v4, vm0, $0xb8;
	[tilespmem:$0x18200] =	vst v63  }
0xa1: {  	v3 =	vadd.s32 v1, v3  }
0xa2: {  	[hbm4b:s4+s2] =	stream.indirect_vreg.scatter [tilespmem:s17], [sflag:$0x2], $0x80, v4, vm0, $0xb8;
	[tilespmem:$0x18200] =	vst v63  }
0xa3: {  	_ = 	snop  }
0xa4: {  	[hbm4b:s5+s2] =	stream.indirect_vreg.scatter [tilespmem:s18], [sflag:$0x2], $0x80, v4, vm0, $0xb8;
	[tilespmem:$0x18200] =	vst v63  }
0xa5: {  	_ = 	snop  }
0xa6: {  	[hbm4b:s3+s2] =	stream.indirect_vreg.scatter [tilespmem:s19], [sflag:$0x2], $0x80, v3, vm0, $0xb8;
	[tilespmem:$0x18200] =	vst v63  }
0xa7: {  	_ = 	snop  }
0xa8: {  	[hbm4b:s4+s2] =	stream.indirect_vreg.scatter [tilespmem:s20], [sflag:$0x2], $0x80, v3, vm0, $0xb8;
	[tilespmem:$0x18200] =	vst v63  }
0xa9: {  	_ = 	snop  }
0xaa: {  	[hbm4b:s5+s2] =	stream.indirect_vreg.scatter [tilespmem:s21], [sflag:$0x2], $0x80, v3, vm0, $0xb8;
	[tilespmem:$0x18200] =	vst v63  }
0xab: {  	v3 =	vld [tilespmem:$0xA0];
	_ =	sdelay $0x4  }
0xac: {  	v54 =	vshrl.u32 v3, $0x3  }
0xad: {  	v4 =	vmul.u32 $0x30, v54  }
0xae: {  	v3 =	vand.u32 $0x7, v3  }
0xaf: {  	v3 =	vor.u32 v3, v4  }
0xb0: {  	v4 =	vperm.xlane v3, v0;
	_ =	sdelay $0x1  }
0xb1: {  	v4 =	vadd.s32 v1, v4;
	_ =	sdelay $0x3  }
0xb2: {  	v3 =	vperm.xlane v3, v2  }
0xb3: {  	[hbm4b:s3+s2] =	stream.indirect_vreg.scatter [tilespmem:s22], [sflag:$0x2], $0x80, v4, vm0, $0xb8;
	[tilespmem:$0x18200] =	vst v63  }
0xb4: {  	v3 =	vadd.s32 v1, v3  }
0xb5: {  	[hbm4b:s4+s2] =	stream.indirect_vreg.scatter [tilespmem:s23], [sflag:$0x2], $0x80, v4, vm0, $0xb8;
	[tilespmem:$0x18200] =	vst v63  }
0xb6: {  	_ = 	snop  }
0xb7: {  	[hbm4b:s5+s2] =	stream.indirect_vreg.scatter [tilespmem:s24], [sflag:$0x2], $0x80, v4, vm0, $0xb8;
	[tilespmem:$0x18200] =	vst v63  }
0xb8: {  	_ = 	snop  }
0xb9: {  	[hbm4b:s3+s2] =	stream.indirect_vreg.scatter [tilespmem:s25], [sflag:$0x2], $0x80, v3, vm0, $0xb8;
	[tilespmem:$0x18200] =	vst v63  }
0xba: {  	_ = 	snop  }
0xbb: {  	[hbm4b:s4+s2] =	stream.indirect_vreg.scatter [tilespmem:s26], [sflag:$0x2], $0x80, v3, vm0, $0xb8;
	[tilespmem:$0x18200] =	vst v63  }
0xbc: {  	_ = 	snop  }
0xbd: {  	[hbm4b:s5+s2] =	stream.indirect_vreg.scatter [tilespmem:s28], [sflag:$0x2], $0x80, v3, vm0, $0xb8;
	[tilespmem:$0x18200] =	vst v63  }
0xbe: {  	v3 =	vld [tilespmem:$0xB0];
	_ =	sdelay $0x4  }
0xbf: {  	v55 =	vshrl.u32 v3, $0x3  }
0xc0: {  	v4 =	vmul.u32 $0x30, v55  }
0xc1: {  	v3 =	vand.u32 $0x7, v3  }
0xc2: {  	v3 =	vor.u32 v3, v4  }
0xc3: {  	v4 =	vperm.xlane v3, v0;
	_ =	sdelay $0x1  }
0xc4: {  	v4 =	vadd.s32 v1, v4;
	_ =	sdelay $0x3  }
0xc5: {  	v3 =	vperm.xlane v3, v2  }
0xc6: {  	[hbm4b:s3+s2] =	stream.indirect_vreg.scatter [tilespmem:s29], [sflag:$0x2], $0x80, v4, vm0, $0xb8;
	[tilespmem:$0x18200] =	vst v63  }
0xc7: {  	v3 =	vadd.s32 v1, v3  }
0xc8: {  	[hbm4b:s4+s2] =	stream.indirect_vreg.scatter [tilespmem:s30], [sflag:$0x2], $0x80, v4, vm0, $0xb8;
	[tilespmem:$0x18200] =	vst v63  }
0xc9: {  	_ = 	snop  }
0xca: {  	[hbm4b:s5+s2] =	stream.indirect_vreg.scatter [tilespmem:s31], [sflag:$0x2], $0x80, v4, vm0, $0xb8;
	[tilespmem:$0x18200] =	vst v63  }
0xcb: {  	s15 =	simm.s32 $0x16A00  }
0xcc: {  	[hbm4b:s3+s2] =	stream.indirect_vreg.scatter [tilespmem:s15], [sflag:$0x2], $0x80, v3, vm0, $0xb8;
	[tilespmem:$0x18200] =	vst v63  }
0xcd: {  	s15 =	simm.s32 $0x17200  }
0xce: {  	[hbm4b:s4+s2] =	stream.indirect_vreg.scatter [tilespmem:s15], [sflag:$0x2], $0x80, v3, vm0, $0xb8;
	[tilespmem:$0x18200] =	vst v63  }
0xcf: {  	s15 =	simm.s32 $0x17A00  }
0xd0: {  	[hbm4b:s5+s2] =	stream.indirect_vreg.scatter [tilespmem:s15], [sflag:$0x2], $0x80, v3, vm0, $0xb8;
	[tilespmem:$0x18200] =	vst v63  }
0xd1: {  	_ =	swait.ge [sflag:s12], $0xC000  }
0xd2: {  	[sflag:s12] =	ssyncset.done $0x0  }
0xd3: {  	s15 =	rddreg [dreg:$0xb];
	[sflag:s12] =	ssyncadd.s32 $0xFFFF4000  }
0xd4: {  	[tilespmem:s0], [sflag:$0x1] =	stream.linear.gather [hbm4b:s15+s2], $0xC000, $0x38;
	[tilespmem:$0x18200] =	vst v63  }
0xd5: {  	_ =	swait.ge [sflag:s10], $0xC000  }
0xd6: {  	[sflag:s10] =	ssyncset.done $0x0  }
0xd7: {  	[sflag:s10] =	ssyncadd.s32 $0xFFFF4000  }
0xd8: {  	v3 =	vld [tilespmem:$0x100];
	_ =	sdelay $0x4  }
0xd9: {  	v56 =	vshrl.u32 v3, $0x3  }
0xda: {  	v4 =	vmul.u32 $0x30, v56  }
0xdb: {  	v3 =	vand.u32 $0x7, v3  }
0xdc: {  	v3 =	vor.u32 v3, v4  }
0xdd: {  	v4 =	vperm.xlane v3, v0;
	_ =	sdelay $0x1  }
0xde: {  	v4 =	vadd.s32 v1, v4;
	_ =	sdelay $0x3  }
0xdf: {  	v3 =	vperm.xlane v3, v2  }
0xe0: {  	[hbm4b:s3+s2] =	stream.indirect_vreg.scatter [tilespmem:s9], [sflag:$0x2], $0x80, v4, vm0, $0xb8;
	[tilespmem:$0x18200] =	vst v63  }
0xe1: {  	s15 =	simm.s32 $0xA00;
	v3 =	vadd.s32 v1, v3  }
0xe2: {  	[hbm4b:s4+s2] =	stream.indirect_vreg.scatter [tilespmem:s15], [sflag:$0x2], $0x80, v4, vm0, $0xb8;
	[tilespmem:$0x18200] =	vst v63  }
0xe3: {  	s15 =	simm.s32 $0x1200  }
0xe4: {  	[hbm4b:s5+s2] =	stream.indirect_vreg.scatter [tilespmem:s15], [sflag:$0x2], $0x80, v4, vm0, $0xb8;
	[tilespmem:$0x18200] =	vst v63  }
0xe5: {  	s15 =	simm.s32 $0x1A00  }
0xe6: {  	[hbm4b:s3+s2] =	stream.indirect_vreg.scatter [tilespmem:s15], [sflag:$0x2], $0x80, v3, vm0, $0xb8;
	[tilespmem:$0x18200] =	vst v63  }
0xe7: {  	s15 =	simm.s32 $0x2200  }
0xe8: {  	[hbm4b:s4+s2] =	stream.indirect_vreg.scatter [tilespmem:s15], [sflag:$0x2], $0x80, v3, vm0, $0xb8;
	[tilespmem:$0x18200] =	vst v63  }
0xe9: {  	s15 =	simm.s32 $0x2A00  }
0xea: {  	[hbm4b:s5+s2] =	stream.indirect_vreg.scatter [tilespmem:s15], [sflag:$0x2], $0x80, v3, vm0, $0xb8;
	[tilespmem:$0x18200] =	vst v63  }
0xeb: {  	v3 =	vld [tilespmem:$0x110];
	_ =	sdelay $0x4  }
0xec: {  	v57 =	vshrl.u32 v3, $0x3  }
0xed: {  	v4 =	vmul.u32 $0x30, v57  }
0xee: {  	v3 =	vand.u32 $0x7, v3  }
0xef: {  	v3 =	vor.u32 v3, v4  }
0xf0: {  	v4 =	vperm.xlane v3, v0;
	_ =	sdelay $0x1  }
0xf1: {  	v4 =	vadd.s32 v1, v4;
	_ =	sdelay $0x3  }
0xf2: {  	s15 =	simm.s32 $0x3200;
	v3 =	vperm.xlane v3, v2  }
0xf3: {  	[hbm4b:s3+s2] =	stream.indirect_vreg.scatter [tilespmem:s15], [sflag:$0x2], $0x80, v4, vm0, $0xb8;
	[tilespmem:$0x18200] =	vst v63  }
0xf4: {  	v3 =	vadd.s32 v1, v3;
	s15 =	simm.s32 $0x3A00  }
0xf5: {  	[hbm4b:s4+s2] =	stream.indirect_vreg.scatter [tilespmem:s15], [sflag:$0x2], $0x80, v4, vm0, $0xb8;
	[tilespmem:$0x18200] =	vst v63  }
0xf6: {  	s15 =	simm.s32 $0x4200  }
0xf7: {  	[hbm4b:s5+s2] =	stream.indirect_vreg.scatter [tilespmem:s15], [sflag:$0x2], $0x80, v4, vm0, $0xb8;
	[tilespmem:$0x18200] =	vst v63  }
0xf8: {  	s15 =	simm.s32 $0x4A00  }
0xf9: {  	[hbm4b:s3+s2] =	stream.indirect_vreg.scatter [tilespmem:s15], [sflag:$0x2], $0x80, v3, vm0, $0xb8;
	[tilespmem:$0x18200] =	vst v63  }
0xfa: {  	s15 =	simm.s32 $0x5200  }
0xfb: {  	[hbm4b:s4+s2] =	stream.indirect_vreg.scatter [tilespmem:s15], [sflag:$0x2], $0x80, v3, vm0, $0xb8;
	[tilespmem:$0x18200] =	vst v63  }
0xfc: {  	s15 =	simm.s32 $0x5A00  }
0xfd: {  	[hbm4b:s5+s2] =	stream.indirect_vreg.scatter [tilespmem:s15], [sflag:$0x2], $0x80, v3, vm0, $0xb8;
	[tilespmem:$0x18200] =	vst v63  }
0xfe: {  	v3 =	vld [tilespmem:$0x120];
	_ =	sdelay $0x4  }
0xff: {  	v58 =	vshrl.u32 v3, $0x3  }
0x100: {  	v4 =	vmul.u32 $0x30, v58  }
0x101: {  	v3 =	vand.u32 $0x7, v3  }
0x102: {  	v3 =	vor.u32 v3, v4  }
0x103: {  	v4 =	vperm.xlane v3, v0;
	_ =	sdelay $0x1  }
0x104: {  	v4 =	vadd.s32 v1, v4;
	_ =	sdelay $0x3  }
0x105: {  	s15 =	simm.s32 $0x6200;
	v3 =	vperm.xlane v3, v2  }
0x106: {  	[hbm4b:s3+s2] =	stream.indirect_vreg.scatter [tilespmem:s15], [sflag:$0x2], $0x80, v4, vm0, $0xb8;
	[tilespmem:$0x18200] =	vst v63  }
0x107: {  	v3 =	vadd.s32 v1, v3;
	s15 =	simm.s32 $0x6A00  }
0x108: {  	[hbm4b:s4+s2] =	stream.indirect_vreg.scatter [tilespmem:s15], [sflag:$0x2], $0x80, v4, vm0, $0xb8;
	[tilespmem:$0x18200] =	vst v63  }
0x109: {  	s15 =	simm.s32 $0x7200  }
0x10a: {  	[hbm4b:s5+s2] =	stream.indirect_vreg.scatter [tilespmem:s15], [sflag:$0x2], $0x80, v4, vm0, $0xb8;
	[tilespmem:$0x18200] =	vst v63  }
0x10b: {  	s15 =	simm.s32 $0x7A00  }
0x10c: {  	[hbm4b:s3+s2] =	stream.indirect_vreg.scatter [tilespmem:s15], [sflag:$0x2], $0x80, v3, vm0, $0xb8;
	[tilespmem:$0x18200] =	vst v63  }
0x10d: {  	s15 =	simm.s32 $0x8200  }
0x10e: {  	[hbm4b:s4+s2] =	stream.indirect_vreg.scatter [tilespmem:s15], [sflag:$0x2], $0x80, v3, vm0, $0xb8;
	[tilespmem:$0x18200] =	vst v63  }
0x10f: {  	s15 =	simm.s32 $0x8A00  }
0x110: {  	[hbm4b:s5+s2] =	stream.indirect_vreg.scatter [tilespmem:s15], [sflag:$0x2], $0x80, v3, vm0, $0xb8;
	[tilespmem:$0x18200] =	vst v63  }
0x111: {  	v3 =	vld [tilespmem:$0x130];
	_ =	sdelay $0x4  }
0x112: {  	v59 =	vshrl.u32 v3, $0x3  }
0x113: {  	v4 =	vmul.u32 $0x30, v59  }
0x114: {  	v3 =	vand.u32 $0x7, v3  }
0x115: {  	v3 =	vor.u32 v3, v4  }
0x116: {  	v4 =	vperm.xlane v3, v0;
	_ =	sdelay $0x1  }
0x117: {  	v4 =	vadd.s32 v1, v4;
	_ =	sdelay $0x3  }
0x118: {  	s15 =	simm.s32 $0x9200;
	v3 =	vperm.xlane v3, v2  }
0x119: {  	[hbm4b:s3+s2] =	stream.indirect_vreg.scatter [tilespmem:s15], [sflag:$0x2], $0x80, v4, vm0, $0xb8;
	[tilespmem:$0x18200] =	vst v63  }
0x11a: {  	v3 =	vadd.s32 v1, v3;
	s15 =	simm.s32 $0x9A00  }
0x11b: {  	[hbm4b:s4+s2] =	stream.indirect_vreg.scatter [tilespmem:s15], [sflag:$0x2], $0x80, v4, vm0, $0xb8;
	[tilespmem:$0x18200] =	vst v63  }
0x11c: {  	s15 =	simm.s32 $0xA200  }
0x11d: {  	[hbm4b:s5+s2] =	stream.indirect_vreg.scatter [tilespmem:s15], [sflag:$0x2], $0x80, v4, vm0, $0xb8;
	[tilespmem:$0x18200] =	vst v63  }
0x11e: {  	s15 =	simm.s32 $0xAA00  }
0x11f: {  	[hbm4b:s3+s2] =	stream.indirect_vreg.scatter [tilespmem:s15], [sflag:$0x2], $0x80, v3, vm0, $0xb8;
	[tilespmem:$0x18200] =	vst v63  }
0x120: {  	s15 =	simm.s32 $0xB200  }
0x121: {  	[hbm4b:s4+s2] =	stream.indirect_vreg.scatter [tilespmem:s15], [sflag:$0x2], $0x80, v3, vm0, $0xb8;
	[tilespmem:$0x18200] =	vst v63  }
0x122: {  	s15 =	simm.s32 $0xBA00  }
0x123: {  	[hbm4b:s5+s2] =	stream.indirect_vreg.scatter [tilespmem:s15], [sflag:$0x2], $0x80, v3, vm0, $0xb8;
	[tilespmem:$0x18200] =	vst v63  }
0x124: {  	_ =	swait.ge [sflag:s10], $0xC000  }
0x125: {  	[sflag:s10] =	ssyncset.done $0x0  }
0x126: {  	[sflag:s10] =	ssyncadd.s32 $0xFFFF4000  }
0x127: {  	v3 =	vld [tilespmem:$0x180];
	_ =	sdelay $0x4  }
0x128: {  	v60 =	vshrl.u32 v3, $0x3  }
0x129: {  	v4 =	vmul.u32 $0x30, v60  }
0x12a: {  	v3 =	vand.u32 $0x7, v3  }
0x12b: {  	v3 =	vor.u32 v3, v4  }
0x12c: {  	v4 =	vperm.xlane v3, v0;
	_ =	sdelay $0x1  }
0x12d: {  	v4 =	vadd.s32 v1, v4;
	_ =	sdelay $0x3  }
0x12e: {  	v3 =	vperm.xlane v3, v2  }
0x12f: {  	[hbm4b:s3+s2] =	stream.indirect_vreg.scatter [tilespmem:s0], [sflag:$0x2], $0x80, v4, vm0, $0xb8;
	[tilespmem:$0x18200] =	vst v63  }
0x130: {  	v3 =	vadd.s32 v1, v3  }
0x131: {  	[hbm4b:s4+s2] =	stream.indirect_vreg.scatter [tilespmem:s1], [sflag:$0x2], $0x80, v4, vm0, $0xb8;
	[tilespmem:$0x18200] =	vst v63  }
0x132: {  	_ = 	snop  }
0x133: {  	[hbm4b:s5+s2] =	stream.indirect_vreg.scatter [tilespmem:s8], [sflag:$0x2], $0x80, v4, vm0, $0xb8;
	[tilespmem:$0x18200] =	vst v63  }
0x134: {  	_ = 	snop  }
0x135: {  	[hbm4b:s3+s2] =	stream.indirect_vreg.scatter [tilespmem:s11], [sflag:$0x2], $0x80, v3, vm0, $0xb8;
	[tilespmem:$0x18200] =	vst v63  }
0x136: {  	_ = 	snop  }
0x137: {  	[hbm4b:s4+s2] =	stream.indirect_vreg.scatter [tilespmem:s13], [sflag:$0x2], $0x80, v3, vm0, $0xb8;
	[tilespmem:$0x18200] =	vst v63  }
0x138: {  	_ = 	snop  }
0x139: {  	[hbm4b:s5+s2] =	stream.indirect_vreg.scatter [tilespmem:s14], [sflag:$0x2], $0x80, v3, vm0, $0xb8;
	[tilespmem:$0x18200] =	vst v63  }
0x13a: {  	v3 =	vld [tilespmem:$0x190];
	_ =	sdelay $0x4  }
0x13b: {  	v61 =	vshrl.u32 v3, $0x3  }
0x13c: {  	v4 =	vmul.u32 $0x30, v61  }
0x13d: {  	v3 =	vand.u32 $0x7, v3  }
0x13e: {  	v3 =	vor.u32 v3, v4  }
0x13f: {  	v4 =	vperm.xlane v3, v0;
	_ =	sdelay $0x1  }
0x140: {  	v4 =	vadd.s32 v1, v4;
	_ =	sdelay $0x3  }
0x141: {  	v3 =	vperm.xlane v3, v2  }
0x142: {  	[hbm4b:s3+s2] =	stream.indirect_vreg.scatter [tilespmem:s16], [sflag:$0x2], $0x80, v4, vm0, $0xb8;
	[tilespmem:$0x18200] =	vst v63  }
0x143: {  	v3 =	vadd.s32 v1, v3  }
0x144: {  	[hbm4b:s4+s2] =	stream.indirect_vreg.scatter [tilespmem:s17], [sflag:$0x2], $0x80, v4, vm0, $0xb8;
	[tilespmem:$0x18200] =	vst v63  }
0x145: {  	_ = 	snop  }
0x146: {  	[hbm4b:s5+s2] =	stream.indirect_vreg.scatter [tilespmem:s18], [sflag:$0x2], $0x80, v4, vm0, $0xb8;
	[tilespmem:$0x18200] =	vst v63  }
0x147: {  	_ = 	snop  }
0x148: {  	[hbm4b:s3+s2] =	stream.indirect_vreg.scatter [tilespmem:s19], [sflag:$0x2], $0x80, v3, vm0, $0xb8;
	[tilespmem:$0x18200] =	vst v63  }
0x149: {  	_ = 	snop  }
0x14a: {  	[hbm4b:s4+s2] =	stream.indirect_vreg.scatter [tilespmem:s20], [sflag:$0x2], $0x80, v3, vm0, $0xb8;
	[tilespmem:$0x18200] =	vst v63  }
0x14b: {  	_ = 	snop  }
0x14c: {  	[hbm4b:s5+s2] =	stream.indirect_vreg.scatter [tilespmem:s21], [sflag:$0x2], $0x80, v3, vm0, $0xb8;
	[tilespmem:$0x18200] =	vst v63  }
0x14d: {  	v3 =	vld [tilespmem:$0x1A0];
	_ =	sdelay $0x4  }
0x14e: {  	v62 =	vshrl.u32 v3, $0x3  }
0x14f: {  	v4 =	vmul.u32 $0x30, v62  }
0x150: {  	v3 =	vand.u32 $0x7, v3  }
0x151: {  	v3 =	vor.u32 v3, v4  }
0x152: {  	v4 =	vperm.xlane v3, v0;
	_ =	sdelay $0x1  }
0x153: {  	v4 =	vadd.s32 v1, v4;
	_ =	sdelay $0x3  }
0x154: {  	v3 =	vperm.xlane v3, v2  }
0x155: {  	[hbm4b:s3+s2] =	stream.indirect_vreg.scatter [tilespmem:s22], [sflag:$0x2], $0x80, v4, vm0, $0xb8;
	[tilespmem:$0x18200] =	vst v63  }
0x156: {  	v3 =	vadd.s32 v1, v3  }
0x157: {  	[hbm4b:s4+s2] =	stream.indirect_vreg.scatter [tilespmem:s23], [sflag:$0x2], $0x80, v4, vm0, $0xb8;
	[tilespmem:$0x18200] =	vst v63  }
0x158: {  	_ = 	snop  }
0x159: {  	[hbm4b:s5+s2] =	stream.indirect_vreg.scatter [tilespmem:s24], [sflag:$0x2], $0x80, v4, vm0, $0xb8;
	[tilespmem:$0x18200] =	vst v63  }
0x15a: {  	_ = 	snop  }
0x15b: {  	[hbm4b:s3+s2] =	stream.indirect_vreg.scatter [tilespmem:s25], [sflag:$0x2], $0x80, v3, vm0, $0xb8;
	[tilespmem:$0x18200] =	vst v63  }
0x15c: {  	_ = 	snop  }
0x15d: {  	[hbm4b:s4+s2] =	stream.indirect_vreg.scatter [tilespmem:s26], [sflag:$0x2], $0x80, v3, vm0, $0xb8;
	[tilespmem:$0x18200] =	vst v63  }
0x15e: {  	_ = 	snop  }
0x15f: {  	[hbm4b:s5+s2] =	stream.indirect_vreg.scatter [tilespmem:s28], [sflag:$0x2], $0x80, v3, vm0, $0xb8;
	[tilespmem:$0x18200] =	vst v63  }
0x160: {  	v3 =	vld [tilespmem:$0x1B0];
	_ =	sdelay $0x4  }
0x161: {  	v63 =	vshrl.u32 v3, $0x3  }
0x162: {  	v4 =	vmul.u32 $0x30, v63  }
0x163: {  	v3 =	vand.u32 $0x7, v3  }
0x164: {  	v3 =	vor.u32 v3, v4  }
0x165: {  	v4 =	vperm.xlane v3, v0;
	_ =	sdelay $0x1  }
0x166: {  	v4 =	vadd.s32 v1, v4;
	_ =	sdelay $0x3  }
0x167: {  	v3 =	vperm.xlane v3, v2  }
0x168: {  	[hbm4b:s3+s2] =	stream.indirect_vreg.scatter [tilespmem:s29], [sflag:$0x2], $0x80, v4, vm0, $0xb8;
	[tilespmem:$0x18200] =	vst v63  }
0x169: {  	v3 =	vadd.s32 v1, v3  }
0x16a: {  	[hbm4b:s4+s2] =	stream.indirect_vreg.scatter [tilespmem:s30], [sflag:$0x2], $0x80, v4, vm0, $0xb8;
	[tilespmem:$0x18200] =	vst v63  }
0x16b: {  	_ = 	snop  }
0x16c: {  	[hbm4b:s5+s2] =	stream.indirect_vreg.scatter [tilespmem:s31], [sflag:$0x2], $0x80, v4, vm0, $0xb8;
	[tilespmem:$0x18200] =	vst v63  }
0x16d: {  	s9 =	simm.s32 $0x16A00  }
0x16e: {  	[hbm4b:s3+s2] =	stream.indirect_vreg.scatter [tilespmem:s9], [sflag:$0x2], $0x80, v3, vm0, $0xb8;
	[tilespmem:$0x18200] =	vst v63  }
0x16f: {  	s15 =	simm.s32 $0x17200  }
0x170: {  	[hbm4b:s4+s2] =	stream.indirect_vreg.scatter [tilespmem:s15], [sflag:$0x2], $0x80, v3, vm0, $0xb8;
	[tilespmem:$0x18200] =	vst v63  }
0x171: {  	s16 =	simm.s32 $0x17A00  }
0x172: {  	[hbm4b:s5+s2] =	stream.indirect_vreg.scatter [tilespmem:s16], [sflag:$0x2], $0x80, v3, vm0, $0xb8;
	[tilespmem:$0x18200] =	vst v63  }
0x173: {  	p0 =	sne.s32 s6, $0x1;
	_ =	swait.ge [sflag:s12], $0xC000  }
.Ltmp0:
0x174: {  	[sflag:s12] =	ssyncset.done $0x0;
	(pc) =	sbr.rel @p0 .LBB2_1-.Ltmp0, $4  }
0x175: {  	[sflag:s12] =	ssyncadd.s32 $0xFFFF4000  }
0x176: {  	_ =	swait.ge [sflag:s12], $0xC000  }
0x177: {  	[sflag:s12] =	ssyncset.done $0x0  }
0x178: {  	s6 =	sadd.s32 $0xFFFFFFFF, s6;
	[sflag:s12] =	ssyncadd.s32 $0xFFFF4000  }
0x179: {  	_ =	sfence.sel $0x180000  }
0x17a: {  	[bflag:$0x0] =	sbarrier.arrive $0xFFFF  }
0x17b: {  	_ =	strace $0x90000047  }
0x17c: {  	s0 =	stileid.u32;
	[bflag:$0x2] =	sbarrier.arrive $0xFFFF  }
0x17d: {  	p0 =	sne.s32 s0, $0x0;
	s0 =	rddreg [dreg:$0x3]  }
0x17e: {  	s0 =	sadd.s32 @!p0 $0x100000, s0  }
0x17f: {  	[sflag:s0] =	ssyncadd.tile.s32 @!p0 $0x1;
	_ =	shalt  }
.Lfunc_end2:
_tile_overlayer_lowered:
.L_overlay_start_2:
0x180: {  	(tag) =	ssettag $0x2  }
0x181: {  	s0 =	rddreg [dreg:$0x0];
	s2 =	stileid.u32  }
0x182: {  	s1 =	rddreg [dreg:$0x1];
	p0 =	sne.s32 s2, $0x0  }
0x183: {  	s3 =	rddreg [dreg:$0x2];
	[bflag:$0x3] =	sbarrier.arrive $0xFFFF;
	s2 =	simm.s32 @!p0 $0x1C03  }
0x184: {  	[timem:s3], [sflag:s2] =	dma.local @!p0 [hbm:s0], s1  }
0x185: {  	s0 =	simm.s32 @!p0 $0x3  }
0x186: {  	_ =	swait.ge @!p0 [sflag:s0], s1  }
0x187: {  	s1 =	ssub.s32 @!p0 $0x0, s1;
	[sflag:s0] =	ssyncset.done @!p0 $0x0  }
0x188: {  	[sflag:s0] =	ssyncadd.s32 @!p0 s1  }
0x189: {  	[bflag:$0x3] =	sbarrier.arrive $0xFFFF  }
0x18a: {  	_ =	shalt  }

// kernel: kernel.9.cloned.1.call-start
scs
__scs_entry_jumppad:
0x0: {  	(pc) =	sbr.rel $0x88, $3  }
0x1: {  	(tag) =	ssettag $0x0;
	lr =	simm.s32 $0x1  }
0x2: {  	[smem:$0x3F9A] =	sst lr;
	_ =	strace $0xD0000000  }
0x3: {  	_ = 	snop  }
0x4: {  	_ = 	snop  }
0x5: {  	_ = 	snop  }
0x6: {  	_ = 	snop  }
0x7: {  	_ = 	snop  }
__scs_overlays_trampoline_lowered:
0x8: {  	[smem:$0x3FA9] =	sst s0  }
0x9: {  	[smem:$0x3FAA] =	sst s1  }
0xa: {  	[smem:$0x3FAB] =	sst s2  }
0xb: {  	[smem:$0x3FAC] =	sst s3  }
0xc: {  	[smem:$0x3FAD] =	sst s4  }
0xd: {  	[smem:$0x3FAE] =	sst s5  }
0xe: {  	[smem:$0x3FAF] =	sst s6  }
0xf: {  	[smem:$0x3FB0] =	sst s7  }
0x10: {  	[smem:$0x3FB1] =	sst s8  }
0x11: {  	[smem:$0x3FB2] =	sst s9;
	s0 =	simm.s32 @!p0 $0x0  }
0x12: {  	s1 =	sld [smem:$0x3F98];
	s0 =	simm.s32 @p0 $0x1  }
0x13: {  	[smem:$0x3FB3] =	sst s0;
	s0 =	simm.s32 @!p1 $0x0  }
0x14: {  	s2 =	sld [smem:$0x3F97];
	s0 =	simm.s32 @p1 $0x1  }
0x15: {  	[smem:$0x3FB4] =	sst s0;
	s0 =	simm.s32 @!p2 $0x0  }
0x16: {  	s3 =	sld [smem:$0x3FDB];
	s0 =	simm.s32 @p2 $0x1  }
0x17: {  	s4 =	simm.s32 $0x1BF5;
	[smem:$0x3FB6] =	sst s0  }
0x18: {  	s0 =	sld [smem:$0x3F99];
	_ =	swait.ge [sflag:s4], $0x0  }
0x19: {  	s7 =	sld [smem:$0x3F9A]  }
0x1a: {  	s8 =	sadd.s32 $0xFFFFE003, lr  }
0x1b: {  	s9 =	sadd.s32 $0xFFFFFEF7, lr;
	s5 =	simm.s32 $0xFFFFFFFF;
	p2 =	slt.u32 s8, $0xFFFFF086  }
0x1c: {  	p1 =	slt.u32 s9, $0xF7A;
	s5 =	simm.s32 @!p2 $0x0  }
0x1d: {  	s5 =	simm.s32 @p1 $0x1;
	p0 =	seq.s32 s7, s2  }
0x1e: {  	s7 =	smul.u32 @!p0 $0xF7A, s2;
	p2 =	seq.s32 @!p0 s5, $0x0  }
0x1f: {  	s9 =	smul.u32 $0xF7A, s1;
	s8 =	simm.s32 @!p0 $0x1BF5;
	p2 =	por !p2, p0  }
0x20: {  	[sflag:s8] =	ssyncset.s32 @!p0 $0xFFFFF086;
	s6 =	sadd.s32 @!p0 s3, s7;
	s7 =	simm.s32 @!p0 $0x108  }
0x21: {  	s3 =	sadd.s32 s3, s9;
	s6 =	sadd.s32 @!p0 $0x88, s6;
	s7 =	simm.s32 @p2 $0x1082  }
0x22: {  	[simem:s7], [sflag:s8] =	dma.local @!p0 [hbm:s6], $0xF7A  }
0x23: {  	s9 =	sor.u32 $0xD0000000, s2;
	s6 =	simm.s32 $0x108;
	_ =	swait.ge @!p0 [sflag:s8], $0x0  }
0x24: {  	s3 =	sadd.s32 $0x88, s3;
	s6 =	simm.s32 @!p1 $0x1082;
	[sflag:s4] =	ssyncset.s32 $0xFFFFF086  }
0x25: {  	[simem:s6], [sflag:s4] =	dma.local [hbm:s3], $0xF7A  }
0x26: {  	[smem:$0x3F9A] =	sst s1;
	(tag) =	ssettag s2;
	_ =	strace s9  }
0x27: {  	s1 =	sld [smem:$0x3FAA]  }
0x28: {  	s2 =	sld [smem:$0x3FAB]  }
0x29: {  	s4 =	sld [smem:$0x3FAD]  }
0x2a: {  	p0 =	seq.s32 s5, $0x0;
	s5 =	sld [smem:$0x3FAE]  }
0x2b: {  	s6 =	sld [smem:$0x3FAF]  }
0x2c: {  	s7 =	sld [smem:$0x3FB0]  }
0x2d: {  	s3 =	simm.s32 $0x108;
	s8 =	sld [smem:$0x3FB1]  }
0x2e: {  	s3 =	simm.s32 @!p0 $0x1082;
	s9 =	sld [smem:$0x3FB2]  }
0x2f: {  	lr =	sadd.s32 s0, s3;
	s0 =	sld [smem:$0x3FA9]  }
0x30: {  	s3 =	sld [smem:$0x3FAC]  }
0x31: {  	[smem:$0x3FB5] =	sst s10  }
0x32: {  	s10 =	sld [smem:$0x3FB3];
	_ =	sdelay $0x3  }
0x33: {  	p0 =	seq.s32 s10, $0x1;
	s10 =	sld [smem:$0x3FB5];
	_ =	sdelay $0x3  }
0x34: {  	[smem:$0x3FB5] =	sst s10  }
0x35: {  	s10 =	sld [smem:$0x3FB4];
	_ =	sdelay $0x3  }
0x36: {  	p1 =	seq.s32 s10, $0x1;
	s10 =	sld [smem:$0x3FB5];
	_ =	sdelay $0x3  }
0x37: {  	[smem:$0x3FB5] =	sst s10  }
0x38: {  	s10 =	sld [smem:$0x3FB6]  }
0x39: {  	_ = 	snop;
	(pc) =	sbr.ind lr, $3  }
0x3a: {  	_ = 	snop  }
0x3b: {  	_ = 	snop  }
0x3c: {  	p2 =	seq.s32 s10, $0x1;
	s10 =	sld [smem:$0x3FB5]  }
0x3d: {  	_ =	shalt  }
0x3e: {  	_ =	shalt  }
0x3f: {  	_ =	shalt  }
0x40: {  	_ =	shalt  }
0x41: {  	_ =	shalt  }
0x42: {  	_ =	shalt  }
0x43: {  	_ =	shalt  }
0x44: {  	_ =	shalt  }
0x45: {  	_ =	shalt  }
0x46: {  	_ =	shalt  }
0x47: {  	_ =	shalt  }
0x48: {  	_ =	shalt  }
0x49: {  	_ =	shalt  }
0x4a: {  	_ =	shalt  }
0x4b: {  	_ =	shalt  }
0x4c: {  	_ =	shalt  }
0x4d: {  	_ =	shalt  }
0x4e: {  	_ =	shalt  }
0x4f: {  	_ =	shalt  }
0x50: {  	_ =	shalt  }
0x51: {  	_ =	shalt  }
0x52: {  	_ =	shalt  }
0x53: {  	_ =	shalt  }
0x54: {  	_ =	shalt  }
0x55: {  	_ =	shalt  }
0x56: {  	_ =	shalt  }
0x57: {  	_ =	shalt  }
0x58: {  	_ =	shalt  }
0x59: {  	_ =	shalt  }
0x5a: {  	_ =	shalt  }
0x5b: {  	_ =	shalt  }
0x5c: {  	_ =	shalt  }
0x5d: {  	_ =	shalt  }
0x5e: {  	_ =	shalt  }
0x5f: {  	_ =	shalt  }
0x60: {  	_ =	shalt  }
0x61: {  	_ =	shalt  }
0x62: {  	_ =	shalt  }
0x63: {  	_ =	shalt  }
0x64: {  	_ =	shalt  }
0x65: {  	_ =	shalt  }
0x66: {  	_ =	shalt  }
0x67: {  	_ =	shalt  }
0x68: {  	_ =	shalt  }
0x69: {  	_ =	shalt  }
0x6a: {  	_ =	shalt  }
0x6b: {  	_ =	shalt  }
0x6c: {  	_ =	shalt  }
0x6d: {  	_ =	shalt  }
0x6e: {  	_ =	shalt  }
0x6f: {  	_ =	shalt  }
0x70: {  	_ =	shalt  }
0x71: {  	_ =	shalt  }
0x72: {  	_ =	shalt  }
0x73: {  	_ =	shalt  }
0x74: {  	_ =	shalt  }
0x75: {  	_ =	shalt  }
0x76: {  	_ =	shalt  }
0x77: {  	_ =	shalt  }
0x78: {  	_ =	shalt  }
0x79: {  	_ =	shalt  }
0x7a: {  	_ =	shalt  }
0x7b: {  	_ =	shalt  }
0x7c: {  	_ =	shalt  }
0x7d: {  	_ =	shalt  }
0x7e: {  	_ =	shalt  }
0x7f: {  	_ =	shalt  }
0x80: {  	_ =	shalt  }
0x81: {  	_ =	shalt  }
0x82: {  	_ =	shalt  }
0x83: {  	_ =	shalt  }
0x84: {  	_ =	shalt  }
0x85: {  	_ =	shalt  }
0x86: {  	_ =	shalt  }
0x87: {  	_ =	shalt  }
.Lfunc_end0:
.L_simem_size_0:
called_computation.1_lowered:
.L_overlay_start_0:
0x88: {  	s2 =	sld [smem:$0x3FD9]  }
0x89: {  	s3 =	sld [smem:$0x3FFE];
	_ =	sdelay $0x1  }
0x8a: {  	s1 =	srdreg.scid  }
0x8b: {  	s0 =	sand.u32 $0x1, s1  }
0x8c: {  	s17 =	sshll.u32 s0, $0xA;
	s2 =	sadd.s32 s3, s2  }
0x8d: {  	s2 =	sadd.s32 s2, s17  }
0x8e: {  	[smem:$0x3FC1] =	sst s2  }
0x8f: {  	_ = 	snop  }
0x90: {  	s2 =	sld [smem:$0x3FD0];
	(tm) =	ssettm $0x1  }
0x91: {  	s18 =	sld [smem:$0x3FFB];
	_ =	sdelay $0x3  }
0x92: {  	_ =	strace s18  }
0x93: {  	s3 =	sld [smem:$0x3FFC];
	_ =	sdelay $0x3  }
0x94: {  	_ =	strace s3  }
0x95: {  	s3 =	sld [smem:$0x3FFD];
	_ =	sdelay $0x3  }
0x96: {  	_ =	strace s3  }
0x97: {  	_ =	strace $0x8FFFFFFF  }
0x98: {  	s19 =	sld [smem:$0x3FDB];
	_ =	sdelay $0x1  }
0x99: {  	s4 =	simm.s32 $_scs_section_size  }
0x9a: {  	s5 =	simm.s32 $_size__tile_overlayer_lowered;
	s6 =	simm.s32 $_tile_overlayer_lowered  }
0x9b: {  	s22 =	simm.s32 $0x1BFF;
	s21 =	sshll.u32 s6, $0x1;
	s3 =	sadd.s32 s4, s19  }
0x9c: {  	s7 =	simm.s32 $0x0;
	s20 =	sshll.u32 s5, $0x1;
	s5 =	sadd.s32 s21, s3  }
0x9d: {  	[timem:s7], [sflag:s22] =	dma.local [hbm:s5], s20  }
0x9e: {  	_ =	swait.ge [sflag:s22], s20  }
0x9f: {  	s4 =	ssub.s32 $0x0, s20;
	[sflag:s22] =	ssyncset.done $0x0  }
0xa0: {  	[sflag:s22] =	ssyncadd.s32 s4;
	_ =	sdelay $0x1  }
0xa1: {  	s23 =	simm.s32 $0x1B8B  }
0xa2: {  	_ =	swait.ge [sflag:s23], $0x1  }
0xa3: {  	[sflag:s23] =	ssyncset.done $0x0  }
0xa4: {  	s25 =	simm.s32 $0x1B8E;
	s24 =	sld [smem:$0x3FFE];
	[sflag:s23] =	ssyncadd.s32 $0xFFFFFFFF  }
0xa5: {  	s26 =	simm.s32 $execute0_lowered;
	[smem:$0x3FD2] =	sst s25  }
0xa6: {  	s5 =	sshll.u32 s26, $0x1;
	_ =	strace $0x80000049;
	[dreg:$0x1] =	wrdreg $0xFFFFFFFF  }
0xa7: {  	s28 =	simm.s32 $_size_execute0_lowered;
	s3 =	sadd.s32 s3, s5;
	[dreg:$0x0] =	wrdreg $0x0  }
0xa8: {  	s5 =	sshll.u32 s28, $0x1;
	[dreg:$0x2] =	wrdreg s3  }
0xa9: {  	[dreg:$0x3] =	wrdreg s5  }
0xaa: {  	[dreg:$0x4] =	wrdreg $0xC0  }
0xab: {  	_ =	task [dreg:s7], $0x5FFFF  }
0xac: {  	[dreg:$0x1] =	wrdreg $0xFFFFFFFF  }
0xad: {  	[dreg:$0x0] =	wrdreg $0x60  }
0xae: {  	[dreg:$0x2] =	wrdreg s24  }
0xaf: {  	[dreg:$0x3] =	wrdreg s2  }
0xb0: {  	[dreg:$0x4] =	wrdreg $0x9  }
0xb1: {  	_ =	task.clear_ibuf [dreg:s7], $0x5FFFF;
	_ =	strace $0x90000049  }
0xb2: {  	s29 =	simm.s32 $0x9;
	_ =	strace $0x8000004B  }
0xb3: {  	_ =	swait.ge [sflag:s29], $0x1  }
0xb4: {  	[sflag:s29] =	ssyncadd.s32 $0xFFFFFFFF  }
0xb5: {  	_ =	strace $0x9000004B  }
0xb6: {  	_ =	sfence  }
0xb7: {  	s30 =	sld [smem:$0x0];
	_ =	sdelay $0x2  }
0xb8: {  	s31 =	sshll.u32 s1, $0xD;
	s1 =	sshrl.u32 s1, $0x2  }
0xb9: {  	s3 =	sand.u32 $0x4000, s31;
	s1 =	sadd.s32 s1, s30  }
0xba: {  	s0 =	sor.u32 s3, s0;
	s1 =	sshll.u32 s1, $0x11  }
0xbb: {  	s0 =	sor.u32 s1, s0  }
0xbc: {  	s0 =	sadd.s32 $0x8F2B, s0  }
0xbd: {  	[sflag:s0] =	ssyncadd.remote.s32 $0x1  }
0xbe: {  	_ =	sfence.sel $0xFFFF  }
0xbf: {  	[dreg:$0x0] =	wrdreg $0xFFFFFFFF;
	(pc) =	sbr.abs _section_cstart, $3  }
0xc0: {  	[dreg:$0x1] =	wrdreg $0xFFFFFFFF  }
0xc1: {  	_ =	task.clear_ibuf [dreg:s7], $0x2FFFF;
	_ =	strace $0x9FFFFFFF  }
0xc2: {  	(tm) =	ssettm $0x7FFFFFFF  }
0xc3: {  	_ =	shalt  }
tec
execute0_lowered:
.L_overlay_start_1:
0x0: {  	(tag) =	ssettag $0x1  }
0x1: {  	s0 =	rddreg [dreg:$0x0]  }
0x2: {  	s2 =	rddreg [dreg:$0x1]  }
0x3: {  	s1 =	simm.s32 $0x0;
	s4 =	srdreg.scid;
	s6 =	stileid.u32  }
0x4: {  	s28 =	simm.s32 $0x17900;
	s29 =	simm.s32 $0x18100;
	s30 =	simm.s32 $0x18900  }
0x5: {  	s31 =	simm.s32 $0x19900;
	[smem:$0x7FF] =	sst s1;
	s3 =	sadd.s32 $0x135400, s0  }
0x6: {  	s4 =	sand.u32 $0x1, s4;
	s5 =	sadd.s32 $0x21000, s0;
	s6 =	sshll.u32 s6, $0x8  }
0x7: {  	s10 =	sadd.s32 $0x21200, s0;
	s7 =	sshll.u32 s4, $0x7;
	s4 =	ssub.s32 $0x2, s4  }
0x8: {  	s11 =	sadd.s32 $0x1000, s0;
	s7 =	sor.u32 s7, s6;
	s16 =	sshrl.u32 s4, $0x1  }
0x9: {  	_ =	strace $0x8000004A;
	s8 =	sshrl.u32 s7, $0x3;
	s4 =	ssub.s32 s4, s16  }
0xa: {  	s18 =	sshll.u32 s7, $0x4;
	s7 =	sor.u32 $0x40, s7;
	s17 =	sadd.s32 s5, s8  }
0xb: {  	s9 =	sadd.s32 s10, s8;
	s6 =	sadd.s32 s11, s18;
	s12 =	smul.u32 $0x300, s8  }
0xc: {  	s8 =	sadd.s32 $0x135500, s0;
	s21 =	sshrl.u32 s7, $0x3;
	s22 =	sshll.u32 s7, $0x4  }
0xd: {  	s16 =	smax.u32 s4, $0x1;
	s7 =	simm.s32 $0x16900;
	[dreg:$0x3] =	wrdreg s17  }
0xe: {  	s18 =	simm.s32 $0x1B900;
	[dreg:$0x4] =	wrdreg s9;
	s19 =	sadd.s32 $0x10000, s6  }
0xf: {  	s9 =	sadd.s32 $0x135600, s0;
	s5 =	sadd.s32 s5, s21;
	[dreg:$0x5] =	wrdreg s19  }
0x10: {  	s23 =	smul.u32 $0x300, s21;
	s0 =	sadd.s32 s10, s21;
	[dreg:$0x7] =	wrdreg s5  }
0x11: {  	s24 =	sadd.s32 s11, s22;
	s25 =	sadd.s32 $0x10400, s6;
	[dreg:$0x8] =	wrdreg s0  }
0x12: {  	s17 =	simm.s32 $0x2;
	s10 =	simm.s32 $0x19100;
	[dreg:$0x9] =	wrdreg s24  }
0x13: {  	s11 =	simm.s32 $0x1A900;
	s20 =	sadd.s32 s2, s12;
	[dreg:$0xa] =	wrdreg s25  }
0x14: {  	s19 =	simm.s32 $0x4100;
	s24 =	simm.s32 $0x15900;
	s25 =	simm.s32 $0x16100  }
0x15: {  	v2 =	vlaneseq.u32;
	s0 =	simm.s32 $0x1A100;
	s12 =	simm.s32 $0x0;
	[dreg:$0x6] =	wrdreg s20  }
0x16: {  	vm0 =	vmmov $0xffff;
	v1 =	vshrl.u32 v2, $0x3;
	s26 =	sadd.s32 s2, s23;
	s23 =	simm.s32 $0x15100;
	s2 =	simm.s32 $0x1B100  }
0x17: {  	v0 =	vand.u32 $0x7, v2;
	v2 =	vor.u32 $0x8, v2;
	v1 =	vmul.u32 $0x8, v1;
	s20 =	simm.s32 $0x1;
	[dreg:$0xb] =	wrdreg s26;
	s26 =	simm.s32 $0x17100  }
.LBB2_1:
0x18: {  	s4 =	rddreg [dreg:$0x3]  }
0x19: {  	[tilespmem:s1], [sflag:$0x2] =	stream.linear.gather [hbm4b:s4+s1], $0x40, $0x38;
	[tilespmem:$0x1C100] =	vst v63  }
0x1a: {  	_ =	swait.ge [sflag:s17], $0x40  }
0x1b: {  	[sflag:s17] =	ssyncset.done $0x0  }
0x1c: {  	s5 =	simm.s32 $0x80;
	s13 =	rddreg [dreg:$0x4];
	[sflag:s17] =	ssyncadd.s32 $0xFFFFFFC0  }
0x1d: {  	[tilespmem:s5], [sflag:$0x2] =	stream.linear.gather [hbm4b:s13+s1], $0x40, $0x38;
	[tilespmem:$0x1C100] =	vst v63  }
0x1e: {  	_ =	swait.ge [sflag:s17], $0x40  }
0x1f: {  	[sflag:s17] =	ssyncset.done $0x0  }
0x20: {  	s4 =	simm.s32 $0x100;
	[sflag:s17] =	ssyncadd.s32 $0xFFFFFFC0  }
0x21: {  	[tilespmem:s4], [sflag:$0x2] =	stream.linear.gather [hbm4b:s6+s1], $0x2000, $0x38;
	[tilespmem:$0x1C100] =	vst v63  }
0x22: {  	_ =	swait.ge [sflag:s17], $0x2000  }
0x23: {  	[sflag:s17] =	ssyncset.done $0x0  }
0x24: {  	s13 =	simm.s32 $0x2100;
	s14 =	rddreg [dreg:$0x5];
	[sflag:s17] =	ssyncadd.s32 $0xFFFFE000  }
0x25: {  	[tilespmem:s13], [sflag:$0x2] =	stream.linear.gather [hbm4b:s14+s1], $0x2000, $0x38;
	[tilespmem:$0x1C100] =	vst v63  }
0x26: {  	_ =	swait.ge [sflag:s17], $0x2000  }
0x27: {  	[sflag:s17] =	ssyncset.done $0x0  }
0x28: {  	[sflag:s17] =	ssyncadd.s32 $0xFFFFE000  }
0x29: {  	v3 =	vld [tilespmem:$0x0];
	_ =	sdelay $0x4  }
0x2a: {  	v4 =	vshrl.u32 v3, $0x3  }
0x2b: {  	v4 =	vmul.u32 $0x30, v4  }
0x2c: {  	v3 =	vand.u32 $0x7, v3  }
0x2d: {  	v3 =	vor.u32 v3, v4  }
0x2e: {  	v4 =	vperm.xlane v3, v0;
	_ =	sdelay $0x1  }
0x2f: {  	v4 =	vadd.s32 v1, v4;
	_ =	sdelay $0x3  }
0x30: {  	v3 =	vperm.xlane v3, v2  }
0x31: {  	[tilespmem:s19], [sflag:$0x1] =	stream.indirect_vreg.gather [hbm4b:s3+s1], $0x80, v4, vm0, $0xb8;
	[tilespmem:$0x1C100] =	vst v63  }
0x32: {  	s15 =	simm.s32 $0x4900;
	v3 =	vadd.s32 v1, v3  }
0x33: {  	[tilespmem:s15], [sflag:$0x1] =	stream.indirect_vreg.gather [hbm4b:s8+s1], $0x80, v4, vm0, $0xb8;
	[tilespmem:$0x1C100] =	vst v63  }
0x34: {  	s21 =	simm.s32 $0x5100  }
0x35: {  	[tilespmem:s21], [sflag:$0x1] =	stream.indirect_vreg.gather [hbm4b:s9+s1], $0x80, v4, vm0, $0xb8;
	[tilespmem:$0x1C100] =	vst v63  }
0x36: {  	s22 =	simm.s32 $0x5900  }
0x37: {  	[tilespmem:s22], [sflag:$0x1] =	stream.indirect_vreg.gather [hbm4b:s3+s1], $0x80, v3, vm0, $0xb8;
	[tilespmem:$0x1C100] =	vst v63  }
0x38: {  	s14 =	simm.s32 $0x6100  }
0x39: {  	[tilespmem:s14], [sflag:$0x1] =	stream.indirect_vreg.gather [hbm4b:s8+s1], $0x80, v3, vm0, $0xb8;
	[tilespmem:$0x1C100] =	vst v63  }
0x3a: {  	s15 =	simm.s32 $0x6900  }
0x3b: {  	[tilespmem:s15], [sflag:$0x1] =	stream.indirect_vreg.gather [hbm4b:s9+s1], $0x80, v3, vm0, $0xb8;
	[tilespmem:$0x1C100] =	vst v63  }
0x3c: {  	v3 =	vld [tilespmem:$0x10];
	_ =	sdelay $0x4  }
0x3d: {  	v4 =	vshrl.u32 v3, $0x3  }
0x3e: {  	v4 =	vmul.u32 $0x30, v4  }
0x3f: {  	v3 =	vand.u32 $0x7, v3  }
0x40: {  	v3 =	vor.u32 v3, v4  }
0x41: {  	v4 =	vperm.xlane v3, v0;
	_ =	sdelay $0x1  }
0x42: {  	v4 =	vadd.s32 v1, v4;
	_ =	sdelay $0x3  }
0x43: {  	s21 =	simm.s32 $0x7100;
	v3 =	vperm.xlane v3, v2  }
0x44: {  	[tilespmem:s21], [sflag:$0x1] =	stream.indirect_vreg.gather [hbm4b:s3+s1], $0x80, v4, vm0, $0xb8;
	[tilespmem:$0x1C100] =	vst v63  }
0x45: {  	s22 =	simm.s32 $0x7900;
	v3 =	vadd.s32 v1, v3  }
0x46: {  	[tilespmem:s22], [sflag:$0x1] =	stream.indirect_vreg.gather [hbm4b:s8+s1], $0x80, v4, vm0, $0xb8;
	[tilespmem:$0x1C100] =	vst v63  }
0x47: {  	s14 =	simm.s32 $0x8100  }
0x48: {  	[tilespmem:s14], [sflag:$0x1] =	stream.indirect_vreg.gather [hbm4b:s9+s1], $0x80, v4, vm0, $0xb8;
	[tilespmem:$0x1C100] =	vst v63  }
0x49: {  	s15 =	simm.s32 $0x8900  }
0x4a: {  	[tilespmem:s15], [sflag:$0x1] =	stream.indirect_vreg.gather [hbm4b:s3+s1], $0x80, v3, vm0, $0xb8;
	[tilespmem:$0x1C100] =	vst v63  }
0x4b: {  	s21 =	simm.s32 $0x9100  }
0x4c: {  	[tilespmem:s21], [sflag:$0x1] =	stream.indirect_vreg.gather [hbm4b:s8+s1], $0x80, v3, vm0, $0xb8;
	[tilespmem:$0x1C100] =	vst v63  }
0x4d: {  	s22 =	simm.s32 $0x9900  }
0x4e: {  	[tilespmem:s22], [sflag:$0x1] =	stream.indirect_vreg.gather [hbm4b:s9+s1], $0x80, v3, vm0, $0xb8;
	[tilespmem:$0x1C100] =	vst v63  }
0x4f: {  	v3 =	vld [tilespmem:$0x20];
	_ =	sdelay $0x4  }
0x50: {  	v4 =	vshrl.u32 v3, $0x3  }
0x51: {  	v4 =	vmul.u32 $0x30, v4  }
0x52: {  	v3 =	vand.u32 $0x7, v3  }
0x53: {  	v3 =	vor.u32 v3, v4  }
0x54: {  	v4 =	vperm.xlane v3, v0;
	_ =	sdelay $0x1  }
0x55: {  	v4 =	vadd.s32 v1, v4;
	_ =	sdelay $0x3  }
0x56: {  	s14 =	simm.s32 $0xA100;
	v3 =	vperm.xlane v3, v2  }
0x57: {  	[tilespmem:s14], [sflag:$0x1] =	stream.indirect_vreg.gather [hbm4b:s3+s1], $0x80, v4, vm0, $0xb8;
	[tilespmem:$0x1C100] =	vst v63  }
0x58: {  	s15 =	simm.s32 $0xA900;
	v3 =	vadd.s32 v1, v3  }
0x59: {  	[tilespmem:s15], [sflag:$0x1] =	stream.indirect_vreg.gather [hbm4b:s8+s1], $0x80, v4, vm0, $0xb8;
	[tilespmem:$0x1C100] =	vst v63  }
0x5a: {  	s21 =	simm.s32 $0xB100  }
0x5b: {  	[tilespmem:s21], [sflag:$0x1] =	stream.indirect_vreg.gather [hbm4b:s9+s1], $0x80, v4, vm0, $0xb8;
	[tilespmem:$0x1C100] =	vst v63  }
0x5c: {  	s22 =	simm.s32 $0xB900  }
0x5d: {  	[tilespmem:s22], [sflag:$0x1] =	stream.indirect_vreg.gather [hbm4b:s3+s1], $0x80, v3, vm0, $0xb8;
	[tilespmem:$0x1C100] =	vst v63  }
0x5e: {  	s14 =	simm.s32 $0xC100  }
0x5f: {  	[tilespmem:s14], [sflag:$0x1] =	stream.indirect_vreg.gather [hbm4b:s8+s1], $0x80, v3, vm0, $0xb8;
	[tilespmem:$0x1C100] =	vst v63  }
0x60: {  	s15 =	simm.s32 $0xC900  }
0x61: {  	[tilespmem:s15], [sflag:$0x1] =	stream.indirect_vreg.gather [hbm4b:s9+s1], $0x80, v3, vm0, $0xb8;
	[tilespmem:$0x1C100] =	vst v63  }
0x62: {  	v3 =	vld [tilespmem:$0x30];
	_ =	sdelay $0x4  }
0x63: {  	v4 =	vshrl.u32 v3, $0x3  }
0x64: {  	v4 =	vmul.u32 $0x30, v4  }
0x65: {  	v3 =	vand.u32 $0x7, v3  }
0x66: {  	v3 =	vor.u32 v3, v4  }
0x67: {  	v4 =	vperm.xlane v3, v0;
	_ =	sdelay $0x1  }
0x68: {  	v4 =	vadd.s32 v1, v4;
	_ =	sdelay $0x3  }
0x69: {  	s21 =	simm.s32 $0xD100;
	v3 =	vperm.xlane v3, v2  }
0x6a: {  	[tilespmem:s21], [sflag:$0x1] =	stream.indirect_vreg.gather [hbm4b:s3+s1], $0x80, v4, vm0, $0xb8;
	[tilespmem:$0x1C100] =	vst v63  }
0x6b: {  	s22 =	simm.s32 $0xD900;
	v3 =	vadd.s32 v1, v3  }
0x6c: {  	[tilespmem:s22], [sflag:$0x1] =	stream.indirect_vreg.gather [hbm4b:s8+s1], $0x80, v4, vm0, $0xb8;
	[tilespmem:$0x1C100] =	vst v63  }
0x6d: {  	s14 =	simm.s32 $0xE100  }
0x6e: {  	[tilespmem:s14], [sflag:$0x1] =	stream.indirect_vreg.gather [hbm4b:s9+s1], $0x80, v4, vm0, $0xb8;
	[tilespmem:$0x1C100] =	vst v63  }
0x6f: {  	s15 =	simm.s32 $0xE900  }
0x70: {  	[tilespmem:s15], [sflag:$0x1] =	stream.indirect_vreg.gather [hbm4b:s3+s1], $0x80, v3, vm0, $0xb8;
	[tilespmem:$0x1C100] =	vst v63  }
0x71: {  	s21 =	simm.s32 $0xF100  }
0x72: {  	[tilespmem:s21], [sflag:$0x1] =	stream.indirect_vreg.gather [hbm4b:s8+s1], $0x80, v3, vm0, $0xb8;
	[tilespmem:$0x1C100] =	vst v63  }
0x73: {  	s22 =	simm.s32 $0xF900  }
0x74: {  	[tilespmem:s22], [sflag:$0x1] =	stream.indirect_vreg.gather [hbm4b:s9+s1], $0x80, v3, vm0, $0xb8;
	[tilespmem:$0x1C100] =	vst v63  }
0x75: {  	v3 =	vld [tilespmem:$0x80];
	_ =	sdelay $0x4  }
0x76: {  	v4 =	vshrl.u32 v3, $0x3  }
0x77: {  	v4 =	vmul.u32 $0x30, v4  }
0x78: {  	v3 =	vand.u32 $0x7, v3  }
0x79: {  	v3 =	vor.u32 v3, v4  }
0x7a: {  	v4 =	vperm.xlane v3, v0;
	_ =	sdelay $0x1  }
0x7b: {  	v4 =	vadd.s32 v1, v4;
	_ =	sdelay $0x3  }
0x7c: {  	s14 =	simm.s32 $0x10100;
	v3 =	vperm.xlane v3, v2  }
0x7d: {  	[tilespmem:s14], [sflag:$0x1] =	stream.indirect_vreg.gather [hbm4b:s3+s1], $0x80, v4, vm0, $0xb8;
	[tilespmem:$0x1C100] =	vst v63  }
0x7e: {  	s15 =	simm.s32 $0x10900;
	v3 =	vadd.s32 v1, v3  }
0x7f: {  	[tilespmem:s15], [sflag:$0x1] =	stream.indirect_vreg.gather [hbm4b:s8+s1], $0x80, v4, vm0, $0xb8;
	[tilespmem:$0x1C100] =	vst v63  }
0x80: {  	s21 =	simm.s32 $0x11100  }
0x81: {  	[tilespmem:s21], [sflag:$0x1] =	stream.indirect_vreg.gather [hbm4b:s9+s1], $0x80, v4, vm0, $0xb8;
	[tilespmem:$0x1C100] =	vst v63  }
0x82: {  	s22 =	simm.s32 $0x11900  }
0x83: {  	[tilespmem:s22], [sflag:$0x1] =	stream.indirect_vreg.gather [hbm4b:s3+s1], $0x80, v3, vm0, $0xb8;
	[tilespmem:$0x1C100] =	vst v63  }
0x84: {  	s14 =	simm.s32 $0x12100  }
0x85: {  	[tilespmem:s14], [sflag:$0x1] =	stream.indirect_vreg.gather [hbm4b:s8+s1], $0x80, v3, vm0, $0xb8;
	[tilespmem:$0x1C100] =	vst v63  }
0x86: {  	s15 =	simm.s32 $0x12900  }
0x87: {  	[tilespmem:s15], [sflag:$0x1] =	stream.indirect_vreg.gather [hbm4b:s9+s1], $0x80, v3, vm0, $0xb8;
	[tilespmem:$0x1C100] =	vst v63  }
0x88: {  	v3 =	vld [tilespmem:$0x90];
	_ =	sdelay $0x4  }
0x89: {  	v4 =	vshrl.u32 v3, $0x3  }
0x8a: {  	v4 =	vmul.u32 $0x30, v4  }
0x8b: {  	v3 =	vand.u32 $0x7, v3  }
0x8c: {  	v3 =	vor.u32 v3, v4  }
0x8d: {  	v4 =	vperm.xlane v3, v0;
	_ =	sdelay $0x1  }
0x8e: {  	v4 =	vadd.s32 v1, v4;
	_ =	sdelay $0x3  }
0x8f: {  	s21 =	simm.s32 $0x13100;
	v3 =	vperm.xlane v3, v2  }
0x90: {  	[tilespmem:s21], [sflag:$0x1] =	stream.indirect_vreg.gather [hbm4b:s3+s1], $0x80, v4, vm0, $0xb8;
	[tilespmem:$0x1C100] =	vst v63  }
0x91: {  	s22 =	simm.s32 $0x13900;
	v3 =	vadd.s32 v1, v3  }
0x92: {  	[tilespmem:s22], [sflag:$0x1] =	stream.indirect_vreg.gather [hbm4b:s8+s1], $0x80, v4, vm0, $0xb8;
	[tilespmem:$0x1C100] =	vst v63  }
0x93: {  	s14 =	simm.s32 $0x14100  }
0x94: {  	[tilespmem:s14], [sflag:$0x1] =	stream.indirect_vreg.gather [hbm4b:s9+s1], $0x80, v4, vm0, $0xb8;
	[tilespmem:$0x1C100] =	vst v63  }
0x95: {  	s15 =	simm.s32 $0x14900  }
0x96: {  	[tilespmem:s15], [sflag:$0x1] =	stream.indirect_vreg.gather [hbm4b:s3+s1], $0x80, v3, vm0, $0xb8;
	[tilespmem:$0x1C100] =	vst v63  }
0x97: {  	_ = 	snop  }
0x98: {  	[tilespmem:s23], [sflag:$0x1] =	stream.indirect_vreg.gather [hbm4b:s8+s1], $0x80, v3, vm0, $0xb8;
	[tilespmem:$0x1C100] =	vst v63  }
0x99: {  	_ = 	snop  }
0x9a: {  	[tilespmem:s24], [sflag:$0x1] =	stream.indirect_vreg.gather [hbm4b:s9+s1], $0x80, v3, vm0, $0xb8;
	[tilespmem:$0x1C100] =	vst v63  }
0x9b: {  	v3 =	vld [tilespmem:$0xA0];
	_ =	sdelay $0x4  }
0x9c: {  	v4 =	vshrl.u32 v3, $0x3  }
0x9d: {  	v4 =	vmul.u32 $0x30, v4  }
0x9e: {  	v3 =	vand.u32 $0x7, v3  }
0x9f: {  	v3 =	vor.u32 v3, v4  }
0xa0: {  	v4 =	vperm.xlane v3, v0;
	_ =	sdelay $0x1  }
0xa1: {  	v4 =	vadd.s32 v1, v4;
	_ =	sdelay $0x3  }
0xa2: {  	v3 =	vperm.xlane v3, v2  }
0xa3: {  	[tilespmem:s25], [sflag:$0x1] =	stream.indirect_vreg.gather [hbm4b:s3+s1], $0x80, v4, vm0, $0xb8;
	[tilespmem:$0x1C100] =	vst v63  }
0xa4: {  	v3 =	vadd.s32 v1, v3  }
0xa5: {  	[tilespmem:s7], [sflag:$0x1] =	stream.indirect_vreg.gather [hbm4b:s8+s1], $0x80, v4, vm0, $0xb8;
	[tilespmem:$0x1C100] =	vst v63  }
0xa6: {  	_ = 	snop  }
0xa7: {  	[tilespmem:s26], [sflag:$0x1] =	stream.indirect_vreg.gather [hbm4b:s9+s1], $0x80, v4, vm0, $0xb8;
	[tilespmem:$0x1C100] =	vst v63  }
0xa8: {  	_ = 	snop  }
0xa9: {  	[tilespmem:s28], [sflag:$0x1] =	stream.indirect_vreg.gather [hbm4b:s3+s1], $0x80, v3, vm0, $0xb8;
	[tilespmem:$0x1C100] =	vst v63  }
0xaa: {  	_ = 	snop  }
0xab: {  	[tilespmem:s29], [sflag:$0x1] =	stream.indirect_vreg.gather [hbm4b:s8+s1], $0x80, v3, vm0, $0xb8;
	[tilespmem:$0x1C100] =	vst v63  }
0xac: {  	_ = 	snop  }
0xad: {  	[tilespmem:s30], [sflag:$0x1] =	stream.indirect_vreg.gather [hbm4b:s9+s1], $0x80, v3, vm0, $0xb8;
	[tilespmem:$0x1C100] =	vst v63  }
0xae: {  	v3 =	vld [tilespmem:$0xB0];
	_ =	sdelay $0x4  }
0xaf: {  	v4 =	vshrl.u32 v3, $0x3  }
0xb0: {  	v4 =	vmul.u32 $0x30, v4  }
0xb1: {  	v3 =	vand.u32 $0x7, v3  }
0xb2: {  	v3 =	vor.u32 v3, v4  }
0xb3: {  	v4 =	vperm.xlane v3, v0;
	_ =	sdelay $0x1  }
0xb4: {  	v4 =	vadd.s32 v1, v4;
	_ =	sdelay $0x3  }
0xb5: {  	v3 =	vperm.xlane v3, v2  }
0xb6: {  	[tilespmem:s10], [sflag:$0x1] =	stream.indirect_vreg.gather [hbm4b:s3+s1], $0x80, v4, vm0, $0xb8;
	[tilespmem:$0x1C100] =	vst v63  }
0xb7: {  	v3 =	vadd.s32 v1, v3  }
0xb8: {  	[tilespmem:s31], [sflag:$0x1] =	stream.indirect_vreg.gather [hbm4b:s8+s1], $0x80, v4, vm0, $0xb8;
	[tilespmem:$0x1C100] =	vst v63  }
0xb9: {  	_ = 	snop  }
0xba: {  	[tilespmem:s0], [sflag:$0x1] =	stream.indirect_vreg.gather [hbm4b:s9+s1], $0x80, v4, vm0, $0xb8;
	[tilespmem:$0x1C100] =	vst v63  }
0xbb: {  	_ = 	snop  }
0xbc: {  	[tilespmem:s11], [sflag:$0x1] =	stream.indirect_vreg.gather [hbm4b:s3+s1], $0x80, v3, vm0, $0xb8;
	[tilespmem:$0x1C100] =	vst v63  }
0xbd: {  	_ = 	snop  }
0xbe: {  	[tilespmem:s2], [sflag:$0x1] =	stream.indirect_vreg.gather [hbm4b:s8+s1], $0x80, v3, vm0, $0xb8;
	[tilespmem:$0x1C100] =	vst v63  }
0xbf: {  	_ = 	snop  }
0xc0: {  	[tilespmem:s18], [sflag:$0x1] =	stream.indirect_vreg.gather [hbm4b:s9+s1], $0x80, v3, vm0, $0xb8;
	[tilespmem:$0x1C100] =	vst v63  }
0xc1: {  	_ =	swait.ge [sflag:s20], $0xC000  }
0xc2: {  	[sflag:s20] =	ssyncset.done $0x0  }
0xc3: {  	s14 =	simm.s32 $0x0;
	[sflag:s20] =	ssyncadd.s32 $0xFFFF4000  }
0xc4: {  	s14 =	smul.u32 $0x1800, s14;
	_ =	swait.ge [sflag:s20], $0xC000  }
0xc5: {  	s21 =	sand.u32 $0x380, s1;
	[sflag:s20] =	ssyncset.done $0x0  }
0xc6: {  	s22 =	sor.u32 s21, s14;
	[sflag:s20] =	ssyncadd.s32 $0xFFFF4000  }
0xc7: {  	v4 =	vld [tilespmem:s22+$0x4110]  }
0xc8: {  	v3 =	vld [tilespmem:s22+$0x10110]  }
0xc9: {  	v6 =	vld [tilespmem:s22+$0x4120]  }
0xca: {  	v5 =	vld [tilespmem:s22+$0x10120]  }
0xcb: {  	v10 =	vld [tilespmem:s22+$0x4130]  }
0xcc: {  	v9 =	vld [tilespmem:s22+$0x10130]  }
0xcd: {  	v12 =	vld [tilespmem:s22+$0x4140]  }
0xce: {  	v11 =	vld [tilespmem:s22+$0x10140]  }
0xcf: {  	v13 =	vld [tilespmem:s22+$0x4160]  }
0xd0: {  	v14 =	vld [tilespmem:s22+$0x4170]  }
0xd1: {  	v15 =	vld [tilespmem:s22+$0x4500]  }
0xd2: {  	v16 =	vld [tilespmem:s22+$0x4510]  }
0xd3: {  	v17 =	vld [tilespmem:s22+$0x4520]  }
0xd4: {  	v18 =	vld [tilespmem:s22+$0x4530]  }
0xd5: {  	v19 =	vld [tilespmem:s22+$0x4540]  }
0xd6: {  	v20 =	vld [tilespmem:s22+$0x4550]  }
0xd7: {  	v21 =	vld [tilespmem:s22+$0x4560]  }
0xd8: {  	v22 =	vld [tilespmem:s22+$0x4570]  }
0xd9: {  	v23 =	vld [tilespmem:s22+$0x4900]  }
0xda: {  	v24 =	vld [tilespmem:s22+$0x4910]  }
0xdb: {  	v25 =	vld [tilespmem:s22+$0x4920]  }
0xdc: {  	v26 =	vld [tilespmem:s22+$0x4930]  }
0xdd: {  	v27 =	vld [tilespmem:s22+$0x4940]  }
0xde: {  	v28 =	vld [tilespmem:s22+$0x4950]  }
0xdf: {  	v29 =	vld [tilespmem:s22+$0x4960]  }
0xe0: {  	v30 =	vld [tilespmem:s22+$0x4970]  }
0xe1: {  	v31 =	vld [tilespmem:s22+$0x4D00]  }
0xe2: {  	v32 =	vld [tilespmem:s22+$0x4D10]  }
0xe3: {  	v33 =	vld [tilespmem:s22+$0x4D20]  }
0xe4: {  	v34 =	vld [tilespmem:s22+$0x4D30]  }
0xe5: {  	v35 =	vld [tilespmem:s22+$0x4D40]  }
0xe6: {  	v36 =	vld [tilespmem:s22+$0x4D50]  }
0xe7: {  	v37 =	vld [tilespmem:s22+$0x4D60]  }
0xe8: {  	v38 =	vld [tilespmem:s22+$0x4D70]  }
0xe9: {  	v39 =	vld [tilespmem:s22+$0x5100]  }
0xea: {  	v40 =	vld [tilespmem:s22+$0x5110]  }
0xeb: {  	v41 =	vld [tilespmem:s22+$0x5120]  }
0xec: {  	v42 =	vld [tilespmem:s22+$0x5130]  }
0xed: {  	v43 =	vld [tilespmem:s22+$0x5140]  }
0xee: {  	v44 =	vld [tilespmem:s22+$0x5150]  }
0xef: {  	v45 =	vld [tilespmem:s22+$0x5160]  }
0xf0: {  	v46 =	vld [tilespmem:s22+$0x5500]  }
0xf1: {  	v47 =	vld [tilespmem:s22+$0x5510]  }
0xf2: {  	v48 =	vld [tilespmem:s22+$0x11510]  }
0xf3: {  	v49 =	vld [tilespmem:s22+$0x11530]  }
0xf4: {  	v50 =	vld [tilespmem:s22+$0x5530]  }
0xf5: {  	v51 =	vld [tilespmem:s22+$0x5520]  }
0xf6: {  	v7 =	vld [tilespmem:s4+$0x0]  }
0xf7: {  	v8 =	vld [tilespmem:s13+$0x0]  }
0xf8: {  	v52 =	vld [tilespmem:s22+$0x11520]  }
0xf9: {  	v53 =	vld [tilespmem:s22+$0x11500]  }
0xfa: {  	v54 =	vld [tilespmem:s22+$0x5170]  }
0xfb: {  	v55 =	vld [tilespmem:s22+$0x11170];
	v50 =	vmul.f32 v50, v7  }
0xfc: {  	v56 =	vld [tilespmem:s22+$0x11160];
	v49 =	vmul.f32 v49, v8;
	v51 =	vmul.f32 v51, v7  }
0xfd: {  	v57 =	vld [tilespmem:s22+$0x11150];
	v52 =	vmul.f32 v52, v8;
	v47 =	vmul.f32 v47, v7  }
0xfe: {  	v61 =	vld [tilespmem:s22+$0x11100];
	v48 =	vmul.f32 v48, v8;
	v46 =	vmul.f32 v46, v7  }
0xff: {  	v58 =	vld [tilespmem:s22+$0x11140];
	v62 =	vmul.f32 v53, v8;
	v63 =	vmul.f32 v54, v7;
	v49 =	vadd.f32 v49, v50  }
0x100: {  	v53 =	vld [tilespmem:s22+$0x11130];
	v59 =	vmul.f32 v55, v8;
	v45 =	vmul.f32 v45, v7;
	v51 =	vadd.f32 v52, v51  }
0x101: {  	v60 =	vmul.f32 v56, v8;
	v44 =	vmul.f32 v44, v7;
	v56 =	vld [tilespmem:s22+$0x10D60];
	v47 =	vadd.f32 v48, v47;
	[tilespmem:s22+$0x5530] =	vst v49  }
0x102: {  	v43 =	vmul.f32 v43, v7;
	v39 =	vmul.f32 v39, v7;
	v55 =	vld [tilespmem:s22+$0x10970];
	v46 =	vadd.f32 v62, v46;
	[tilespmem:s22+$0x5520] =	vst v51  }
0x103: {  	v61 =	vmul.f32 v61, v8;
	v12 =	vmul.f32 v12, v7;
	v48 =	vld [tilespmem:s22+$0x11120];
	v52 =	vadd.f32 v59, v63;
	[tilespmem:s22+$0x5510] =	vst v47  }
0x104: {  	v11 =	vmul.f32 v11, v8;
	v63 =	vmul.f32 v58, v8;
	v45 =	vadd.f32 v60, v45;
	v58 =	vld [tilespmem:s22+$0x10D50];
	[tilespmem:s22+$0x5500] =	vst v46  }
0x105: {  	v42 =	vmul.f32 v42, v7;
	v62 =	vmul.f32 v57, v8;
	v59 =	vld [tilespmem:s22+$0x10D40];
	v39 =	vadd.f32 v61, v39;
	[tilespmem:s22+$0x5170] =	vst v52  }
0x106: {  	v41 =	vmul.f32 v41, v7;
	v40 =	vmul.f32 v40, v7;
	v60 =	vld [tilespmem:s22+$0x10D30];
	v11 =	vadd.f32 v11, v12;
	[tilespmem:s22+$0x5160] =	vst v45  }
0x107: {  	v38 =	vmul.f32 v38, v7;
	v61 =	vld [tilespmem:s22+$0x10910];
	v44 =	vadd.f32 v62, v44;
	[tilespmem:s22+$0x5100] =	vst v39;
	v57 =	vmul.f32 v53, v8  }
0x108: {  	v37 =	vmul.f32 v37, v7;
	v49 =	vld [tilespmem:s22+$0x11110];
	v43 =	vadd.f32 v63, v43;
	[tilespmem:s22+$0x4140] =	vst v11;
	v46 =	vmul.f32 v56, v8  }
0x109: {  	v36 =	vmul.f32 v36, v7;
	v47 =	vld [tilespmem:s22+$0x10D70];
	[tilespmem:s22+$0x5150] =	vst v44;
	v48 =	vmul.f32 v48, v8;
	v42 =	vadd.f32 v57, v42  }
0x10a: {  	v35 =	vmul.f32 v35, v7;
	v62 =	vld [tilespmem:s22+$0x10D20];
	[tilespmem:s22+$0x5140] =	vst v43;
	v54 =	vmul.f32 v58, v8;
	v37 =	vadd.f32 v46, v37  }
0x10b: {  	v34 =	vmul.f32 v34, v7;
	v63 =	vld [tilespmem:s22+$0x10D10];
	v45 =	vmul.f32 v59, v8;
	v41 =	vadd.f32 v48, v41;
	[tilespmem:s22+$0x5130] =	vst v42  }
0x10c: {  	v33 =	vmul.f32 v33, v7;
	v56 =	vld [tilespmem:s22+$0x10960];
	v44 =	vmul.f32 v60, v8;
	v36 =	vadd.f32 v54, v36;
	[tilespmem:s22+$0x4D60] =	vst v37  }
0x10d: {  	v32 =	vmul.f32 v32, v7;
	v53 =	vld [tilespmem:s22+$0x10D00];
	v49 =	vmul.f32 v49, v8;
	v35 =	vadd.f32 v45, v35;
	[tilespmem:s22+$0x5120] =	vst v41  }
0x10e: {  	v6 =	vmul.f32 v6, v7;
	v12 =	vld [tilespmem:s22+$0x5560];
	v47 =	vmul.f32 v47, v8;
	v34 =	vadd.f32 v44, v34;
	[tilespmem:s22+$0x4D50] =	vst v36  }
0x10f: {  	v5 =	vmul.f32 v5, v8;
	v58 =	vld [tilespmem:s22+$0x10940];
	v43 =	vmul.f32 v62, v8;
	v40 =	vadd.f32 v49, v40;
	[tilespmem:s22+$0x4D40] =	vst v35  }
0x110: {  	v29 =	vmul.f32 v29, v7;
	v59 =	vld [tilespmem:s22+$0x10930];
	v42 =	vmul.f32 v63, v8;
	v38 =	vadd.f32 v47, v38;
	[tilespmem:s22+$0x4D30] =	vst v34  }
0x111: {  	v5 =	vadd.f32 v5, v6;
	v6 =	vld [tilespmem:s22+$0x4100];
	v39 =	vmul.f32 v56, v8;
	v33 =	vadd.f32 v43, v33;
	[tilespmem:s22+$0x5110] =	vst v40  }
0x112: {  	v31 =	vmul.f32 v31, v7;
	v60 =	vld [tilespmem:s22+$0x10920];
	v41 =	vmul.f32 v53, v8;
	v32 =	vadd.f32 v42, v32;
	[tilespmem:s22+$0x4D70] =	vst v38  }
0x113: {  	v24 =	vmul.f32 v24, v7;
	v57 =	vld [tilespmem:s22+$0x10950];
	v34 =	vmul.f32 v61, v8;
	v29 =	vadd.f32 v39, v29;
	[tilespmem:s22+$0x4D20] =	vst v33  }
0x114: {  	v27 =	vmul.f32 v27, v7;
	v62 =	vld [tilespmem:s22+$0x10900];
	v37 =	vmul.f32 v58, v8;
	v31 =	vadd.f32 v41, v31;
	[tilespmem:s22+$0x4D10] =	vst v32  }
0x115: {  	v26 =	vmul.f32 v26, v7;
	v63 =	vld [tilespmem:s22+$0x10570];
	v36 =	vmul.f32 v59, v8;
	v24 =	vadd.f32 v34, v24;
	[tilespmem:s22+$0x4960] =	vst v29  }
0x116: {  	v30 =	vmul.f32 v30, v7;
	v40 =	vmul.f32 v55, v8;
	v27 =	vadd.f32 v37, v27;
	v29 =	vld [tilespmem:s22+$0x10540];
	[tilespmem:s22+$0x4D00] =	vst v31  }
0x117: {  	v25 =	vmul.f32 v25, v7;
	v35 =	vmul.f32 v60, v8;
	v26 =	vadd.f32 v36, v26;
	v31 =	vld [tilespmem:s22+$0x10560];
	[tilespmem:s22+$0x4910] =	vst v24  }
0x118: {  	v28 =	vmul.f32 v28, v7;
	v38 =	vmul.f32 v57, v8;
	v30 =	vadd.f32 v40, v30;
	v24 =	vld [tilespmem:s22+$0x10170];
	[tilespmem:s22+$0x4940] =	vst v27  }
0x119: {  	v23 =	vmul.f32 v23, v7;
	v33 =	vmul.f32 v62, v8;
	v25 =	vadd.f32 v35, v25;
	v27 =	vld [tilespmem:s22+$0x10520];
	[tilespmem:s22+$0x4930] =	vst v26  }
0x11a: {  	v22 =	vmul.f32 v22, v7;
	v32 =	vmul.f32 v63, v8;
	v28 =	vadd.f32 v38, v28;
	[tilespmem:s22+$0x4970] =	vst v30;
	v30 =	vld [tilespmem:s22+$0x10550]  }
0x11b: {  	v19 =	vmul.f32 v19, v7;
	v23 =	vadd.f32 v33, v23;
	[tilespmem:s22+$0x4920] =	vst v25;
	v25 =	vld [tilespmem:s22+$0x10500];
	v29 =	vmul.f32 v29, v8  }
0x11c: {  	v21 =	vmul.f32 v21, v7;
	v22 =	vadd.f32 v32, v22;
	[tilespmem:s22+$0x4950] =	vst v28;
	v28 =	vld [tilespmem:s22+$0x10530];
	v31 =	vmul.f32 v31, v8  }
0x11d: {  	v14 =	vmul.f32 v14, v7;
	[tilespmem:s22+$0x4900] =	vst v23;
	v23 =	vld [tilespmem:s22+$0x10160];
	v24 =	vmul.f32 v24, v8;
	v19 =	vadd.f32 v29, v19  }
0x11e: {  	v17 =	vmul.f32 v17, v7;
	v26 =	vld [tilespmem:s22+$0x10510];
	[tilespmem:s22+$0x4570] =	vst v22;
	v27 =	vmul.f32 v27, v8;
	v21 =	vadd.f32 v31, v21  }
0x11f: {  	v20 =	vmul.f32 v20, v7;
	v22 =	vld [tilespmem:s22+$0x4150];
	v30 =	vmul.f32 v30, v8;
	v14 =	vadd.f32 v24, v14;
	[tilespmem:s22+$0x4540] =	vst v19  }
0x120: {  	v15 =	vmul.f32 v15, v7;
	v25 =	vmul.f32 v25, v8;
	v17 =	vadd.f32 v27, v17;
	v19 =	vld [tilespmem:s22+$0x11550];
	[tilespmem:s22+$0x4560] =	vst v21  }
0x121: {  	v18 =	vmul.f32 v18, v7;
	v28 =	vmul.f32 v28, v8;
	v20 =	vadd.f32 v30, v20;
	v21 =	vld [tilespmem:s22+$0x10150];
	[tilespmem:s22+$0x4170] =	vst v14  }
0x122: {  	v13 =	vmul.f32 v13, v7;
	v23 =	vmul.f32 v23, v8;
	v15 =	vadd.f32 v25, v15;
	[tilespmem:s22+$0x4520] =	vst v17;
	v17 =	vld [tilespmem:s22+$0x5540]  }
0x123: {  	v16 =	vmul.f32 v16, v7;
	v26 =	vmul.f32 v26, v8;
	v18 =	vadd.f32 v28, v18;
	[tilespmem:s22+$0x4550] =	vst v20;
	v20 =	vld [tilespmem:s22+$0x11540]  }
0x124: {  	v10 =	vmul.f32 v10, v7;
	v9 =	vmul.f32 v9, v8;
	v13 =	vadd.f32 v23, v13;
	[tilespmem:s22+$0x4500] =	vst v15;
	v15 =	vld [tilespmem:s22+$0x5550]  }
0x125: {  	v4 =	vmul.f32 v4, v7;
	v3 =	vmul.f32 v3, v8;
	v16 =	vadd.f32 v26, v16;
	[tilespmem:s22+$0x4530] =	vst v18;
	v18 =	vld [tilespmem:s22+$0x11560]  }
0x126: {  	v9 =	vadd.f32 v9, v10;
	v10 =	vmul.f32 v22, v7;
	v14 =	vld [tilespmem:s22+$0x5570];
	[tilespmem:s22+$0x4160] =	vst v13;
	v13 =	vmul.f32 v21, v8  }
0x127: {  	v3 =	vadd.f32 v3, v4;
	[tilespmem:s22+$0x4510] =	vst v16;
	v16 =	vld [tilespmem:s22+$0x11570]  }
0x128: {  	s21 =	simm.s32 $0x0;
	[tilespmem:s22+$0x4130] =	vst v9;
	v9 =	vld [tilespmem:s22+$0x10100];
	v11 =	vmul.f32 v17, v7;
	v17 =	vmul.f32 v20, v8;
	v4 =	vadd.f32 v13, v10  }
0x129: {  	s14 =	simm.s32 $0x80;
	s5 =	smul.u32 $0x1800, s21;
	[tilespmem:s22+$0x4120] =	vst v5;
	v5 =	vmul.f32 v15, v7;
	v10 =	vmul.f32 v19, v8  }
0x12a: {  	s15 =	sand.u32 $0x380, s14;
	v11 =	vadd.f32 v17, v11;
	[tilespmem:s22+$0x4150] =	vst v4;
	v4 =	vmul.f32 v12, v7;
	v12 =	vmul.f32 v18, v8  }
0x12b: {  	s21 =	sor.u32 s15, s5;
	[tilespmem:s22+$0x4110] =	vst v3;
	v5 =	vadd.f32 v10, v5  }
0x12c: {  	v3 =	vld [tilespmem:s21+$0x4110];
	v10 =	vmul.f32 v14, v7;
	[tilespmem:s22+$0x5540] =	vst v11;
	v11 =	vmul.f32 v16, v8;
	v12 =	vadd.f32 v12, v4  }
0x12d: {  	v7 =	vmul.f32 v6, v7;
	v8 =	vmul.f32 v9, v8;
	v4 =	vld [tilespmem:s21+$0x10110];
	[tilespmem:s22+$0x5550] =	vst v5  }
0x12e: {  	v9 =	vadd.f32 v11, v10;
	v6 =	vld [tilespmem:s21+$0x4120];
	[tilespmem:s22+$0x5560] =	vst v12  }
0x12f: {  	v7 =	vadd.f32 v8, v7;
	v5 =	vld [tilespmem:s21+$0x10120]  }
0x130: {  	v8 =	vld [tilespmem:s21+$0x4130];
	[tilespmem:s22+$0x5570] =	vst v9  }
0x131: {  	v18 =	vld [tilespmem:s21+$0x4530];
	[tilespmem:s22+$0x4100] =	vst v7  }
0x132: {  	v7 =	vld [tilespmem:s21+$0x10130]  }
0x133: {  	v10 =	vld [tilespmem:s21+$0x4140]  }
0x134: {  	v9 =	vld [tilespmem:s21+$0x10140]  }
0x135: {  	v12 =	vld [tilespmem:s21+$0x4150]  }
0x136: {  	v11 =	vld [tilespmem:s21+$0x10150]  }
0x137: {  	v13 =	vld [tilespmem:s21+$0x4160]  }
0x138: {  	v14 =	vld [tilespmem:s21+$0x4170]  }
0x139: {  	v15 =	vld [tilespmem:s21+$0x4500]  }
0x13a: {  	v16 =	vld [tilespmem:s21+$0x4510]  }
0x13b: {  	v17 =	vld [tilespmem:s21+$0x4520]  }
0x13c: {  	v19 =	vld [tilespmem:s21+$0x4540]  }
0x13d: {  	v20 =	vld [tilespmem:s21+$0x4550]  }
0x13e: {  	v21 =	vld [tilespmem:s21+$0x4560]  }
0x13f: {  	v22 =	vld [tilespmem:s21+$0x4570]  }
0x140: {  	v23 =	vld [tilespmem:s21+$0x4900]  }
0x141: {  	v24 =	vld [tilespmem:s21+$0x4910]  }
0x142: {  	v25 =	vld [tilespmem:s21+$0x4920]  }
0x143: {  	v26 =	vld [tilespmem:s21+$0x4930]  }
0x144: {  	v27 =	vld [tilespmem:s21+$0x4940]  }
0x145: {  	v28 =	vld [tilespmem:s21+$0x4950]  }
0x146: {  	v29 =	vld [tilespmem:s21+$0x4960]  }
0x147: {  	v30 =	vld [tilespmem:s21+$0x4970]  }
0x148: {  	v31 =	vld [tilespmem:s21+$0x4D00]  }
0x149: {  	v34 =	vld [tilespmem:s21+$0x4D10]  }
0x14a: {  	v35 =	vld [tilespmem:s21+$0x4D20]  }
0x14b: {  	v36 =	vld [tilespmem:s21+$0x4D30]  }
0x14c: {  	v37 =	vld [tilespmem:s21+$0x4D40]  }
0x14d: {  	v38 =	vld [tilespmem:s21+$0x4D50]  }
0x14e: {  	v39 =	vld [tilespmem:s21+$0x4D60]  }
0x14f: {  	v40 =	vld [tilespmem:s21+$0x4D70]  }
0x150: {  	v41 =	vld [tilespmem:s21+$0x5100]  }
0x151: {  	v42 =	vld [tilespmem:s21+$0x5110]  }
0x152: {  	v43 =	vld [tilespmem:s21+$0x5120]  }
0x153: {  	v44 =	vld [tilespmem:s21+$0x5130]  }
0x154: {  	v45 =	vld [tilespmem:s21+$0x5140]  }
0x155: {  	v46 =	vld [tilespmem:s21+$0x5150]  }
0x156: {  	v47 =	vld [tilespmem:s21+$0x5160]  }
0x157: {  	v48 =	vld [tilespmem:s21+$0x5500]  }
0x158: {  	v50 =	vld [tilespmem:s21+$0x5510]  }
0x159: {  	v49 =	vld [tilespmem:s21+$0x11510]  }
0x15a: {  	s22 =	simm.s32 $0x2;
	v51 =	vld [tilespmem:s21+$0x11530]  }
.LBB2_2:
0x15b: {  	p0 =	sne.s32 s22, $0x3F;
	v52 =	vld [tilespmem:s21+$0x5530]  }
0x15c: {  	s4 =	sadd.s32 $0x80, s4;
	v53 =	vld [tilespmem:s21+$0x5520]  }
0x15d: {  	s13 =	sadd.s32 $0x80, s13;
	v33 =	vld [tilespmem:s4+$0x0]  }
0x15e: {  	v32 =	vld [tilespmem:s13+$0x0]  }
0x15f: {  	v54 =	vld [tilespmem:s21+$0x11520]  }
0x160: {  	v55 =	vld [tilespmem:s21+$0x11500]  }
0x161: {  	v56 =	vld [tilespmem:s21+$0x5170]  }
0x162: {  	v57 =	vld [tilespmem:s21+$0x11170];
	v50 =	vmul.f32 v50, v33;
	v53 =	vmul.f32 v53, v33  }
0x163: {  	v52 =	vmul.f32 v52, v33;
	v58 =	vld [tilespmem:s21+$0x11160];
	v51 =	vmul.f32 v51, v32  }
0x164: {  	v49 =	vmul.f32 v49, v32;
	v59 =	vld [tilespmem:s21+$0x11150];
	v54 =	vmul.f32 v54, v32  }
0x165: {  	v48 =	vmul.f32 v48, v33;
	v60 =	vld [tilespmem:s21+$0x11140];
	v55 =	vmul.f32 v55, v32;
	v51 =	vadd.f32 v51, v52  }
0x166: {  	v49 =	vadd.f32 v49, v50;
	v52 =	vld [tilespmem:s21+$0x11130];
	v56 =	vmul.f32 v56, v33;
	v50 =	vadd.f32 v54, v53  }
0x167: {  	v47 =	vmul.f32 v47, v33;
	v53 =	vld [tilespmem:s21+$0x11120];
	v54 =	vmul.f32 v57, v32;
	v48 =	vadd.f32 v55, v48;
	[tilespmem:s21+$0x5530] =	vst v51  }
0x168: {  	v46 =	vmul.f32 v46, v33;
	v51 =	vld [tilespmem:s21+$0x11110];
	v55 =	vmul.f32 v58, v32;
	[tilespmem:s21+$0x5520] =	vst v50  }
0x169: {  	v45 =	vmul.f32 v45, v33;
	v50 =	vld [tilespmem:s21+$0x11100];
	v57 =	vmul.f32 v59, v32;
	v54 =	vadd.f32 v54, v56;
	[tilespmem:s21+$0x5510] =	vst v49  }
0x16a: {  	v44 =	vmul.f32 v44, v33;
	v49 =	vld [tilespmem:s21+$0x10D70];
	v56 =	vmul.f32 v60, v32;
	v47 =	vadd.f32 v55, v47;
	[tilespmem:s21+$0x5500] =	vst v48  }
0x16b: {  	v43 =	vmul.f32 v43, v33;
	v48 =	vld [tilespmem:s21+$0x10D60];
	v52 =	vmul.f32 v52, v32;
	v46 =	vadd.f32 v57, v46;
	[tilespmem:s21+$0x5170] =	vst v54  }
0x16c: {  	v42 =	vmul.f32 v42, v33;
	v54 =	vld [tilespmem:s21+$0x10D50];
	v53 =	vmul.f32 v53, v32;
	v45 =	vadd.f32 v56, v45;
	[tilespmem:s21+$0x5160] =	vst v47  }
0x16d: {  	v41 =	vmul.f32 v41, v33;
	v47 =	vld [tilespmem:s21+$0x10D40];
	v51 =	vmul.f32 v51, v32;
	v44 =	vadd.f32 v52, v44;
	[tilespmem:s21+$0x5150] =	vst v46  }
0x16e: {  	v40 =	vmul.f32 v40, v33;
	v46 =	vld [tilespmem:s21+$0x10D30];
	v50 =	vmul.f32 v50, v32;
	v43 =	vadd.f32 v53, v43;
	[tilespmem:s21+$0x5140] =	vst v45  }
0x16f: {  	v39 =	vmul.f32 v39, v33;
	v45 =	vld [tilespmem:s21+$0x10D20];
	v49 =	vmul.f32 v49, v32;
	v42 =	vadd.f32 v51, v42;
	[tilespmem:s21+$0x5130] =	vst v44  }
0x170: {  	v38 =	vmul.f32 v38, v33;
	v44 =	vld [tilespmem:s21+$0x10D10];
	v48 =	vmul.f32 v48, v32;
	v41 =	vadd.f32 v50, v41;
	[tilespmem:s21+$0x5120] =	vst v43  }
0x171: {  	v37 =	vmul.f32 v37, v33;
	v43 =	vld [tilespmem:s21+$0x10D00];
	v50 =	vmul.f32 v54, v32;
	v40 =	vadd.f32 v49, v40;
	[tilespmem:s21+$0x5110] =	vst v42  }
0x172: {  	v36 =	vmul.f32 v36, v33;
	v42 =	vld [tilespmem:s21+$0x10970];
	v47 =	vmul.f32 v47, v32;
	v39 =	vadd.f32 v48, v39;
	[tilespmem:s21+$0x5100] =	vst v41  }
0x173: {  	v35 =	vmul.f32 v35, v33;
	v41 =	vld [tilespmem:s21+$0x10960];
	v46 =	vmul.f32 v46, v32;
	v38 =	vadd.f32 v50, v38;
	[tilespmem:s21+$0x4D70] =	vst v40  }
0x174: {  	v34 =	vmul.f32 v34, v33;
	v40 =	vld [tilespmem:s21+$0x10950];
	v45 =	vmul.f32 v45, v32;
	v37 =	vadd.f32 v47, v37;
	[tilespmem:s21+$0x4D60] =	vst v39  }
0x175: {  	v31 =	vmul.f32 v31, v33;
	v39 =	vld [tilespmem:s21+$0x10940];
	v44 =	vmul.f32 v44, v32;
	v36 =	vadd.f32 v46, v36;
	[tilespmem:s21+$0x4D50] =	vst v38  }
0x176: {  	v30 =	vmul.f32 v30, v33;
	v38 =	vld [tilespmem:s21+$0x10930];
	v43 =	vmul.f32 v43, v32;
	v35 =	vadd.f32 v45, v35;
	[tilespmem:s21+$0x4D40] =	vst v37  }
0x177: {  	v29 =	vmul.f32 v29, v33;
	v37 =	vld [tilespmem:s21+$0x10920];
	v42 =	vmul.f32 v42, v32;
	v34 =	vadd.f32 v44, v34;
	[tilespmem:s21+$0x4D30] =	vst v36  }
0x178: {  	v28 =	vmul.f32 v28, v33;
	v36 =	vld [tilespmem:s21+$0x10910];
	v41 =	vmul.f32 v41, v32;
	v31 =	vadd.f32 v43, v31;
	[tilespmem:s21+$0x4D20] =	vst v35  }
0x179: {  	v27 =	vmul.f32 v27, v33;
	v35 =	vld [tilespmem:s21+$0x10900];
	v40 =	vmul.f32 v40, v32;
	v30 =	vadd.f32 v42, v30;
	[tilespmem:s21+$0x4D10] =	vst v34  }
0x17a: {  	v26 =	vmul.f32 v26, v33;
	v34 =	vld [tilespmem:s21+$0x10570];
	v39 =	vmul.f32 v39, v32;
	v29 =	vadd.f32 v41, v29;
	[tilespmem:s21+$0x4D00] =	vst v31  }
0x17b: {  	v25 =	vmul.f32 v25, v33;
	v31 =	vld [tilespmem:s21+$0x10560];
	v38 =	vmul.f32 v38, v32;
	v28 =	vadd.f32 v40, v28;
	[tilespmem:s21+$0x4970] =	vst v30  }
0x17c: {  	v24 =	vmul.f32 v24, v33;
	v30 =	vld [tilespmem:s21+$0x10550];
	v37 =	vmul.f32 v37, v32;
	v27 =	vadd.f32 v39, v27;
	[tilespmem:s21+$0x4960] =	vst v29  }
0x17d: {  	v23 =	vmul.f32 v23, v33;
	v29 =	vld [tilespmem:s21+$0x10540];
	v36 =	vmul.f32 v36, v32;
	v26 =	vadd.f32 v38, v26;
	[tilespmem:s21+$0x4950] =	vst v28  }
0x17e: {  	v22 =	vmul.f32 v22, v33;
	v28 =	vld [tilespmem:s21+$0x10530];
	v35 =	vmul.f32 v35, v32;
	v25 =	vadd.f32 v37, v25;
	[tilespmem:s21+$0x4940] =	vst v27  }
0x17f: {  	v21 =	vmul.f32 v21, v33;
	v27 =	vld [tilespmem:s21+$0x10520];
	v34 =	vmul.f32 v34, v32;
	v24 =	vadd.f32 v36, v24;
	[tilespmem:s21+$0x4930] =	vst v26  }
0x180: {  	v20 =	vmul.f32 v20, v33;
	v26 =	vld [tilespmem:s21+$0x10510];
	v31 =	vmul.f32 v31, v32;
	v23 =	vadd.f32 v35, v23;
	[tilespmem:s21+$0x4920] =	vst v25  }
0x181: {  	v19 =	vmul.f32 v19, v33;
	v25 =	vld [tilespmem:s21+$0x10500];
	v30 =	vmul.f32 v30, v32;
	v22 =	vadd.f32 v34, v22;
	[tilespmem:s21+$0x4910] =	vst v24  }
0x182: {  	v18 =	vmul.f32 v18, v33;
	v24 =	vld [tilespmem:s21+$0x10170];
	v29 =	vmul.f32 v29, v32;
	v21 =	vadd.f32 v31, v21;
	[tilespmem:s21+$0x4900] =	vst v23  }
0x183: {  	v17 =	vmul.f32 v17, v33;
	v23 =	vld [tilespmem:s21+$0x10160];
	v28 =	vmul.f32 v28, v32;
	v20 =	vadd.f32 v30, v20;
	[tilespmem:s21+$0x4570] =	vst v22  }
0x184: {  	v16 =	vmul.f32 v16, v33;
	v22 =	vmul.f32 v27, v32;
	v19 =	vadd.f32 v29, v19;
	[tilespmem:s21+$0x4560] =	vst v21;
	v21 =	vld [tilespmem:s21+$0x11540]  }
0x185: {  	v15 =	vmul.f32 v15, v33;
	v26 =	vmul.f32 v26, v32;
	v18 =	vadd.f32 v28, v18;
	[tilespmem:s21+$0x4550] =	vst v20;
	v20 =	vld [tilespmem:s21+$0x11550]  }
0x186: {  	v14 =	vmul.f32 v14, v33;
	v25 =	vmul.f32 v25, v32;
	v17 =	vadd.f32 v22, v17;
	[tilespmem:s21+$0x4540] =	vst v19;
	v19 =	vld [tilespmem:s21+$0x11560]  }
0x187: {  	v13 =	vmul.f32 v13, v33;
	v22 =	vmul.f32 v24, v32;
	v16 =	vadd.f32 v26, v16;
	[tilespmem:s21+$0x4530] =	vst v18;
	v18 =	vld [tilespmem:s21+$0x11570]  }
0x188: {  	v12 =	vmul.f32 v12, v33;
	v23 =	vmul.f32 v23, v32;
	v15 =	vadd.f32 v25, v15;
	[tilespmem:s21+$0x4520] =	vst v17;
	v17 =	vld [tilespmem:s21+$0x5540]  }
0x189: {  	v10 =	vmul.f32 v10, v33;
	v11 =	vmul.f32 v11, v32;
	v14 =	vadd.f32 v22, v14;
	[tilespmem:s21+$0x4510] =	vst v16;
	v16 =	vld [tilespmem:s21+$0x5550]  }
0x18a: {  	v8 =	vmul.f32 v8, v33;
	v9 =	vmul.f32 v9, v32;
	v13 =	vadd.f32 v23, v13;
	[tilespmem:s21+$0x4500] =	vst v15;
	v15 =	vld [tilespmem:s21+$0x5560]  }
0x18b: {  	v6 =	vmul.f32 v6, v33;
	v7 =	vmul.f32 v7, v32;
	v11 =	vadd.f32 v11, v12;
	[tilespmem:s21+$0x4170] =	vst v14;
	v12 =	vld [tilespmem:s21+$0x5570]  }
0x18c: {  	v3 =	vmul.f32 v3, v33;
	v5 =	vmul.f32 v5, v32;
	v9 =	vadd.f32 v9, v10;
	v14 =	vld [tilespmem:s21+$0x4100];
	[tilespmem:s21+$0x4160] =	vst v13  }
0x18d: {  	v4 =	vmul.f32 v4, v32;
	v7 =	vadd.f32 v7, v8;
	v10 =	vld [tilespmem:s21+$0x10100];
	[tilespmem:s21+$0x4150] =	vst v11;
	v8 =	vmul.f32 v17, v33  }
0x18e: {  	s15 =	sshrl.u32 s22, $0x3;
	v5 =	vadd.f32 v5, v6;
	v6 =	vmul.f32 v21, v32;
	[tilespmem:s21+$0x4140] =	vst v9;
	v9 =	vmul.f32 v16, v33  }
0x18f: {  	s14 =	sadd.s32 $0x80, s14;
	s15 =	smul.u32 $0x1800, s15;
	v3 =	vadd.f32 v4, v3;
	v4 =	vmul.f32 v20, v32;
	[tilespmem:s21+$0x4130] =	vst v7;
	v7 =	vmul.f32 v15, v33  }
0x190: {  	s5 =	sand.u32 $0x380, s14;
	[tilespmem:s21+$0x4120] =	vst v5;
	v5 =	vadd.f32 v6, v8;
	v6 =	vmul.f32 v19, v32;
	v8 =	vmul.f32 v12, v33  }
0x191: {  	s5 =	sor.u32 s5, s15;
	v9 =	vadd.f32 v4, v9;
	v12 =	vmul.f32 v18, v32;
	v11 =	vmul.f32 v14, v33;
	[tilespmem:s21+$0x4110] =	vst v3  }
0x192: {  	v3 =	vld [tilespmem:s5+$0x4110];
	v10 =	vmul.f32 v10, v32;
	[tilespmem:s21+$0x5540] =	vst v5;
	v5 =	vadd.f32 v6, v7  }
0x193: {  	v7 =	vadd.f32 v12, v8;
	v4 =	vld [tilespmem:s5+$0x10110];
	[tilespmem:s21+$0x5550] =	vst v9  }
0x194: {  	v6 =	vld [tilespmem:s5+$0x4120];
	v9 =	vadd.f32 v10, v11;
	[tilespmem:s21+$0x5560] =	vst v5  }
0x195: {  	v5 =	vld [tilespmem:s5+$0x10120];
	[tilespmem:s21+$0x5570] =	vst v7  }
0x196: {  	v8 =	vld [tilespmem:s5+$0x4130];
	[tilespmem:s21+$0x4100] =	vst v9;
	s21 =	smov.u32 s5  }
0x197: {  	v7 =	vld [tilespmem:s21+$0x10130]  }
0x198: {  	v10 =	vld [tilespmem:s21+$0x4140]  }
0x199: {  	v9 =	vld [tilespmem:s21+$0x10140]  }
0x19a: {  	v12 =	vld [tilespmem:s21+$0x4150]  }
0x19b: {  	v11 =	vld [tilespmem:s21+$0x10150]  }
0x19c: {  	v13 =	vld [tilespmem:s21+$0x4160]  }
0x19d: {  	v14 =	vld [tilespmem:s21+$0x4170]  }
0x19e: {  	v15 =	vld [tilespmem:s21+$0x4500]  }
0x19f: {  	v16 =	vld [tilespmem:s21+$0x4510]  }
0x1a0: {  	v17 =	vld [tilespmem:s21+$0x4520]  }
0x1a1: {  	v18 =	vld [tilespmem:s21+$0x4530]  }
0x1a2: {  	v19 =	vld [tilespmem:s21+$0x4540]  }
0x1a3: {  	v20 =	vld [tilespmem:s21+$0x4550]  }
0x1a4: {  	v21 =	vld [tilespmem:s21+$0x4560]  }
0x1a5: {  	v22 =	vld [tilespmem:s21+$0x4570]  }
0x1a6: {  	v23 =	vld [tilespmem:s21+$0x4900]  }
0x1a7: {  	v24 =	vld [tilespmem:s21+$0x4910]  }
0x1a8: {  	v25 =	vld [tilespmem:s21+$0x4920]  }
0x1a9: {  	v26 =	vld [tilespmem:s21+$0x4930]  }
0x1aa: {  	v27 =	vld [tilespmem:s21+$0x4940]  }
0x1ab: {  	v28 =	vld [tilespmem:s21+$0x4950]  }
0x1ac: {  	v29 =	vld [tilespmem:s21+$0x4960]  }
0x1ad: {  	v30 =	vld [tilespmem:s21+$0x4970]  }
0x1ae: {  	v31 =	vld [tilespmem:s21+$0x4D00]  }
0x1af: {  	v34 =	vld [tilespmem:s21+$0x4D10]  }
0x1b0: {  	v35 =	vld [tilespmem:s21+$0x4D20]  }
0x1b1: {  	v36 =	vld [tilespmem:s21+$0x4D30]  }
0x1b2: {  	v37 =	vld [tilespmem:s21+$0x4D40]  }
0x1b3: {  	v38 =	vld [tilespmem:s21+$0x4D50]  }
0x1b4: {  	v39 =	vld [tilespmem:s21+$0x4D60]  }
0x1b5: {  	v40 =	vld [tilespmem:s21+$0x4D70]  }
0x1b6: {  	v41 =	vld [tilespmem:s21+$0x5100]  }
0x1b7: {  	v42 =	vld [tilespmem:s21+$0x5110]  }
0x1b8: {  	v43 =	vld [tilespmem:s21+$0x5120]  }
0x1b9: {  	v44 =	vld [tilespmem:s21+$0x5130]  }
0x1ba: {  	v45 =	vld [tilespmem:s21+$0x5140]  }
0x1bb: {  	v46 =	vld [tilespmem:s21+$0x5150]  }
.Ltmp0:
0x1bc: {  	v47 =	vld [tilespmem:s21+$0x5160];
	(pc) =	sbr.rel @p0 .LBB2_2-.Ltmp0, $4  }
0x1bd: {  	v48 =	vld [tilespmem:s21+$0x5500]  }
0x1be: {  	v50 =	vld [tilespmem:s21+$0x5510]  }
0x1bf: {  	v49 =	vld [tilespmem:s21+$0x11510]  }
0x1c0: {  	s22 =	sadd.s32 $0x1, s22;
	v51 =	vld [tilespmem:s21+$0x11530]  }
0x1c1: {  	v52 =	vld [tilespmem:s21+$0x5530]  }
0x1c2: {  	v53 =	vld [tilespmem:s21+$0x5520];
	s4 =	sadd.s32 $0x80, s4  }
0x1c3: {  	s22 =	sadd.s32 $0x80, s13;
	v32 =	vld [tilespmem:s4+$0x0]  }
0x1c4: {  	v33 =	vld [tilespmem:s22+$0x0]  }
0x1c5: {  	v54 =	vld [tilespmem:s21+$0x11520]  }
0x1c6: {  	v55 =	vld [tilespmem:s21+$0x11500]  }
0x1c7: {  	v56 =	vld [tilespmem:s21+$0x5170]  }
0x1c8: {  	v57 =	vld [tilespmem:s21+$0x11170]  }
0x1c9: {  	v58 =	vld [tilespmem:s21+$0x11160];
	v52 =	vmul.f32 v52, v32;
	v51 =	vmul.f32 v51, v33  }
0x1ca: {  	v53 =	vmul.f32 v53, v32;
	v54 =	vmul.f32 v54, v33  }
0x1cb: {  	v59 =	vld [tilespmem:s21+$0x11150];
	v50 =	vmul.f32 v50, v32;
	v49 =	vmul.f32 v49, v33  }
0x1cc: {  	v61 =	vld [tilespmem:s21+$0x11120];
	v48 =	vmul.f32 v48, v32;
	v62 =	vmul.f32 v55, v33;
	v51 =	vadd.f32 v51, v52  }
0x1cd: {  	v60 =	vld [tilespmem:s21+$0x11140];
	v63 =	vmul.f32 v56, v32;
	v57 =	vmul.f32 v57, v33;
	v53 =	vadd.f32 v54, v53  }
0x1ce: {  	v47 =	vmul.f32 v47, v32;
	v58 =	vmul.f32 v58, v33;
	v52 =	vld [tilespmem:s21+$0x11130];
	v49 =	vadd.f32 v49, v50;
	[tilespmem:s21+$0x5530] =	vst v51  }
0x1cf: {  	v46 =	vmul.f32 v46, v32;
	v45 =	vmul.f32 v45, v32;
	v50 =	vld [tilespmem:s21+$0x11100];
	v48 =	vadd.f32 v62, v48;
	[tilespmem:s21+$0x5520] =	vst v53  }
0x1d0: {  	v44 =	vmul.f32 v44, v32;
	v62 =	vmul.f32 v59, v33;
	v47 =	vadd.f32 v58, v47;
	v58 =	vld [tilespmem:s21+$0x10D30];
	[tilespmem:s21+$0x5510] =	vst v49  }
0x1d1: {  	v43 =	vmul.f32 v43, v32;
	v59 =	vmul.f32 v61, v33;
	v51 =	vld [tilespmem:s21+$0x11110];
	v53 =	vadd.f32 v57, v63;
	[tilespmem:s21+$0x5500] =	vst v48  }
0x1d2: {  	v42 =	vmul.f32 v42, v32;
	v49 =	vld [tilespmem:s21+$0x10D70];
	v63 =	vmul.f32 v60, v33;
	v46 =	vadd.f32 v62, v46;
	[tilespmem:s21+$0x5160] =	vst v47  }
0x1d3: {  	v41 =	vmul.f32 v41, v32;
	v48 =	vld [tilespmem:s21+$0x10D60];
	v43 =	vadd.f32 v59, v43;
	[tilespmem:s21+$0x5170] =	vst v53;
	v52 =	vmul.f32 v52, v33  }
0x1d4: {  	v40 =	vmul.f32 v40, v32;
	v57 =	vld [tilespmem:s21+$0x10D40];
	v45 =	vadd.f32 v63, v45;
	[tilespmem:s21+$0x5150] =	vst v46;
	v50 =	vmul.f32 v50, v33  }
0x1d5: {  	v36 =	vmul.f32 v36, v32;
	v60 =	vld [tilespmem:s21+$0x10D20];
	[tilespmem:s21+$0x5120] =	vst v43;
	v46 =	vmul.f32 v58, v33;
	v44 =	vadd.f32 v52, v44  }
0x1d6: {  	v39 =	vmul.f32 v39, v32;
	v62 =	vld [tilespmem:s21+$0x10D00];
	[tilespmem:s21+$0x5140] =	vst v45;
	v51 =	vmul.f32 v51, v33;
	v41 =	vadd.f32 v50, v41  }
0x1d7: {  	v38 =	vmul.f32 v38, v32;
	v53 =	vld [tilespmem:s21+$0x10D50];
	v49 =	vmul.f32 v49, v33;
	v36 =	vadd.f32 v46, v36;
	[tilespmem:s21+$0x5130] =	vst v44  }
0x1d8: {  	v37 =	vmul.f32 v37, v32;
	v61 =	vld [tilespmem:s21+$0x10D10];
	v48 =	vmul.f32 v48, v33;
	v42 =	vadd.f32 v51, v42;
	[tilespmem:s21+$0x5100] =	vst v41  }
0x1d9: {  	v35 =	vmul.f32 v35, v32;
	v59 =	vld [tilespmem:s21+$0x10910];
	v47 =	vmul.f32 v57, v33;
	v40 =	vadd.f32 v49, v40;
	[tilespmem:s21+$0x4D30] =	vst v36  }
0x1da: {  	v34 =	vmul.f32 v34, v32;
	v63 =	vld [tilespmem:s21+$0x10970];
	v45 =	vmul.f32 v60, v33;
	v39 =	vadd.f32 v48, v39;
	[tilespmem:s21+$0x5110] =	vst v42  }
0x1db: {  	v55 =	vld [tilespmem:s21+$0x10950];
	v31 =	vmul.f32 v31, v32;
	v43 =	vmul.f32 v62, v33;
	v37 =	vadd.f32 v47, v37;
	[tilespmem:s21+$0x4D70] =	vst v40  }
0x1dc: {  	v30 =	vmul.f32 v30, v32;
	v52 =	vld [tilespmem:s21+$0x10960];
	v54 =	vmul.f32 v53, v33;
	v35 =	vadd.f32 v45, v35;
	[tilespmem:s21+$0x4D60] =	vst v39  }
0x1dd: {  	v56 =	vld [tilespmem:s21+$0x10940];
	v29 =	vmul.f32 v29, v32;
	v44 =	vmul.f32 v61, v33;
	v31 =	vadd.f32 v43, v31;
	[tilespmem:s21+$0x4D40] =	vst v37  }
0x1de: {  	v24 =	vmul.f32 v24, v32;
	v58 =	vld [tilespmem:s21+$0x10920];
	v36 =	vmul.f32 v59, v33;
	v38 =	vadd.f32 v54, v38;
	[tilespmem:s21+$0x4D20] =	vst v35  }
0x1df: {  	v28 =	vmul.f32 v28, v32;
	v60 =	vld [tilespmem:s21+$0x10900];
	v34 =	vadd.f32 v44, v34;
	v42 =	vmul.f32 v63, v33;
	[tilespmem:s21+$0x4D00] =	vst v31  }
0x1e0: {  	v27 =	vmul.f32 v27, v32;
	v57 =	vld [tilespmem:s21+$0x10930];
	v40 =	vmul.f32 v55, v33;
	v24 =	vadd.f32 v36, v24;
	[tilespmem:s21+$0x4D50] =	vst v38  }
0x1e1: {  	v26 =	vmul.f32 v26, v32;
	v61 =	vld [tilespmem:s21+$0x10570];
	v41 =	vmul.f32 v52, v33;
	[tilespmem:s21+$0x4D10] =	vst v34;
	v30 =	vadd.f32 v42, v30  }
0x1e2: {  	v25 =	vmul.f32 v25, v32;
	v39 =	vmul.f32 v56, v33;
	v28 =	vadd.f32 v40, v28;
	[tilespmem:s21+$0x4910] =	vst v24  }
0x1e3: {  	v23 =	vmul.f32 v23, v32;
	v31 =	vld [tilespmem:s21+$0x10560];
	v37 =	vmul.f32 v58, v33;
	v29 =	vadd.f32 v41, v29;
	[tilespmem:s21+$0x4970] =	vst v30  }
0x1e4: {  	v22 =	vmul.f32 v22, v32;
	v35 =	vmul.f32 v60, v33;
	v27 =	vadd.f32 v39, v27;
	v30 =	vld [tilespmem:s21+$0x10550];
	[tilespmem:s21+$0x4950] =	vst v28  }
0x1e5: {  	v10 =	vmul.f32 v10, v32;
	v38 =	vmul.f32 v57, v33;
	v25 =	vadd.f32 v37, v25;
	[tilespmem:s21+$0x4960] =	vst v29;
	v29 =	vld [tilespmem:s21+$0x10540]  }
0x1e6: {  	v9 =	vmul.f32 v9, v33;
	v34 =	vmul.f32 v61, v33;
	v23 =	vadd.f32 v35, v23;
	v28 =	vld [tilespmem:s21+$0x10530];
	[tilespmem:s21+$0x4940] =	vst v27  }
0x1e7: {  	v21 =	vmul.f32 v21, v32;
	v26 =	vadd.f32 v38, v26;
	v27 =	vld [tilespmem:s21+$0x10520];
	[tilespmem:s21+$0x4920] =	vst v25  }
0x1e8: {  	v9 =	vadd.f32 v9, v10;
	v10 =	vld [tilespmem:s21+$0x10100];
	v24 =	vmul.f32 v31, v33;
	v22 =	vadd.f32 v34, v22;
	[tilespmem:s21+$0x4900] =	vst v23  }
0x1e9: {  	v20 =	vmul.f32 v20, v32;
	[tilespmem:s21+$0x4930] =	vst v26;
	v26 =	vld [tilespmem:s21+$0x10510];
	v23 =	vmul.f32 v30, v33  }
0x1ea: {  	v19 =	vmul.f32 v19, v32;
	v25 =	vld [tilespmem:s21+$0x10500];
	v21 =	vadd.f32 v24, v21;
	[tilespmem:s21+$0x4570] =	vst v22;
	v22 =	vmul.f32 v29, v33  }
0x1eb: {  	v18 =	vmul.f32 v18, v32;
	v31 =	vld [tilespmem:s21+$0x10170];
	v20 =	vadd.f32 v23, v20;
	v23 =	vmul.f32 v28, v33  }
0x1ec: {  	v17 =	vmul.f32 v17, v32;
	v24 =	vld [tilespmem:s21+$0x10160];
	[tilespmem:s21+$0x4560] =	vst v21;
	v19 =	vadd.f32 v22, v19;
	v22 =	vmul.f32 v27, v33  }
0x1ed: {  	v12 =	vmul.f32 v12, v32;
	v11 =	vmul.f32 v11, v33;
	v21 =	vld [tilespmem:s21+$0x11540];
	[tilespmem:s21+$0x4550] =	vst v20;
	v18 =	vadd.f32 v23, v18  }
0x1ee: {  	v16 =	vmul.f32 v16, v32;
	v20 =	vld [tilespmem:s21+$0x11550];
	v23 =	vmul.f32 v26, v33;
	[tilespmem:s21+$0x4540] =	vst v19;
	v17 =	vadd.f32 v22, v17  }
0x1ef: {  	v15 =	vmul.f32 v15, v32;
	v11 =	vadd.f32 v11, v12;
	v19 =	vld [tilespmem:s21+$0x11560];
	[tilespmem:s21+$0x4530] =	vst v18;
	v18 =	vmul.f32 v25, v33  }
0x1f0: {  	v14 =	vmul.f32 v14, v32;
	v22 =	vld [tilespmem:s21+$0x11570];
	v16 =	vadd.f32 v23, v16;
	[tilespmem:s21+$0x4520] =	vst v17;
	v17 =	vmul.f32 v31, v33  }
0x1f1: {  	[tilespmem:s21+$0x4150] =	vst v11;
	v15 =	vadd.f32 v18, v15;
	v18 =	vld [tilespmem:s21+$0x5540]  }
0x1f2: {  	v8 =	vmul.f32 v8, v32;
	v7 =	vmul.f32 v7, v33;
	[tilespmem:s21+$0x4510] =	vst v16;
	v16 =	vld [tilespmem:s21+$0x5550];
	v14 =	vadd.f32 v17, v14  }
0x1f3: {  	v6 =	vmul.f32 v6, v32;
	v5 =	vmul.f32 v5, v33;
	[tilespmem:s21+$0x4500] =	vst v15;
	v15 =	vld [tilespmem:s21+$0x5560]  }
0x1f4: {  	v3 =	vmul.f32 v3, v32;
	v4 =	vmul.f32 v4, v33;
	v7 =	vadd.f32 v7, v8;
	[tilespmem:s21+$0x4170] =	vst v14;
	v14 =	vld [tilespmem:s21+$0x5570]  }
0x1f5: {  	v13 =	vmul.f32 v13, v32;
	v12 =	vld [tilespmem:s21+$0x4100];
	v5 =	vadd.f32 v5, v6;
	[tilespmem:s21+$0x4140] =	vst v9;
	v23 =	vmul.f32 v24, v33  }
0x1f6: {  	v3 =	vadd.f32 v4, v3;
	[tilespmem:s21+$0x4130] =	vst v7;
	v6 =	vmul.f32 v21, v33;
	v8 =	vmul.f32 v18, v32  }
0x1f7: {  	[tilespmem:s21+$0x4120] =	vst v5;
	v13 =	vadd.f32 v23, v13;
	v4 =	vmul.f32 v20, v33;
	v9 =	vmul.f32 v16, v32  }
0x1f8: {  	[tilespmem:s21+$0x4110] =	vst v3;
	v7 =	vmul.f32 v15, v32;
	v5 =	vadd.f32 v6, v8;
	v6 =	vmul.f32 v19, v33  }
0x1f9: {  	[tilespmem:s21+$0x4160] =	vst v13;
	v3 =	vadd.f32 v4, v9;
	v4 =	vmul.f32 v22, v33;
	v8 =	vmul.f32 v14, v32  }
0x1fa: {  	v10 =	vmul.f32 v10, v33;
	v9 =	vmul.f32 v12, v32;
	[tilespmem:s21+$0x5540] =	vst v5;
	v5 =	vadd.f32 v6, v7  }
0x1fb: {  	[tilespmem:s21+$0x5550] =	vst v3;
	v3 =	vadd.f32 v4, v8  }
0x1fc: {  	v4 =	vadd.f32 v10, v9;
	[tilespmem:s21+$0x5560] =	vst v5  }
0x1fd: {  	[tilespmem:s21+$0x5570] =	vst v3  }
0x1fe: {  	s14 =	simm.s32 $0x0;
	s5 =	rddreg [dreg:$0x6];
	[tilespmem:s21+$0x4100] =	vst v4  }
0x1ff: {  	[hbm4b:s5+s14] =	stream.linear.scatter [tilespmem:s19], [sflag:$0x2], $0xC000, $0x38;
	[tilespmem:$0x1C100] =	vst v63  }
0x200: {  	_ =	swait.ge [sflag:s17], $0xC000  }
0x201: {  	[sflag:s17] =	ssyncset.done $0x0  }
0x202: {  	s13 =	rddreg [dreg:$0x7];
	[sflag:s17] =	ssyncadd.s32 $0xFFFF4000  }
0x203: {  	[tilespmem:s14], [sflag:$0x2] =	stream.linear.gather [hbm4b:s13+s14], $0x40, $0x38;
	[tilespmem:$0x1C100] =	vst v63  }
0x204: {  	_ =	swait.ge [sflag:s17], $0x40  }
0x205: {  	[sflag:s17] =	ssyncset.done $0x0  }
0x206: {  	s5 =	simm.s32 $0x80;
	s15 =	rddreg [dreg:$0x8];
	[sflag:s17] =	ssyncadd.s32 $0xFFFFFFC0  }
0x207: {  	[tilespmem:s5], [sflag:$0x2] =	stream.linear.gather [hbm4b:s15+s14], $0x40, $0x38;
	[tilespmem:$0x1C100] =	vst v63  }
0x208: {  	_ =	swait.ge [sflag:s17], $0x40  }
0x209: {  	[sflag:s17] =	ssyncset.done $0x0  }
0x20a: {  	s4 =	simm.s32 $0x100;
	s21 =	rddreg [dreg:$0x9];
	[sflag:s17] =	ssyncadd.s32 $0xFFFFFFC0  }
0x20b: {  	[tilespmem:s4], [sflag:$0x2] =	stream.linear.gather [hbm4b:s21+s14], $0x2000, $0x38;
	[tilespmem:$0x1C100] =	vst v63  }
0x20c: {  	_ =	swait.ge [sflag:s17], $0x2000  }
0x20d: {  	[sflag:s17] =	ssyncset.done $0x0  }
0x20e: {  	s13 =	simm.s32 $0x2100;
	s22 =	rddreg [dreg:$0xa];
	[sflag:s17] =	ssyncadd.s32 $0xFFFFE000  }
0x20f: {  	[tilespmem:s13], [sflag:$0x2] =	stream.linear.gather [hbm4b:s22+s14], $0x2000, $0x38;
	[tilespmem:$0x1C100] =	vst v63  }
0x210: {  	_ =	swait.ge [sflag:s17], $0x2000  }
0x211: {  	[sflag:s17] =	ssyncset.done $0x0  }
0x212: {  	[sflag:s17] =	ssyncadd.s32 $0xFFFFE000  }
0x213: {  	v3 =	vld [tilespmem:$0x0];
	_ =	sdelay $0x4  }
0x214: {  	v4 =	vshrl.u32 v3, $0x3  }
0x215: {  	v4 =	vmul.u32 $0x30, v4  }
0x216: {  	v3 =	vand.u32 $0x7, v3  }
0x217: {  	v3 =	vor.u32 v3, v4  }
0x218: {  	v4 =	vperm.xlane v3, v0;
	_ =	sdelay $0x1  }
0x219: {  	v4 =	vadd.s32 v1, v4;
	_ =	sdelay $0x3  }
0x21a: {  	v3 =	vperm.xlane v3, v2  }
0x21b: {  	[tilespmem:s19], [sflag:$0x1] =	stream.indirect_vreg.gather [hbm4b:s3+s14], $0x80, v4, vm0, $0xb8;
	[tilespmem:$0x1C100] =	vst v63  }
0x21c: {  	s15 =	simm.s32 $0x4900;
	v3 =	vadd.s32 v1, v3  }
0x21d: {  	[tilespmem:s15], [sflag:$0x1] =	stream.indirect_vreg.gather [hbm4b:s8+s14], $0x80, v4, vm0, $0xb8;
	[tilespmem:$0x1C100] =	vst v63  }
0x21e: {  	s21 =	simm.s32 $0x5100  }
0x21f: {  	[tilespmem:s21], [sflag:$0x1] =	stream.indirect_vreg.gather [hbm4b:s9+s14], $0x80, v4, vm0, $0xb8;
	[tilespmem:$0x1C100] =	vst v63  }
0x220: {  	s22 =	simm.s32 $0x5900  }
0x221: {  	[tilespmem:s22], [sflag:$0x1] =	stream.indirect_vreg.gather [hbm4b:s3+s14], $0x80, v3, vm0, $0xb8;
	[tilespmem:$0x1C100] =	vst v63  }
0x222: {  	s15 =	simm.s32 $0x6100  }
0x223: {  	[tilespmem:s15], [sflag:$0x1] =	stream.indirect_vreg.gather [hbm4b:s8+s14], $0x80, v3, vm0, $0xb8;
	[tilespmem:$0x1C100] =	vst v63  }
0x224: {  	s21 =	simm.s32 $0x6900  }
0x225: {  	[tilespmem:s21], [sflag:$0x1] =	stream.indirect_vreg.gather [hbm4b:s9+s14], $0x80, v3, vm0, $0xb8;
	[tilespmem:$0x1C100] =	vst v63  }
0x226: {  	v3 =	vld [tilespmem:$0x10];
	_ =	sdelay $0x4  }
0x227: {  	v4 =	vshrl.u32 v3, $0x3  }
0x228: {  	v4 =	vmul.u32 $0x30, v4  }
0x229: {  	v3 =	vand.u32 $0x7, v3  }
0x22a: {  	v3 =	vor.u32 v3, v4  }
0x22b: {  	v4 =	vperm.xlane v3, v0;
	_ =	sdelay $0x1  }
0x22c: {  	v4 =	vadd.s32 v1, v4;
	_ =	sdelay $0x3  }
0x22d: {  	s22 =	simm.s32 $0x7100;
	v3 =	vperm.xlane v3, v2  }
0x22e: {  	[tilespmem:s22], [sflag:$0x1] =	stream.indirect_vreg.gather [hbm4b:s3+s14], $0x80, v4, vm0, $0xb8;
	[tilespmem:$0x1C100] =	vst v63  }
0x22f: {  	s15 =	simm.s32 $0x7900;
	v3 =	vadd.s32 v1, v3  }
0x230: {  	[tilespmem:s15], [sflag:$0x1] =	stream.indirect_vreg.gather [hbm4b:s8+s14], $0x80, v4, vm0, $0xb8;
	[tilespmem:$0x1C100] =	vst v63  }
0x231: {  	s21 =	simm.s32 $0x8100  }
0x232: {  	[tilespmem:s21], [sflag:$0x1] =	stream.indirect_vreg.gather [hbm4b:s9+s14], $0x80, v4, vm0, $0xb8;
	[tilespmem:$0x1C100] =	vst v63  }
0x233: {  	s22 =	simm.s32 $0x8900  }
0x234: {  	[tilespmem:s22], [sflag:$0x1] =	stream.indirect_vreg.gather [hbm4b:s3+s14], $0x80, v3, vm0, $0xb8;
	[tilespmem:$0x1C100] =	vst v63  }
0x235: {  	s15 =	simm.s32 $0x9100  }
0x236: {  	[tilespmem:s15], [sflag:$0x1] =	stream.indirect_vreg.gather [hbm4b:s8+s14], $0x80, v3, vm0, $0xb8;
	[tilespmem:$0x1C100] =	vst v63  }
0x237: {  	s21 =	simm.s32 $0x9900  }
0x238: {  	[tilespmem:s21], [sflag:$0x1] =	stream.indirect_vreg.gather [hbm4b:s9+s14], $0x80, v3, vm0, $0xb8;
	[tilespmem:$0x1C100] =	vst v63  }
0x239: {  	v3 =	vld [tilespmem:$0x20];
	_ =	sdelay $0x4  }
0x23a: {  	v4 =	vshrl.u32 v3, $0x3  }
0x23b: {  	v4 =	vmul.u32 $0x30, v4  }
0x23c: {  	v3 =	vand.u32 $0x7, v3  }
0x23d: {  	v3 =	vor.u32 v3, v4  }
0x23e: {  	v4 =	vperm.xlane v3, v0;
	_ =	sdelay $0x1  }
0x23f: {  	v4 =	vadd.s32 v1, v4;
	_ =	sdelay $0x3  }
0x240: {  	s22 =	simm.s32 $0xA100;
	v3 =	vperm.xlane v3, v2  }
0x241: {  	[tilespmem:s22], [sflag:$0x1] =	stream.indirect_vreg.gather [hbm4b:s3+s14], $0x80, v4, vm0, $0xb8;
	[tilespmem:$0x1C100] =	vst v63  }
0x242: {  	s15 =	simm.s32 $0xA900;
	v3 =	vadd.s32 v1, v3  }
0x243: {  	[tilespmem:s15], [sflag:$0x1] =	stream.indirect_vreg.gather [hbm4b:s8+s14], $0x80, v4, vm0, $0xb8;
	[tilespmem:$0x1C100] =	vst v63  }
0x244: {  	s21 =	simm.s32 $0xB100  }
0x245: {  	[tilespmem:s21], [sflag:$0x1] =	stream.indirect_vreg.gather [hbm4b:s9+s14], $0x80, v4, vm0, $0xb8;
	[tilespmem:$0x1C100] =	vst v63  }
0x246: {  	s22 =	simm.s32 $0xB900  }
0x247: {  	[tilespmem:s22], [sflag:$0x1] =	stream.indirect_vreg.gather [hbm4b:s3+s14], $0x80, v3, vm0, $0xb8;
	[tilespmem:$0x1C100] =	vst v63  }
0x248: {  	s15 =	simm.s32 $0xC100  }
0x249: {  	[tilespmem:s15], [sflag:$0x1] =	stream.indirect_vreg.gather [hbm4b:s8+s14], $0x80, v3, vm0, $0xb8;
	[tilespmem:$0x1C100] =	vst v63  }
0x24a: {  	s21 =	simm.s32 $0xC900  }
0x24b: {  	[tilespmem:s21], [sflag:$0x1] =	stream.indirect_vreg.gather [hbm4b:s9+s14], $0x80, v3, vm0, $0xb8;
	[tilespmem:$0x1C100] =	vst v63  }
0x24c: {  	v3 =	vld [tilespmem:$0x30];
	_ =	sdelay $0x4  }
0x24d: {  	v4 =	vshrl.u32 v3, $0x3  }
0x24e: {  	v4 =	vmul.u32 $0x30, v4  }
0x24f: {  	v3 =	vand.u32 $0x7, v3  }
0x250: {  	v3 =	vor.u32 v3, v4  }
0x251: {  	v4 =	vperm.xlane v3, v0;
	_ =	sdelay $0x1  }
0x252: {  	v4 =	vadd.s32 v1, v4;
	_ =	sdelay $0x3  }
0x253: {  	s22 =	simm.s32 $0xD100;
	v3 =	vperm.xlane v3, v2  }
0x254: {  	[tilespmem:s22], [sflag:$0x1] =	stream.indirect_vreg.gather [hbm4b:s3+s14], $0x80, v4, vm0, $0xb8;
	[tilespmem:$0x1C100] =	vst v63  }
0x255: {  	s15 =	simm.s32 $0xD900;
	v3 =	vadd.s32 v1, v3  }
0x256: {  	[tilespmem:s15], [sflag:$0x1] =	stream.indirect_vreg.gather [hbm4b:s8+s14], $0x80, v4, vm0, $0xb8;
	[tilespmem:$0x1C100] =	vst v63  }
0x257: {  	s21 =	simm.s32 $0xE100  }
0x258: {  	[tilespmem:s21], [sflag:$0x1] =	stream.indirect_vreg.gather [hbm4b:s9+s14], $0x80, v4, vm0, $0xb8;
	[tilespmem:$0x1C100] =	vst v63  }
0x259: {  	s22 =	simm.s32 $0xE900  }
0x25a: {  	[tilespmem:s22], [sflag:$0x1] =	stream.indirect_vreg.gather [hbm4b:s3+s14], $0x80, v3, vm0, $0xb8;
	[tilespmem:$0x1C100] =	vst v63  }
0x25b: {  	s15 =	simm.s32 $0xF100  }
0x25c: {  	[tilespmem:s15], [sflag:$0x1] =	stream.indirect_vreg.gather [hbm4b:s8+s14], $0x80, v3, vm0, $0xb8;
	[tilespmem:$0x1C100] =	vst v63  }
0x25d: {  	s21 =	simm.s32 $0xF900  }
0x25e: {  	[tilespmem:s21], [sflag:$0x1] =	stream.indirect_vreg.gather [hbm4b:s9+s14], $0x80, v3, vm0, $0xb8;
	[tilespmem:$0x1C100] =	vst v63  }
0x25f: {  	v3 =	vld [tilespmem:$0x80];
	_ =	sdelay $0x4  }
0x260: {  	v4 =	vshrl.u32 v3, $0x3  }
0x261: {  	v4 =	vmul.u32 $0x30, v4  }
0x262: {  	v3 =	vand.u32 $0x7, v3  }
0x263: {  	v3 =	vor.u32 v3, v4  }
0x264: {  	v4 =	vperm.xlane v3, v0;
	_ =	sdelay $0x1  }
0x265: {  	v4 =	vadd.s32 v1, v4;
	_ =	sdelay $0x3  }
0x266: {  	s22 =	simm.s32 $0x10100;
	v3 =	vperm.xlane v3, v2  }
0x267: {  	[tilespmem:s22], [sflag:$0x1] =	stream.indirect_vreg.gather [hbm4b:s3+s14], $0x80, v4, vm0, $0xb8;
	[tilespmem:$0x1C100] =	vst v63  }
0x268: {  	s15 =	simm.s32 $0x10900;
	v3 =	vadd.s32 v1, v3  }
0x269: {  	[tilespmem:s15], [sflag:$0x1] =	stream.indirect_vreg.gather [hbm4b:s8+s14], $0x80, v4, vm0, $0xb8;
	[tilespmem:$0x1C100] =	vst v63  }
0x26a: {  	s21 =	simm.s32 $0x11100  }
0x26b: {  	[tilespmem:s21], [sflag:$0x1] =	stream.indirect_vreg.gather [hbm4b:s9+s14], $0x80, v4, vm0, $0xb8;
	[tilespmem:$0x1C100] =	vst v63  }
0x26c: {  	s22 =	simm.s32 $0x11900  }
0x26d: {  	[tilespmem:s22], [sflag:$0x1] =	stream.indirect_vreg.gather [hbm4b:s3+s14], $0x80, v3, vm0, $0xb8;
	[tilespmem:$0x1C100] =	vst v63  }
0x26e: {  	s15 =	simm.s32 $0x12100  }
0x26f: {  	[tilespmem:s15], [sflag:$0x1] =	stream.indirect_vreg.gather [hbm4b:s8+s14], $0x80, v3, vm0, $0xb8;
	[tilespmem:$0x1C100] =	vst v63  }
0x270: {  	s21 =	simm.s32 $0x12900  }
0x271: {  	[tilespmem:s21], [sflag:$0x1] =	stream.indirect_vreg.gather [hbm4b:s9+s14], $0x80, v3, vm0, $0xb8;
	[tilespmem:$0x1C100] =	vst v63  }
0x272: {  	v3 =	vld [tilespmem:$0x90];
	_ =	sdelay $0x4  }
0x273: {  	v4 =	vshrl.u32 v3, $0x3  }
0x274: {  	v4 =	vmul.u32 $0x30, v4  }
0x275: {  	v3 =	vand.u32 $0x7, v3  }
0x276: {  	v3 =	vor.u32 v3, v4  }
0x277: {  	v4 =	vperm.xlane v3, v0;
	_ =	sdelay $0x1  }
0x278: {  	v4 =	vadd.s32 v1, v4;
	_ =	sdelay $0x3  }
0x279: {  	s22 =	simm.s32 $0x13100;
	v3 =	vperm.xlane v3, v2  }
0x27a: {  	[tilespmem:s22], [sflag:$0x1] =	stream.indirect_vreg.gather [hbm4b:s3+s14], $0x80, v4, vm0, $0xb8;
	[tilespmem:$0x1C100] =	vst v63  }
0x27b: {  	s15 =	simm.s32 $0x13900;
	v3 =	vadd.s32 v1, v3  }
0x27c: {  	[tilespmem:s15], [sflag:$0x1] =	stream.indirect_vreg.gather [hbm4b:s8+s14], $0x80, v4, vm0, $0xb8;
	[tilespmem:$0x1C100] =	vst v63  }
0x27d: {  	s21 =	simm.s32 $0x14100  }
0x27e: {  	[tilespmem:s21], [sflag:$0x1] =	stream.indirect_vreg.gather [hbm4b:s9+s14], $0x80, v4, vm0, $0xb8;
	[tilespmem:$0x1C100] =	vst v63  }
0x27f: {  	s22 =	simm.s32 $0x14900  }
0x280: {  	[tilespmem:s22], [sflag:$0x1] =	stream.indirect_vreg.gather [hbm4b:s3+s14], $0x80, v3, vm0, $0xb8;
	[tilespmem:$0x1C100] =	vst v63  }
0x281: {  	_ = 	snop  }
0x282: {  	[tilespmem:s23], [sflag:$0x1] =	stream.indirect_vreg.gather [hbm4b:s8+s14], $0x80, v3, vm0, $0xb8;
	[tilespmem:$0x1C100] =	vst v63  }
0x283: {  	_ = 	snop  }
0x284: {  	[tilespmem:s24], [sflag:$0x1] =	stream.indirect_vreg.gather [hbm4b:s9+s14], $0x80, v3, vm0, $0xb8;
	[tilespmem:$0x1C100] =	vst v63  }
0x285: {  	v3 =	vld [tilespmem:$0xA0];
	_ =	sdelay $0x4  }
0x286: {  	v4 =	vshrl.u32 v3, $0x3  }
0x287: {  	v4 =	vmul.u32 $0x30, v4  }
0x288: {  	v3 =	vand.u32 $0x7, v3  }
0x289: {  	v3 =	vor.u32 v3, v4  }
0x28a: {  	v4 =	vperm.xlane v3, v0;
	_ =	sdelay $0x1  }
0x28b: {  	v4 =	vadd.s32 v1, v4;
	_ =	sdelay $0x3  }
0x28c: {  	v3 =	vperm.xlane v3, v2  }
0x28d: {  	[tilespmem:s25], [sflag:$0x1] =	stream.indirect_vreg.gather [hbm4b:s3+s14], $0x80, v4, vm0, $0xb8;
	[tilespmem:$0x1C100] =	vst v63  }
0x28e: {  	v3 =	vadd.s32 v1, v3  }
0x28f: {  	[tilespmem:s7], [sflag:$0x1] =	stream.indirect_vreg.gather [hbm4b:s8+s14], $0x80, v4, vm0, $0xb8;
	[tilespmem:$0x1C100] =	vst v63  }
0x290: {  	_ = 	snop  }
0x291: {  	[tilespmem:s26], [sflag:$0x1] =	stream.indirect_vreg.gather [hbm4b:s9+s14], $0x80, v4, vm0, $0xb8;
	[tilespmem:$0x1C100] =	vst v63  }
0x292: {  	_ = 	snop  }
0x293: {  	[tilespmem:s28], [sflag:$0x1] =	stream.indirect_vreg.gather [hbm4b:s3+s14], $0x80, v3, vm0, $0xb8;
	[tilespmem:$0x1C100] =	vst v63  }
0x294: {  	_ = 	snop  }
0x295: {  	[tilespmem:s29], [sflag:$0x1] =	stream.indirect_vreg.gather [hbm4b:s8+s14], $0x80, v3, vm0, $0xb8;
	[tilespmem:$0x1C100] =	vst v63  }
0x296: {  	_ = 	snop  }
0x297: {  	[tilespmem:s30], [sflag:$0x1] =	stream.indirect_vreg.gather [hbm4b:s9+s14], $0x80, v3, vm0, $0xb8;
	[tilespmem:$0x1C100] =	vst v63  }
0x298: {  	v3 =	vld [tilespmem:$0xB0];
	_ =	sdelay $0x4  }
0x299: {  	v4 =	vshrl.u32 v3, $0x3  }
0x29a: {  	v4 =	vmul.u32 $0x30, v4  }
0x29b: {  	v3 =	vand.u32 $0x7, v3  }
0x29c: {  	v3 =	vor.u32 v3, v4  }
0x29d: {  	v4 =	vperm.xlane v3, v0;
	_ =	sdelay $0x1  }
0x29e: {  	v4 =	vadd.s32 v1, v4;
	_ =	sdelay $0x3  }
0x29f: {  	v3 =	vperm.xlane v3, v2  }
0x2a0: {  	[tilespmem:s10], [sflag:$0x1] =	stream.indirect_vreg.gather [hbm4b:s3+s14], $0x80, v4, vm0, $0xb8;
	[tilespmem:$0x1C100] =	vst v63  }
0x2a1: {  	v3 =	vadd.s32 v1, v3  }
0x2a2: {  	[tilespmem:s31], [sflag:$0x1] =	stream.indirect_vreg.gather [hbm4b:s8+s14], $0x80, v4, vm0, $0xb8;
	[tilespmem:$0x1C100] =	vst v63  }
0x2a3: {  	_ = 	snop  }
0x2a4: {  	[tilespmem:s0], [sflag:$0x1] =	stream.indirect_vreg.gather [hbm4b:s9+s14], $0x80, v4, vm0, $0xb8;
	[tilespmem:$0x1C100] =	vst v63  }
0x2a5: {  	_ = 	snop  }
0x2a6: {  	[tilespmem:s11], [sflag:$0x1] =	stream.indirect_vreg.gather [hbm4b:s3+s14], $0x80, v3, vm0, $0xb8;
	[tilespmem:$0x1C100] =	vst v63  }
0x2a7: {  	_ = 	snop  }
0x2a8: {  	[tilespmem:s2], [sflag:$0x1] =	stream.indirect_vreg.gather [hbm4b:s8+s14], $0x80, v3, vm0, $0xb8;
	[tilespmem:$0x1C100] =	vst v63  }
0x2a9: {  	_ = 	snop  }
0x2aa: {  	[tilespmem:s18], [sflag:$0x1] =	stream.indirect_vreg.gather [hbm4b:s9+s14], $0x80, v3, vm0, $0xb8;
	[tilespmem:$0x1C100] =	vst v63  }
0x2ab: {  	_ =	swait.ge [sflag:s20], $0xC000  }
0x2ac: {  	[sflag:s20] =	ssyncset.done $0x0  }
0x2ad: {  	s15 =	simm.s32 $0x0;
	[sflag:s20] =	ssyncadd.s32 $0xFFFF4000  }
0x2ae: {  	s5 =	smul.u32 $0x1800, s15;
	_ =	swait.ge [sflag:s20], $0xC000  }
0x2af: {  	s14 =	sand.u32 $0x380, s14;
	[sflag:s20] =	ssyncset.done $0x0  }
0x2b0: {  	s22 =	sor.u32 s14, s5;
	[sflag:s20] =	ssyncadd.s32 $0xFFFF4000  }
0x2b1: {  	v4 =	vld [tilespmem:s22+$0x4110]  }
0x2b2: {  	v3 =	vld [tilespmem:s22+$0x10110]  }
0x2b3: {  	v6 =	vld [tilespmem:s22+$0x4120]  }
0x2b4: {  	v5 =	vld [tilespmem:s22+$0x10120]  }
0x2b5: {  	v10 =	vld [tilespmem:s22+$0x4130]  }
0x2b6: {  	v9 =	vld [tilespmem:s22+$0x10130]  }
0x2b7: {  	v12 =	vld [tilespmem:s22+$0x4140]  }
0x2b8: {  	v11 =	vld [tilespmem:s22+$0x10140]  }
0x2b9: {  	v13 =	vld [tilespmem:s22+$0x4160]  }
0x2ba: {  	v14 =	vld [tilespmem:s22+$0x4170]  }
0x2bb: {  	v15 =	vld [tilespmem:s22+$0x4500]  }
0x2bc: {  	v16 =	vld [tilespmem:s22+$0x4510]  }
0x2bd: {  	v17 =	vld [tilespmem:s22+$0x4520]  }
0x2be: {  	v18 =	vld [tilespmem:s22+$0x4530]  }
0x2bf: {  	v19 =	vld [tilespmem:s22+$0x4540]  }
0x2c0: {  	v20 =	vld [tilespmem:s22+$0x4550]  }
0x2c1: {  	v21 =	vld [tilespmem:s22+$0x4560]  }
0x2c2: {  	v22 =	vld [tilespmem:s22+$0x4570]  }
0x2c3: {  	v23 =	vld [tilespmem:s22+$0x4900]  }
0x2c4: {  	v24 =	vld [tilespmem:s22+$0x4910]  }
0x2c5: {  	v25 =	vld [tilespmem:s22+$0x4920]  }
0x2c6: {  	v26 =	vld [tilespmem:s22+$0x4930]  }
0x2c7: {  	v27 =	vld [tilespmem:s22+$0x4940]  }
0x2c8: {  	v28 =	vld [tilespmem:s22+$0x4950]  }
0x2c9: {  	v29 =	vld [tilespmem:s22+$0x4960]  }
0x2ca: {  	v30 =	vld [tilespmem:s22+$0x4970]  }
0x2cb: {  	v31 =	vld [tilespmem:s22+$0x4D00]  }
0x2cc: {  	v32 =	vld [tilespmem:s22+$0x4D10]  }
0x2cd: {  	v33 =	vld [tilespmem:s22+$0x4D20]  }
0x2ce: {  	v34 =	vld [tilespmem:s22+$0x4D30]  }
0x2cf: {  	v35 =	vld [tilespmem:s22+$0x4D40]  }
0x2d0: {  	v36 =	vld [tilespmem:s22+$0x4D50]  }
0x2d1: {  	v37 =	vld [tilespmem:s22+$0x4D60]  }
0x2d2: {  	v38 =	vld [tilespmem:s22+$0x4D70]  }
0x2d3: {  	v39 =	vld [tilespmem:s22+$0x5100]  }
0x2d4: {  	v40 =	vld [tilespmem:s22+$0x5110]  }
0x2d5: {  	v41 =	vld [tilespmem:s22+$0x5120]  }
0x2d6: {  	v42 =	vld [tilespmem:s22+$0x5130]  }
0x2d7: {  	v43 =	vld [tilespmem:s22+$0x5140]  }
0x2d8: {  	v44 =	vld [tilespmem:s22+$0x5150]  }
0x2d9: {  	v45 =	vld [tilespmem:s22+$0x5160]  }
0x2da: {  	v46 =	vld [tilespmem:s22+$0x5500]  }
0x2db: {  	v47 =	vld [tilespmem:s22+$0x5510]  }
0x2dc: {  	v48 =	vld [tilespmem:s22+$0x11510]  }
0x2dd: {  	v49 =	vld [tilespmem:s22+$0x11530]  }
0x2de: {  	v50 =	vld [tilespmem:s22+$0x5530]  }
0x2df: {  	v51 =	vld [tilespmem:s22+$0x5520]  }
0x2e0: {  	v7 =	vld [tilespmem:s4+$0x0]  }
0x2e1: {  	v8 =	vld [tilespmem:s13+$0x0]  }
0x2e2: {  	v52 =	vld [tilespmem:s22+$0x11520]  }
0x2e3: {  	v62 =	vld [tilespmem:s22+$0x11500]  }
0x2e4: {  	v63 =	vld [tilespmem:s22+$0x5170]  }
0x2e5: {  	v60 =	vld [tilespmem:s22+$0x11170];
	v50 =	vmul.f32 v50, v7  }
0x2e6: {  	v61 =	vld [tilespmem:s22+$0x11160];
	v49 =	vmul.f32 v49, v8;
	v51 =	vmul.f32 v51, v7  }
0x2e7: {  	v57 =	vld [tilespmem:s22+$0x11150];
	v52 =	vmul.f32 v52, v8;
	v47 =	vmul.f32 v47, v7  }
0x2e8: {  	v58 =	vld [tilespmem:s22+$0x11140];
	v48 =	vmul.f32 v48, v8;
	v46 =	vmul.f32 v46, v7  }
0x2e9: {  	v53 =	vld [tilespmem:s22+$0x11130];
	v62 =	vmul.f32 v62, v8;
	v63 =	vmul.f32 v63, v7;
	v49 =	vadd.f32 v49, v50  }
0x2ea: {  	v56 =	vld [tilespmem:s22+$0x10D60];
	v59 =	vmul.f32 v60, v8;
	v45 =	vmul.f32 v45, v7;
	v51 =	vadd.f32 v52, v51  }
0x2eb: {  	v55 =	vld [tilespmem:s22+$0x10970];
	v60 =	vmul.f32 v61, v8;
	v44 =	vmul.f32 v44, v7;
	v47 =	vadd.f32 v48, v47;
	[tilespmem:s22+$0x5530] =	vst v49  }
0x2ec: {  	v61 =	vld [tilespmem:s22+$0x11100];
	v43 =	vmul.f32 v43, v7;
	v42 =	vmul.f32 v42, v7;
	v46 =	vadd.f32 v62, v46;
	[tilespmem:s22+$0x5520] =	vst v51  }
0x2ed: {  	v12 =	vmul.f32 v12, v7;
	v11 =	vmul.f32 v11, v8;
	v48 =	vld [tilespmem:s22+$0x11120];
	v52 =	vadd.f32 v59, v63;
	[tilespmem:s22+$0x5510] =	vst v47  }
0x2ee: {  	v62 =	vmul.f32 v57, v8;
	v63 =	vmul.f32 v58, v8;
	v45 =	vadd.f32 v60, v45;
	v58 =	vld [tilespmem:s22+$0x10D50];
	[tilespmem:s22+$0x5500] =	vst v46  }
0x2ef: {  	v41 =	vmul.f32 v41, v7;
	v40 =	vmul.f32 v40, v7;
	v59 =	vld [tilespmem:s22+$0x10D40];
	v11 =	vadd.f32 v11, v12;
	[tilespmem:s22+$0x5170] =	vst v52  }
0x2f0: {  	v39 =	vmul.f32 v39, v7;
	v57 =	vmul.f32 v53, v8;
	v60 =	vld [tilespmem:s22+$0x10D30];
	v44 =	vadd.f32 v62, v44;
	[tilespmem:s22+$0x5160] =	vst v45  }
0x2f1: {  	v37 =	vmul.f32 v37, v7;
	v53 =	vld [tilespmem:s22+$0x10D00];
	v43 =	vadd.f32 v63, v43;
	v46 =	vmul.f32 v56, v8;
	[tilespmem:s22+$0x4140] =	vst v11  }
0x2f2: {  	v38 =	vmul.f32 v38, v7;
	v49 =	vld [tilespmem:s22+$0x11110];
	v42 =	vadd.f32 v57, v42;
	v61 =	vmul.f32 v61, v8;
	[tilespmem:s22+$0x5150] =	vst v44  }
0x2f3: {  	v36 =	vmul.f32 v36, v7;
	v47 =	vld [tilespmem:s22+$0x10D70];
	[tilespmem:s22+$0x5140] =	vst v43;
	v37 =	vadd.f32 v46, v37;
	v48 =	vmul.f32 v48, v8  }
0x2f4: {  	v35 =	vmul.f32 v35, v7;
	v62 =	vld [tilespmem:s22+$0x10D20];
	[tilespmem:s22+$0x5130] =	vst v42;
	v39 =	vadd.f32 v61, v39;
	v54 =	vmul.f32 v58, v8  }
0x2f5: {  	v34 =	vmul.f32 v34, v7;
	v63 =	vld [tilespmem:s22+$0x10D10];
	v45 =	vmul.f32 v59, v8;
	[tilespmem:s22+$0x4D60] =	vst v37;
	v41 =	vadd.f32 v48, v41  }
0x2f6: {  	v33 =	vmul.f32 v33, v7;
	v56 =	vld [tilespmem:s22+$0x10960];
	v44 =	vmul.f32 v60, v8;
	[tilespmem:s22+$0x5100] =	vst v39;
	v36 =	vadd.f32 v54, v36  }
0x2f7: {  	v32 =	vmul.f32 v32, v7;
	v12 =	vld [tilespmem:s22+$0x5560];
	v49 =	vmul.f32 v49, v8;
	v35 =	vadd.f32 v45, v35;
	[tilespmem:s22+$0x5120] =	vst v41  }
0x2f8: {  	v6 =	vmul.f32 v6, v7;
	v58 =	vld [tilespmem:s22+$0x10940];
	v47 =	vmul.f32 v47, v8;
	v34 =	vadd.f32 v44, v34;
	[tilespmem:s22+$0x4D50] =	vst v36  }
0x2f9: {  	v5 =	vmul.f32 v5, v8;
	v59 =	vld [tilespmem:s22+$0x10930];
	v43 =	vmul.f32 v62, v8;
	v40 =	vadd.f32 v49, v40;
	[tilespmem:s22+$0x4D40] =	vst v35  }
0x2fa: {  	v29 =	vmul.f32 v29, v7;
	v60 =	vld [tilespmem:s22+$0x10920];
	v42 =	vmul.f32 v63, v8;
	v38 =	vadd.f32 v47, v38;
	[tilespmem:s22+$0x4D30] =	vst v34  }
0x2fb: {  	v5 =	vadd.f32 v5, v6;
	v6 =	vld [tilespmem:s22+$0x4100];
	v39 =	vmul.f32 v56, v8;
	v33 =	vadd.f32 v43, v33;
	[tilespmem:s22+$0x5110] =	vst v40  }
0x2fc: {  	v31 =	vmul.f32 v31, v7;
	v61 =	vld [tilespmem:s22+$0x10910];
	v41 =	vmul.f32 v53, v8;
	v32 =	vadd.f32 v42, v32;
	[tilespmem:s22+$0x4D70] =	vst v38  }
0x2fd: {  	v27 =	vmul.f32 v27, v7;
	v57 =	vld [tilespmem:s22+$0x10950];
	v29 =	vadd.f32 v39, v29;
	v37 =	vmul.f32 v58, v8;
	[tilespmem:s22+$0x4D20] =	vst v33  }
0x2fe: {  	v26 =	vmul.f32 v26, v7;
	v62 =	vld [tilespmem:s22+$0x10900];
	v36 =	vmul.f32 v59, v8;
	v31 =	vadd.f32 v41, v31;
	[tilespmem:s22+$0x4D10] =	vst v32  }
0x2ff: {  	v25 =	vmul.f32 v25, v7;
	v63 =	vld [tilespmem:s22+$0x10570];
	v35 =	vmul.f32 v60, v8;
	[tilespmem:s22+$0x4960] =	vst v29;
	v27 =	vadd.f32 v37, v27  }
0x300: {  	v30 =	vmul.f32 v30, v7;
	v40 =	vmul.f32 v55, v8;
	v29 =	vld [tilespmem:s22+$0x10540];
	v26 =	vadd.f32 v36, v26;
	[tilespmem:s22+$0x4D00] =	vst v31  }
0x301: {  	v24 =	vmul.f32 v24, v7;
	v34 =	vmul.f32 v61, v8;
	v25 =	vadd.f32 v35, v25;
	v31 =	vld [tilespmem:s22+$0x10560];
	[tilespmem:s22+$0x4940] =	vst v27  }
0x302: {  	v28 =	vmul.f32 v28, v7;
	v38 =	vmul.f32 v57, v8;
	v30 =	vadd.f32 v40, v30;
	v27 =	vld [tilespmem:s22+$0x10520];
	[tilespmem:s22+$0x4930] =	vst v26  }
0x303: {  	v23 =	vmul.f32 v23, v7;
	v33 =	vmul.f32 v62, v8;
	v24 =	vadd.f32 v34, v24;
	v26 =	vld [tilespmem:s22+$0x10510];
	[tilespmem:s22+$0x4920] =	vst v25  }
0x304: {  	v22 =	vmul.f32 v22, v7;
	v32 =	vmul.f32 v63, v8;
	v28 =	vadd.f32 v38, v28;
	[tilespmem:s22+$0x4970] =	vst v30;
	v30 =	vld [tilespmem:s22+$0x10550]  }
0x305: {  	v19 =	vmul.f32 v19, v7;
	v23 =	vadd.f32 v33, v23;
	v25 =	vld [tilespmem:s22+$0x10500];
	[tilespmem:s22+$0x4910] =	vst v24;
	v29 =	vmul.f32 v29, v8  }
0x306: {  	v21 =	vmul.f32 v21, v7;
	v22 =	vadd.f32 v32, v22;
	[tilespmem:s22+$0x4950] =	vst v28;
	v28 =	vld [tilespmem:s22+$0x10530];
	v31 =	vmul.f32 v31, v8  }
0x307: {  	v17 =	vmul.f32 v17, v7;
	[tilespmem:s22+$0x4900] =	vst v23;
	v23 =	vld [tilespmem:s22+$0x10160];
	v19 =	vadd.f32 v29, v19;
	v27 =	vmul.f32 v27, v8  }
0x308: {  	v16 =	vmul.f32 v16, v7;
	v24 =	vld [tilespmem:s22+$0x10170];
	[tilespmem:s22+$0x4570] =	vst v22;
	v26 =	vmul.f32 v26, v8;
	v21 =	vadd.f32 v31, v21  }
0x309: {  	v20 =	vmul.f32 v20, v7;
	v22 =	vld [tilespmem:s22+$0x4150];
	v30 =	vmul.f32 v30, v8;
	[tilespmem:s22+$0x4540] =	vst v19;
	v17 =	vadd.f32 v27, v17  }
0x30a: {  	v15 =	vmul.f32 v15, v7;
	v25 =	vmul.f32 v25, v8;
	v19 =	vld [tilespmem:s22+$0x11550];
	v16 =	vadd.f32 v26, v16;
	[tilespmem:s22+$0x4560] =	vst v21  }
0x30b: {  	v18 =	vmul.f32 v18, v7;
	v28 =	vmul.f32 v28, v8;
	v20 =	vadd.f32 v30, v20;
	v21 =	vld [tilespmem:s22+$0x10150];
	[tilespmem:s22+$0x4520] =	vst v17  }
0x30c: {  	v13 =	vmul.f32 v13, v7;
	v23 =	vmul.f32 v23, v8;
	v15 =	vadd.f32 v25, v15;
	v17 =	vld [tilespmem:s22+$0x5540];
	[tilespmem:s22+$0x4510] =	vst v16  }
0x30d: {  	v14 =	vmul.f32 v14, v7;
	v24 =	vmul.f32 v24, v8;
	v18 =	vadd.f32 v28, v18;
	[tilespmem:s22+$0x4550] =	vst v20;
	v20 =	vld [tilespmem:s22+$0x11540]  }
0x30e: {  	v10 =	vmul.f32 v10, v7;
	v9 =	vmul.f32 v9, v8;
	v13 =	vadd.f32 v23, v13;
	[tilespmem:s22+$0x4500] =	vst v15;
	v15 =	vld [tilespmem:s22+$0x5550]  }
0x30f: {  	v4 =	vmul.f32 v4, v7;
	v3 =	vmul.f32 v3, v8;
	v14 =	vadd.f32 v24, v14;
	[tilespmem:s22+$0x4530] =	vst v18;
	v18 =	vld [tilespmem:s22+$0x11560]  }
0x310: {  	v9 =	vadd.f32 v9, v10;
	v10 =	vmul.f32 v22, v7;
	v16 =	vld [tilespmem:s22+$0x11570];
	[tilespmem:s22+$0x4160] =	vst v13;
	v13 =	vmul.f32 v21, v8  }
0x311: {  	v3 =	vadd.f32 v3, v4;
	[tilespmem:s22+$0x4170] =	vst v14;
	v14 =	vld [tilespmem:s22+$0x5570]  }
0x312: {  	s21 =	simm.s32 $0x0;
	[tilespmem:s22+$0x4130] =	vst v9;
	v9 =	vld [tilespmem:s22+$0x10100];
	v11 =	vmul.f32 v17, v7;
	v17 =	vmul.f32 v20, v8;
	v4 =	vadd.f32 v13, v10  }
0x313: {  	s5 =	smul.u32 $0x1800, s21;
	s14 =	simm.s32 $0x80;
	[tilespmem:s22+$0x4120] =	vst v5;
	v5 =	vmul.f32 v15, v7;
	v10 =	vmul.f32 v19, v8  }
0x314: {  	s15 =	sand.u32 $0x380, s14;
	v11 =	vadd.f32 v17, v11;
	[tilespmem:s22+$0x4150] =	vst v4;
	v4 =	vmul.f32 v12, v7;
	v12 =	vmul.f32 v18, v8  }
0x315: {  	s21 =	sor.u32 s15, s5;
	[tilespmem:s22+$0x4110] =	vst v3;
	v5 =	vadd.f32 v10, v5  }
0x316: {  	v3 =	vld [tilespmem:s21+$0x4110];
	v10 =	vmul.f32 v14, v7;
	[tilespmem:s22+$0x5540] =	vst v11;
	v11 =	vmul.f32 v16, v8;
	v12 =	vadd.f32 v12, v4  }
0x317: {  	v7 =	vmul.f32 v6, v7;
	v8 =	vmul.f32 v9, v8;
	v4 =	vld [tilespmem:s21+$0x10110];
	[tilespmem:s22+$0x5550] =	vst v5  }
0x318: {  	v9 =	vadd.f32 v11, v10;
	v6 =	vld [tilespmem:s21+$0x4120];
	[tilespmem:s22+$0x5560] =	vst v12  }
0x319: {  	v7 =	vadd.f32 v8, v7;
	v5 =	vld [tilespmem:s21+$0x10120]  }
0x31a: {  	v8 =	vld [tilespmem:s21+$0x4130];
	[tilespmem:s22+$0x5570] =	vst v9  }
0x31b: {  	v18 =	vld [tilespmem:s21+$0x4530];
	[tilespmem:s22+$0x4100] =	vst v7  }
0x31c: {  	v7 =	vld [tilespmem:s21+$0x10130]  }
0x31d: {  	v10 =	vld [tilespmem:s21+$0x4140]  }
0x31e: {  	v9 =	vld [tilespmem:s21+$0x10140]  }
0x31f: {  	v12 =	vld [tilespmem:s21+$0x4150]  }
0x320: {  	v11 =	vld [tilespmem:s21+$0x10150]  }
0x321: {  	v13 =	vld [tilespmem:s21+$0x4160]  }
0x322: {  	v14 =	vld [tilespmem:s21+$0x4170]  }
0x323: {  	v15 =	vld [tilespmem:s21+$0x4500]  }
0x324: {  	v16 =	vld [tilespmem:s21+$0x4510]  }
0x325: {  	v17 =	vld [tilespmem:s21+$0x4520]  }
0x326: {  	v19 =	vld [tilespmem:s21+$0x4540]  }
0x327: {  	v20 =	vld [tilespmem:s21+$0x4550]  }
0x328: {  	v21 =	vld [tilespmem:s21+$0x4560]  }
0x329: {  	v22 =	vld [tilespmem:s21+$0x4570]  }
0x32a: {  	v23 =	vld [tilespmem:s21+$0x4900]  }
0x32b: {  	v24 =	vld [tilespmem:s21+$0x4910]  }
0x32c: {  	v25 =	vld [tilespmem:s21+$0x4920]  }
0x32d: {  	v26 =	vld [tilespmem:s21+$0x4930]  }
0x32e: {  	v27 =	vld [tilespmem:s21+$0x4940]  }
0x32f: {  	v28 =	vld [tilespmem:s21+$0x4950]  }
0x330: {  	v29 =	vld [tilespmem:s21+$0x4960]  }
0x331: {  	v30 =	vld [tilespmem:s21+$0x4970]  }
0x332: {  	v31 =	vld [tilespmem:s21+$0x4D00]  }
0x333: {  	v34 =	vld [tilespmem:s21+$0x4D10]  }
0x334: {  	v35 =	vld [tilespmem:s21+$0x4D20]  }
0x335: {  	v36 =	vld [tilespmem:s21+$0x4D30]  }
0x336: {  	v37 =	vld [tilespmem:s21+$0x4D40]  }
0x337: {  	v38 =	vld [tilespmem:s21+$0x4D50]  }
0x338: {  	v39 =	vld [tilespmem:s21+$0x4D60]  }
0x339: {  	v40 =	vld [tilespmem:s21+$0x4D70]  }
0x33a: {  	v41 =	vld [tilespmem:s21+$0x5100]  }
0x33b: {  	v42 =	vld [tilespmem:s21+$0x5110]  }
0x33c: {  	v43 =	vld [tilespmem:s21+$0x5120]  }
0x33d: {  	v44 =	vld [tilespmem:s21+$0x5130]  }
0x33e: {  	v45 =	vld [tilespmem:s21+$0x5140]  }
0x33f: {  	v46 =	vld [tilespmem:s21+$0x5150]  }
0x340: {  	v47 =	vld [tilespmem:s21+$0x5160]  }
0x341: {  	v48 =	vld [tilespmem:s21+$0x5500]  }
0x342: {  	v50 =	vld [tilespmem:s21+$0x5510]  }
0x343: {  	v49 =	vld [tilespmem:s21+$0x11510]  }
0x344: {  	s22 =	simm.s32 $0x2;
	v51 =	vld [tilespmem:s21+$0x11530]  }
.LBB2_4:
0x345: {  	p0 =	sne.s32 s22, $0x3F;
	v52 =	vld [tilespmem:s21+$0x5530]  }
0x346: {  	s4 =	sadd.s32 $0x80, s4;
	v53 =	vld [tilespmem:s21+$0x5520]  }
0x347: {  	s13 =	sadd.s32 $0x80, s13;
	v33 =	vld [tilespmem:s4+$0x0]  }
0x348: {  	v32 =	vld [tilespmem:s13+$0x0]  }
0x349: {  	v54 =	vld [tilespmem:s21+$0x11520]  }
0x34a: {  	v55 =	vld [tilespmem:s21+$0x11500]  }
0x34b: {  	v56 =	vld [tilespmem:s21+$0x5170]  }
0x34c: {  	v57 =	vld [tilespmem:s21+$0x11170];
	v50 =	vmul.f32 v50, v33;
	v53 =	vmul.f32 v53, v33  }
0x34d: {  	v52 =	vmul.f32 v52, v33;
	v58 =	vld [tilespmem:s21+$0x11160];
	v51 =	vmul.f32 v51, v32  }
0x34e: {  	v49 =	vmul.f32 v49, v32;
	v59 =	vld [tilespmem:s21+$0x11150];
	v54 =	vmul.f32 v54, v32  }
0x34f: {  	v48 =	vmul.f32 v48, v33;
	v60 =	vld [tilespmem:s21+$0x11140];
	v55 =	vmul.f32 v55, v32;
	v51 =	vadd.f32 v51, v52  }
0x350: {  	v49 =	vadd.f32 v49, v50;
	v52 =	vld [tilespmem:s21+$0x11130];
	v56 =	vmul.f32 v56, v33;
	v50 =	vadd.f32 v54, v53  }
0x351: {  	v47 =	vmul.f32 v47, v33;
	v53 =	vld [tilespmem:s21+$0x11120];
	v54 =	vmul.f32 v57, v32;
	v48 =	vadd.f32 v55, v48;
	[tilespmem:s21+$0x5530] =	vst v51  }
0x352: {  	v46 =	vmul.f32 v46, v33;
	v51 =	vld [tilespmem:s21+$0x11110];
	v55 =	vmul.f32 v58, v32;
	[tilespmem:s21+$0x5520] =	vst v50  }
0x353: {  	v45 =	vmul.f32 v45, v33;
	v50 =	vld [tilespmem:s21+$0x11100];
	v57 =	vmul.f32 v59, v32;
	v54 =	vadd.f32 v54, v56;
	[tilespmem:s21+$0x5510] =	vst v49  }
0x354: {  	v44 =	vmul.f32 v44, v33;
	v49 =	vld [tilespmem:s21+$0x10D70];
	v56 =	vmul.f32 v60, v32;
	v47 =	vadd.f32 v55, v47;
	[tilespmem:s21+$0x5500] =	vst v48  }
0x355: {  	v43 =	vmul.f32 v43, v33;
	v48 =	vld [tilespmem:s21+$0x10D60];
	v52 =	vmul.f32 v52, v32;
	v46 =	vadd.f32 v57, v46;
	[tilespmem:s21+$0x5170] =	vst v54  }
0x356: {  	v42 =	vmul.f32 v42, v33;
	v54 =	vld [tilespmem:s21+$0x10D50];
	v53 =	vmul.f32 v53, v32;
	v45 =	vadd.f32 v56, v45;
	[tilespmem:s21+$0x5160] =	vst v47  }
0x357: {  	v41 =	vmul.f32 v41, v33;
	v47 =	vld [tilespmem:s21+$0x10D40];
	v51 =	vmul.f32 v51, v32;
	v44 =	vadd.f32 v52, v44;
	[tilespmem:s21+$0x5150] =	vst v46  }
0x358: {  	v40 =	vmul.f32 v40, v33;
	v46 =	vld [tilespmem:s21+$0x10D30];
	v50 =	vmul.f32 v50, v32;
	v43 =	vadd.f32 v53, v43;
	[tilespmem:s21+$0x5140] =	vst v45  }
0x359: {  	v39 =	vmul.f32 v39, v33;
	v45 =	vld [tilespmem:s21+$0x10D20];
	v49 =	vmul.f32 v49, v32;
	v42 =	vadd.f32 v51, v42;
	[tilespmem:s21+$0x5130] =	vst v44  }
0x35a: {  	v38 =	vmul.f32 v38, v33;
	v44 =	vld [tilespmem:s21+$0x10D10];
	v48 =	vmul.f32 v48, v32;
	v41 =	vadd.f32 v50, v41;
	[tilespmem:s21+$0x5120] =	vst v43  }
0x35b: {  	v37 =	vmul.f32 v37, v33;
	v43 =	vld [tilespmem:s21+$0x10D00];
	v50 =	vmul.f32 v54, v32;
	v40 =	vadd.f32 v49, v40;
	[tilespmem:s21+$0x5110] =	vst v42  }
0x35c: {  	v36 =	vmul.f32 v36, v33;
	v42 =	vld [tilespmem:s21+$0x10970];
	v47 =	vmul.f32 v47, v32;
	v39 =	vadd.f32 v48, v39;
	[tilespmem:s21+$0x5100] =	vst v41  }
0x35d: {  	v35 =	vmul.f32 v35, v33;
	v41 =	vld [tilespmem:s21+$0x10960];
	v46 =	vmul.f32 v46, v32;
	v38 =	vadd.f32 v50, v38;
	[tilespmem:s21+$0x4D70] =	vst v40  }
0x35e: {  	v34 =	vmul.f32 v34, v33;
	v40 =	vld [tilespmem:s21+$0x10950];
	v45 =	vmul.f32 v45, v32;
	v37 =	vadd.f32 v47, v37;
	[tilespmem:s21+$0x4D60] =	vst v39  }
0x35f: {  	v31 =	vmul.f32 v31, v33;
	v39 =	vld [tilespmem:s21+$0x10940];
	v44 =	vmul.f32 v44, v32;
	v36 =	vadd.f32 v46, v36;
	[tilespmem:s21+$0x4D50] =	vst v38  }
0x360: {  	v30 =	vmul.f32 v30, v33;
	v38 =	vld [tilespmem:s21+$0x10930];
	v43 =	vmul.f32 v43, v32;
	v35 =	vadd.f32 v45, v35;
	[tilespmem:s21+$0x4D40] =	vst v37  }
0x361: {  	v29 =	vmul.f32 v29, v33;
	v37 =	vld [tilespmem:s21+$0x10920];
	v42 =	vmul.f32 v42, v32;
	v34 =	vadd.f32 v44, v34;
	[tilespmem:s21+$0x4D30] =	vst v36  }
0x362: {  	v28 =	vmul.f32 v28, v33;
	v36 =	vld [tilespmem:s21+$0x10910];
	v41 =	vmul.f32 v41, v32;
	v31 =	vadd.f32 v43, v31;
	[tilespmem:s21+$0x4D20] =	vst v35  }
0x363: {  	v27 =	vmul.f32 v27, v33;
	v35 =	vld [tilespmem:s21+$0x10900];
	v40 =	vmul.f32 v40, v32;
	v30 =	vadd.f32 v42, v30;
	[tilespmem:s21+$0x4D10] =	vst v34  }
0x364: {  	v26 =	vmul.f32 v26, v33;
	v34 =	vld [tilespmem:s21+$0x10570];
	v39 =	vmul.f32 v39, v32;
	v29 =	vadd.f32 v41, v29;
	[tilespmem:s21+$0x4D00] =	vst v31  }
0x365: {  	v25 =	vmul.f32 v25, v33;
	v31 =	vld [tilespmem:s21+$0x10560];
	v38 =	vmul.f32 v38, v32;
	v28 =	vadd.f32 v40, v28;
	[tilespmem:s21+$0x4970] =	vst v30  }
0x366: {  	v24 =	vmul.f32 v24, v33;
	v30 =	vld [tilespmem:s21+$0x10550];
	v37 =	vmul.f32 v37, v32;
	v27 =	vadd.f32 v39, v27;
	[tilespmem:s21+$0x4960] =	vst v29  }
0x367: {  	v23 =	vmul.f32 v23, v33;
	v29 =	vld [tilespmem:s21+$0x10540];
	v36 =	vmul.f32 v36, v32;
	v26 =	vadd.f32 v38, v26;
	[tilespmem:s21+$0x4950] =	vst v28  }
0x368: {  	v22 =	vmul.f32 v22, v33;
	v28 =	vld [tilespmem:s21+$0x10530];
	v35 =	vmul.f32 v35, v32;
	v25 =	vadd.f32 v37, v25;
	[tilespmem:s21+$0x4940] =	vst v27  }
0x369: {  	v21 =	vmul.f32 v21, v33;
	v27 =	vld [tilespmem:s21+$0x10520];
	v34 =	vmul.f32 v34, v32;
	v24 =	vadd.f32 v36, v24;
	[tilespmem:s21+$0x4930] =	vst v26  }
0x36a: {  	v20 =	vmul.f32 v20, v33;
	v26 =	vld [tilespmem:s21+$0x10510];
	v31 =	vmul.f32 v31, v32;
	v23 =	vadd.f32 v35, v23;
	[tilespmem:s21+$0x4920] =	vst v25  }
0x36b: {  	v19 =	vmul.f32 v19, v33;
	v25 =	vld [tilespmem:s21+$0x10500];
	v30 =	vmul.f32 v30, v32;
	v22 =	vadd.f32 v34, v22;
	[tilespmem:s21+$0x4910] =	vst v24  }
0x36c: {  	v18 =	vmul.f32 v18, v33;
	v24 =	vld [tilespmem:s21+$0x10170];
	v29 =	vmul.f32 v29, v32;
	v21 =	vadd.f32 v31, v21;
	[tilespmem:s21+$0x4900] =	vst v23  }
0x36d: {  	v17 =	vmul.f32 v17, v33;
	v23 =	vld [tilespmem:s21+$0x10160];
	v28 =	vmul.f32 v28, v32;
	v20 =	vadd.f32 v30, v20;
	[tilespmem:s21+$0x4570] =	vst v22  }
0x36e: {  	v16 =	vmul.f32 v16, v33;
	v22 =	vmul.f32 v27, v32;
	v19 =	vadd.f32 v29, v19;
	[tilespmem:s21+$0x4560] =	vst v21;
	v21 =	vld [tilespmem:s21+$0x11540]  }
0x36f: {  	v15 =	vmul.f32 v15, v33;
	v26 =	vmul.f32 v26, v32;
	v18 =	vadd.f32 v28, v18;
	[tilespmem:s21+$0x4550] =	vst v20;
	v20 =	vld [tilespmem:s21+$0x11550]  }
0x370: {  	v14 =	vmul.f32 v14, v33;
	v25 =	vmul.f32 v25, v32;
	v17 =	vadd.f32 v22, v17;
	[tilespmem:s21+$0x4540] =	vst v19;
	v19 =	vld [tilespmem:s21+$0x11560]  }
0x371: {  	v13 =	vmul.f32 v13, v33;
	v22 =	vmul.f32 v24, v32;
	v16 =	vadd.f32 v26, v16;
	[tilespmem:s21+$0x4530] =	vst v18;
	v18 =	vld [tilespmem:s21+$0x11570]  }
0x372: {  	v12 =	vmul.f32 v12, v33;
	v23 =	vmul.f32 v23, v32;
	v15 =	vadd.f32 v25, v15;
	[tilespmem:s21+$0x4520] =	vst v17;
	v17 =	vld [tilespmem:s21+$0x5540]  }
0x373: {  	v10 =	vmul.f32 v10, v33;
	v11 =	vmul.f32 v11, v32;
	v14 =	vadd.f32 v22, v14;
	[tilespmem:s21+$0x4510] =	vst v16;
	v16 =	vld [tilespmem:s21+$0x5550]  }
0x374: {  	v8 =	vmul.f32 v8, v33;
	v9 =	vmul.f32 v9, v32;
	v13 =	vadd.f32 v23, v13;
	[tilespmem:s21+$0x4500] =	vst v15;
	v15 =	vld [tilespmem:s21+$0x5560]  }
0x375: {  	v6 =	vmul.f32 v6, v33;
	v7 =	vmul.f32 v7, v32;
	v11 =	vadd.f32 v11, v12;
	[tilespmem:s21+$0x4170] =	vst v14;
	v12 =	vld [tilespmem:s21+$0x5570]  }
0x376: {  	v3 =	vmul.f32 v3, v33;
	v5 =	vmul.f32 v5, v32;
	v9 =	vadd.f32 v9, v10;
	v14 =	vld [tilespmem:s21+$0x4100];
	[tilespmem:s21+$0x4160] =	vst v13  }
0x377: {  	v4 =	vmul.f32 v4, v32;
	v7 =	vadd.f32 v7, v8;
	v10 =	vld [tilespmem:s21+$0x10100];
	[tilespmem:s21+$0x4150] =	vst v11;
	v8 =	vmul.f32 v17, v33  }
0x378: {  	s5 =	sshrl.u32 s22, $0x3;
	v5 =	vadd.f32 v5, v6;
	v6 =	vmul.f32 v21, v32;
	[tilespmem:s21+$0x4140] =	vst v9;
	v9 =	vmul.f32 v16, v33  }
0x379: {  	s14 =	sadd.s32 $0x80, s14;
	s5 =	smul.u32 $0x1800, s5;
	v3 =	vadd.f32 v4, v3;
	v4 =	vmul.f32 v20, v32;
	[tilespmem:s21+$0x4130] =	vst v7;
	v7 =	vmul.f32 v15, v33  }
0x37a: {  	s15 =	sand.u32 $0x380, s14;
	[tilespmem:s21+$0x4120] =	vst v5;
	v5 =	vadd.f32 v6, v8;
	v6 =	vmul.f32 v19, v32;
	v8 =	vmul.f32 v12, v33  }
0x37b: {  	s5 =	sor.u32 s15, s5;
	v9 =	vadd.f32 v4, v9;
	v12 =	vmul.f32 v18, v32;
	v11 =	vmul.f32 v14, v33;
	[tilespmem:s21+$0x4110] =	vst v3  }
0x37c: {  	v3 =	vld [tilespmem:s5+$0x4110];
	v10 =	vmul.f32 v10, v32;
	[tilespmem:s21+$0x5540] =	vst v5;
	v5 =	vadd.f32 v6, v7  }
0x37d: {  	v7 =	vadd.f32 v12, v8;
	v4 =	vld [tilespmem:s5+$0x10110];
	[tilespmem:s21+$0x5550] =	vst v9  }
0x37e: {  	v6 =	vld [tilespmem:s5+$0x4120];
	v9 =	vadd.f32 v10, v11;
	[tilespmem:s21+$0x5560] =	vst v5  }
0x37f: {  	v5 =	vld [tilespmem:s5+$0x10120];
	[tilespmem:s21+$0x5570] =	vst v7  }
0x380: {  	v8 =	vld [tilespmem:s5+$0x4130];
	[tilespmem:s21+$0x4100] =	vst v9;
	s21 =	smov.u32 s5  }
0x381: {  	v7 =	vld [tilespmem:s21+$0x10130]  }
0x382: {  	v10 =	vld [tilespmem:s21+$0x4140]  }
0x383: {  	v9 =	vld [tilespmem:s21+$0x10140]  }
0x384: {  	v12 =	vld [tilespmem:s21+$0x4150]  }
0x385: {  	v11 =	vld [tilespmem:s21+$0x10150]  }
0x386: {  	v13 =	vld [tilespmem:s21+$0x4160]  }
0x387: {  	v14 =	vld [tilespmem:s21+$0x4170]  }
0x388: {  	v15 =	vld [tilespmem:s21+$0x4500]  }
0x389: {  	v16 =	vld [tilespmem:s21+$0x4510]  }
0x38a: {  	v17 =	vld [tilespmem:s21+$0x4520]  }
0x38b: {  	v18 =	vld [tilespmem:s21+$0x4530]  }
0x38c: {  	v19 =	vld [tilespmem:s21+$0x4540]  }
0x38d: {  	v20 =	vld [tilespmem:s21+$0x4550]  }
0x38e: {  	v21 =	vld [tilespmem:s21+$0x4560]  }
0x38f: {  	v22 =	vld [tilespmem:s21+$0x4570]  }
0x390: {  	v23 =	vld [tilespmem:s21+$0x4900]  }
0x391: {  	v24 =	vld [tilespmem:s21+$0x4910]  }
0x392: {  	v25 =	vld [tilespmem:s21+$0x4920]  }
0x393: {  	v26 =	vld [tilespmem:s21+$0x4930]  }
0x394: {  	v27 =	vld [tilespmem:s21+$0x4940]  }
0x395: {  	v28 =	vld [tilespmem:s21+$0x4950]  }
0x396: {  	v29 =	vld [tilespmem:s21+$0x4960]  }
0x397: {  	v30 =	vld [tilespmem:s21+$0x4970]  }
0x398: {  	v31 =	vld [tilespmem:s21+$0x4D00]  }
0x399: {  	v34 =	vld [tilespmem:s21+$0x4D10]  }
0x39a: {  	v35 =	vld [tilespmem:s21+$0x4D20]  }
0x39b: {  	v36 =	vld [tilespmem:s21+$0x4D30]  }
0x39c: {  	v37 =	vld [tilespmem:s21+$0x4D40]  }
0x39d: {  	v38 =	vld [tilespmem:s21+$0x4D50]  }
0x39e: {  	v39 =	vld [tilespmem:s21+$0x4D60]  }
0x39f: {  	v40 =	vld [tilespmem:s21+$0x4D70]  }
0x3a0: {  	v41 =	vld [tilespmem:s21+$0x5100]  }
0x3a1: {  	v42 =	vld [tilespmem:s21+$0x5110]  }
0x3a2: {  	v43 =	vld [tilespmem:s21+$0x5120]  }
0x3a3: {  	v44 =	vld [tilespmem:s21+$0x5130]  }
0x3a4: {  	v45 =	vld [tilespmem:s21+$0x5140]  }
0x3a5: {  	v46 =	vld [tilespmem:s21+$0x5150]  }
.Ltmp1:
0x3a6: {  	v47 =	vld [tilespmem:s21+$0x5160];
	(pc) =	sbr.rel @p0 .LBB2_4-.Ltmp1, $4  }
0x3a7: {  	v48 =	vld [tilespmem:s21+$0x5500]  }
0x3a8: {  	v50 =	vld [tilespmem:s21+$0x5510]  }
0x3a9: {  	v49 =	vld [tilespmem:s21+$0x11510]  }
0x3aa: {  	s22 =	sadd.s32 $0x1, s22;
	v51 =	vld [tilespmem:s21+$0x11530]  }
0x3ab: {  	v52 =	vld [tilespmem:s21+$0x5530]  }
0x3ac: {  	v53 =	vld [tilespmem:s21+$0x5520];
	s4 =	sadd.s32 $0x80, s4  }
0x3ad: {  	s15 =	sadd.s32 $0x80, s13;
	v32 =	vld [tilespmem:s4+$0x0]  }
0x3ae: {  	v33 =	vld [tilespmem:s15+$0x0]  }
0x3af: {  	v54 =	vld [tilespmem:s21+$0x11520];
	_ =	sdelay $0x1  }
0x3b0: {  	v55 =	vld [tilespmem:s21+$0x11500]  }
0x3b1: {  	v56 =	vld [tilespmem:s21+$0x5170]  }
0x3b2: {  	v58 =	vld [tilespmem:s21+$0x11160];
	v52 =	vmul.f32 v52, v32;
	v51 =	vmul.f32 v51, v33  }
0x3b3: {  	v57 =	vld [tilespmem:s21+$0x11170];
	v53 =	vmul.f32 v53, v32;
	v54 =	vmul.f32 v54, v33  }
0x3b4: {  	v59 =	vld [tilespmem:s21+$0x11150];
	v50 =	vmul.f32 v50, v32;
	v49 =	vmul.f32 v49, v33  }
0x3b5: {  	v60 =	vld [tilespmem:s21+$0x11140];
	v48 =	vmul.f32 v48, v32;
	v62 =	vmul.f32 v55, v33;
	v51 =	vadd.f32 v51, v52  }
0x3b6: {  	v61 =	vld [tilespmem:s21+$0x11120];
	v63 =	vmul.f32 v56, v32;
	v47 =	vmul.f32 v47, v32;
	v53 =	vadd.f32 v54, v53  }
0x3b7: {  	v58 =	vmul.f32 v58, v33;
	v55 =	vld [tilespmem:s21+$0x10560];
	v12 =	vmul.f32 v12, v32;
	v49 =	vadd.f32 v49, v50;
	[tilespmem:s21+$0x5530] =	vst v51  }
0x3b8: {  	v56 =	vld [tilespmem:s21+$0x10550];
	v11 =	vmul.f32 v11, v33;
	v10 =	vmul.f32 v10, v32;
	v48 =	vadd.f32 v62, v48;
	[tilespmem:s21+$0x5520] =	vst v53  }
0x3b9: {  	v9 =	vmul.f32 v9, v33;
	v8 =	vmul.f32 v8, v32;
	v52 =	vld [tilespmem:s21+$0x11130];
	v47 =	vadd.f32 v58, v47;
	[tilespmem:s21+$0x5510] =	vst v49  }
0x3ba: {  	v7 =	vmul.f32 v7, v33;
	v6 =	vmul.f32 v6, v32;
	v50 =	vld [tilespmem:s21+$0x11100];
	v11 =	vadd.f32 v11, v12;
	[tilespmem:s21+$0x5500] =	vst v48  }
0x3bb: {  	v5 =	vmul.f32 v5, v33;
	v3 =	vmul.f32 v3, v32;
	v58 =	vld [tilespmem:s21+$0x10D20];
	v9 =	vadd.f32 v9, v10;
	[tilespmem:s21+$0x5160] =	vst v47  }
0x3bc: {  	v4 =	vmul.f32 v4, v33;
	v62 =	vmul.f32 v59, v33;
	v59 =	vld [tilespmem:s21+$0x10D10];
	v7 =	vadd.f32 v7, v8;
	[tilespmem:s21+$0x4150] =	vst v11  }
0x3bd: {  	v57 =	vmul.f32 v57, v33;
	v54 =	vld [tilespmem:s21+$0x10570];
	v5 =	vadd.f32 v5, v6;
	[tilespmem:s21+$0x4140] =	vst v9  }
0x3be: {  	v46 =	vmul.f32 v46, v32;
	v3 =	vadd.f32 v4, v3;
	v51 =	vld [tilespmem:s21+$0x11110];
	[tilespmem:s21+$0x4130] =	vst v7  }
0x3bf: {  	v45 =	vmul.f32 v45, v32;
	v49 =	vld [tilespmem:s21+$0x10D70];
	v53 =	vadd.f32 v57, v63;
	v63 =	vmul.f32 v60, v33;
	[tilespmem:s21+$0x4120] =	vst v5  }
0x3c0: {  	v43 =	vmul.f32 v43, v32;
	v48 =	vld [tilespmem:s21+$0x10D60];
	v46 =	vadd.f32 v62, v46;
	v57 =	vmul.f32 v61, v33;
	[tilespmem:s21+$0x4110] =	vst v3  }
0x3c1: {  	v44 =	vmul.f32 v44, v32;
	v47 =	vld [tilespmem:s21+$0x10D40];
	[tilespmem:s21+$0x5170] =	vst v53;
	v45 =	vadd.f32 v63, v45;
	v52 =	vmul.f32 v52, v33  }
0x3c2: {  	v41 =	vmul.f32 v41, v32;
	v60 =	vld [tilespmem:s21+$0x10D00];
	[tilespmem:s21+$0x5150] =	vst v46;
	v43 =	vadd.f32 v57, v43;
	v50 =	vmul.f32 v50, v33  }
0x3c3: {  	v35 =	vmul.f32 v35, v32;
	v61 =	vld [tilespmem:s21+$0x10970];
	[tilespmem:s21+$0x5140] =	vst v45;
	v45 =	vmul.f32 v58, v33;
	v44 =	vadd.f32 v52, v44  }
0x3c4: {  	v42 =	vmul.f32 v42, v32;
	v53 =	vld [tilespmem:s21+$0x10D50];
	[tilespmem:s21+$0x5120] =	vst v43;
	v51 =	vmul.f32 v51, v33;
	v41 =	vadd.f32 v50, v41  }
0x3c5: {  	v40 =	vmul.f32 v40, v32;
	v46 =	vld [tilespmem:s21+$0x10D30];
	v49 =	vmul.f32 v49, v33;
	v35 =	vadd.f32 v45, v35;
	[tilespmem:s21+$0x5130] =	vst v44  }
0x3c6: {  	v39 =	vmul.f32 v39, v32;
	v62 =	vld [tilespmem:s21+$0x10960];
	v48 =	vmul.f32 v48, v33;
	v42 =	vadd.f32 v51, v42;
	[tilespmem:s21+$0x5100] =	vst v41  }
0x3c7: {  	v37 =	vmul.f32 v37, v32;
	v57 =	vld [tilespmem:s21+$0x10540];
	v47 =	vmul.f32 v47, v33;
	v40 =	vadd.f32 v49, v40;
	[tilespmem:s21+$0x4D20] =	vst v35  }
0x3c8: {  	v31 =	vmul.f32 v31, v32;
	v58 =	vld [tilespmem:s21+$0x10530];
	v43 =	vmul.f32 v60, v33;
	v39 =	vadd.f32 v48, v39;
	[tilespmem:s21+$0x5110] =	vst v42  }
0x3c9: {  	v38 =	vmul.f32 v38, v32;
	v50 =	vld [tilespmem:s21+$0x10930];
	v63 =	vmul.f32 v53, v33;
	v37 =	vadd.f32 v47, v37;
	[tilespmem:s21+$0x4D70] =	vst v40  }
0x3ca: {  	v36 =	vmul.f32 v36, v32;
	v60 =	vld [tilespmem:s21+$0x10510];
	v46 =	vmul.f32 v46, v33;
	v31 =	vadd.f32 v43, v31;
	[tilespmem:s21+$0x4D60] =	vst v39  }
0x3cb: {  	v34 =	vmul.f32 v34, v32;
	v52 =	vld [tilespmem:s21+$0x10910];
	v44 =	vmul.f32 v59, v33;
	v38 =	vadd.f32 v63, v38;
	[tilespmem:s21+$0x4D40] =	vst v37  }
0x3cc: {  	v29 =	vmul.f32 v29, v32;
	v45 =	vld [tilespmem:s21+$0x5540];
	v41 =	vmul.f32 v62, v33;
	v36 =	vadd.f32 v46, v36;
	[tilespmem:s21+$0x4D00] =	vst v31  }
0x3cd: {  	v21 =	vmul.f32 v21, v32;
	v48 =	vld [tilespmem:s21+$0x10950];
	v62 =	vmul.f32 v55, v33;
	v34 =	vadd.f32 v44, v34;
	[tilespmem:s21+$0x4D50] =	vst v38  }
0x3ce: {  	v30 =	vmul.f32 v30, v32;
	v49 =	vld [tilespmem:s21+$0x10940];
	v42 =	vmul.f32 v61, v33;
	v29 =	vadd.f32 v41, v29;
	[tilespmem:s21+$0x4D30] =	vst v36  }
0x3cf: {  	v16 =	vmul.f32 v16, v32;
	v51 =	vld [tilespmem:s21+$0x10920];
	v21 =	vadd.f32 v62, v21;
	v41 =	vmul.f32 v60, v33;
	[tilespmem:s21+$0x4D10] =	vst v34  }
0x3d0: {  	v26 =	vmul.f32 v26, v32;
	v53 =	vld [tilespmem:s21+$0x10900];
	v30 =	vadd.f32 v42, v30;
	[tilespmem:s21+$0x4960] =	vst v29;
	v38 =	vmul.f32 v50, v33  }
0x3d1: {  	v24 =	vmul.f32 v24, v32;
	v59 =	vld [tilespmem:s21+$0x10520];
	v36 =	vmul.f32 v52, v33;
	[tilespmem:s21+$0x4560] =	vst v21;
	v16 =	vadd.f32 v41, v16  }
0x3d2: {  	v22 =	vmul.f32 v22, v32;
	v43 =	vld [tilespmem:s21+$0x11570];
	v34 =	vmul.f32 v54, v33;
	[tilespmem:s21+$0x4970] =	vst v30;
	v26 =	vadd.f32 v38, v26  }
0x3d3: {  	v28 =	vmul.f32 v28, v32;
	v61 =	vld [tilespmem:s21+$0x10500];
	v40 =	vmul.f32 v48, v33;
	v24 =	vadd.f32 v36, v24;
	[tilespmem:s21+$0x4510] =	vst v16  }
0x3d4: {  	v27 =	vmul.f32 v27, v32;
	v63 =	vld [tilespmem:s21+$0x10170];
	v39 =	vmul.f32 v49, v33;
	v22 =	vadd.f32 v34, v22;
	[tilespmem:s21+$0x4930] =	vst v26  }
0x3d5: {  	v25 =	vmul.f32 v25, v32;
	v46 =	vld [tilespmem:s21+$0x5550];
	v37 =	vmul.f32 v51, v33;
	v28 =	vadd.f32 v40, v28;
	[tilespmem:s21+$0x4910] =	vst v24  }
0x3d6: {  	v23 =	vmul.f32 v23, v32;
	v50 =	vld [tilespmem:s21+$0x10100];
	v35 =	vmul.f32 v53, v33;
	v27 =	vadd.f32 v39, v27;
	[tilespmem:s21+$0x4570] =	vst v22  }
0x3d7: {  	v20 =	vmul.f32 v20, v32;
	v48 =	vld [tilespmem:s21+$0x5560];
	v30 =	vmul.f32 v56, v33;
	v25 =	vadd.f32 v37, v25;
	[tilespmem:s21+$0x4950] =	vst v28  }
0x3d8: {  	v19 =	vmul.f32 v19, v32;
	v51 =	vld [tilespmem:s21+$0x4100];
	v23 =	vadd.f32 v35, v23;
	v35 =	vmul.f32 v57, v33;
	[tilespmem:s21+$0x4940] =	vst v27  }
0x3d9: {  	v18 =	vmul.f32 v18, v32;
	v34 =	vld [tilespmem:s21+$0x10160];
	v37 =	vmul.f32 v58, v33;
	v20 =	vadd.f32 v30, v20;
	[tilespmem:s21+$0x4920] =	vst v25  }
0x3da: {  	v17 =	vmul.f32 v17, v32;
	v36 =	vld [tilespmem:s21+$0x11540];
	v39 =	vmul.f32 v59, v33;
	[tilespmem:s21+$0x4900] =	vst v23;
	v19 =	vadd.f32 v35, v19  }
0x3db: {  	v15 =	vmul.f32 v15, v32;
	v38 =	vld [tilespmem:s21+$0x11550];
	v42 =	vmul.f32 v61, v33;
	v18 =	vadd.f32 v37, v18;
	[tilespmem:s21+$0x4550] =	vst v20  }
0x3dc: {  	v14 =	vmul.f32 v14, v32;
	v40 =	vld [tilespmem:s21+$0x11560];
	v44 =	vmul.f32 v63, v33;
	v17 =	vadd.f32 v39, v17;
	[tilespmem:s21+$0x4540] =	vst v19  }
0x3dd: {  	v49 =	vld [tilespmem:s21+$0x5570];
	v15 =	vadd.f32 v42, v15;
	v10 =	vmul.f32 v50, v33;
	v61 =	vmul.f32 v51, v32;
	[tilespmem:s21+$0x4530] =	vst v18  }
0x3de: {  	v13 =	vmul.f32 v13, v32;
	v14 =	vadd.f32 v44, v14;
	[tilespmem:s21+$0x4520] =	vst v17;
	v47 =	vmul.f32 v34, v33  }
0x3df: {  	v52 =	vmul.f32 v45, v32;
	[tilespmem:s21+$0x4500] =	vst v15;
	v53 =	vmul.f32 v36, v33;
	v63 =	vadd.f32 v10, v61  }
0x3e0: {  	v54 =	vmul.f32 v46, v32;
	[tilespmem:s21+$0x4170] =	vst v14;
	v55 =	vmul.f32 v38, v33;
	v13 =	vadd.f32 v47, v13  }
0x3e1: {  	v56 =	vmul.f32 v48, v32;
	v58 =	vmul.f32 v40, v33;
	v57 =	vadd.f32 v53, v52;
	[tilespmem:s21+$0x4100] =	vst v63  }
0x3e2: {  	v60 =	vmul.f32 v43, v33;
	v59 =	vmul.f32 v49, v32;
	v3 =	vadd.f32 v55, v54;
	[tilespmem:s21+$0x4160] =	vst v13  }
0x3e3: {  	v62 =	vadd.f32 v58, v56;
	[tilespmem:s21+$0x5540] =	vst v57  }
0x3e4: {  	s12 =	sadd.s32 $0x1, s12;
	[tilespmem:s21+$0x5550] =	vst v3;
	v3 =	vadd.f32 v60, v59  }
0x3e5: {  	p0 =	sne.s32 s12, s16;
	[tilespmem:s21+$0x5560] =	vst v62  }
.Ltmp2:
0x3e6: {  	s22 =	rddreg [dreg:$0xb];
	[tilespmem:s21+$0x5570] =	vst v3;
	(pc) =	sbr.rel @p0 .LBB2_1-.Ltmp2, $4  }
0x3e7: {  	[hbm4b:s22+s1] =	stream.linear.scatter [tilespmem:s19], [sflag:$0x2], $0xC000, $0x38;
	[tilespmem:$0x1C100] =	vst v63  }
0x3e8: {  	_ =	swait.ge [sflag:s17], $0xC000  }
0x3e9: {  	[sflag:s17] =	ssyncset.done $0x0  }
0x3ea: {  	[sflag:s17] =	ssyncadd.s32 $0xFFFF4000  }
0x3eb: {  	_ =	sfence.sel $0x180000  }
0x3ec: {  	[bflag:$0x0] =	sbarrier.arrive $0xFFFF  }
0x3ed: {  	_ =	strace $0x9000004A  }
0x3ee: {  	s0 =	stileid.u32;
	[bflag:$0x2] =	sbarrier.arrive $0xFFFF  }
0x3ef: {  	p0 =	sne.s32 s0, $0x0;
	s0 =	rddreg [dreg:$0x2]  }
0x3f0: {  	s0 =	sadd.s32 @!p0 $0x100000, s0  }
0x3f1: {  	[sflag:s0] =	ssyncadd.tile.s32 @!p0 $0x1;
	_ =	shalt  }
.Lfunc_end2:
_tile_overlayer_lowered:
.L_overlay_start_2:
0x3f2: {  	(tag) =	ssettag $0x2  }
0x3f3: {  	s0 =	rddreg [dreg:$0x0];
	s2 =	stileid.u32  }
0x3f4: {  	s1 =	rddreg [dreg:$0x1];
	p0 =	sne.s32 s2, $0x0  }
0x3f5: {  	s3 =	rddreg [dreg:$0x2];
	[bflag:$0x3] =	sbarrier.arrive $0xFFFF;
	s2 =	simm.s32 @!p0 $0x1C02  }
0x3f6: {  	[timem:s3], [sflag:s2] =	dma.local @!p0 [hbm:s0], s1  }
0x3f7: {  	s0 =	simm.s32 @!p0 $0x2  }
0x3f8: {  	_ =	swait.ge @!p0 [sflag:s0], s1  }
0x3f9: {  	s1 =	ssub.s32 @!p0 $0x0, s1;
	[sflag:s0] =	ssyncset.done @!p0 $0x0  }
0x3fa: {  	[sflag:s0] =	ssyncadd.s32 @!p0 s1  }
0x3fb: {  	[bflag:$0x3] =	sbarrier.arrive $0xFFFF  }
0x3fc: {  	_ =	shalt  }

</sc_bundles>
